<compile_context>
chip_gen: v7x
topology: tpu7x:2x2x1
jax: 0.10.2.dev20260603
libtpu: 0.0.44.dev20260713+nightly
codegen_flags: <defaults>
</compile_context>

<pallas_src>
import functools

import jax
import jax.numpy as jnp
from jax import lax
from jax.experimental import pallas as pl
from jax.experimental.pallas import tpu as pltpu
from jax.experimental.pallas import tpu_sc as plsc

N = 10000
E = 320000
D = 128
NC, NS = 2, 16
NW = NC * NS
CH = 125
NCHUNKS = E // CH
CPW = NCHUNKS // NW
NP = 10240
ROWS_PER_TILE = NP // NS
ZROWS = 40
WROWS = 128
G = 16

_mesh = plsc.VectorSubcoreMesh(
    core_axis_name="c", subcore_axis_name="s", num_cores=NC, num_subcores=NS)


def _worker_id():
    return lax.axis_index("s") * NC + lax.axis_index("c")


def _zero_acc(zbuf, acc, width):
    s = lax.axis_index("s")

    def fill_zero(i, _):
        for j in range(width // 16):
            zbuf[i, pl.ds(j * 16, 16)] = jnp.zeros((16,), jnp.float32)
        return 0

    lax.fori_loop(0, ZROWS, fill_zero, 0)

    def zchunk(j, _):
        pltpu.sync_copy(zbuf, acc.at[pl.ds(s * ROWS_PER_TILE + j * ZROWS, ZROWS)])
        return 0

    lax.fori_loop(0, ROWS_PER_TILE // ZROWS, zchunk, 0)


def _write_out(acc, out, core):
    s = lax.axis_index("s")

    def wchunk(j, _):
        r0 = s * ROWS_PER_TILE + j * WROWS
        pltpu.sync_copy(acc.at[pl.ds(r0, WROWS)], out.at[core, pl.ds(r0, WROWS)])
        return 0

    lax.fori_loop(0, ROWS_PER_TILE // WROWS, wchunk, 0)



_DEG_WIN = 8


def _deg_body(e3, degp, didxs, ones_v, zbuf, acc, sem):
    core = lax.axis_index("c")
    w = _worker_id()

    def fill_ones(i, _):
        for j in range(D // 16):
            ones_v[i, pl.ds(j * 16, 16)] = jnp.ones((16,), jnp.float32)
        return 0

    lax.fori_loop(0, CH, fill_ones, 0)
    _zero_acc(zbuf, acc, D)
    pltpu.sync_copy(e3.at[1, pl.ds(w * CPW, CPW)], didxs)
    plsc.subcore_barrier()

    def body(j, _):
        pltpu.async_copy(ones_v, acc.at[didxs.at[j]], sem, add=True)

        @pl.when(j >= _DEG_WIN)
        def _():
            pltpu.make_async_copy(ones_v, acc.at[didxs.at[0]], sem).wait()

        return 0

    lax.fori_loop(0, CPW, body, 0)

    def drain(j, _):
        pltpu.make_async_copy(ones_v, acc.at[didxs.at[0]], sem).wait()
        return 0

    lax.fori_loop(0, _DEG_WIN, drain, 0)
    plsc.subcore_barrier()
    _write_out(acc, degp, core)


_deg_call = functools.partial(
    pl.kernel,
    out_type=jax.ShapeDtypeStruct((NC, NP, D), jnp.float32),
    mesh=_mesh,
    scratch_types=[
        pltpu.VMEM((CPW, CH), jnp.int32),
        pltpu.VMEM((CH, D), jnp.float32),
        pltpu.VMEM((ZROWS, D), jnp.float32),
        pltpu.VMEM_SHARED((NP, D), jnp.float32),
        pltpu.SemaphoreType.DMA,
    ],
)(_deg_body)



def _prop_body(u, e3, sp, sidxs, didxs, rows0, rows1, zbuf, acc, g0, g1, isem):
    core = lax.axis_index("c")
    w = _worker_id()

    pltpu.async_copy(e3.at[0, pl.ds(w * CPW, G)], sidxs.at[0], isem)
    pltpu.async_copy(e3.at[1, pl.ds(w * CPW, G)], didxs.at[0], isem)
    _zero_acc(zbuf, acc, D)
    plsc.subcore_barrier()

    def group(gidx, _):
        par = gidx % 2
        pltpu.make_async_copy(e3.at[0, pl.ds(0, G)], sidxs.at[par], isem).wait()
        pltpu.make_async_copy(e3.at[1, pl.ds(0, G)], didxs.at[par], isem).wait()

        @pl.when(gidx + 1 < CPW // G)
        def _():
            nrow = w * CPW + (gidx + 1) * G
            pltpu.async_copy(e3.at[0, pl.ds(nrow, G)], sidxs.at[1 - par], isem)
            pltpu.async_copy(e3.at[1, pl.ds(nrow, G)], didxs.at[1 - par], isem)

        pltpu.async_copy(u.at[sidxs.at[par, 0]], rows0, g0)

        def body(i, _):
            j0 = 2 * i
            j1 = j0 + 1
            pltpu.async_copy(u.at[sidxs.at[par, j1]], rows1, g1)
            pltpu.make_async_copy(u.at[sidxs.at[par, j0]], rows0, g0).wait()
            pltpu.sync_copy(rows0, acc.at[didxs.at[par, j0]], add=True)

            @pl.when(i + 1 < G // 2)
            def _():
                pltpu.async_copy(u.at[sidxs.at[par, j0 + 2]], rows0, g0)

            pltpu.make_async_copy(u.at[sidxs.at[par, j1]], rows1, g1).wait()
            pltpu.sync_copy(rows1, acc.at[didxs.at[par, j1]], add=True)
            return 0

        lax.fori_loop(0, G // 2, body, 0)
        return 0

    lax.fori_loop(0, CPW // G, group, 0)
    plsc.subcore_barrier()
    _write_out(acc, sp, core)


_prop_call = functools.partial(
    pl.kernel,
    out_type=jax.ShapeDtypeStruct((NC, NP, D), jnp.float32),
    mesh=_mesh,
    scratch_types=[
        pltpu.VMEM((2, G, CH), jnp.int32),
        pltpu.VMEM((2, G, CH), jnp.int32),
        pltpu.VMEM((CH, D), jnp.float32),
        pltpu.VMEM((CH, D), jnp.float32),
        pltpu.VMEM((ZROWS, D), jnp.float32),
        pltpu.VMEM_SHARED((NP, D), jnp.float32),
        pltpu.SemaphoreType.DMA,
        pltpu.SemaphoreType.DMA,
        pltpu.SemaphoreType.DMA,
    ],
)(_prop_body)



BN = 2000
_GRID = N // BN


def _row_specs(n, shape=(BN, D)):
    return [pl.BlockSpec(shape, lambda i: (i, 0)) for _ in range(n)]


_PART_SPEC = pl.BlockSpec((NC, BN, D), lambda i: (0, i, 0))


def _norm_body(dp, x, normf, u0):
    d = dp[...]
    degc = d[0, :, 0:1] + d[1, :, 0:1]
    nrm = jnp.where(degc > 0, lax.rsqrt(jnp.maximum(degc, 1.0)), 0.0)
    nb = jnp.broadcast_to(nrm, (BN, D))
    normf[...] = nb
    u0[...] = x[...] * nb


def _norm_call(dp, x):
    return pl.pallas_call(
        _norm_body,
        grid=(_GRID,),
        in_specs=[_PART_SPEC] + _row_specs(1),
        out_specs=_row_specs(2),
        out_shape=[jax.ShapeDtypeStruct((N, D), jnp.float32)] * 2,
    )(dp, x)


def _mid_body(sp, nrm, h1, u1):
    spv = sp[...]
    s = (spv[0] + spv[1]) * nrm[...]
    h1[...] = s
    u1[...] = s * nrm[...]


def _mid_call(sp, nrm):
    return pl.pallas_call(
        _mid_body,
        grid=(_GRID,),
        in_specs=[_PART_SPEC] + _row_specs(1),
        out_specs=_row_specs(2),
        out_shape=[jax.ShapeDtypeStruct((N, D), jnp.float32)] * 2,
    )(sp, nrm)


def _out_body(h, h1, s2p, nrm, w_ref, b_ref, hout, uout):
    s2v = s2p[...]
    h2 = (s2v[0] + s2v[1]) * nrm[...]
    wm = w_ref[...]
    acc = jnp.dot(h[...], wm[0:D], preferred_element_type=jnp.float32)
    acc += jnp.dot(h1[...], wm[D:2 * D], preferred_element_type=jnp.float32)
    acc += jnp.dot(h2, wm[2 * D:3 * D], preferred_element_type=jnp.float32)
    o = jnp.maximum(acc + b_ref[...], 0.0)
    hout[...] = o
    uout[...] = o * nrm[...]


def _out_call(h, h1, s2p, nrm, wmat, bias):
    return pl.pallas_call(
        _out_body,
        grid=(_GRID,),
        in_specs=_row_specs(2) + [_PART_SPEC] + _row_specs(1) + [
            pl.BlockSpec((3 * D, D), lambda i: (0, 0)),
            pl.BlockSpec((1, D), lambda i: (0, 0)),
        ],
        out_specs=_row_specs(2),
        out_shape=[jax.ShapeDtypeStruct((N, D), jnp.float32)] * 2,
    )(h, h1, s2p, nrm, wmat, bias)



def kernel(x, edge_index, W1, b1, W2, b2):
    e3 = edge_index.reshape(2, NCHUNKS, CH)
    degp = _deg_call(e3)
    nrm, u0 = _norm_call(degp, x)

    s1 = _prop_call(u0, e3)
    h1, u1 = _mid_call(s1, nrm)
    s2 = _prop_call(u1, e3)
    hL1, uL1 = _out_call(x, h1, s2, nrm, W1, b1.reshape(1, D))

    s3 = _prop_call(uL1, e3)
    h21, u21 = _mid_call(s3, nrm)
    s4 = _prop_call(u21, e3)
    hL2, _ = _out_call(hL1, h21, s4, nrm, W2, b2.reshape(1, D))
    return hL2

# --- scband reference (transcript-rebuilt; emitter-appended) ---
"""Pipeline reference for scband-tagcn-15522011808373 (READ-ONLY COPY).

The authoritative reference and input builder live on the scoring server;
editing this copy changes nothing except your own understanding.
"""

import jax, jax.numpy as jnp
import numpy as np

N = 10000
E = 320000
D = 128
K = 2  # DGL TAGConv default number of hops


def setup_inputs(seed: int = 0) -> dict:
    key = jax.random.key(seed)
    k1, k2, k3, k4 = jax.random.split(key, 4)
    x = jax.random.normal(k1, (N, D), dtype=jnp.float32)
    edge_index = jax.random.randint(k2, (2, E), 0, N, dtype=jnp.int32)
    # TAGConv linear weight operates on concat of (K+1) hop features
    W1 = jax.random.normal(k3, ((K + 1) * D, D), dtype=jnp.float32) * 0.05
    b1 = jnp.zeros((D,), dtype=jnp.float32)
    W2 = jax.random.normal(k4, ((K + 1) * D, D), dtype=jnp.float32) * 0.05
    b2 = jnp.zeros((D,), dtype=jnp.float32)
    return {"x": x, "edge_index": edge_index, "W1": W1, "b1": b1, "W2": W2, "b2": b2}


def _tagconv(h, src, dst, norm, W, b):
    # DGL TAGConv: fstack = [h, A_hat h, A_hat^2 h, ...]; out = relu(concat(fstack) @ W + b)
    fstack = [h]
    for _ in range(K):
        m = fstack[-1][src] * norm[src][:, None]
        agg = jax.ops.segment_sum(m, dst, num_segments=N)
        fstack.append(agg * norm[:, None])
    out = jnp.concatenate(fstack, axis=-1) @ W + b
    return jax.nn.relu(out)


def reference(x, edge_index, W1, b1, W2, b2):
    src = edge_index[0]
    dst = edge_index[1]
    deg = jax.ops.segment_sum(jnp.ones((E,), dtype=x.dtype), dst, num_segments=N)
    norm = jnp.where(deg > 0, jax.lax.rsqrt(jnp.maximum(deg, 1.0)), 0.0)
    h = _tagconv(x, src, dst, norm, W1, b1)
    # dropout is identity in eval mode
    h = _tagconv(h, src, dst, norm, W2, b2)
    return h

if __name__ == "__main__":
    import jax
    _d = setup_inputs()
    print(jax.jit(kernel)(*tuple(_d.values())))

</pallas_src>

<mosaic_0001>
#map = affine_map<(d0, d1) -> (0, 0, 0)>
module attributes {stable_mosaic.version = 14 : i64} {
  func.func @_deg_body(%arg0: i32, %arg1: i32, %arg2: memref<2x2560x125xi32, #tpu.memory_space<hbm>>, %arg3: memref<2x10240x128xf32, #tpu.memory_space<hbm>>, %arg4: memref<80x125xi32, #tpu.memory_space<vmem>>, %arg5: memref<125x128xf32, #tpu.memory_space<vmem>>, %arg6: memref<40x128xf32, #tpu.memory_space<vmem>>, %arg7: memref<10240x128xf32, #tpu.memory_space<vmem_shared>>, %arg8: memref<!tpu.dma_semaphore, #tpu.memory_space<semaphore_mem>>) attributes {dimension_semantics = [#tpu.dimension_semantics<core_parallel>, #tpu.dimension_semantics<subcore_parallel>], iteration_bounds = array<i64: 2, 16>, scalar_prefetch = 0 : i64, scratch_operands = 5 : i64, tpu.core_type = #tpu.core_type<sc_vector_subcore>, window_params = [{transform_indices = #map}, {transform_indices = #map}]} {
    %mul3A = arith.constant 2 : i32
    %mul3A_0 = arith.muli %arg1, %mul3A : i32
    %add3A = arith.addi %mul3A_0, %arg0 : i32
    %scan3A = arith.constant 0 : i32
    %scan3A_1 = arith.constant 0 : i32
    %scan3A_2 = arith.constant 125 : i32
    %scan3A_3 = arith.addi %scan3A_1, %scan3A_2 : i32
    %scan3A_4 = arith.constant 1 : i32
    %scan3A_5 = scf.for %scan3A_45 = %scan3A_1 to %scan3A_3 step %scan3A_4 iter_args(%scan3A_46 = %scan3A) -> (i32)  : i32 {
      %broadcast_in_dim3A = arith.constant 1.000000e+00 : f32
      %broadcast_in_dim3A_47 = vector.broadcast %broadcast_in_dim3A : f32 to vector<16xf32>
      %swap3A = arith.index_cast %scan3A_45 : i32 to index
      %swap3A_48 = arith.constant 0 : index
      %swap3A_49 = tpu.vector_load %arg5[%swap3A, %swap3A_48] {strides = array<i32>} : memref<125x128xf32, #tpu.memory_space<vmem>>, vector<1x16xf32>,
      %swap3A_50 = vector.shape_cast %swap3A_49 : vector<1x16xf32> to vector<16xf32>
      %swap3A_51 = vector.shape_cast %broadcast_in_dim3A_47 : vector<16xf32> to vector<1x16xf32>
      tpu.vector_store %arg5[%swap3A, %swap3A_48], %swap3A_51 {strides = array<i32>} : memref<125x128xf32, #tpu.memory_space<vmem>>, vector<1x16xf32>,
      %broadcast_in_dim3A_52 = arith.constant 1.000000e+00 : f32
      %broadcast_in_dim3A_53 = vector.broadcast %broadcast_in_dim3A_52 : f32 to vector<16xf32>
      %swap3A_54 = arith.index_cast %scan3A_45 : i32 to index
      %swap3A_55 = arith.constant 16 : index
      %swap3A_56 = tpu.vector_load %arg5[%swap3A_54, %swap3A_55] {strides = array<i32>} : memref<125x128xf32, #tpu.memory_space<vmem>>, vector<1x16xf32>,
      %swap3A_57 = vector.shape_cast %swap3A_56 : vector<1x16xf32> to vector<16xf32>
      %swap3A_58 = vector.shape_cast %broadcast_in_dim3A_53 : vector<16xf32> to vector<1x16xf32>
      tpu.vector_store %arg5[%swap3A_54, %swap3A_55], %swap3A_58 {strides = array<i32>} : memref<125x128xf32, #tpu.memory_space<vmem>>, vector<1x16xf32>,
      %broadcast_in_dim3A_59 = arith.constant 1.000000e+00 : f32
      %broadcast_in_dim3A_60 = vector.broadcast %broadcast_in_dim3A_59 : f32 to vector<16xf32>
      %swap3A_61 = arith.index_cast %scan3A_45 : i32 to index
      %swap3A_62 = arith.constant 32 : index
      %swap3A_63 = tpu.vector_load %arg5[%swap3A_61, %swap3A_62] {strides = array<i32>} : memref<125x128xf32, #tpu.memory_space<vmem>>, vector<1x16xf32>,
      %swap3A_64 = vector.shape_cast %swap3A_63 : vector<1x16xf32> to vector<16xf32>
      %swap3A_65 = vector.shape_cast %broadcast_in_dim3A_60 : vector<16xf32> to vector<1x16xf32>
      tpu.vector_store %arg5[%swap3A_61, %swap3A_62], %swap3A_65 {strides = array<i32>} : memref<125x128xf32, #tpu.memory_space<vmem>>, vector<1x16xf32>,
      %broadcast_in_dim3A_66 = arith.constant 1.000000e+00 : f32
      %broadcast_in_dim3A_67 = vector.broadcast %broadcast_in_dim3A_66 : f32 to vector<16xf32>
      %swap3A_68 = arith.index_cast %scan3A_45 : i32 to index
      %swap3A_69 = arith.constant 48 : index
      %swap3A_70 = tpu.vector_load %arg5[%swap3A_68, %swap3A_69] {strides = array<i32>} : memref<125x128xf32, #tpu.memory_space<vmem>>, vector<1x16xf32>,
      %swap3A_71 = vector.shape_cast %swap3A_70 : vector<1x16xf32> to vector<16xf32>
      %swap3A_72 = vector.shape_cast %broadcast_in_dim3A_67 : vector<16xf32> to vector<1x16xf32>
      tpu.vector_store %arg5[%swap3A_68, %swap3A_69], %swap3A_72 {strides = array<i32>} : memref<125x128xf32, #tpu.memory_space<vmem>>, vector<1x16xf32>,
      %broadcast_in_dim3A_73 = arith.constant 1.000000e+00 : f32
      %broadcast_in_dim3A_74 = vector.broadcast %broadcast_in_dim3A_73 : f32 to vector<16xf32>
      %swap3A_75 = arith.index_cast %scan3A_45 : i32 to index
      %swap3A_76 = arith.constant 64 : index
      %swap3A_77 = tpu.vector_load %arg5[%swap3A_75, %swap3A_76] {strides = array<i32>} : memref<125x128xf32, #tpu.memory_space<vmem>>, vector<1x16xf32>,
      %swap3A_78 = vector.shape_cast %swap3A_77 : vector<1x16xf32> to vector<16xf32>
      %swap3A_79 = vector.shape_cast %broadcast_in_dim3A_74 : vector<16xf32> to vector<1x16xf32>
      tpu.vector_store %arg5[%swap3A_75, %swap3A_76], %swap3A_79 {strides = array<i32>} : memref<125x128xf32, #tpu.memory_space<vmem>>, vector<1x16xf32>,
      %broadcast_in_dim3A_80 = arith.constant 1.000000e+00 : f32
      %broadcast_in_dim3A_81 = vector.broadcast %broadcast_in_dim3A_80 : f32 to vector<16xf32>
      %swap3A_82 = arith.index_cast %scan3A_45 : i32 to index
      %swap3A_83 = arith.constant 80 : index
      %swap3A_84 = tpu.vector_load %arg5[%swap3A_82, %swap3A_83] {strides = array<i32>} : memref<125x128xf32, #tpu.memory_space<vmem>>, vector<1x16xf32>,
      %swap3A_85 = vector.shape_cast %swap3A_84 : vector<1x16xf32> to vector<16xf32>
      %swap3A_86 = vector.shape_cast %broadcast_in_dim3A_81 : vector<16xf32> to vector<1x16xf32>
      tpu.vector_store %arg5[%swap3A_82, %swap3A_83], %swap3A_86 {strides = array<i32>} : memref<125x128xf32, #tpu.memory_space<vmem>>, vector<1x16xf32>,
      %broadcast_in_dim3A_87 = arith.constant 1.000000e+00 : f32
      %broadcast_in_dim3A_88 = vector.broadcast %broadcast_in_dim3A_87 : f32 to vector<16xf32>
      %swap3A_89 = arith.index_cast %scan3A_45 : i32 to index
      %swap3A_90 = arith.constant 96 : index
      %swap3A_91 = tpu.vector_load %arg5[%swap3A_89, %swap3A_90] {strides = array<i32>} : memref<125x128xf32, #tpu.memory_space<vmem>>, vector<1x16xf32>,
      %swap3A_92 = vector.shape_cast %swap3A_91 : vector<1x16xf32> to vector<16xf32>
      %swap3A_93 = vector.shape_cast %broadcast_in_dim3A_88 : vector<16xf32> to vector<1x16xf32>
      tpu.vector_store %arg5[%swap3A_89, %swap3A_90], %swap3A_93 {strides = array<i32>} : memref<125x128xf32, #tpu.memory_space<vmem>>, vector<1x16xf32>,
      %broadcast_in_dim3A_94 = arith.constant 1.000000e+00 : f32
      %broadcast_in_dim3A_95 = vector.broadcast %broadcast_in_dim3A_94 : f32 to vector<16xf32>
      %swap3A_96 = arith.index_cast %scan3A_45 : i32 to index
      %swap3A_97 = arith.constant 112 : index
      %swap3A_98 = tpu.vector_load %arg5[%swap3A_96, %swap3A_97] {strides = array<i32>} : memref<125x128xf32, #tpu.memory_space<vmem>>, vector<1x16xf32>,
      %swap3A_99 = vector.shape_cast %swap3A_98 : vector<1x16xf32> to vector<16xf32>
      %swap3A_100 = vector.shape_cast %broadcast_in_dim3A_95 : vector<16xf32> to vector<1x16xf32>
      tpu.vector_store %arg5[%swap3A_96, %swap3A_97], %swap3A_100 {strides = array<i32>} : memref<125x128xf32, #tpu.memory_space<vmem>>, vector<1x16xf32>,
      %scan3A_101 = arith.constant 0 : i32
      scf.yield %scan3A_101 : i32
    }
    %scan3A_6 = arith.constant 125 : i32
    %scan3A_7 = arith.constant 0 : i32
    %scan3A_8 = arith.constant 0 : i32
    %scan3A_9 = arith.constant 40 : i32
    %scan3A_10 = arith.addi %scan3A_8, %scan3A_9 : i32
    %scan3A_11 = arith.constant 1 : i32
    %scan3A_12 = scf.for %scan3A_45 = %scan3A_8 to %scan3A_10 step %scan3A_11 iter_args(%scan3A_46 = %scan3A_7) -> (i32)  : i32 {
      %broadcast_in_dim3A = arith.constant 0.000000e+00 : f32
      %broadcast_in_dim3A_47 = vector.broadcast %broadcast_in_dim3A : f32 to vector<16xf32>
      %swap3A = arith.index_cast %scan3A_45 : i32 to index
      %swap3A_48 = arith.constant 0 : index
      %swap3A_49 = tpu.vector_load %arg6[%swap3A, %swap3A_48] {strides = array<i32>} : memref<40x128xf32, #tpu.memory_space<vmem>>, vector<1x16xf32>,
      %swap3A_50 = vector.shape_cast %swap3A_49 : vector<1x16xf32> to vector<16xf32>
      %swap3A_51 = vector.shape_cast %broadcast_in_dim3A_47 : vector<16xf32> to vector<1x16xf32>
      tpu.vector_store %arg6[%swap3A, %swap3A_48], %swap3A_51 {strides = array<i32>} : memref<40x128xf32, #tpu.memory_space<vmem>>, vector<1x16xf32>,
      %broadcast_in_dim3A_52 = arith.constant 0.000000e+00 : f32
      %broadcast_in_dim3A_53 = vector.broadcast %broadcast_in_dim3A_52 : f32 to vector<16xf32>
      %swap3A_54 = arith.index_cast %scan3A_45 : i32 to index
      %swap3A_55 = arith.constant 16 : index
      %swap3A_56 = tpu.vector_load %arg6[%swap3A_54, %swap3A_55] {strides = array<i32>} : memref<40x128xf32, #tpu.memory_space<vmem>>, vector<1x16xf32>,
      %swap3A_57 = vector.shape_cast %swap3A_56 : vector<1x16xf32> to vector<16xf32>
      %swap3A_58 = vector.shape_cast %broadcast_in_dim3A_53 : vector<16xf32> to vector<1x16xf32>
      tpu.vector_store %arg6[%swap3A_54, %swap3A_55], %swap3A_58 {strides = array<i32>} : memref<40x128xf32, #tpu.memory_space<vmem>>, vector<1x16xf32>,
      %broadcast_in_dim3A_59 = arith.constant 0.000000e+00 : f32
      %broadcast_in_dim3A_60 = vector.broadcast %broadcast_in_dim3A_59 : f32 to vector<16xf32>
      %swap3A_61 = arith.index_cast %scan3A_45 : i32 to index
      %swap3A_62 = arith.constant 32 : index
      %swap3A_63 = tpu.vector_load %arg6[%swap3A_61, %swap3A_62] {strides = array<i32>} : memref<40x128xf32, #tpu.memory_space<vmem>>, vector<1x16xf32>,
      %swap3A_64 = vector.shape_cast %swap3A_63 : vector<1x16xf32> to vector<16xf32>
      %swap3A_65 = vector.shape_cast %broadcast_in_dim3A_60 : vector<16xf32> to vector<1x16xf32>
      tpu.vector_store %arg6[%swap3A_61, %swap3A_62], %swap3A_65 {strides = array<i32>} : memref<40x128xf32, #tpu.memory_space<vmem>>, vector<1x16xf32>,
      %broadcast_in_dim3A_66 = arith.constant 0.000000e+00 : f32
      %broadcast_in_dim3A_67 = vector.broadcast %broadcast_in_dim3A_66 : f32 to vector<16xf32>
      %swap3A_68 = arith.index_cast %scan3A_45 : i32 to index
      %swap3A_69 = arith.constant 48 : index
      %swap3A_70 = tpu.vector_load %arg6[%swap3A_68, %swap3A_69] {strides = array<i32>} : memref<40x128xf32, #tpu.memory_space<vmem>>, vector<1x16xf32>,
      %swap3A_71 = vector.shape_cast %swap3A_70 : vector<1x16xf32> to vector<16xf32>
      %swap3A_72 = vector.shape_cast %broadcast_in_dim3A_67 : vector<16xf32> to vector<1x16xf32>
      tpu.vector_store %arg6[%swap3A_68, %swap3A_69], %swap3A_72 {strides = array<i32>} : memref<40x128xf32, #tpu.memory_space<vmem>>, vector<1x16xf32>,
      %broadcast_in_dim3A_73 = arith.constant 0.000000e+00 : f32
      %broadcast_in_dim3A_74 = vector.broadcast %broadcast_in_dim3A_73 : f32 to vector<16xf32>
      %swap3A_75 = arith.index_cast %scan3A_45 : i32 to index
      %swap3A_76 = arith.constant 64 : index
      %swap3A_77 = tpu.vector_load %arg6[%swap3A_75, %swap3A_76] {strides = array<i32>} : memref<40x128xf32, #tpu.memory_space<vmem>>, vector<1x16xf32>,
      %swap3A_78 = vector.shape_cast %swap3A_77 : vector<1x16xf32> to vector<16xf32>
      %swap3A_79 = vector.shape_cast %broadcast_in_dim3A_74 : vector<16xf32> to vector<1x16xf32>
      tpu.vector_store %arg6[%swap3A_75, %swap3A_76], %swap3A_79 {strides = array<i32>} : memref<40x128xf32, #tpu.memory_space<vmem>>, vector<1x16xf32>,
      %broadcast_in_dim3A_80 = arith.constant 0.000000e+00 : f32
      %broadcast_in_dim3A_81 = vector.broadcast %broadcast_in_dim3A_80 : f32 to vector<16xf32>
      %swap3A_82 = arith.index_cast %scan3A_45 : i32 to index
      %swap3A_83 = arith.constant 80 : index
      %swap3A_84 = tpu.vector_load %arg6[%swap3A_82, %swap3A_83] {strides = array<i32>} : memref<40x128xf32, #tpu.memory_space<vmem>>, vector<1x16xf32>,
      %swap3A_85 = vector.shape_cast %swap3A_84 : vector<1x16xf32> to vector<16xf32>
      %swap3A_86 = vector.shape_cast %broadcast_in_dim3A_81 : vector<16xf32> to vector<1x16xf32>
      tpu.vector_store %arg6[%swap3A_82, %swap3A_83], %swap3A_86 {strides = array<i32>} : memref<40x128xf32, #tpu.memory_space<vmem>>, vector<1x16xf32>,
      %broadcast_in_dim3A_87 = arith.constant 0.000000e+00 : f32
      %broadcast_in_dim3A_88 = vector.broadcast %broadcast_in_dim3A_87 : f32 to vector<16xf32>
      %swap3A_89 = arith.index_cast %scan3A_45 : i32 to index
      %swap3A_90 = arith.constant 96 : index
      %swap3A_91 = tpu.vector_load %arg6[%swap3A_89, %swap3A_90] {strides = array<i32>} : memref<40x128xf32, #tpu.memory_space<vmem>>, vector<1x16xf32>,
      %swap3A_92 = vector.shape_cast %swap3A_91 : vector<1x16xf32> to vector<16xf32>
      %swap3A_93 = vector.shape_cast %broadcast_in_dim3A_88 : vector<16xf32> to vector<1x16xf32>
      tpu.vector_store %arg6[%swap3A_89, %swap3A_90], %swap3A_93 {strides = array<i32>} : memref<40x128xf32, #tpu.memory_space<vmem>>, vector<1x16xf32>,
      %broadcast_in_dim3A_94 = arith.constant 0.000000e+00 : f32
      %broadcast_in_dim3A_95 = vector.broadcast %broadcast_in_dim3A_94 : f32 to vector<16xf32>
      %swap3A_96 = arith.index_cast %scan3A_45 : i32 to index
      %swap3A_97 = arith.constant 112 : index
      %swap3A_98 = tpu.vector_load %arg6[%swap3A_96, %swap3A_97] {strides = array<i32>} : memref<40x128xf32, #tpu.memory_space<vmem>>, vector<1x16xf32>,
      %swap3A_99 = vector.shape_cast %swap3A_98 : vector<1x16xf32> to vector<16xf32>
      %swap3A_100 = vector.shape_cast %broadcast_in_dim3A_95 : vector<16xf32> to vector<1x16xf32>
      tpu.vector_store %arg6[%swap3A_96, %swap3A_97], %swap3A_100 {strides = array<i32>} : memref<40x128xf32, #tpu.memory_space<vmem>>, vector<1x16xf32>,
      %scan3A_101 = arith.constant 0 : i32
      scf.yield %scan3A_101 : i32
    }
    %scan3A_13 = arith.constant 40 : i32
    %scan3A_14 = arith.constant 0 : i32
    %scan3A_15 = arith.constant 0 : i32
    %scan3A_16 = arith.constant 16 : i32
    %scan3A_17 = arith.addi %scan3A_15, %scan3A_16 : i32
    %scan3A_18 = arith.constant 1 : i32
    %scan3A_19 = scf.for %scan3A_45 = %scan3A_15 to %scan3A_17 step %scan3A_18 iter_args(%scan3A_46 = %scan3A_14) -> (i32)  : i32 {
      %mul3A_47 = arith.constant 640 : i32
      %mul3A_48 = arith.muli %arg1, %mul3A_47 : i32
      %mul3A_49 = arith.constant 40 : i32
      %mul3A_50 = arith.muli %scan3A_45, %mul3A_49 : i32
      %add3A_51 = arith.addi %mul3A_48, %mul3A_50 : i32
      "tpu.region"() ({
        %run_scoped3A_53 = tpu.sem_alloc : memref<!tpu.dma_semaphore, #tpu.memory_space<semaphore_mem>>
        %dma_start3A = arith.constant 0 : i32
        %dma_start3A_54 = tpu.memref_slice %arg7[%add3A_51, %dma_start3A] : memref<10240x128xf32, #tpu.memory_space<vmem_shared>> -> memref<40x128xf32, #tpu.memory_space<vmem_shared>>
        %dma_start3A_55 = arith.constant 0 : i32
        %dma_start3A_56 = tpu.memref_slice %arg7[%add3A_51, %dma_start3A_55] : memref<10240x128xf32, #tpu.memory_space<vmem_shared>> -> memref<40x128xf32, #tpu.memory_space<vmem_shared>>
        tpu.enqueue_dma source(%arg6 : memref<40x128xf32, #tpu.memory_space<vmem>>) target(%dma_start3A_56 : memref<40x128xf32, #tpu.memory_space<vmem_shared>>) target_semaphore(%run_scoped3A_53 : memref<!tpu.dma_semaphore, #tpu.memory_space<semaphore_mem>>)
        %dma_wait3A = arith.constant 0 : i32
        %dma_wait3A_57 = tpu.memref_slice %arg7[%add3A_51, %dma_wait3A] : memref<10240x128xf32, #tpu.memory_space<vmem_shared>> -> memref<40x128xf32, #tpu.memory_space<vmem_shared>>
        %dma_wait3A_58 = arith.constant 0 : i32
        %dma_wait3A_59 = tpu.memref_slice %arg7[%add3A_51, %dma_wait3A_58] : memref<10240x128xf32, #tpu.memory_space<vmem_shared>> -> memref<40x128xf32, #tpu.memory_space<vmem_shared>>
        tpu.wait_dma2 semaphore(%run_scoped3A_53 : memref<!tpu.dma_semaphore, #tpu.memory_space<semaphore_mem>>) src(%arg6 : memref<40x128xf32, #tpu.memory_space<vmem>>) dst(%dma_wait3A_59 : memref<40x128xf32, #tpu.memory_space<vmem_shared>>)
        tpu.yield
      }) : () -> ()
      %scan3A_52 = arith.constant 0 : i32
      scf.yield %scan3A_52 : i32
    }
    %scan3A_20 = arith.constant 16 : i32
    %mul3A_21 = arith.constant 80 : i32
    %mul3A_22 = arith.muli %add3A, %mul3A_21 : i32
    %run_scoped3A = arith.constant 1 : i32
    "tpu.region"() ({
      %run_scoped3A_45 = tpu.sem_alloc : memref<!tpu.dma_semaphore, #tpu.memory_space<semaphore_mem>>
      %dma_start3A = arith.constant 0 : i32
      %dma_start3A_46 = tpu.memref_slice %arg2[%run_scoped3A, %mul3A_22, %dma_start3A] : memref<2x2560x125xi32, #tpu.memory_space<hbm>> -> memref<1x80x125xi32, #tpu.memory_space<hbm>>
      %dma_start3A_47 = tpu.memref_squeeze %dma_start3A_46 : memref<1x80x125xi32, #tpu.memory_space<hbm>> -> memref<80x125xi32, #tpu.memory_space<hbm>>
      %dma_start3A_48 = arith.constant 0 : i32
      %dma_start3A_49 = tpu.memref_slice %arg2[%run_scoped3A, %mul3A_22, %dma_start3A_48] : memref<2x2560x125xi32, #tpu.memory_space<hbm>> -> memref<1x80x125xi32, #tpu.memory_space<hbm>>
      %dma_start3A_50 = tpu.memref_squeeze %dma_start3A_49 : memref<1x80x125xi32, #tpu.memory_space<hbm>> -> memref<80x125xi32, #tpu.memory_space<hbm>>
      tpu.enqueue_dma source(%dma_start3A_50 : memref<80x125xi32, #tpu.memory_space<hbm>>) target(%arg4 : memref<80x125xi32, #tpu.memory_space<vmem>>) target_semaphore(%run_scoped3A_45 : memref<!tpu.dma_semaphore, #tpu.memory_space<semaphore_mem>>)
      %dma_wait3A = arith.constant 0 : i32
      %dma_wait3A_51 = tpu.memref_slice %arg2[%run_scoped3A, %mul3A_22, %dma_wait3A] : memref<2x2560x125xi32, #tpu.memory_space<hbm>> -> memref<1x80x125xi32, #tpu.memory_space<hbm>>
      %dma_wait3A_52 = tpu.memref_squeeze %dma_wait3A_51 : memref<1x80x125xi32, #tpu.memory_space<hbm>> -> memref<80x125xi32, #tpu.memory_space<hbm>>
      %dma_wait3A_53 = arith.constant 0 : i32
      %dma_wait3A_54 = tpu.memref_slice %arg2[%run_scoped3A, %mul3A_22, %dma_wait3A_53] : memref<2x2560x125xi32, #tpu.memory_space<hbm>> -> memref<1x80x125xi32, #tpu.memory_space<hbm>>
      %dma_wait3A_55 = tpu.memref_squeeze %dma_wait3A_54 : memref<1x80x125xi32, #tpu.memory_space<hbm>> -> memref<80x125xi32, #tpu.memory_space<hbm>>
      tpu.wait_dma2 semaphore(%run_scoped3A_45 : memref<!tpu.dma_semaphore, #tpu.memory_space<semaphore_mem>>) src(%dma_wait3A_55 : memref<80x125xi32, #tpu.memory_space<hbm>>) dst(%arg4 : memref<80x125xi32, #tpu.memory_space<vmem>>)
      tpu.yield
    }) : () -> ()
    %barrier3A = arith.constant 0 : index
    tpu.barrier barrier_id(%barrier3A)
    %scan3A_23 = arith.constant 0 : i32
    %scan3A_24 = arith.constant 0 : i32
    %scan3A_25 = arith.constant 80 : i32
    %scan3A_26 = arith.addi %scan3A_24, %scan3A_25 : i32
    %scan3A_27 = arith.constant 1 : i32
    %scan3A_28 = scf.for %scan3A_45 = %scan3A_24 to %scan3A_26 step %scan3A_27 iter_args(%scan3A_46 = %scan3A_23) -> (i32)  : i32 {
      %dma_start3A = arith.constant 0 : i32
      %dma_start3A_47 = tpu.memref_slice %arg4[%scan3A_45, %dma_start3A] : memref<80x125xi32, #tpu.memory_space<vmem>> -> memref<1x125xi32, #tpu.memory_space<vmem>>
      %dma_start3A_48 = tpu.memref_squeeze %dma_start3A_47 : memref<1x125xi32, #tpu.memory_space<vmem>> -> memref<125xi32, #tpu.memory_space<vmem>>
      %dma_start3A_49 = arith.constant 0 : i32
      %dma_start3A_50 = arith.constant 0 : i32
      %dma_start3A_51 = tpu.memref_slice %arg7[%dma_start3A_49, %dma_start3A_50] : memref<10240x128xf32, #tpu.memory_space<vmem_shared>> -> memref<10240x128xf32, #tpu.memory_space<vmem_shared>>
      tpu.enqueue_indirect_dma source(%arg5 : memref<125x128xf32, #tpu.memory_space<vmem>>) target(%dma_start3A_51 : memref<10240x128xf32, #tpu.memory_space<vmem_shared>>) offsets(%dma_start3A_48 : memref<125xi32, #tpu.memory_space<vmem>>) semaphore(%arg8 : memref<!tpu.dma_semaphore, #tpu.memory_space<semaphore_mem>>) {add = true}
      %ge3A = arith.constant 8 : i32
      %ge3A_52 = arith.cmpi sge, %scan3A_45, %ge3A : i32
      %convert_element_type3A = arith.extui %ge3A_52 : i1 to i32
      %cond3A = arith.constant 0 : i32
      %cond3A_53 = arith.cmpi ne, %convert_element_type3A, %cond3A : i32
      scf.if %cond3A_53 {
        %dma_wait3A = arith.constant 0 : i32
        %dma_wait3A_55 = arith.constant 0 : i32
        %dma_wait3A_56 = tpu.memref_slice %arg4[%dma_wait3A, %dma_wait3A_55] : memref<80x125xi32, #tpu.memory_space<vmem>> -> memref<1x125xi32, #tpu.memory_space<vmem>>
        %dma_wait3A_57 = tpu.memref_squeeze %dma_wait3A_56 : memref<1x125xi32, #tpu.memory_space<vmem>> -> memref<125xi32, #tpu.memory_space<vmem>>
        %dma_wait3A_58 = arith.constant 0 : i32
        %dma_wait3A_59 = arith.constant 0 : i32
        %dma_wait3A_60 = tpu.memref_slice %arg7[%dma_wait3A_58, %dma_wait3A_59] : memref<10240x128xf32, #tpu.memory_space<vmem_shared>> -> memref<10240x128xf32, #tpu.memory_space<vmem_shared>>
        tpu.wait_indirect_dma semaphore(%arg8 : memref<!tpu.dma_semaphore, #tpu.memory_space<semaphore_mem>>) src(%arg5 : memref<125x128xf32, #tpu.memory_space<vmem>>) dst(%dma_wait3A_60 : memref<10240x128xf32, #tpu.memory_space<vmem_shared>>)
      } else {
      }
      %scan3A_54 = arith.constant 0 : i32
      scf.yield %scan3A_54 : i32
    }
    %scan3A_29 = arith.constant 80 : i32
    %scan3A_30 = arith.constant 0 : i32
    %scan3A_31 = arith.constant 0 : i32
    %scan3A_32 = arith.constant 8 : i32
    %scan3A_33 = arith.addi %scan3A_31, %scan3A_32 : i32
    %scan3A_34 = arith.constant 1 : i32
    %scan3A_35 = scf.for %scan3A_45 = %scan3A_31 to %scan3A_33 step %scan3A_34 iter_args(%scan3A_46 = %scan3A_30) -> (i32)  : i32 {
      %dma_wait3A = arith.constant 0 : i32
      %dma_wait3A_47 = arith.constant 0 : i32
      %dma_wait3A_48 = tpu.memref_slice %arg4[%dma_wait3A, %dma_wait3A_47] : memref<80x125xi32, #tpu.memory_space<vmem>> -> memref<1x125xi32, #tpu.memory_space<vmem>>
      %dma_wait3A_49 = tpu.memref_squeeze %dma_wait3A_48 : memref<1x125xi32, #tpu.memory_space<vmem>> -> memref<125xi32, #tpu.memory_space<vmem>>
      %dma_wait3A_50 = arith.constant 0 : i32
      %dma_wait3A_51 = arith.constant 0 : i32
      %dma_wait3A_52 = tpu.memref_slice %arg7[%dma_wait3A_50, %dma_wait3A_51] : memref<10240x128xf32, #tpu.memory_space<vmem_shared>> -> memref<10240x128xf32, #tpu.memory_space<vmem_shared>>
      tpu.wait_indirect_dma semaphore(%arg8 : memref<!tpu.dma_semaphore, #tpu.memory_space<semaphore_mem>>) src(%arg5 : memref<125x128xf32, #tpu.memory_space<vmem>>) dst(%dma_wait3A_52 : memref<10240x128xf32, #tpu.memory_space<vmem_shared>>)
      %scan3A_53 = arith.constant 0 : i32
      scf.yield %scan3A_53 : i32
    }
    %scan3A_36 = arith.constant 8 : i32
    %barrier3A_37 = arith.constant 0 : index
    tpu.barrier barrier_id(%barrier3A_37)
    %scan3A_38 = arith.constant 0 : i32
    %scan3A_39 = arith.constant 0 : i32
    %scan3A_40 = arith.constant 5 : i32
    %scan3A_41 = arith.addi %scan3A_39, %scan3A_40 : i32
    %scan3A_42 = arith.constant 1 : i32
    %scan3A_43 = scf.for %scan3A_45 = %scan3A_39 to %scan3A_41 step %scan3A_42 iter_args(%scan3A_46 = %scan3A_38) -> (i32)  : i32 {
      %mul3A_47 = arith.constant 640 : i32
      %mul3A_48 = arith.muli %arg1, %mul3A_47 : i32
      %mul3A_49 = arith.constant 128 : i32
      %mul3A_50 = arith.muli %scan3A_45, %mul3A_49 : i32
      %add3A_51 = arith.addi %mul3A_48, %mul3A_50 : i32
      "tpu.region"() ({
        %run_scoped3A_53 = tpu.sem_alloc : memref<!tpu.dma_semaphore, #tpu.memory_space<semaphore_mem>>
        %dma_start3A = arith.constant 0 : i32
        %dma_start3A_54 = tpu.memref_slice %arg3[%arg0, %add3A_51, %dma_start3A] : memref<2x10240x128xf32, #tpu.memory_space<hbm>> -> memref<1x128x128xf32, #tpu.memory_space<hbm>>
        %dma_start3A_55 = tpu.memref_squeeze %dma_start3A_54 : memref<1x128x128xf32, #tpu.memory_space<hbm>> -> memref<128x128xf32, #tpu.memory_space<hbm>>
        %dma_start3A_56 = arith.constant 0 : i32
        %dma_start3A_57 = tpu.memref_slice %arg7[%add3A_51, %dma_start3A_56] : memref<10240x128xf32, #tpu.memory_space<vmem_shared>> -> memref<128x128xf32, #tpu.memory_space<vmem_shared>>
        tpu.enqueue_dma source(%dma_start3A_57 : memref<128x128xf32, #tpu.memory_space<vmem_shared>>) target(%dma_start3A_55 : memref<128x128xf32, #tpu.memory_space<hbm>>) target_semaphore(%run_scoped3A_53 : memref<!tpu.dma_semaphore, #tpu.memory_space<semaphore_mem>>)
        %dma_wait3A = arith.constant 0 : i32
        %dma_wait3A_58 = tpu.memref_slice %arg3[%arg0, %add3A_51, %dma_wait3A] : memref<2x10240x128xf32, #tpu.memory_space<hbm>> -> memref<1x128x128xf32, #tpu.memory_space<hbm>>
        %dma_wait3A_59 = tpu.memref_squeeze %dma_wait3A_58 : memref<1x128x128xf32, #tpu.memory_space<hbm>> -> memref<128x128xf32, #tpu.memory_space<hbm>>
        %dma_wait3A_60 = arith.constant 0 : i32
        %dma_wait3A_61 = tpu.memref_slice %arg7[%add3A_51, %dma_wait3A_60] : memref<10240x128xf32, #tpu.memory_space<vmem_shared>> -> memref<128x128xf32, #tpu.memory_space<vmem_shared>>
        tpu.wait_dma2 semaphore(%run_scoped3A_53 : memref<!tpu.dma_semaphore, #tpu.memory_space<semaphore_mem>>) src(%dma_wait3A_61 : memref<128x128xf32, #tpu.memory_space<vmem_shared>>) dst(%dma_wait3A_59 : memref<128x128xf32, #tpu.memory_space<hbm>>)
        tpu.yield
      }) : () -> ()
      %scan3A_52 = arith.constant 0 : i32
      scf.yield %scan3A_52 : i32
    }
    %scan3A_44 = arith.constant 5 : i32
    return
  }
}

#map = affine_map<(d0, d1) -> (0, 0)>
#map1 = affine_map<(d0, d1) -> (0, 0, 0)>
module attributes {stable_mosaic.version = 14 : i64} {
  func.func @_prop_body(%arg0: i32, %arg1: i32, %arg2: memref<10000x128xf32, #tpu.memory_space<hbm>>, %arg3: memref<2x2560x125xi32, #tpu.memory_space<hbm>>, %arg4: memref<2x10240x128xf32, #tpu.memory_space<hbm>>, %arg5: memref<2x16x125xi32, #tpu.memory_space<vmem>>, %arg6: memref<2x16x125xi32, #tpu.memory_space<vmem>>, %arg7: memref<125x128xf32, #tpu.memory_space<vmem>>, %arg8: memref<125x128xf32, #tpu.memory_space<vmem>>, %arg9: memref<40x128xf32, #tpu.memory_space<vmem>>, %arg10: memref<10240x128xf32, #tpu.memory_space<vmem_shared>>, %arg11: memref<!tpu.dma_semaphore, #tpu.memory_space<semaphore_mem>>, %arg12: memref<!tpu.dma_semaphore, #tpu.memory_space<semaphore_mem>>, %arg13: memref<!tpu.dma_semaphore, #tpu.memory_space<semaphore_mem>>) attributes {dimension_semantics = [#tpu.dimension_semantics<core_parallel>, #tpu.dimension_semantics<subcore_parallel>], iteration_bounds = array<i64: 2, 16>, scalar_prefetch = 0 : i64, scratch_operands = 9 : i64, tpu.core_type = #tpu.core_type<sc_vector_subcore>, window_params = [{transform_indices = #map}, {transform_indices = #map1}, {transform_indices = #map1}]} {
    %mul3A = arith.constant 2 : i32
    %mul3A_0 = arith.muli %arg1, %mul3A : i32
    %add3A = arith.addi %mul3A_0, %arg0 : i32
    %mul3A_1 = arith.constant 80 : i32
    %mul3A_2 = arith.muli %add3A, %mul3A_1 : i32
    %dma_start3A = arith.constant 0 : i32
    %dma_start3A_3 = arith.constant 0 : i32
    %dma_start3A_4 = arith.constant 0 : i32
    %dma_start3A_5 = arith.constant 0 : i32
    %dma_start3A_6 = tpu.memref_slice %arg5[%dma_start3A_3, %dma_start3A_4, %dma_start3A_5] : memref<2x16x125xi32, #tpu.memory_space<vmem>> -> memref<1x16x125xi32, #tpu.memory_space<vmem>>
    %dma_start3A_7 = tpu.memref_squeeze %dma_start3A_6 : memref<1x16x125xi32, #tpu.memory_space<vmem>> -> memref<16x125xi32, #tpu.memory_space<vmem>>
    %dma_start3A_8 = arith.constant 0 : i32
    %dma_start3A_9 = tpu.memref_slice %arg3[%dma_start3A, %mul3A_2, %dma_start3A_8] : memref<2x2560x125xi32, #tpu.memory_space<hbm>> -> memref<1x16x125xi32, #tpu.memory_space<hbm>>
    %dma_start3A_10 = tpu.memref_squeeze %dma_start3A_9 : memref<1x16x125xi32, #tpu.memory_space<hbm>> -> memref<16x125xi32, #tpu.memory_space<hbm>>
    %dma_start3A_11 = arith.constant 0 : i32
    %dma_start3A_12 = arith.constant 0 : i32
    %dma_start3A_13 = tpu.memref_slice %arg5[%dma_start3A_3, %dma_start3A_11, %dma_start3A_12] : memref<2x16x125xi32, #tpu.memory_space<vmem>> -> memref<1x16x125xi32, #tpu.memory_space<vmem>>
    %dma_start3A_14 = tpu.memref_squeeze %dma_start3A_13 : memref<1x16x125xi32, #tpu.memory_space<vmem>> -> memref<16x125xi32, #tpu.memory_space<vmem>>
    %dma_start3A_15 = arith.constant 0 : i32
    %dma_start3A_16 = tpu.memref_slice %arg3[%dma_start3A, %mul3A_2, %dma_start3A_15] : memref<2x2560x125xi32, #tpu.memory_space<hbm>> -> memref<1x16x125xi32, #tpu.memory_space<hbm>>
    %dma_start3A_17 = tpu.memref_squeeze %dma_start3A_16 : memref<1x16x125xi32, #tpu.memory_space<hbm>> -> memref<16x125xi32, #tpu.memory_space<hbm>>
    tpu.enqueue_dma source(%dma_start3A_17 : memref<16x125xi32, #tpu.memory_space<hbm>>) target(%dma_start3A_14 : memref<16x125xi32, #tpu.memory_space<vmem>>) target_semaphore(%arg13 : memref<!tpu.dma_semaphore, #tpu.memory_space<semaphore_mem>>)
    %mul3A_18 = arith.constant 80 : i32
    %mul3A_19 = arith.muli %add3A, %mul3A_18 : i32
    %dma_start3A_20 = arith.constant 1 : i32
    %dma_start3A_21 = arith.constant 0 : i32
    %dma_start3A_22 = arith.constant 0 : i32
    %dma_start3A_23 = arith.constant 0 : i32
    %dma_start3A_24 = tpu.memref_slice %arg6[%dma_start3A_21, %dma_start3A_22, %dma_start3A_23] : memref<2x16x125xi32, #tpu.memory_space<vmem>> -> memref<1x16x125xi32, #tpu.memory_space<vmem>>
    %dma_start3A_25 = tpu.memref_squeeze %dma_start3A_24 : memref<1x16x125xi32, #tpu.memory_space<vmem>> -> memref<16x125xi32, #tpu.memory_space<vmem>>
    %dma_start3A_26 = arith.constant 0 : i32
    %dma_start3A_27 = tpu.memref_slice %arg3[%dma_start3A_20, %mul3A_19, %dma_start3A_26] : memref<2x2560x125xi32, #tpu.memory_space<hbm>> -> memref<1x16x125xi32, #tpu.memory_space<hbm>>
    %dma_start3A_28 = tpu.memref_squeeze %dma_start3A_27 : memref<1x16x125xi32, #tpu.memory_space<hbm>> -> memref<16x125xi32, #tpu.memory_space<hbm>>
    %dma_start3A_29 = arith.constant 0 : i32
    %dma_start3A_30 = arith.constant 0 : i32
    %dma_start3A_31 = tpu.memref_slice %arg6[%dma_start3A_21, %dma_start3A_29, %dma_start3A_30] : memref<2x16x125xi32, #tpu.memory_space<vmem>> -> memref<1x16x125xi32, #tpu.memory_space<vmem>>
    %dma_start3A_32 = tpu.memref_squeeze %dma_start3A_31 : memref<1x16x125xi32, #tpu.memory_space<vmem>> -> memref<16x125xi32, #tpu.memory_space<vmem>>
    %dma_start3A_33 = arith.constant 0 : i32
    %dma_start3A_34 = tpu.memref_slice %arg3[%dma_start3A_20, %mul3A_19, %dma_start3A_33] : memref<2x2560x125xi32, #tpu.memory_space<hbm>> -> memref<1x16x125xi32, #tpu.memory_space<hbm>>
    %dma_start3A_35 = tpu.memref_squeeze %dma_start3A_34 : memref<1x16x125xi32, #tpu.memory_space<hbm>> -> memref<16x125xi32, #tpu.memory_space<hbm>>
    tpu.enqueue_dma source(%dma_start3A_35 : memref<16x125xi32, #tpu.memory_space<hbm>>) target(%dma_start3A_32 : memref<16x125xi32, #tpu.memory_space<vmem>>) target_semaphore(%arg13 : memref<!tpu.dma_semaphore, #tpu.memory_space<semaphore_mem>>)
    %scan3A = arith.constant 0 : i32
    %scan3A_36 = arith.constant 0 : i32
    %scan3A_37 = arith.constant 40 : i32
    %scan3A_38 = arith.addi %scan3A_36, %scan3A_37 : i32
    %scan3A_39 = arith.constant 1 : i32
    %scan3A_40 = scf.for %scan3A_64 = %scan3A_36 to %scan3A_38 step %scan3A_39 iter_args(%scan3A_65 = %scan3A) -> (i32)  : i32 {
      %broadcast_in_dim3A = arith.constant 0.000000e+00 : f32
      %broadcast_in_dim3A_66 = vector.broadcast %broadcast_in_dim3A : f32 to vector<16xf32>
      %swap3A = arith.index_cast %scan3A_64 : i32 to index
      %swap3A_67 = arith.constant 0 : index
      %swap3A_68 = tpu.vector_load %arg9[%swap3A, %swap3A_67] {strides = array<i32>} : memref<40x128xf32, #tpu.memory_space<vmem>>, vector<1x16xf32>,
      %swap3A_69 = vector.shape_cast %swap3A_68 : vector<1x16xf32> to vector<16xf32>
      %swap3A_70 = vector.shape_cast %broadcast_in_dim3A_66 : vector<16xf32> to vector<1x16xf32>
      tpu.vector_store %arg9[%swap3A, %swap3A_67], %swap3A_70 {strides = array<i32>} : memref<40x128xf32, #tpu.memory_space<vmem>>, vector<1x16xf32>,
      %broadcast_in_dim3A_71 = arith.constant 0.000000e+00 : f32
      %broadcast_in_dim3A_72 = vector.broadcast %broadcast_in_dim3A_71 : f32 to vector<16xf32>
      %swap3A_73 = arith.index_cast %scan3A_64 : i32 to index
      %swap3A_74 = arith.constant 16 : index
      %swap3A_75 = tpu.vector_load %arg9[%swap3A_73, %swap3A_74] {strides = array<i32>} : memref<40x128xf32, #tpu.memory_space<vmem>>, vector<1x16xf32>,
      %swap3A_76 = vector.shape_cast %swap3A_75 : vector<1x16xf32> to vector<16xf32>
      %swap3A_77 = vector.shape_cast %broadcast_in_dim3A_72 : vector<16xf32> to vector<1x16xf32>
      tpu.vector_store %arg9[%swap3A_73, %swap3A_74], %swap3A_77 {strides = array<i32>} : memref<40x128xf32, #tpu.memory_space<vmem>>, vector<1x16xf32>,
      %broadcast_in_dim3A_78 = arith.constant 0.000000e+00 : f32
      %broadcast_in_dim3A_79 = vector.broadcast %broadcast_in_dim3A_78 : f32 to vector<16xf32>
      %swap3A_80 = arith.index_cast %scan3A_64 : i32 to index
      %swap3A_81 = arith.constant 32 : index
      %swap3A_82 = tpu.vector_load %arg9[%swap3A_80, %swap3A_81] {strides = array<i32>} : memref<40x128xf32, #tpu.memory_space<vmem>>, vector<1x16xf32>,
      %swap3A_83 = vector.shape_cast %swap3A_82 : vector<1x16xf32> to vector<16xf32>
      %swap3A_84 = vector.shape_cast %broadcast_in_dim3A_79 : vector<16xf32> to vector<1x16xf32>
      tpu.vector_store %arg9[%swap3A_80, %swap3A_81], %swap3A_84 {strides = array<i32>} : memref<40x128xf32, #tpu.memory_space<vmem>>, vector<1x16xf32>,
      %broadcast_in_dim3A_85 = arith.constant 0.000000e+00 : f32
      %broadcast_in_dim3A_86 = vector.broadcast %broadcast_in_dim3A_85 : f32 to vector<16xf32>
      %swap3A_87 = arith.index_cast %scan3A_64 : i32 to index
      %swap3A_88 = arith.constant 48 : index
      %swap3A_89 = tpu.vector_load %arg9[%swap3A_87, %swap3A_88] {strides = array<i32>} : memref<40x128xf32, #tpu.memory_space<vmem>>, vector<1x16xf32>,
      %swap3A_90 = vector.shape_cast %swap3A_89 : vector<1x16xf32> to vector<16xf32>
      %swap3A_91 = vector.shape_cast %broadcast_in_dim3A_86 : vector<16xf32> to vector<1x16xf32>
      tpu.vector_store %arg9[%swap3A_87, %swap3A_88], %swap3A_91 {strides = array<i32>} : memref<40x128xf32, #tpu.memory_space<vmem>>, vector<1x16xf32>,
      %broadcast_in_dim3A_92 = arith.constant 0.000000e+00 : f32
      %broadcast_in_dim3A_93 = vector.broadcast %broadcast_in_dim3A_92 : f32 to vector<16xf32>
      %swap3A_94 = arith.index_cast %scan3A_64 : i32 to index
      %swap3A_95 = arith.constant 64 : index
      %swap3A_96 = tpu.vector_load %arg9[%swap3A_94, %swap3A_95] {strides = array<i32>} : memref<40x128xf32, #tpu.memory_space<vmem>>, vector<1x16xf32>,
      %swap3A_97 = vector.shape_cast %swap3A_96 : vector<1x16xf32> to vector<16xf32>
      %swap3A_98 = vector.shape_cast %broadcast_in_dim3A_93 : vector<16xf32> to vector<1x16xf32>
      tpu.vector_store %arg9[%swap3A_94, %swap3A_95], %swap3A_98 {strides = array<i32>} : memref<40x128xf32, #tpu.memory_space<vmem>>, vector<1x16xf32>,
      %broadcast_in_dim3A_99 = arith.constant 0.000000e+00 : f32
      %broadcast_in_dim3A_100 = vector.broadcast %broadcast_in_dim3A_99 : f32 to vector<16xf32>
      %swap3A_101 = arith.index_cast %scan3A_64 : i32 to index
      %swap3A_102 = arith.constant 80 : index
      %swap3A_103 = tpu.vector_load %arg9[%swap3A_101, %swap3A_102] {strides = array<i32>} : memref<40x128xf32, #tpu.memory_space<vmem>>, vector<1x16xf32>,
      %swap3A_104 = vector.shape_cast %swap3A_103 : vector<1x16xf32> to vector<16xf32>
      %swap3A_105 = vector.shape_cast %broadcast_in_dim3A_100 : vector<16xf32> to vector<1x16xf32>
      tpu.vector_store %arg9[%swap3A_101, %swap3A_102], %swap3A_105 {strides = array<i32>} : memref<40x128xf32, #tpu.memory_space<vmem>>, vector<1x16xf32>,
      %broadcast_in_dim3A_106 = arith.constant 0.000000e+00 : f32
      %broadcast_in_dim3A_107 = vector.broadcast %broadcast_in_dim3A_106 : f32 to vector<16xf32>
      %swap3A_108 = arith.index_cast %scan3A_64 : i32 to index
      %swap3A_109 = arith.constant 96 : index
      %swap3A_110 = tpu.vector_load %arg9[%swap3A_108, %swap3A_109] {strides = array<i32>} : memref<40x128xf32, #tpu.memory_space<vmem>>, vector<1x16xf32>,
      %swap3A_111 = vector.shape_cast %swap3A_110 : vector<1x16xf32> to vector<16xf32>
      %swap3A_112 = vector.shape_cast %broadcast_in_dim3A_107 : vector<16xf32> to vector<1x16xf32>
      tpu.vector_store %arg9[%swap3A_108, %swap3A_109], %swap3A_112 {strides = array<i32>} : memref<40x128xf32, #tpu.memory_space<vmem>>, vector<1x16xf32>,
      %broadcast_in_dim3A_113 = arith.constant 0.000000e+00 : f32
      %broadcast_in_dim3A_114 = vector.broadcast %broadcast_in_dim3A_113 : f32 to vector<16xf32>
      %swap3A_115 = arith.index_cast %scan3A_64 : i32 to index
      %swap3A_116 = arith.constant 112 : index
      %swap3A_117 = tpu.vector_load %arg9[%swap3A_115, %swap3A_116] {strides = array<i32>} : memref<40x128xf32, #tpu.memory_space<vmem>>, vector<1x16xf32>,
      %swap3A_118 = vector.shape_cast %swap3A_117 : vector<1x16xf32> to vector<16xf32>
      %swap3A_119 = vector.shape_cast %broadcast_in_dim3A_114 : vector<16xf32> to vector<1x16xf32>
      tpu.vector_store %arg9[%swap3A_115, %swap3A_116], %swap3A_119 {strides = array<i32>} : memref<40x128xf32, #tpu.memory_space<vmem>>, vector<1x16xf32>,
      %scan3A_120 = arith.constant 0 : i32
      scf.yield %scan3A_120 : i32
    }
    %scan3A_41 = arith.constant 40 : i32
    %scan3A_42 = arith.constant 0 : i32
    %scan3A_43 = arith.constant 0 : i32
    %scan3A_44 = arith.constant 16 : i32
    %scan3A_45 = arith.addi %scan3A_43, %scan3A_44 : i32
    %scan3A_46 = arith.constant 1 : i32
    %scan3A_47 = scf.for %scan3A_64 = %scan3A_43 to %scan3A_45 step %scan3A_46 iter_args(%scan3A_65 = %scan3A_42) -> (i32)  : i32 {
      %mul3A_66 = arith.constant 640 : i32
      %mul3A_67 = arith.muli %arg1, %mul3A_66 : i32
      %mul3A_68 = arith.constant 40 : i32
      %mul3A_69 = arith.muli %scan3A_64, %mul3A_68 : i32
      %add3A_70 = arith.addi %mul3A_67, %mul3A_69 : i32
      "tpu.region"() ({
        %run_scoped3A = tpu.sem_alloc : memref<!tpu.dma_semaphore, #tpu.memory_space<semaphore_mem>>
        %dma_start3A_72 = arith.constant 0 : i32
        %dma_start3A_73 = tpu.memref_slice %arg10[%add3A_70, %dma_start3A_72] : memref<10240x128xf32, #tpu.memory_space<vmem_shared>> -> memref<40x128xf32, #tpu.memory_space<vmem_shared>>
        %dma_start3A_74 = arith.constant 0 : i32
        %dma_start3A_75 = tpu.memref_slice %arg10[%add3A_70, %dma_start3A_74] : memref<10240x128xf32, #tpu.memory_space<vmem_shared>> -> memref<40x128xf32, #tpu.memory_space<vmem_shared>>
        tpu.enqueue_dma source(%arg9 : memref<40x128xf32, #tpu.memory_space<vmem>>) target(%dma_start3A_75 : memref<40x128xf32, #tpu.memory_space<vmem_shared>>) target_semaphore(%run_scoped3A : memref<!tpu.dma_semaphore, #tpu.memory_space<semaphore_mem>>)
        %dma_wait3A = arith.constant 0 : i32
        %dma_wait3A_76 = tpu.memref_slice %arg10[%add3A_70, %dma_wait3A] : memref<10240x128xf32, #tpu.memory_space<vmem_shared>> -> memref<40x128xf32, #tpu.memory_space<vmem_shared>>
        %dma_wait3A_77 = arith.constant 0 : i32
        %dma_wait3A_78 = tpu.memref_slice %arg10[%add3A_70, %dma_wait3A_77] : memref<10240x128xf32, #tpu.memory_space<vmem_shared>> -> memref<40x128xf32, #tpu.memory_space<vmem_shared>>
        tpu.wait_dma2 semaphore(%run_scoped3A : memref<!tpu.dma_semaphore, #tpu.memory_space<semaphore_mem>>) src(%arg9 : memref<40x128xf32, #tpu.memory_space<vmem>>) dst(%dma_wait3A_78 : memref<40x128xf32, #tpu.memory_space<vmem_shared>>)
        tpu.yield
      }) : () -> ()
      %scan3A_71 = arith.constant 0 : i32
      scf.yield %scan3A_71 : i32
    }
    %scan3A_48 = arith.constant 16 : i32
    %barrier3A = arith.constant 0 : index
    tpu.barrier barrier_id(%barrier3A)
    %scan3A_49 = arith.constant 0 : i32
    %scan3A_50 = arith.constant 0 : i32
    %scan3A_51 = arith.constant 5 : i32
    %scan3A_52 = arith.addi %scan3A_50, %scan3A_51 : i32
    %scan3A_53 = arith.constant 1 : i32
    %scan3A_54 = scf.for %scan3A_64 = %scan3A_50 to %scan3A_52 step %scan3A_53 iter_args(%scan3A_65 = %scan3A_49) -> (i32)  : i32 {
      %jit3A = arith.constant 2 : i32
      %eq3A = arith.constant 0 : i32
      %eq3A_66 = arith.cmpi eq, %jit3A, %eq3A : i32
      %jit3A_67 = arith.constant 1 : i32
      %select_n3A = arith.select %eq3A_66, %jit3A_67, %jit3A : i32
      %rem3A = arith.remsi %scan3A_64, %select_n3A : i32
      %ne3A = arith.constant 0 : i32
      %ne3A_68 = arith.cmpi ne, %rem3A, %ne3A : i32
      %lt3A = arith.constant 0 : i32
      %lt3A_69 = arith.cmpi slt, %rem3A, %lt3A : i32
      %lt3A_70 = arith.constant 0 : i32
      %lt3A_71 = arith.cmpi slt, %select_n3A, %lt3A_70 : i32
      %ne3A_72 = arith.xori %lt3A_69, %lt3A_71 : i1
      %and3A = arith.andi %ne3A_72, %ne3A_68 : i1
      %add3A_73 = arith.addi %rem3A, %select_n3A : i32
      %select_n3A_74 = arith.select %and3A, %add3A_73, %rem3A : i32
      %dma_wait3A = arith.constant 0 : i32
      %dma_wait3A_75 = arith.constant 0 : i32
      %dma_wait3A_76 = arith.constant 0 : i32
      %dma_wait3A_77 = tpu.memref_slice %arg5[%select_n3A_74, %dma_wait3A_75, %dma_wait3A_76] : memref<2x16x125xi32, #tpu.memory_space<vmem>> -> memref<1x16x125xi32, #tpu.memory_space<vmem>>
      %dma_wait3A_78 = tpu.memref_squeeze %dma_wait3A_77 : memref<1x16x125xi32, #tpu.memory_space<vmem>> -> memref<16x125xi32, #tpu.memory_space<vmem>>
      %dma_wait3A_79 = arith.constant 0 : i32
      %dma_wait3A_80 = arith.constant 0 : i32
      %dma_wait3A_81 = tpu.memref_slice %arg3[%dma_wait3A, %dma_wait3A_79, %dma_wait3A_80] : memref<2x2560x125xi32, #tpu.memory_space<hbm>> -> memref<1x16x125xi32, #tpu.memory_space<hbm>>
      %dma_wait3A_82 = tpu.memref_squeeze %dma_wait3A_81 : memref<1x16x125xi32, #tpu.memory_space<hbm>> -> memref<16x125xi32, #tpu.memory_space<hbm>>
      %dma_wait3A_83 = arith.constant 0 : i32
      %dma_wait3A_84 = arith.constant 0 : i32
      %dma_wait3A_85 = tpu.memref_slice %arg5[%select_n3A_74, %dma_wait3A_83, %dma_wait3A_84] : memref<2x16x125xi32, #tpu.memory_space<vmem>> -> memref<1x16x125xi32, #tpu.memory_space<vmem>>
      %dma_wait3A_86 = tpu.memref_squeeze %dma_wait3A_85 : memref<1x16x125xi32, #tpu.memory_space<vmem>> -> memref<16x125xi32, #tpu.memory_space<vmem>>
      %dma_wait3A_87 = arith.constant 0 : i32
      %dma_wait3A_88 = arith.constant 0 : i32
      %dma_wait3A_89 = tpu.memref_slice %arg3[%dma_wait3A, %dma_wait3A_87, %dma_wait3A_88] : memref<2x2560x125xi32, #tpu.memory_space<hbm>> -> memref<1x16x125xi32, #tpu.memory_space<hbm>>
      %dma_wait3A_90 = tpu.memref_squeeze %dma_wait3A_89 : memref<1x16x125xi32, #tpu.memory_space<hbm>> -> memref<16x125xi32, #tpu.memory_space<hbm>>
      tpu.wait_dma2 semaphore(%arg13 : memref<!tpu.dma_semaphore, #tpu.memory_space<semaphore_mem>>) src(%dma_wait3A_90 : memref<16x125xi32, #tpu.memory_space<hbm>>) dst(%dma_wait3A_86 : memref<16x125xi32, #tpu.memory_space<vmem>>)
      %dma_wait3A_91 = arith.constant 1 : i32
      %dma_wait3A_92 = arith.constant 0 : i32
      %dma_wait3A_93 = arith.constant 0 : i32
      %dma_wait3A_94 = tpu.memref_slice %arg6[%select_n3A_74, %dma_wait3A_92, %dma_wait3A_93] : memref<2x16x125xi32, #tpu.memory_space<vmem>> -> memref<1x16x125xi32, #tpu.memory_space<vmem>>
      %dma_wait3A_95 = tpu.memref_squeeze %dma_wait3A_94 : memref<1x16x125xi32, #tpu.memory_space<vmem>> -> memref<16x125xi32, #tpu.memory_space<vmem>>
      %dma_wait3A_96 = arith.constant 0 : i32
      %dma_wait3A_97 = arith.constant 0 : i32
      %dma_wait3A_98 = tpu.memref_slice %arg3[%dma_wait3A_91, %dma_wait3A_96, %dma_wait3A_97] : memref<2x2560x125xi32, #tpu.memory_space<hbm>> -> memref<1x16x125xi32, #tpu.memory_space<hbm>>
      %dma_wait3A_99 = tpu.memref_squeeze %dma_wait3A_98 : memref<1x16x125xi32, #tpu.memory_space<hbm>> -> memref<16x125xi32, #tpu.memory_space<hbm>>
      %dma_wait3A_100 = arith.constant 0 : i32
      %dma_wait3A_101 = arith.constant 0 : i32
      %dma_wait3A_102 = tpu.memref_slice %arg6[%select_n3A_74, %dma_wait3A_100, %dma_wait3A_101] : memref<2x16x125xi32, #tpu.memory_space<vmem>> -> memref<1x16x125xi32, #tpu.memory_space<vmem>>
      %dma_wait3A_103 = tpu.memref_squeeze %dma_wait3A_102 : memref<1x16x125xi32, #tpu.memory_space<vmem>> -> memref<16x125xi32, #tpu.memory_space<vmem>>
      %dma_wait3A_104 = arith.constant 0 : i32
      %dma_wait3A_105 = arith.constant 0 : i32
      %dma_wait3A_106 = tpu.memref_slice %arg3[%dma_wait3A_91, %dma_wait3A_104, %dma_wait3A_105] : memref<2x2560x125xi32, #tpu.memory_space<hbm>> -> memref<1x16x125xi32, #tpu.memory_space<hbm>>
      %dma_wait3A_107 = tpu.memref_squeeze %dma_wait3A_106 : memref<1x16x125xi32, #tpu.memory_space<hbm>> -> memref<16x125xi32, #tpu.memory_space<hbm>>
      tpu.wait_dma2 semaphore(%arg13 : memref<!tpu.dma_semaphore, #tpu.memory_space<semaphore_mem>>) src(%dma_wait3A_107 : memref<16x125xi32, #tpu.memory_space<hbm>>) dst(%dma_wait3A_103 : memref<16x125xi32, #tpu.memory_space<vmem>>)
      %add3A_108 = arith.constant 1 : i32
      %add3A_109 = arith.addi %scan3A_64, %add3A_108 : i32
      %lt3A_110 = arith.constant 5 : i32
      %lt3A_111 = arith.cmpi slt, %add3A_109, %lt3A_110 : i32
      %convert_element_type3A = arith.extui %lt3A_111 : i1 to i32
      %cond3A = arith.constant 0 : i32
      %cond3A_112 = arith.cmpi ne, %convert_element_type3A, %cond3A : i32
      scf.if %cond3A_112 {
        %mul3A_128 = arith.constant 80 : i32
        %mul3A_129 = arith.muli %add3A, %mul3A_128 : i32
        %add3A_130 = arith.constant 1 : i32
        %add3A_131 = arith.addi %scan3A_64, %add3A_130 : i32
        %mul3A_132 = arith.constant 16 : i32
        %mul3A_133 = arith.muli %add3A_131, %mul3A_132 : i32
        %add3A_134 = arith.addi %mul3A_129, %mul3A_133 : i32
        %sub3A = arith.constant 1 : i32
        %sub3A_135 = arith.subi %sub3A, %select_n3A_74 : i32
        %dma_start3A_136 = arith.constant 0 : i32
        %dma_start3A_137 = arith.constant 0 : i32
        %dma_start3A_138 = arith.constant 0 : i32
        %dma_start3A_139 = tpu.memref_slice %arg5[%sub3A_135, %dma_start3A_137, %dma_start3A_138] : memref<2x16x125xi32, #tpu.memory_space<vmem>> -> memref<1x16x125xi32, #tpu.memory_space<vmem>>
        %dma_start3A_140 = tpu.memref_squeeze %dma_start3A_139 : memref<1x16x125xi32, #tpu.memory_space<vmem>> -> memref<16x125xi32, #tpu.memory_space<vmem>>
        %dma_start3A_141 = arith.constant 0 : i32
        %dma_start3A_142 = tpu.memref_slice %arg3[%dma_start3A_136, %add3A_134, %dma_start3A_141] : memref<2x2560x125xi32, #tpu.memory_space<hbm>> -> memref<1x16x125xi32, #tpu.memory_space<hbm>>
        %dma_start3A_143 = tpu.memref_squeeze %dma_start3A_142 : memref<1x16x125xi32, #tpu.memory_space<hbm>> -> memref<16x125xi32, #tpu.memory_space<hbm>>
        %dma_start3A_144 = arith.constant 0 : i32
        %dma_start3A_145 = arith.constant 0 : i32
        %dma_start3A_146 = tpu.memref_slice %arg5[%sub3A_135, %dma_start3A_144, %dma_start3A_145] : memref<2x16x125xi32, #tpu.memory_space<vmem>> -> memref<1x16x125xi32, #tpu.memory_space<vmem>>
        %dma_start3A_147 = tpu.memref_squeeze %dma_start3A_146 : memref<1x16x125xi32, #tpu.memory_space<vmem>> -> memref<16x125xi32, #tpu.memory_space<vmem>>
        %dma_start3A_148 = arith.constant 0 : i32
        %dma_start3A_149 = tpu.memref_slice %arg3[%dma_start3A_136, %add3A_134, %dma_start3A_148] : memref<2x2560x125xi32, #tpu.memory_space<hbm>> -> memref<1x16x125xi32, #tpu.memory_space<hbm>>
        %dma_start3A_150 = tpu.memref_squeeze %dma_start3A_149 : memref<1x16x125xi32, #tpu.memory_space<hbm>> -> memref<16x125xi32, #tpu.memory_space<hbm>>
        tpu.enqueue_dma source(%dma_start3A_150 : memref<16x125xi32, #tpu.memory_space<hbm>>) target(%dma_start3A_147 : memref<16x125xi32, #tpu.memory_space<vmem>>) target_semaphore(%arg13 : memref<!tpu.dma_semaphore, #tpu.memory_space<semaphore_mem>>)
        %sub3A_151 = arith.constant 1 : i32
        %sub3A_152 = arith.subi %sub3A_151, %select_n3A_74 : i32
        %dma_start3A_153 = arith.constant 1 : i32
        %dma_start3A_154 = arith.constant 0 : i32
        %dma_start3A_155 = arith.constant 0 : i32
        %dma_start3A_156 = tpu.memref_slice %arg6[%sub3A_152, %dma_start3A_154, %dma_start3A_155] : memref<2x16x125xi32, #tpu.memory_space<vmem>> -> memref<1x16x125xi32, #tpu.memory_space<vmem>>
        %dma_start3A_157 = tpu.memref_squeeze %dma_start3A_156 : memref<1x16x125xi32, #tpu.memory_space<vmem>> -> memref<16x125xi32, #tpu.memory_space<vmem>>
        %dma_start3A_158 = arith.constant 0 : i32
        %dma_start3A_159 = tpu.memref_slice %arg3[%dma_start3A_153, %add3A_134, %dma_start3A_158] : memref<2x2560x125xi32, #tpu.memory_space<hbm>> -> memref<1x16x125xi32, #tpu.memory_space<hbm>>
        %dma_start3A_160 = tpu.memref_squeeze %dma_start3A_159 : memref<1x16x125xi32, #tpu.memory_space<hbm>> -> memref<16x125xi32, #tpu.memory_space<hbm>>
        %dma_start3A_161 = arith.constant 0 : i32
        %dma_start3A_162 = arith.constant 0 : i32
        %dma_start3A_163 = tpu.memref_slice %arg6[%sub3A_152, %dma_start3A_161, %dma_start3A_162] : memref<2x16x125xi32, #tpu.memory_space<vmem>> -> memref<1x16x125xi32, #tpu.memory_space<vmem>>
        %dma_start3A_164 = tpu.memref_squeeze %dma_start3A_163 : memref<1x16x125xi32, #tpu.memory_space<vmem>> -> memref<16x125xi32, #tpu.memory_space<vmem>>
        %dma_start3A_165 = arith.constant 0 : i32
        %dma_start3A_166 = tpu.memref_slice %arg3[%dma_start3A_153, %add3A_134, %dma_start3A_165] : memref<2x2560x125xi32, #tpu.memory_space<hbm>> -> memref<1x16x125xi32, #tpu.memory_space<hbm>>
        %dma_start3A_167 = tpu.memref_squeeze %dma_start3A_166 : memref<1x16x125xi32, #tpu.memory_space<hbm>> -> memref<16x125xi32, #tpu.memory_space<hbm>>
        tpu.enqueue_dma source(%dma_start3A_167 : memref<16x125xi32, #tpu.memory_space<hbm>>) target(%dma_start3A_164 : memref<16x125xi32, #tpu.memory_space<vmem>>) target_semaphore(%arg13 : memref<!tpu.dma_semaphore, #tpu.memory_space<semaphore_mem>>)
      } else {
      }
      %dma_start3A_113 = arith.constant 0 : i32
      %dma_start3A_114 = arith.constant 0 : i32
      %dma_start3A_115 = tpu.memref_slice %arg5[%select_n3A_74, %dma_start3A_113, %dma_start3A_114] : memref<2x16x125xi32, #tpu.memory_space<vmem>> -> memref<1x1x125xi32, #tpu.memory_space<vmem>>
      %dma_start3A_116 = tpu.memref_squeeze %dma_start3A_115 : memref<1x1x125xi32, #tpu.memory_space<vmem>> -> memref<125xi32, #tpu.memory_space<vmem>>
      %dma_start3A_117 = arith.constant 0 : i32
      %dma_start3A_118 = arith.constant 0 : i32
      %dma_start3A_119 = tpu.memref_slice %arg2[%dma_start3A_117, %dma_start3A_118] : memref<10000x128xf32, #tpu.memory_space<hbm>> -> memref<10000x128xf32, #tpu.memory_space<hbm>>
      tpu.enqueue_indirect_dma source(%dma_start3A_119 : memref<10000x128xf32, #tpu.memory_space<hbm>>) target(%arg7 : memref<125x128xf32, #tpu.memory_space<vmem>>) offsets(%dma_start3A_116 : memref<125xi32, #tpu.memory_space<vmem>>) semaphore(%arg11 : memref<!tpu.dma_semaphore, #tpu.memory_space<semaphore_mem>>)
      %scan3A_120 = arith.constant 0 : i32
      %scan3A_121 = arith.constant 0 : i32
      %scan3A_122 = arith.constant 8 : i32
      %scan3A_123 = arith.addi %scan3A_121, %scan3A_122 : i32
      %scan3A_124 = arith.constant 1 : i32
      %scan3A_125 = scf.for %scan3A_128 = %scan3A_121 to %scan3A_123 step %scan3A_124 iter_args(%scan3A_129 = %scan3A_120) -> (i32)  : i32 {
        %mul3A_130 = arith.constant 2 : i32
        %mul3A_131 = arith.muli %mul3A_130, %scan3A_128 : i32
        %add3A_132 = arith.constant 1 : i32
        %add3A_133 = arith.addi %mul3A_131, %add3A_132 : i32
        %dma_start3A_134 = arith.constant 0 : i32
        %dma_start3A_135 = tpu.memref_slice %arg5[%select_n3A_74, %add3A_133, %dma_start3A_134] : memref<2x16x125xi32, #tpu.memory_space<vmem>> -> memref<1x1x125xi32, #tpu.memory_space<vmem>>
        %dma_start3A_136 = tpu.memref_squeeze %dma_start3A_135 : memref<1x1x125xi32, #tpu.memory_space<vmem>> -> memref<125xi32, #tpu.memory_space<vmem>>
        %dma_start3A_137 = arith.constant 0 : i32
        %dma_start3A_138 = arith.constant 0 : i32
        %dma_start3A_139 = tpu.memref_slice %arg2[%dma_start3A_137, %dma_start3A_138] : memref<10000x128xf32, #tpu.memory_space<hbm>> -> memref<10000x128xf32, #tpu.memory_space<hbm>>
        tpu.enqueue_indirect_dma source(%dma_start3A_139 : memref<10000x128xf32, #tpu.memory_space<hbm>>) target(%arg8 : memref<125x128xf32, #tpu.memory_space<vmem>>) offsets(%dma_start3A_136 : memref<125xi32, #tpu.memory_space<vmem>>) semaphore(%arg12 : memref<!tpu.dma_semaphore, #tpu.memory_space<semaphore_mem>>)
        %dma_wait3A_140 = arith.constant 0 : i32
        %dma_wait3A_141 = tpu.memref_slice %arg5[%select_n3A_74, %mul3A_131, %dma_wait3A_140] : memref<2x16x125xi32, #tpu.memory_space<vmem>> -> memref<1x1x125xi32, #tpu.memory_space<vmem>>
        %dma_wait3A_142 = tpu.memref_squeeze %dma_wait3A_141 : memref<1x1x125xi32, #tpu.memory_space<vmem>> -> memref<125xi32, #tpu.memory_space<vmem>>
        %dma_wait3A_143 = arith.constant 0 : i32
        %dma_wait3A_144 = arith.constant 0 : i32
        %dma_wait3A_145 = tpu.memref_slice %arg2[%dma_wait3A_143, %dma_wait3A_144] : memref<10000x128xf32, #tpu.memory_space<hbm>> -> memref<10000x128xf32, #tpu.memory_space<hbm>>
        tpu.wait_indirect_dma semaphore(%arg11 : memref<!tpu.dma_semaphore, #tpu.memory_space<semaphore_mem>>) src(%dma_wait3A_145 : memref<10000x128xf32, #tpu.memory_space<hbm>>) dst(%arg7 : memref<125x128xf32, #tpu.memory_space<vmem>>)
        "tpu.region"() ({
          %run_scoped3A = tpu.sem_alloc : memref<!tpu.dma_semaphore, #tpu.memory_space<semaphore_mem>>
          %dma_start3A_160 = arith.constant 0 : i32
          %dma_start3A_161 = tpu.memref_slice %arg6[%select_n3A_74, %mul3A_131, %dma_start3A_160] : memref<2x16x125xi32, #tpu.memory_space<vmem>> -> memref<1x1x125xi32, #tpu.memory_space<vmem>>
          %dma_start3A_162 = tpu.memref_squeeze %dma_start3A_161 : memref<1x1x125xi32, #tpu.memory_space<vmem>> -> memref<125xi32, #tpu.memory_space<vmem>>
          %dma_start3A_163 = arith.constant 0 : i32
          %dma_start3A_164 = arith.constant 0 : i32
          %dma_start3A_165 = tpu.memref_slice %arg10[%dma_start3A_163, %dma_start3A_164] : memref<10240x128xf32, #tpu.memory_space<vmem_shared>> -> memref<10240x128xf32, #tpu.memory_space<vmem_shared>>
          tpu.enqueue_indirect_dma source(%arg7 : memref<125x128xf32, #tpu.memory_space<vmem>>) target(%dma_start3A_165 : memref<10240x128xf32, #tpu.memory_space<vmem_shared>>) offsets(%dma_start3A_162 : memref<125xi32, #tpu.memory_space<vmem>>) semaphore(%run_scoped3A : memref<!tpu.dma_semaphore, #tpu.memory_space<semaphore_mem>>) {add = true}
          %dma_wait3A_166 = arith.constant 0 : i32
          %dma_wait3A_167 = tpu.memref_slice %arg6[%select_n3A_74, %mul3A_131, %dma_wait3A_166] : memref<2x16x125xi32, #tpu.memory_space<vmem>> -> memref<1x1x125xi32, #tpu.memory_space<vmem>>
          %dma_wait3A_168 = tpu.memref_squeeze %dma_wait3A_167 : memref<1x1x125xi32, #tpu.memory_space<vmem>> -> memref<125xi32, #tpu.memory_space<vmem>>
          %dma_wait3A_169 = arith.constant 0 : i32
          %dma_wait3A_170 = arith.constant 0 : i32
          %dma_wait3A_171 = tpu.memref_slice %arg10[%dma_wait3A_169, %dma_wait3A_170] : memref<10240x128xf32, #tpu.memory_space<vmem_shared>> -> memref<10240x128xf32, #tpu.memory_space<vmem_shared>>
          tpu.wait_indirect_dma semaphore(%run_scoped3A : memref<!tpu.dma_semaphore, #tpu.memory_space<semaphore_mem>>) src(%arg7 : memref<125x128xf32, #tpu.memory_space<vmem>>) dst(%dma_wait3A_171 : memref<10240x128xf32, #tpu.memory_space<vmem_shared>>)
          tpu.yield
        }) : () -> ()
        %add3A_146 = arith.constant 1 : i32
        %add3A_147 = arith.addi %scan3A_128, %add3A_146 : i32
        %lt3A_148 = arith.constant 8 : i32
        %lt3A_149 = arith.cmpi slt, %add3A_147, %lt3A_148 : i32
        %convert_element_type3A_150 = arith.extui %lt3A_149 : i1 to i32
        %cond3A_151 = arith.constant 0 : i32
        %cond3A_152 = arith.cmpi ne, %convert_element_type3A_150, %cond3A_151 : i32
        scf.if %cond3A_152 {
          %add3A_160 = arith.constant 2 : i32
          %add3A_161 = arith.addi %mul3A_131, %add3A_160 : i32
          %dma_start3A_162 = arith.constant 0 : i32
          %dma_start3A_163 = tpu.memref_slice %arg5[%select_n3A_74, %add3A_161, %dma_start3A_162] : memref<2x16x125xi32, #tpu.memory_space<vmem>> -> memref<1x1x125xi32, #tpu.memory_space<vmem>>
          %dma_start3A_164 = tpu.memref_squeeze %dma_start3A_163 : memref<1x1x125xi32, #tpu.memory_space<vmem>> -> memref<125xi32, #tpu.memory_space<vmem>>
          %dma_start3A_165 = arith.constant 0 : i32
          %dma_start3A_166 = arith.constant 0 : i32
          %dma_start3A_167 = tpu.memref_slice %arg2[%dma_start3A_165, %dma_start3A_166] : memref<10000x128xf32, #tpu.memory_space<hbm>> -> memref<10000x128xf32, #tpu.memory_space<hbm>>
          tpu.enqueue_indirect_dma source(%dma_start3A_167 : memref<10000x128xf32, #tpu.memory_space<hbm>>) target(%arg7 : memref<125x128xf32, #tpu.memory_space<vmem>>) offsets(%dma_start3A_164 : memref<125xi32, #tpu.memory_space<vmem>>) semaphore(%arg11 : memref<!tpu.dma_semaphore, #tpu.memory_space<semaphore_mem>>)
        } else {
        }
        %dma_wait3A_153 = arith.constant 0 : i32
        %dma_wait3A_154 = tpu.memref_slice %arg5[%select_n3A_74, %add3A_133, %dma_wait3A_153] : memref<2x16x125xi32, #tpu.memory_space<vmem>> -> memref<1x1x125xi32, #tpu.memory_space<vmem>>
        %dma_wait3A_155 = tpu.memref_squeeze %dma_wait3A_154 : memref<1x1x125xi32, #tpu.memory_space<vmem>> -> memref<125xi32, #tpu.memory_space<vmem>>
        %dma_wait3A_156 = arith.constant 0 : i32
        %dma_wait3A_157 = arith.constant 0 : i32
        %dma_wait3A_158 = tpu.memref_slice %arg2[%dma_wait3A_156, %dma_wait3A_157] : memref<10000x128xf32, #tpu.memory_space<hbm>> -> memref<10000x128xf32, #tpu.memory_space<hbm>>
        tpu.wait_indirect_dma semaphore(%arg12 : memref<!tpu.dma_semaphore, #tpu.memory_space<semaphore_mem>>) src(%dma_wait3A_158 : memref<10000x128xf32, #tpu.memory_space<hbm>>) dst(%arg8 : memref<125x128xf32, #tpu.memory_space<vmem>>)
        "tpu.region"() ({
          %run_scoped3A = tpu.sem_alloc : memref<!tpu.dma_semaphore, #tpu.memory_space<semaphore_mem>>
          %dma_start3A_160 = arith.constant 0 : i32
          %dma_start3A_161 = tpu.memref_slice %arg6[%select_n3A_74, %add3A_133, %dma_start3A_160] : memref<2x16x125xi32, #tpu.memory_space<vmem>> -> memref<1x1x125xi32, #tpu.memory_space<vmem>>
          %dma_start3A_162 = tpu.memref_squeeze %dma_start3A_161 : memref<1x1x125xi32, #tpu.memory_space<vmem>> -> memref<125xi32, #tpu.memory_space<vmem>>
          %dma_start3A_163 = arith.constant 0 : i32
          %dma_start3A_164 = arith.constant 0 : i32
          %dma_start3A_165 = tpu.memref_slice %arg10[%dma_start3A_163, %dma_start3A_164] : memref<10240x128xf32, #tpu.memory_space<vmem_shared>> -> memref<10240x128xf32, #tpu.memory_space<vmem_shared>>
          tpu.enqueue_indirect_dma source(%arg8 : memref<125x128xf32, #tpu.memory_space<vmem>>) target(%dma_start3A_165 : memref<10240x128xf32, #tpu.memory_space<vmem_shared>>) offsets(%dma_start3A_162 : memref<125xi32, #tpu.memory_space<vmem>>) semaphore(%run_scoped3A : memref<!tpu.dma_semaphore, #tpu.memory_space<semaphore_mem>>) {add = true}
          %dma_wait3A_166 = arith.constant 0 : i32
          %dma_wait3A_167 = tpu.memref_slice %arg6[%select_n3A_74, %add3A_133, %dma_wait3A_166] : memref<2x16x125xi32, #tpu.memory_space<vmem>> -> memref<1x1x125xi32, #tpu.memory_space<vmem>>
          %dma_wait3A_168 = tpu.memref_squeeze %dma_wait3A_167 : memref<1x1x125xi32, #tpu.memory_space<vmem>> -> memref<125xi32, #tpu.memory_space<vmem>>
          %dma_wait3A_169 = arith.constant 0 : i32
          %dma_wait3A_170 = arith.constant 0 : i32
          %dma_wait3A_171 = tpu.memref_slice %arg10[%dma_wait3A_169, %dma_wait3A_170] : memref<10240x128xf32, #tpu.memory_space<vmem_shared>> -> memref<10240x128xf32, #tpu.memory_space<vmem_shared>>
          tpu.wait_indirect_dma semaphore(%run_scoped3A : memref<!tpu.dma_semaphore, #tpu.memory_space<semaphore_mem>>) src(%arg8 : memref<125x128xf32, #tpu.memory_space<vmem>>) dst(%dma_wait3A_171 : memref<10240x128xf32, #tpu.memory_space<vmem_shared>>)
          tpu.yield
        }) : () -> ()
        %scan3A_159 = arith.constant 0 : i32
        scf.yield %scan3A_159 : i32
      }
      %scan3A_126 = arith.constant 8 : i32
      %scan3A_127 = arith.constant 0 : i32
      scf.yield %scan3A_127 : i32
    }
    %scan3A_55 = arith.constant 5 : i32
    %barrier3A_56 = arith.constant 0 : index
    tpu.barrier barrier_id(%barrier3A_56)
    %scan3A_57 = arith.constant 0 : i32
    %scan3A_58 = arith.constant 0 : i32
    %scan3A_59 = arith.constant 5 : i32
    %scan3A_60 = arith.addi %scan3A_58, %scan3A_59 : i32
    %scan3A_61 = arith.constant 1 : i32
    %scan3A_62 = scf.for %scan3A_64 = %scan3A_58 to %scan3A_60 step %scan3A_61 iter_args(%scan3A_65 = %scan3A_57) -> (i32)  : i32 {
      %mul3A_66 = arith.constant 640 : i32
      %mul3A_67 = arith.muli %arg1, %mul3A_66 : i32
      %mul3A_68 = arith.constant 128 : i32
      %mul3A_69 = arith.muli %scan3A_64, %mul3A_68 : i32
      %add3A_70 = arith.addi %mul3A_67, %mul3A_69 : i32
      "tpu.region"() ({
        %run_scoped3A = tpu.sem_alloc : memref<!tpu.dma_semaphore, #tpu.memory_space<semaphore_mem>>
        %dma_start3A_72 = arith.constant 0 : i32
        %dma_start3A_73 = tpu.memref_slice %arg4[%arg0, %add3A_70, %dma_start3A_72] : memref<2x10240x128xf32, #tpu.memory_space<hbm>> -> memref<1x128x128xf32, #tpu.memory_space<hbm>>
        %dma_start3A_74 = tpu.memref_squeeze %dma_start3A_73 : memref<1x128x128xf32, #tpu.memory_space<hbm>> -> memref<128x128xf32, #tpu.memory_space<hbm>>
        %dma_start3A_75 = arith.constant 0 : i32
        %dma_start3A_76 = tpu.memref_slice %arg10[%add3A_70, %dma_start3A_75] : memref<10240x128xf32, #tpu.memory_space<vmem_shared>> -> memref<128x128xf32, #tpu.memory_space<vmem_shared>>
        tpu.enqueue_dma source(%dma_start3A_76 : memref<128x128xf32, #tpu.memory_space<vmem_shared>>) target(%dma_start3A_74 : memref<128x128xf32, #tpu.memory_space<hbm>>) target_semaphore(%run_scoped3A : memref<!tpu.dma_semaphore, #tpu.memory_space<semaphore_mem>>)
        %dma_wait3A = arith.constant 0 : i32
        %dma_wait3A_77 = tpu.memref_slice %arg4[%arg0, %add3A_70, %dma_wait3A] : memref<2x10240x128xf32, #tpu.memory_space<hbm>> -> memref<1x128x128xf32, #tpu.memory_space<hbm>>
        %dma_wait3A_78 = tpu.memref_squeeze %dma_wait3A_77 : memref<1x128x128xf32, #tpu.memory_space<hbm>> -> memref<128x128xf32, #tpu.memory_space<hbm>>
        %dma_wait3A_79 = arith.constant 0 : i32
        %dma_wait3A_80 = tpu.memref_slice %arg10[%add3A_70, %dma_wait3A_79] : memref<10240x128xf32, #tpu.memory_space<vmem_shared>> -> memref<128x128xf32, #tpu.memory_space<vmem_shared>>
        tpu.wait_dma2 semaphore(%run_scoped3A : memref<!tpu.dma_semaphore, #tpu.memory_space<semaphore_mem>>) src(%dma_wait3A_80 : memref<128x128xf32, #tpu.memory_space<vmem_shared>>) dst(%dma_wait3A_78 : memref<128x128xf32, #tpu.memory_space<hbm>>)
        tpu.yield
      }) : () -> ()
      %scan3A_71 = arith.constant 0 : i32
      scf.yield %scan3A_71 : i32
    }
    %scan3A_63 = arith.constant 5 : i32
    return
  }
}

#map = affine_map<(d0, d1) -> (0, 0)>
#map1 = affine_map<(d0, d1) -> (0, 0, 0)>
module attributes {stable_mosaic.version = 14 : i64} {
  func.func @_prop_body(%arg0: i32, %arg1: i32, %arg2: memref<10000x128xf32, #tpu.memory_space<hbm>>, %arg3: memref<2x2560x125xi32, #tpu.memory_space<hbm>>, %arg4: memref<2x10240x128xf32, #tpu.memory_space<hbm>>, %arg5: memref<2x16x125xi32, #tpu.memory_space<vmem>>, %arg6: memref<2x16x125xi32, #tpu.memory_space<vmem>>, %arg7: memref<125x128xf32, #tpu.memory_space<vmem>>, %arg8: memref<125x128xf32, #tpu.memory_space<vmem>>, %arg9: memref<40x128xf32, #tpu.memory_space<vmem>>, %arg10: memref<10240x128xf32, #tpu.memory_space<vmem_shared>>, %arg11: memref<!tpu.dma_semaphore, #tpu.memory_space<semaphore_mem>>, %arg12: memref<!tpu.dma_semaphore, #tpu.memory_space<semaphore_mem>>, %arg13: memref<!tpu.dma_semaphore, #tpu.memory_space<semaphore_mem>>) attributes {dimension_semantics = [#tpu.dimension_semantics<core_parallel>, #tpu.dimension_semantics<subcore_parallel>], iteration_bounds = array<i64: 2, 16>, scalar_prefetch = 0 : i64, scratch_operands = 9 : i64, tpu.core_type = #tpu.core_type<sc_vector_subcore>, window_params = [{transform_indices = #map}, {transform_indices = #map1}, {transform_indices = #map1}]} {
    %mul3A = arith.constant 2 : i32
    %mul3A_0 = arith.muli %arg1, %mul3A : i32
    %add3A = arith.addi %mul3A_0, %arg0 : i32
    %mul3A_1 = arith.constant 80 : i32
    %mul3A_2 = arith.muli %add3A, %mul3A_1 : i32
    %dma_start3A = arith.constant 0 : i32
    %dma_start3A_3 = arith.constant 0 : i32
    %dma_start3A_4 = arith.constant 0 : i32
    %dma_start3A_5 = arith.constant 0 : i32
    %dma_start3A_6 = tpu.memref_slice %arg5[%dma_start3A_3, %dma_start3A_4, %dma_start3A_5] : memref<2x16x125xi32, #tpu.memory_space<vmem>> -> memref<1x16x125xi32, #tpu.memory_space<vmem>>
    %dma_start3A_7 = tpu.memref_squeeze %dma_start3A_6 : memref<1x16x125xi32, #tpu.memory_space<vmem>> -> memref<16x125xi32, #tpu.memory_space<vmem>>
    %dma_start3A_8 = arith.constant 0 : i32
    %dma_start3A_9 = tpu.memref_slice %arg3[%dma_start3A, %mul3A_2, %dma_start3A_8] : memref<2x2560x125xi32, #tpu.memory_space<hbm>> -> memref<1x16x125xi32, #tpu.memory_space<hbm>>
    %dma_start3A_10 = tpu.memref_squeeze %dma_start3A_9 : memref<1x16x125xi32, #tpu.memory_space<hbm>> -> memref<16x125xi32, #tpu.memory_space<hbm>>
    %dma_start3A_11 = arith.constant 0 : i32
    %dma_start3A_12 = arith.constant 0 : i32
    %dma_start3A_13 = tpu.memref_slice %arg5[%dma_start3A_3, %dma_start3A_11, %dma_start3A_12] : memref<2x16x125xi32, #tpu.memory_space<vmem>> -> memref<1x16x125xi32, #tpu.memory_space<vmem>>
    %dma_start3A_14 = tpu.memref_squeeze %dma_start3A_13 : memref<1x16x125xi32, #tpu.memory_space<vmem>> -> memref<16x125xi32, #tpu.memory_space<vmem>>
    %dma_start3A_15 = arith.constant 0 : i32
    %dma_start3A_16 = tpu.memref_slice %arg3[%dma_start3A, %mul3A_2, %dma_start3A_15] : memref<2x2560x125xi32, #tpu.memory_space<hbm>> -> memref<1x16x125xi32, #tpu.memory_space<hbm>>
    %dma_start3A_17 = tpu.memref_squeeze %dma_start3A_16 : memref<1x16x125xi32, #tpu.memory_space<hbm>> -> memref<16x125xi32, #tpu.memory_space<hbm>>
    tpu.enqueue_dma source(%dma_start3A_17 : memref<16x125xi32, #tpu.memory_space<hbm>>) target(%dma_start3A_14 : memref<16x125xi32, #tpu.memory_space<vmem>>) target_semaphore(%arg13 : memref<!tpu.dma_semaphore, #tpu.memory_space<semaphore_mem>>)
    %mul3A_18 = arith.constant 80 : i32
    %mul3A_19 = arith.muli %add3A, %mul3A_18 : i32
    %dma_start3A_20 = arith.constant 1 : i32
    %dma_start3A_21 = arith.constant 0 : i32
    %dma_start3A_22 = arith.constant 0 : i32
    %dma_start3A_23 = arith.constant 0 : i32
    %dma_start3A_24 = tpu.memref_slice %arg6[%dma_start3A_21, %dma_start3A_22, %dma_start3A_23] : memref<2x16x125xi32, #tpu.memory_space<vmem>> -> memref<1x16x125xi32, #tpu.memory_space<vmem>>
    %dma_start3A_25 = tpu.memref_squeeze %dma_start3A_24 : memref<1x16x125xi32, #tpu.memory_space<vmem>> -> memref<16x125xi32, #tpu.memory_space<vmem>>
    %dma_start3A_26 = arith.constant 0 : i32
    %dma_start3A_27 = tpu.memref_slice %arg3[%dma_start3A_20, %mul3A_19, %dma_start3A_26] : memref<2x2560x125xi32, #tpu.memory_space<hbm>> -> memref<1x16x125xi32, #tpu.memory_space<hbm>>
    %dma_start3A_28 = tpu.memref_squeeze %dma_start3A_27 : memref<1x16x125xi32, #tpu.memory_space<hbm>> -> memref<16x125xi32, #tpu.memory_space<hbm>>
    %dma_start3A_29 = arith.constant 0 : i32
    %dma_start3A_30 = arith.constant 0 : i32
    %dma_start3A_31 = tpu.memref_slice %arg6[%dma_start3A_21, %dma_start3A_29, %dma_start3A_30] : memref<2x16x125xi32, #tpu.memory_space<vmem>> -> memref<1x16x125xi32, #tpu.memory_space<vmem>>
    %dma_start3A_32 = tpu.memref_squeeze %dma_start3A_31 : memref<1x16x125xi32, #tpu.memory_space<vmem>> -> memref<16x125xi32, #tpu.memory_space<vmem>>
    %dma_start3A_33 = arith.constant 0 : i32
    %dma_start3A_34 = tpu.memref_slice %arg3[%dma_start3A_20, %mul3A_19, %dma_start3A_33] : memref<2x2560x125xi32, #tpu.memory_space<hbm>> -> memref<1x16x125xi32, #tpu.memory_space<hbm>>
    %dma_start3A_35 = tpu.memref_squeeze %dma_start3A_34 : memref<1x16x125xi32, #tpu.memory_space<hbm>> -> memref<16x125xi32, #tpu.memory_space<hbm>>
    tpu.enqueue_dma source(%dma_start3A_35 : memref<16x125xi32, #tpu.memory_space<hbm>>) target(%dma_start3A_32 : memref<16x125xi32, #tpu.memory_space<vmem>>) target_semaphore(%arg13 : memref<!tpu.dma_semaphore, #tpu.memory_space<semaphore_mem>>)
    %scan3A = arith.constant 0 : i32
    %scan3A_36 = arith.constant 0 : i32
    %scan3A_37 = arith.constant 40 : i32
    %scan3A_38 = arith.addi %scan3A_36, %scan3A_37 : i32
    %scan3A_39 = arith.constant 1 : i32
    %scan3A_40 = scf.for %scan3A_64 = %scan3A_36 to %scan3A_38 step %scan3A_39 iter_args(%scan3A_65 = %scan3A) -> (i32)  : i32 {
      %broadcast_in_dim3A = arith.constant 0.000000e+00 : f32
      %broadcast_in_dim3A_66 = vector.broadcast %broadcast_in_dim3A : f32 to vector<16xf32>
      %swap3A = arith.index_cast %scan3A_64 : i32 to index
      %swap3A_67 = arith.constant 0 : index
      %swap3A_68 = tpu.vector_load %arg9[%swap3A, %swap3A_67] {strides = array<i32>} : memref<40x128xf32, #tpu.memory_space<vmem>>, vector<1x16xf32>,
      %swap3A_69 = vector.shape_cast %swap3A_68 : vector<1x16xf32> to vector<16xf32>
      %swap3A_70 = vector.shape_cast %broadcast_in_dim3A_66 : vector<16xf32> to vector<1x16xf32>
      tpu.vector_store %arg9[%swap3A, %swap3A_67], %swap3A_70 {strides = array<i32>} : memref<40x128xf32, #tpu.memory_space<vmem>>, vector<1x16xf32>,
      %broadcast_in_dim3A_71 = arith.constant 0.000000e+00 : f32
      %broadcast_in_dim3A_72 = vector.broadcast %broadcast_in_dim3A_71 : f32 to vector<16xf32>
      %swap3A_73 = arith.index_cast %scan3A_64 : i32 to index
      %swap3A_74 = arith.constant 16 : index
      %swap3A_75 = tpu.vector_load %arg9[%swap3A_73, %swap3A_74] {strides = array<i32>} : memref<40x128xf32, #tpu.memory_space<vmem>>, vector<1x16xf32>,
      %swap3A_76 = vector.shape_cast %swap3A_75 : vector<1x16xf32> to vector<16xf32>
      %swap3A_77 = vector.shape_cast %broadcast_in_dim3A_72 : vector<16xf32> to vector<1x16xf32>
      tpu.vector_store %arg9[%swap3A_73, %swap3A_74], %swap3A_77 {strides = array<i32>} : memref<40x128xf32, #tpu.memory_space<vmem>>, vector<1x16xf32>,
      %broadcast_in_dim3A_78 = arith.constant 0.000000e+00 : f32
      %broadcast_in_dim3A_79 = vector.broadcast %broadcast_in_dim3A_78 : f32 to vector<16xf32>
      %swap3A_80 = arith.index_cast %scan3A_64 : i32 to index
      %swap3A_81 = arith.constant 32 : index
      %swap3A_82 = tpu.vector_load %arg9[%swap3A_80, %swap3A_81] {strides = array<i32>} : memref<40x128xf32, #tpu.memory_space<vmem>>, vector<1x16xf32>,
      %swap3A_83 = vector.shape_cast %swap3A_82 : vector<1x16xf32> to vector<16xf32>
      %swap3A_84 = vector.shape_cast %broadcast_in_dim3A_79 : vector<16xf32> to vector<1x16xf32>
      tpu.vector_store %arg9[%swap3A_80, %swap3A_81], %swap3A_84 {strides = array<i32>} : memref<40x128xf32, #tpu.memory_space<vmem>>, vector<1x16xf32>,
      %broadcast_in_dim3A_85 = arith.constant 0.000000e+00 : f32
      %broadcast_in_dim3A_86 = vector.broadcast %broadcast_in_dim3A_85 : f32 to vector<16xf32>
      %swap3A_87 = arith.index_cast %scan3A_64 : i32 to index
      %swap3A_88 = arith.constant 48 : index
      %swap3A_89 = tpu.vector_load %arg9[%swap3A_87, %swap3A_88] {strides = array<i32>} : memref<40x128xf32, #tpu.memory_space<vmem>>, vector<1x16xf32>,
      %swap3A_90 = vector.shape_cast %swap3A_89 : vector<1x16xf32> to vector<16xf32>
      %swap3A_91 = vector.shape_cast %broadcast_in_dim3A_86 : vector<16xf32> to vector<1x16xf32>
      tpu.vector_store %arg9[%swap3A_87, %swap3A_88], %swap3A_91 {strides = array<i32>} : memref<40x128xf32, #tpu.memory_space<vmem>>, vector<1x16xf32>,
      %broadcast_in_dim3A_92 = arith.constant 0.000000e+00 : f32
      %broadcast_in_dim3A_93 = vector.broadcast %broadcast_in_dim3A_92 : f32 to vector<16xf32>
      %swap3A_94 = arith.index_cast %scan3A_64 : i32 to index
      %swap3A_95 = arith.constant 64 : index
      %swap3A_96 = tpu.vector_load %arg9[%swap3A_94, %swap3A_95] {strides = array<i32>} : memref<40x128xf32, #tpu.memory_space<vmem>>, vector<1x16xf32>,
      %swap3A_97 = vector.shape_cast %swap3A_96 : vector<1x16xf32> to vector<16xf32>
      %swap3A_98 = vector.shape_cast %broadcast_in_dim3A_93 : vector<16xf32> to vector<1x16xf32>
      tpu.vector_store %arg9[%swap3A_94, %swap3A_95], %swap3A_98 {strides = array<i32>} : memref<40x128xf32, #tpu.memory_space<vmem>>, vector<1x16xf32>,
      %broadcast_in_dim3A_99 = arith.constant 0.000000e+00 : f32
      %broadcast_in_dim3A_100 = vector.broadcast %broadcast_in_dim3A_99 : f32 to vector<16xf32>
      %swap3A_101 = arith.index_cast %scan3A_64 : i32 to index
      %swap3A_102 = arith.constant 80 : index
      %swap3A_103 = tpu.vector_load %arg9[%swap3A_101, %swap3A_102] {strides = array<i32>} : memref<40x128xf32, #tpu.memory_space<vmem>>, vector<1x16xf32>,
      %swap3A_104 = vector.shape_cast %swap3A_103 : vector<1x16xf32> to vector<16xf32>
      %swap3A_105 = vector.shape_cast %broadcast_in_dim3A_100 : vector<16xf32> to vector<1x16xf32>
      tpu.vector_store %arg9[%swap3A_101, %swap3A_102], %swap3A_105 {strides = array<i32>} : memref<40x128xf32, #tpu.memory_space<vmem>>, vector<1x16xf32>,
      %broadcast_in_dim3A_106 = arith.constant 0.000000e+00 : f32
      %broadcast_in_dim3A_107 = vector.broadcast %broadcast_in_dim3A_106 : f32 to vector<16xf32>
      %swap3A_108 = arith.index_cast %scan3A_64 : i32 to index
      %swap3A_109 = arith.constant 96 : index
      %swap3A_110 = tpu.vector_load %arg9[%swap3A_108, %swap3A_109] {strides = array<i32>} : memref<40x128xf32, #tpu.memory_space<vmem>>, vector<1x16xf32>,
      %swap3A_111 = vector.shape_cast %swap3A_110 : vector<1x16xf32> to vector<16xf32>
      %swap3A_112 = vector.shape_cast %broadcast_in_dim3A_107 : vector<16xf32> to vector<1x16xf32>
      tpu.vector_store %arg9[%swap3A_108, %swap3A_109], %swap3A_112 {strides = array<i32>} : memref<40x128xf32, #tpu.memory_space<vmem>>, vector<1x16xf32>,
      %broadcast_in_dim3A_113 = arith.constant 0.000000e+00 : f32
      %broadcast_in_dim3A_114 = vector.broadcast %broadcast_in_dim3A_113 : f32 to vector<16xf32>
      %swap3A_115 = arith.index_cast %scan3A_64 : i32 to index
      %swap3A_116 = arith.constant 112 : index
      %swap3A_117 = tpu.vector_load %arg9[%swap3A_115, %swap3A_116] {strides = array<i32>} : memref<40x128xf32, #tpu.memory_space<vmem>>, vector<1x16xf32>,
      %swap3A_118 = vector.shape_cast %swap3A_117 : vector<1x16xf32> to vector<16xf32>
      %swap3A_119 = vector.shape_cast %broadcast_in_dim3A_114 : vector<16xf32> to vector<1x16xf32>
      tpu.vector_store %arg9[%swap3A_115, %swap3A_116], %swap3A_119 {strides = array<i32>} : memref<40x128xf32, #tpu.memory_space<vmem>>, vector<1x16xf32>,
      %scan3A_120 = arith.constant 0 : i32
      scf.yield %scan3A_120 : i32
    }
    %scan3A_41 = arith.constant 40 : i32
    %scan3A_42 = arith.constant 0 : i32
    %scan3A_43 = arith.constant 0 : i32
    %scan3A_44 = arith.constant 16 : i32
    %scan3A_45 = arith.addi %scan3A_43, %scan3A_44 : i32
    %scan3A_46 = arith.constant 1 : i32
    %scan3A_47 = scf.for %scan3A_64 = %scan3A_43 to %scan3A_45 step %scan3A_46 iter_args(%scan3A_65 = %scan3A_42) -> (i32)  : i32 {
      %mul3A_66 = arith.constant 640 : i32
      %mul3A_67 = arith.muli %arg1, %mul3A_66 : i32
      %mul3A_68 = arith.constant 40 : i32
      %mul3A_69 = arith.muli %scan3A_64, %mul3A_68 : i32
      %add3A_70 = arith.addi %mul3A_67, %mul3A_69 : i32
      "tpu.region"() ({
        %run_scoped3A = tpu.sem_alloc : memref<!tpu.dma_semaphore, #tpu.memory_space<semaphore_mem>>
        %dma_start3A_72 = arith.constant 0 : i32
        %dma_start3A_73 = tpu.memref_slice %arg10[%add3A_70, %dma_start3A_72] : memref<10240x128xf32, #tpu.memory_space<vmem_shared>> -> memref<40x128xf32, #tpu.memory_space<vmem_shared>>
        %dma_start3A_74 = arith.constant 0 : i32
        %dma_start3A_75 = tpu.memref_slice %arg10[%add3A_70, %dma_start3A_74] : memref<10240x128xf32, #tpu.memory_space<vmem_shared>> -> memref<40x128xf32, #tpu.memory_space<vmem_shared>>
        tpu.enqueue_dma source(%arg9 : memref<40x128xf32, #tpu.memory_space<vmem>>) target(%dma_start3A_75 : memref<40x128xf32, #tpu.memory_space<vmem_shared>>) target_semaphore(%run_scoped3A : memref<!tpu.dma_semaphore, #tpu.memory_space<semaphore_mem>>)
        %dma_wait3A = arith.constant 0 : i32
        %dma_wait3A_76 = tpu.memref_slice %arg10[%add3A_70, %dma_wait3A] : memref<10240x128xf32, #tpu.memory_space<vmem_shared>> -> memref<40x128xf32, #tpu.memory_space<vmem_shared>>
        %dma_wait3A_77 = arith.constant 0 : i32
        %dma_wait3A_78 = tpu.memref_slice %arg10[%add3A_70, %dma_wait3A_77] : memref<10240x128xf32, #tpu.memory_space<vmem_shared>> -> memref<40x128xf32, #tpu.memory_space<vmem_shared>>
        tpu.wait_dma2 semaphore(%run_scoped3A : memref<!tpu.dma_semaphore, #tpu.memory_space<semaphore_mem>>) src(%arg9 : memref<40x128xf32, #tpu.memory_space<vmem>>) dst(%dma_wait3A_78 : memref<40x128xf32, #tpu.memory_space<vmem_shared>>)
        tpu.yield
      }) : () -> ()
      %scan3A_71 = arith.constant 0 : i32
      scf.yield %scan3A_71 : i32
    }
    %scan3A_48 = arith.constant 16 : i32
    %barrier3A = arith.constant 0 : index
    tpu.barrier barrier_id(%barrier3A)
    %scan3A_49 = arith.constant 0 : i32
    %scan3A_50 = arith.constant 0 : i32
    %scan3A_51 = arith.constant 5 : i32
    %scan3A_52 = arith.addi %scan3A_50, %scan3A_51 : i32
    %scan3A_53 = arith.constant 1 : i32
    %scan3A_54 = scf.for %scan3A_64 = %scan3A_50 to %scan3A_52 step %scan3A_53 iter_args(%scan3A_65 = %scan3A_49) -> (i32)  : i32 {
      %jit3A = arith.constant 2 : i32
      %eq3A = arith.constant 0 : i32
      %eq3A_66 = arith.cmpi eq, %jit3A, %eq3A : i32
      %jit3A_67 = arith.constant 1 : i32
      %select_n3A = arith.select %eq3A_66, %jit3A_67, %jit3A : i32
      %rem3A = arith.remsi %scan3A_64, %select_n3A : i32
      %ne3A = arith.constant 0 : i32
      %ne3A_68 = arith.cmpi ne, %rem3A, %ne3A : i32
      %lt3A = arith.constant 0 : i32
      %lt3A_69 = arith.cmpi slt, %rem3A, %lt3A : i32
      %lt3A_70 = arith.constant 0 : i32
      %lt3A_71 = arith.cmpi slt, %select_n3A, %lt3A_70 : i32
      %ne3A_72 = arith.xori %lt3A_69, %lt3A_71 : i1
      %and3A = arith.andi %ne3A_72, %ne3A_68 : i1
      %add3A_73 = arith.addi %rem3A, %select_n3A : i32
      %select_n3A_74 = arith.select %and3A, %add3A_73, %rem3A : i32
      %dma_wait3A = arith.constant 0 : i32
      %dma_wait3A_75 = arith.constant 0 : i32
      %dma_wait3A_76 = arith.constant 0 : i32
      %dma_wait3A_77 = tpu.memref_slice %arg5[%select_n3A_74, %dma_wait3A_75, %dma_wait3A_76] : memref<2x16x125xi32, #tpu.memory_space<vmem>> -> memref<1x16x125xi32, #tpu.memory_space<vmem>>
      %dma_wait3A_78 = tpu.memref_squeeze %dma_wait3A_77 : memref<1x16x125xi32, #tpu.memory_space<vmem>> -> memref<16x125xi32, #tpu.memory_space<vmem>>
      %dma_wait3A_79 = arith.constant 0 : i32
      %dma_wait3A_80 = arith.constant 0 : i32
      %dma_wait3A_81 = tpu.memref_slice %arg3[%dma_wait3A, %dma_wait3A_79, %dma_wait3A_80] : memref<2x2560x125xi32, #tpu.memory_space<hbm>> -> memref<1x16x125xi32, #tpu.memory_space<hbm>>
      %dma_wait3A_82 = tpu.memref_squeeze %dma_wait3A_81 : memref<1x16x125xi32, #tpu.memory_space<hbm>> -> memref<16x125xi32, #tpu.memory_space<hbm>>
      %dma_wait3A_83 = arith.constant 0 : i32
      %dma_wait3A_84 = arith.constant 0 : i32
      %dma_wait3A_85 = tpu.memref_slice %arg5[%select_n3A_74, %dma_wait3A_83, %dma_wait3A_84] : memref<2x16x125xi32, #tpu.memory_space<vmem>> -> memref<1x16x125xi32, #tpu.memory_space<vmem>>
      %dma_wait3A_86 = tpu.memref_squeeze %dma_wait3A_85 : memref<1x16x125xi32, #tpu.memory_space<vmem>> -> memref<16x125xi32, #tpu.memory_space<vmem>>
      %dma_wait3A_87 = arith.constant 0 : i32
      %dma_wait3A_88 = arith.constant 0 : i32
      %dma_wait3A_89 = tpu.memref_slice %arg3[%dma_wait3A, %dma_wait3A_87, %dma_wait3A_88] : memref<2x2560x125xi32, #tpu.memory_space<hbm>> -> memref<1x16x125xi32, #tpu.memory_space<hbm>>
      %dma_wait3A_90 = tpu.memref_squeeze %dma_wait3A_89 : memref<1x16x125xi32, #tpu.memory_space<hbm>> -> memref<16x125xi32, #tpu.memory_space<hbm>>
      tpu.wait_dma2 semaphore(%arg13 : memref<!tpu.dma_semaphore, #tpu.memory_space<semaphore_mem>>) src(%dma_wait3A_90 : memref<16x125xi32, #tpu.memory_space<hbm>>) dst(%dma_wait3A_86 : memref<16x125xi32, #tpu.memory_space<vmem>>)
      %dma_wait3A_91 = arith.constant 1 : i32
      %dma_wait3A_92 = arith.constant 0 : i32
      %dma_wait3A_93 = arith.constant 0 : i32
      %dma_wait3A_94 = tpu.memref_slice %arg6[%select_n3A_74, %dma_wait3A_92, %dma_wait3A_93] : memref<2x16x125xi32, #tpu.memory_space<vmem>> -> memref<1x16x125xi32, #tpu.memory_space<vmem>>
      %dma_wait3A_95 = tpu.memref_squeeze %dma_wait3A_94 : memref<1x16x125xi32, #tpu.memory_space<vmem>> -> memref<16x125xi32, #tpu.memory_space<vmem>>
      %dma_wait3A_96 = arith.constant 0 : i32
      %dma_wait3A_97 = arith.constant 0 : i32
      %dma_wait3A_98 = tpu.memref_slice %arg3[%dma_wait3A_91, %dma_wait3A_96, %dma_wait3A_97] : memref<2x2560x125xi32, #tpu.memory_space<hbm>> -> memref<1x16x125xi32, #tpu.memory_space<hbm>>
      %dma_wait3A_99 = tpu.memref_squeeze %dma_wait3A_98 : memref<1x16x125xi32, #tpu.memory_space<hbm>> -> memref<16x125xi32, #tpu.memory_space<hbm>>
      %dma_wait3A_100 = arith.constant 0 : i32
      %dma_wait3A_101 = arith.constant 0 : i32
      %dma_wait3A_102 = tpu.memref_slice %arg6[%select_n3A_74, %dma_wait3A_100, %dma_wait3A_101] : memref<2x16x125xi32, #tpu.memory_space<vmem>> -> memref<1x16x125xi32, #tpu.memory_space<vmem>>
      %dma_wait3A_103 = tpu.memref_squeeze %dma_wait3A_102 : memref<1x16x125xi32, #tpu.memory_space<vmem>> -> memref<16x125xi32, #tpu.memory_space<vmem>>
      %dma_wait3A_104 = arith.constant 0 : i32
      %dma_wait3A_105 = arith.constant 0 : i32
      %dma_wait3A_106 = tpu.memref_slice %arg3[%dma_wait3A_91, %dma_wait3A_104, %dma_wait3A_105] : memref<2x2560x125xi32, #tpu.memory_space<hbm>> -> memref<1x16x125xi32, #tpu.memory_space<hbm>>
      %dma_wait3A_107 = tpu.memref_squeeze %dma_wait3A_106 : memref<1x16x125xi32, #tpu.memory_space<hbm>> -> memref<16x125xi32, #tpu.memory_space<hbm>>
      tpu.wait_dma2 semaphore(%arg13 : memref<!tpu.dma_semaphore, #tpu.memory_space<semaphore_mem>>) src(%dma_wait3A_107 : memref<16x125xi32, #tpu.memory_space<hbm>>) dst(%dma_wait3A_103 : memref<16x125xi32, #tpu.memory_space<vmem>>)
      %add3A_108 = arith.constant 1 : i32
      %add3A_109 = arith.addi %scan3A_64, %add3A_108 : i32
      %lt3A_110 = arith.constant 5 : i32
      %lt3A_111 = arith.cmpi slt, %add3A_109, %lt3A_110 : i32
      %convert_element_type3A = arith.extui %lt3A_111 : i1 to i32
      %cond3A = arith.constant 0 : i32
      %cond3A_112 = arith.cmpi ne, %convert_element_type3A, %cond3A : i32
      scf.if %cond3A_112 {
        %mul3A_128 = arith.constant 80 : i32
        %mul3A_129 = arith.muli %add3A, %mul3A_128 : i32
        %add3A_130 = arith.constant 1 : i32
        %add3A_131 = arith.addi %scan3A_64, %add3A_130 : i32
        %mul3A_132 = arith.constant 16 : i32
        %mul3A_133 = arith.muli %add3A_131, %mul3A_132 : i32
        %add3A_134 = arith.addi %mul3A_129, %mul3A_133 : i32
        %sub3A = arith.constant 1 : i32
        %sub3A_135 = arith.subi %sub3A, %select_n3A_74 : i32
        %dma_start3A_136 = arith.constant 0 : i32
        %dma_start3A_137 = arith.constant 0 : i32
        %dma_start3A_138 = arith.constant 0 : i32
        %dma_start3A_139 = tpu.memref_slice %arg5[%sub3A_135, %dma_start3A_137, %dma_start3A_138] : memref<2x16x125xi32, #tpu.memory_space<vmem>> -> memref<1x16x125xi32, #tpu.memory_space<vmem>>
        %dma_start3A_140 = tpu.memref_squeeze %dma_start3A_139 : memref<1x16x125xi32, #tpu.memory_space<vmem>> -> memref<16x125xi32, #tpu.memory_space<vmem>>
        %dma_start3A_141 = arith.constant 0 : i32
        %dma_start3A_142 = tpu.memref_slice %arg3[%dma_start3A_136, %add3A_134, %dma_start3A_141] : memref<2x2560x125xi32, #tpu.memory_space<hbm>> -> memref<1x16x125xi32, #tpu.memory_space<hbm>>
        %dma_start3A_143 = tpu.memref_squeeze %dma_start3A_142 : memref<1x16x125xi32, #tpu.memory_space<hbm>> -> memref<16x125xi32, #tpu.memory_space<hbm>>
        %dma_start3A_144 = arith.constant 0 : i32
        %dma_start3A_145 = arith.constant 0 : i32
        %dma_start3A_146 = tpu.memref_slice %arg5[%sub3A_135, %dma_start3A_144, %dma_start3A_145] : memref<2x16x125xi32, #tpu.memory_space<vmem>> -> memref<1x16x125xi32, #tpu.memory_space<vmem>>
        %dma_start3A_147 = tpu.memref_squeeze %dma_start3A_146 : memref<1x16x125xi32, #tpu.memory_space<vmem>> -> memref<16x125xi32, #tpu.memory_space<vmem>>
        %dma_start3A_148 = arith.constant 0 : i32
        %dma_start3A_149 = tpu.memref_slice %arg3[%dma_start3A_136, %add3A_134, %dma_start3A_148] : memref<2x2560x125xi32, #tpu.memory_space<hbm>> -> memref<1x16x125xi32, #tpu.memory_space<hbm>>
        %dma_start3A_150 = tpu.memref_squeeze %dma_start3A_149 : memref<1x16x125xi32, #tpu.memory_space<hbm>> -> memref<16x125xi32, #tpu.memory_space<hbm>>
        tpu.enqueue_dma source(%dma_start3A_150 : memref<16x125xi32, #tpu.memory_space<hbm>>) target(%dma_start3A_147 : memref<16x125xi32, #tpu.memory_space<vmem>>) target_semaphore(%arg13 : memref<!tpu.dma_semaphore, #tpu.memory_space<semaphore_mem>>)
        %sub3A_151 = arith.constant 1 : i32
        %sub3A_152 = arith.subi %sub3A_151, %select_n3A_74 : i32
        %dma_start3A_153 = arith.constant 1 : i32
        %dma_start3A_154 = arith.constant 0 : i32
        %dma_start3A_155 = arith.constant 0 : i32
        %dma_start3A_156 = tpu.memref_slice %arg6[%sub3A_152, %dma_start3A_154, %dma_start3A_155] : memref<2x16x125xi32, #tpu.memory_space<vmem>> -> memref<1x16x125xi32, #tpu.memory_space<vmem>>
        %dma_start3A_157 = tpu.memref_squeeze %dma_start3A_156 : memref<1x16x125xi32, #tpu.memory_space<vmem>> -> memref<16x125xi32, #tpu.memory_space<vmem>>
        %dma_start3A_158 = arith.constant 0 : i32
        %dma_start3A_159 = tpu.memref_slice %arg3[%dma_start3A_153, %add3A_134, %dma_start3A_158] : memref<2x2560x125xi32, #tpu.memory_space<hbm>> -> memref<1x16x125xi32, #tpu.memory_space<hbm>>
        %dma_start3A_160 = tpu.memref_squeeze %dma_start3A_159 : memref<1x16x125xi32, #tpu.memory_space<hbm>> -> memref<16x125xi32, #tpu.memory_space<hbm>>
        %dma_start3A_161 = arith.constant 0 : i32
        %dma_start3A_162 = arith.constant 0 : i32
        %dma_start3A_163 = tpu.memref_slice %arg6[%sub3A_152, %dma_start3A_161, %dma_start3A_162] : memref<2x16x125xi32, #tpu.memory_space<vmem>> -> memref<1x16x125xi32, #tpu.memory_space<vmem>>
        %dma_start3A_164 = tpu.memref_squeeze %dma_start3A_163 : memref<1x16x125xi32, #tpu.memory_space<vmem>> -> memref<16x125xi32, #tpu.memory_space<vmem>>
        %dma_start3A_165 = arith.constant 0 : i32
        %dma_start3A_166 = tpu.memref_slice %arg3[%dma_start3A_153, %add3A_134, %dma_start3A_165] : memref<2x2560x125xi32, #tpu.memory_space<hbm>> -> memref<1x16x125xi32, #tpu.memory_space<hbm>>
        %dma_start3A_167 = tpu.memref_squeeze %dma_start3A_166 : memref<1x16x125xi32, #tpu.memory_space<hbm>> -> memref<16x125xi32, #tpu.memory_space<hbm>>
        tpu.enqueue_dma source(%dma_start3A_167 : memref<16x125xi32, #tpu.memory_space<hbm>>) target(%dma_start3A_164 : memref<16x125xi32, #tpu.memory_space<vmem>>) target_semaphore(%arg13 : memref<!tpu.dma_semaphore, #tpu.memory_space<semaphore_mem>>)
      } else {
      }
      %dma_start3A_113 = arith.constant 0 : i32
      %dma_start3A_114 = arith.constant 0 : i32
      %dma_start3A_115 = tpu.memref_slice %arg5[%select_n3A_74, %dma_start3A_113, %dma_start3A_114] : memref<2x16x125xi32, #tpu.memory_space<vmem>> -> memref<1x1x125xi32, #tpu.memory_space<vmem>>
      %dma_start3A_116 = tpu.memref_squeeze %dma_start3A_115 : memref<1x1x125xi32, #tpu.memory_space<vmem>> -> memref<125xi32, #tpu.memory_space<vmem>>
      %dma_start3A_117 = arith.constant 0 : i32
      %dma_start3A_118 = arith.constant 0 : i32
      %dma_start3A_119 = tpu.memref_slice %arg2[%dma_start3A_117, %dma_start3A_118] : memref<10000x128xf32, #tpu.memory_space<hbm>> -> memref<10000x128xf32, #tpu.memory_space<hbm>>
      tpu.enqueue_indirect_dma source(%dma_start3A_119 : memref<10000x128xf32, #tpu.memory_space<hbm>>) target(%arg7 : memref<125x128xf32, #tpu.memory_space<vmem>>) offsets(%dma_start3A_116 : memref<125xi32, #tpu.memory_space<vmem>>) semaphore(%arg11 : memref<!tpu.dma_semaphore, #tpu.memory_space<semaphore_mem>>)
      %scan3A_120 = arith.constant 0 : i32
      %scan3A_121 = arith.constant 0 : i32
      %scan3A_122 = arith.constant 8 : i32
      %scan3A_123 = arith.addi %scan3A_121, %scan3A_122 : i32
      %scan3A_124 = arith.constant 1 : i32
      %scan3A_125 = scf.for %scan3A_128 = %scan3A_121 to %scan3A_123 step %scan3A_124 iter_args(%scan3A_129 = %scan3A_120) -> (i32)  : i32 {
        %mul3A_130 = arith.constant 2 : i32
        %mul3A_131 = arith.muli %mul3A_130, %scan3A_128 : i32
        %add3A_132 = arith.constant 1 : i32
        %add3A_133 = arith.addi %mul3A_131, %add3A_132 : i32
        %dma_start3A_134 = arith.constant 0 : i32
        %dma_start3A_135 = tpu.memref_slice %arg5[%select_n3A_74, %add3A_133, %dma_start3A_134] : memref<2x16x125xi32, #tpu.memory_space<vmem>> -> memref<1x1x125xi32, #tpu.memory_space<vmem>>
        %dma_start3A_136 = tpu.memref_squeeze %dma_start3A_135 : memref<1x1x125xi32, #tpu.memory_space<vmem>> -> memref<125xi32, #tpu.memory_space<vmem>>
        %dma_start3A_137 = arith.constant 0 : i32
        %dma_start3A_138 = arith.constant 0 : i32
        %dma_start3A_139 = tpu.memref_slice %arg2[%dma_start3A_137, %dma_start3A_138] : memref<10000x128xf32, #tpu.memory_space<hbm>> -> memref<10000x128xf32, #tpu.memory_space<hbm>>
        tpu.enqueue_indirect_dma source(%dma_start3A_139 : memref<10000x128xf32, #tpu.memory_space<hbm>>) target(%arg8 : memref<125x128xf32, #tpu.memory_space<vmem>>) offsets(%dma_start3A_136 : memref<125xi32, #tpu.memory_space<vmem>>) semaphore(%arg12 : memref<!tpu.dma_semaphore, #tpu.memory_space<semaphore_mem>>)
        %dma_wait3A_140 = arith.constant 0 : i32
        %dma_wait3A_141 = tpu.memref_slice %arg5[%select_n3A_74, %mul3A_131, %dma_wait3A_140] : memref<2x16x125xi32, #tpu.memory_space<vmem>> -> memref<1x1x125xi32, #tpu.memory_space<vmem>>
        %dma_wait3A_142 = tpu.memref_squeeze %dma_wait3A_141 : memref<1x1x125xi32, #tpu.memory_space<vmem>> -> memref<125xi32, #tpu.memory_space<vmem>>
        %dma_wait3A_143 = arith.constant 0 : i32
        %dma_wait3A_144 = arith.constant 0 : i32
        %dma_wait3A_145 = tpu.memref_slice %arg2[%dma_wait3A_143, %dma_wait3A_144] : memref<10000x128xf32, #tpu.memory_space<hbm>> -> memref<10000x128xf32, #tpu.memory_space<hbm>>
        tpu.wait_indirect_dma semaphore(%arg11 : memref<!tpu.dma_semaphore, #tpu.memory_space<semaphore_mem>>) src(%dma_wait3A_145 : memref<10000x128xf32, #tpu.memory_space<hbm>>) dst(%arg7 : memref<125x128xf32, #tpu.memory_space<vmem>>)
        "tpu.region"() ({
          %run_scoped3A = tpu.sem_alloc : memref<!tpu.dma_semaphore, #tpu.memory_space<semaphore_mem>>
          %dma_start3A_160 = arith.constant 0 : i32
          %dma_start3A_161 = tpu.memref_slice %arg6[%select_n3A_74, %mul3A_131, %dma_start3A_160] : memref<2x16x125xi32, #tpu.memory_space<vmem>> -> memref<1x1x125xi32, #tpu.memory_space<vmem>>
          %dma_start3A_162 = tpu.memref_squeeze %dma_start3A_161 : memref<1x1x125xi32, #tpu.memory_space<vmem>> -> memref<125xi32, #tpu.memory_space<vmem>>
          %dma_start3A_163 = arith.constant 0 : i32
          %dma_start3A_164 = arith.constant 0 : i32
          %dma_start3A_165 = tpu.memref_slice %arg10[%dma_start3A_163, %dma_start3A_164] : memref<10240x128xf32, #tpu.memory_space<vmem_shared>> -> memref<10240x128xf32, #tpu.memory_space<vmem_shared>>
          tpu.enqueue_indirect_dma source(%arg7 : memref<125x128xf32, #tpu.memory_space<vmem>>) target(%dma_start3A_165 : memref<10240x128xf32, #tpu.memory_space<vmem_shared>>) offsets(%dma_start3A_162 : memref<125xi32, #tpu.memory_space<vmem>>) semaphore(%run_scoped3A : memref<!tpu.dma_semaphore, #tpu.memory_space<semaphore_mem>>) {add = true}
          %dma_wait3A_166 = arith.constant 0 : i32
          %dma_wait3A_167 = tpu.memref_slice %arg6[%select_n3A_74, %mul3A_131, %dma_wait3A_166] : memref<2x16x125xi32, #tpu.memory_space<vmem>> -> memref<1x1x125xi32, #tpu.memory_space<vmem>>
          %dma_wait3A_168 = tpu.memref_squeeze %dma_wait3A_167 : memref<1x1x125xi32, #tpu.memory_space<vmem>> -> memref<125xi32, #tpu.memory_space<vmem>>
          %dma_wait3A_169 = arith.constant 0 : i32
          %dma_wait3A_170 = arith.constant 0 : i32
          %dma_wait3A_171 = tpu.memref_slice %arg10[%dma_wait3A_169, %dma_wait3A_170] : memref<10240x128xf32, #tpu.memory_space<vmem_shared>> -> memref<10240x128xf32, #tpu.memory_space<vmem_shared>>
          tpu.wait_indirect_dma semaphore(%run_scoped3A : memref<!tpu.dma_semaphore, #tpu.memory_space<semaphore_mem>>) src(%arg7 : memref<125x128xf32, #tpu.memory_space<vmem>>) dst(%dma_wait3A_171 : memref<10240x128xf32, #tpu.memory_space<vmem_shared>>)
          tpu.yield
        }) : () -> ()
        %add3A_146 = arith.constant 1 : i32
        %add3A_147 = arith.addi %scan3A_128, %add3A_146 : i32
        %lt3A_148 = arith.constant 8 : i32
        %lt3A_149 = arith.cmpi slt, %add3A_147, %lt3A_148 : i32
        %convert_element_type3A_150 = arith.extui %lt3A_149 : i1 to i32
        %cond3A_151 = arith.constant 0 : i32
        %cond3A_152 = arith.cmpi ne, %convert_element_type3A_150, %cond3A_151 : i32
        scf.if %cond3A_152 {
          %add3A_160 = arith.constant 2 : i32
          %add3A_161 = arith.addi %mul3A_131, %add3A_160 : i32
          %dma_start3A_162 = arith.constant 0 : i32
          %dma_start3A_163 = tpu.memref_slice %arg5[%select_n3A_74, %add3A_161, %dma_start3A_162] : memref<2x16x125xi32, #tpu.memory_space<vmem>> -> memref<1x1x125xi32, #tpu.memory_space<vmem>>
          %dma_start3A_164 = tpu.memref_squeeze %dma_start3A_163 : memref<1x1x125xi32, #tpu.memory_space<vmem>> -> memref<125xi32, #tpu.memory_space<vmem>>
          %dma_start3A_165 = arith.constant 0 : i32
          %dma_start3A_166 = arith.constant 0 : i32
          %dma_start3A_167 = tpu.memref_slice %arg2[%dma_start3A_165, %dma_start3A_166] : memref<10000x128xf32, #tpu.memory_space<hbm>> -> memref<10000x128xf32, #tpu.memory_space<hbm>>
          tpu.enqueue_indirect_dma source(%dma_start3A_167 : memref<10000x128xf32, #tpu.memory_space<hbm>>) target(%arg7 : memref<125x128xf32, #tpu.memory_space<vmem>>) offsets(%dma_start3A_164 : memref<125xi32, #tpu.memory_space<vmem>>) semaphore(%arg11 : memref<!tpu.dma_semaphore, #tpu.memory_space<semaphore_mem>>)
        } else {
        }
        %dma_wait3A_153 = arith.constant 0 : i32
        %dma_wait3A_154 = tpu.memref_slice %arg5[%select_n3A_74, %add3A_133, %dma_wait3A_153] : memref<2x16x125xi32, #tpu.memory_space<vmem>> -> memref<1x1x125xi32, #tpu.memory_space<vmem>>
        %dma_wait3A_155 = tpu.memref_squeeze %dma_wait3A_154 : memref<1x1x125xi32, #tpu.memory_space<vmem>> -> memref<125xi32, #tpu.memory_space<vmem>>
        %dma_wait3A_156 = arith.constant 0 : i32
        %dma_wait3A_157 = arith.constant 0 : i32
        %dma_wait3A_158 = tpu.memref_slice %arg2[%dma_wait3A_156, %dma_wait3A_157] : memref<10000x128xf32, #tpu.memory_space<hbm>> -> memref<10000x128xf32, #tpu.memory_space<hbm>>
        tpu.wait_indirect_dma semaphore(%arg12 : memref<!tpu.dma_semaphore, #tpu.memory_space<semaphore_mem>>) src(%dma_wait3A_158 : memref<10000x128xf32, #tpu.memory_space<hbm>>) dst(%arg8 : memref<125x128xf32, #tpu.memory_space<vmem>>)
        "tpu.region"() ({
          %run_scoped3A = tpu.sem_alloc : memref<!tpu.dma_semaphore, #tpu.memory_space<semaphore_mem>>
          %dma_start3A_160 = arith.constant 0 : i32
          %dma_start3A_161 = tpu.memref_slice %arg6[%select_n3A_74, %add3A_133, %dma_start3A_160] : memref<2x16x125xi32, #tpu.memory_space<vmem>> -> memref<1x1x125xi32, #tpu.memory_space<vmem>>
          %dma_start3A_162 = tpu.memref_squeeze %dma_start3A_161 : memref<1x1x125xi32, #tpu.memory_space<vmem>> -> memref<125xi32, #tpu.memory_space<vmem>>
          %dma_start3A_163 = arith.constant 0 : i32
          %dma_start3A_164 = arith.constant 0 : i32
          %dma_start3A_165 = tpu.memref_slice %arg10[%dma_start3A_163, %dma_start3A_164] : memref<10240x128xf32, #tpu.memory_space<vmem_shared>> -> memref<10240x128xf32, #tpu.memory_space<vmem_shared>>
          tpu.enqueue_indirect_dma source(%arg8 : memref<125x128xf32, #tpu.memory_space<vmem>>) target(%dma_start3A_165 : memref<10240x128xf32, #tpu.memory_space<vmem_shared>>) offsets(%dma_start3A_162 : memref<125xi32, #tpu.memory_space<vmem>>) semaphore(%run_scoped3A : memref<!tpu.dma_semaphore, #tpu.memory_space<semaphore_mem>>) {add = true}
          %dma_wait3A_166 = arith.constant 0 : i32
          %dma_wait3A_167 = tpu.memref_slice %arg6[%select_n3A_74, %add3A_133, %dma_wait3A_166] : memref<2x16x125xi32, #tpu.memory_space<vmem>> -> memref<1x1x125xi32, #tpu.memory_space<vmem>>
          %dma_wait3A_168 = tpu.memref_squeeze %dma_wait3A_167 : memref<1x1x125xi32, #tpu.memory_space<vmem>> -> memref<125xi32, #tpu.memory_space<vmem>>
          %dma_wait3A_169 = arith.constant 0 : i32
          %dma_wait3A_170 = arith.constant 0 : i32
          %dma_wait3A_171 = tpu.memref_slice %arg10[%dma_wait3A_169, %dma_wait3A_170] : memref<10240x128xf32, #tpu.memory_space<vmem_shared>> -> memref<10240x128xf32, #tpu.memory_space<vmem_shared>>
          tpu.wait_indirect_dma semaphore(%run_scoped3A : memref<!tpu.dma_semaphore, #tpu.memory_space<semaphore_mem>>) src(%arg8 : memref<125x128xf32, #tpu.memory_space<vmem>>) dst(%dma_wait3A_171 : memref<10240x128xf32, #tpu.memory_space<vmem_shared>>)
          tpu.yield
        }) : () -> ()
        %scan3A_159 = arith.constant 0 : i32
        scf.yield %scan3A_159 : i32
      }
      %scan3A_126 = arith.constant 8 : i32
      %scan3A_127 = arith.constant 0 : i32
      scf.yield %scan3A_127 : i32
    }
    %scan3A_55 = arith.constant 5 : i32
    %barrier3A_56 = arith.constant 0 : index
    tpu.barrier barrier_id(%barrier3A_56)
    %scan3A_57 = arith.constant 0 : i32
    %scan3A_58 = arith.constant 0 : i32
    %scan3A_59 = arith.constant 5 : i32
    %scan3A_60 = arith.addi %scan3A_58, %scan3A_59 : i32
    %scan3A_61 = arith.constant 1 : i32
    %scan3A_62 = scf.for %scan3A_64 = %scan3A_58 to %scan3A_60 step %scan3A_61 iter_args(%scan3A_65 = %scan3A_57) -> (i32)  : i32 {
      %mul3A_66 = arith.constant 640 : i32
      %mul3A_67 = arith.muli %arg1, %mul3A_66 : i32
      %mul3A_68 = arith.constant 128 : i32
      %mul3A_69 = arith.muli %scan3A_64, %mul3A_68 : i32
      %add3A_70 = arith.addi %mul3A_67, %mul3A_69 : i32
      "tpu.region"() ({
        %run_scoped3A = tpu.sem_alloc : memref<!tpu.dma_semaphore, #tpu.memory_space<semaphore_mem>>
        %dma_start3A_72 = arith.constant 0 : i32
        %dma_start3A_73 = tpu.memref_slice %arg4[%arg0, %add3A_70, %dma_start3A_72] : memref<2x10240x128xf32, #tpu.memory_space<hbm>> -> memref<1x128x128xf32, #tpu.memory_space<hbm>>
        %dma_start3A_74 = tpu.memref_squeeze %dma_start3A_73 : memref<1x128x128xf32, #tpu.memory_space<hbm>> -> memref<128x128xf32, #tpu.memory_space<hbm>>
        %dma_start3A_75 = arith.constant 0 : i32
        %dma_start3A_76 = tpu.memref_slice %arg10[%add3A_70, %dma_start3A_75] : memref<10240x128xf32, #tpu.memory_space<vmem_shared>> -> memref<128x128xf32, #tpu.memory_space<vmem_shared>>
        tpu.enqueue_dma source(%dma_start3A_76 : memref<128x128xf32, #tpu.memory_space<vmem_shared>>) target(%dma_start3A_74 : memref<128x128xf32, #tpu.memory_space<hbm>>) target_semaphore(%run_scoped3A : memref<!tpu.dma_semaphore, #tpu.memory_space<semaphore_mem>>)
        %dma_wait3A = arith.constant 0 : i32
        %dma_wait3A_77 = tpu.memref_slice %arg4[%arg0, %add3A_70, %dma_wait3A] : memref<2x10240x128xf32, #tpu.memory_space<hbm>> -> memref<1x128x128xf32, #tpu.memory_space<hbm>>
        %dma_wait3A_78 = tpu.memref_squeeze %dma_wait3A_77 : memref<1x128x128xf32, #tpu.memory_space<hbm>> -> memref<128x128xf32, #tpu.memory_space<hbm>>
        %dma_wait3A_79 = arith.constant 0 : i32
        %dma_wait3A_80 = tpu.memref_slice %arg10[%add3A_70, %dma_wait3A_79] : memref<10240x128xf32, #tpu.memory_space<vmem_shared>> -> memref<128x128xf32, #tpu.memory_space<vmem_shared>>
        tpu.wait_dma2 semaphore(%run_scoped3A : memref<!tpu.dma_semaphore, #tpu.memory_space<semaphore_mem>>) src(%dma_wait3A_80 : memref<128x128xf32, #tpu.memory_space<vmem_shared>>) dst(%dma_wait3A_78 : memref<128x128xf32, #tpu.memory_space<hbm>>)
        tpu.yield
      }) : () -> ()
      %scan3A_71 = arith.constant 0 : i32
      scf.yield %scan3A_71 : i32
    }
    %scan3A_63 = arith.constant 5 : i32
    return
  }
}

#map = affine_map<(d0, d1) -> (0, 0)>
#map1 = affine_map<(d0, d1) -> (0, 0, 0)>
module attributes {stable_mosaic.version = 14 : i64} {
  func.func @_prop_body(%arg0: i32, %arg1: i32, %arg2: memref<10000x128xf32, #tpu.memory_space<hbm>>, %arg3: memref<2x2560x125xi32, #tpu.memory_space<hbm>>, %arg4: memref<2x10240x128xf32, #tpu.memory_space<hbm>>, %arg5: memref<2x16x125xi32, #tpu.memory_space<vmem>>, %arg6: memref<2x16x125xi32, #tpu.memory_space<vmem>>, %arg7: memref<125x128xf32, #tpu.memory_space<vmem>>, %arg8: memref<125x128xf32, #tpu.memory_space<vmem>>, %arg9: memref<40x128xf32, #tpu.memory_space<vmem>>, %arg10: memref<10240x128xf32, #tpu.memory_space<vmem_shared>>, %arg11: memref<!tpu.dma_semaphore, #tpu.memory_space<semaphore_mem>>, %arg12: memref<!tpu.dma_semaphore, #tpu.memory_space<semaphore_mem>>, %arg13: memref<!tpu.dma_semaphore, #tpu.memory_space<semaphore_mem>>) attributes {dimension_semantics = [#tpu.dimension_semantics<core_parallel>, #tpu.dimension_semantics<subcore_parallel>], iteration_bounds = array<i64: 2, 16>, scalar_prefetch = 0 : i64, scratch_operands = 9 : i64, tpu.core_type = #tpu.core_type<sc_vector_subcore>, window_params = [{transform_indices = #map}, {transform_indices = #map1}, {transform_indices = #map1}]} {
    %mul3A = arith.constant 2 : i32
    %mul3A_0 = arith.muli %arg1, %mul3A : i32
    %add3A = arith.addi %mul3A_0, %arg0 : i32
    %mul3A_1 = arith.constant 80 : i32
    %mul3A_2 = arith.muli %add3A, %mul3A_1 : i32
    %dma_start3A = arith.constant 0 : i32
    %dma_start3A_3 = arith.constant 0 : i32
    %dma_start3A_4 = arith.constant 0 : i32
    %dma_start3A_5 = arith.constant 0 : i32
    %dma_start3A_6 = tpu.memref_slice %arg5[%dma_start3A_3, %dma_start3A_4, %dma_start3A_5] : memref<2x16x125xi32, #tpu.memory_space<vmem>> -> memref<1x16x125xi32, #tpu.memory_space<vmem>>
    %dma_start3A_7 = tpu.memref_squeeze %dma_start3A_6 : memref<1x16x125xi32, #tpu.memory_space<vmem>> -> memref<16x125xi32, #tpu.memory_space<vmem>>
    %dma_start3A_8 = arith.constant 0 : i32
    %dma_start3A_9 = tpu.memref_slice %arg3[%dma_start3A, %mul3A_2, %dma_start3A_8] : memref<2x2560x125xi32, #tpu.memory_space<hbm>> -> memref<1x16x125xi32, #tpu.memory_space<hbm>>
    %dma_start3A_10 = tpu.memref_squeeze %dma_start3A_9 : memref<1x16x125xi32, #tpu.memory_space<hbm>> -> memref<16x125xi32, #tpu.memory_space<hbm>>
    %dma_start3A_11 = arith.constant 0 : i32
    %dma_start3A_12 = arith.constant 0 : i32
    %dma_start3A_13 = tpu.memref_slice %arg5[%dma_start3A_3, %dma_start3A_11, %dma_start3A_12] : memref<2x16x125xi32, #tpu.memory_space<vmem>> -> memref<1x16x125xi32, #tpu.memory_space<vmem>>
    %dma_start3A_14 = tpu.memref_squeeze %dma_start3A_13 : memref<1x16x125xi32, #tpu.memory_space<vmem>> -> memref<16x125xi32, #tpu.memory_space<vmem>>
    %dma_start3A_15 = arith.constant 0 : i32
    %dma_start3A_16 = tpu.memref_slice %arg3[%dma_start3A, %mul3A_2, %dma_start3A_15] : memref<2x2560x125xi32, #tpu.memory_space<hbm>> -> memref<1x16x125xi32, #tpu.memory_space<hbm>>
    %dma_start3A_17 = tpu.memref_squeeze %dma_start3A_16 : memref<1x16x125xi32, #tpu.memory_space<hbm>> -> memref<16x125xi32, #tpu.memory_space<hbm>>
    tpu.enqueue_dma source(%dma_start3A_17 : memref<16x125xi32, #tpu.memory_space<hbm>>) target(%dma_start3A_14 : memref<16x125xi32, #tpu.memory_space<vmem>>) target_semaphore(%arg13 : memref<!tpu.dma_semaphore, #tpu.memory_space<semaphore_mem>>)
    %mul3A_18 = arith.constant 80 : i32
    %mul3A_19 = arith.muli %add3A, %mul3A_18 : i32
    %dma_start3A_20 = arith.constant 1 : i32
    %dma_start3A_21 = arith.constant 0 : i32
    %dma_start3A_22 = arith.constant 0 : i32
    %dma_start3A_23 = arith.constant 0 : i32
    %dma_start3A_24 = tpu.memref_slice %arg6[%dma_start3A_21, %dma_start3A_22, %dma_start3A_23] : memref<2x16x125xi32, #tpu.memory_space<vmem>> -> memref<1x16x125xi32, #tpu.memory_space<vmem>>
    %dma_start3A_25 = tpu.memref_squeeze %dma_start3A_24 : memref<1x16x125xi32, #tpu.memory_space<vmem>> -> memref<16x125xi32, #tpu.memory_space<vmem>>
    %dma_start3A_26 = arith.constant 0 : i32
    %dma_start3A_27 = tpu.memref_slice %arg3[%dma_start3A_20, %mul3A_19, %dma_start3A_26] : memref<2x2560x125xi32, #tpu.memory_space<hbm>> -> memref<1x16x125xi32, #tpu.memory_space<hbm>>
    %dma_start3A_28 = tpu.memref_squeeze %dma_start3A_27 : memref<1x16x125xi32, #tpu.memory_space<hbm>> -> memref<16x125xi32, #tpu.memory_space<hbm>>
    %dma_start3A_29 = arith.constant 0 : i32
    %dma_start3A_30 = arith.constant 0 : i32
    %dma_start3A_31 = tpu.memref_slice %arg6[%dma_start3A_21, %dma_start3A_29, %dma_start3A_30] : memref<2x16x125xi32, #tpu.memory_space<vmem>> -> memref<1x16x125xi32, #tpu.memory_space<vmem>>
    %dma_start3A_32 = tpu.memref_squeeze %dma_start3A_31 : memref<1x16x125xi32, #tpu.memory_space<vmem>> -> memref<16x125xi32, #tpu.memory_space<vmem>>
    %dma_start3A_33 = arith.constant 0 : i32
    %dma_start3A_34 = tpu.memref_slice %arg3[%dma_start3A_20, %mul3A_19, %dma_start3A_33] : memref<2x2560x125xi32, #tpu.memory_space<hbm>> -> memref<1x16x125xi32, #tpu.memory_space<hbm>>
    %dma_start3A_35 = tpu.memref_squeeze %dma_start3A_34 : memref<1x16x125xi32, #tpu.memory_space<hbm>> -> memref<16x125xi32, #tpu.memory_space<hbm>>
    tpu.enqueue_dma source(%dma_start3A_35 : memref<16x125xi32, #tpu.memory_space<hbm>>) target(%dma_start3A_32 : memref<16x125xi32, #tpu.memory_space<vmem>>) target_semaphore(%arg13 : memref<!tpu.dma_semaphore, #tpu.memory_space<semaphore_mem>>)
    %scan3A = arith.constant 0 : i32
    %scan3A_36 = arith.constant 0 : i32
    %scan3A_37 = arith.constant 40 : i32
    %scan3A_38 = arith.addi %scan3A_36, %scan3A_37 : i32
    %scan3A_39 = arith.constant 1 : i32
    %scan3A_40 = scf.for %scan3A_64 = %scan3A_36 to %scan3A_38 step %scan3A_39 iter_args(%scan3A_65 = %scan3A) -> (i32)  : i32 {
      %broadcast_in_dim3A = arith.constant 0.000000e+00 : f32
      %broadcast_in_dim3A_66 = vector.broadcast %broadcast_in_dim3A : f32 to vector<16xf32>
      %swap3A = arith.index_cast %scan3A_64 : i32 to index
      %swap3A_67 = arith.constant 0 : index
      %swap3A_68 = tpu.vector_load %arg9[%swap3A, %swap3A_67] {strides = array<i32>} : memref<40x128xf32, #tpu.memory_space<vmem>>, vector<1x16xf32>,
      %swap3A_69 = vector.shape_cast %swap3A_68 : vector<1x16xf32> to vector<16xf32>
      %swap3A_70 = vector.shape_cast %broadcast_in_dim3A_66 : vector<16xf32> to vector<1x16xf32>
      tpu.vector_store %arg9[%swap3A, %swap3A_67], %swap3A_70 {strides = array<i32>} : memref<40x128xf32, #tpu.memory_space<vmem>>, vector<1x16xf32>,
      %broadcast_in_dim3A_71 = arith.constant 0.000000e+00 : f32
      %broadcast_in_dim3A_72 = vector.broadcast %broadcast_in_dim3A_71 : f32 to vector<16xf32>
      %swap3A_73 = arith.index_cast %scan3A_64 : i32 to index
      %swap3A_74 = arith.constant 16 : index
      %swap3A_75 = tpu.vector_load %arg9[%swap3A_73, %swap3A_74] {strides = array<i32>} : memref<40x128xf32, #tpu.memory_space<vmem>>, vector<1x16xf32>,
      %swap3A_76 = vector.shape_cast %swap3A_75 : vector<1x16xf32> to vector<16xf32>
      %swap3A_77 = vector.shape_cast %broadcast_in_dim3A_72 : vector<16xf32> to vector<1x16xf32>
      tpu.vector_store %arg9[%swap3A_73, %swap3A_74], %swap3A_77 {strides = array<i32>} : memref<40x128xf32, #tpu.memory_space<vmem>>, vector<1x16xf32>,
      %broadcast_in_dim3A_78 = arith.constant 0.000000e+00 : f32
      %broadcast_in_dim3A_79 = vector.broadcast %broadcast_in_dim3A_78 : f32 to vector<16xf32>
      %swap3A_80 = arith.index_cast %scan3A_64 : i32 to index
      %swap3A_81 = arith.constant 32 : index
      %swap3A_82 = tpu.vector_load %arg9[%swap3A_80, %swap3A_81] {strides = array<i32>} : memref<40x128xf32, #tpu.memory_space<vmem>>, vector<1x16xf32>,
      %swap3A_83 = vector.shape_cast %swap3A_82 : vector<1x16xf32> to vector<16xf32>
      %swap3A_84 = vector.shape_cast %broadcast_in_dim3A_79 : vector<16xf32> to vector<1x16xf32>
      tpu.vector_store %arg9[%swap3A_80, %swap3A_81], %swap3A_84 {strides = array<i32>} : memref<40x128xf32, #tpu.memory_space<vmem>>, vector<1x16xf32>,
      %broadcast_in_dim3A_85 = arith.constant 0.000000e+00 : f32
      %broadcast_in_dim3A_86 = vector.broadcast %broadcast_in_dim3A_85 : f32 to vector<16xf32>
      %swap3A_87 = arith.index_cast %scan3A_64 : i32 to index
      %swap3A_88 = arith.constant 48 : index
      %swap3A_89 = tpu.vector_load %arg9[%swap3A_87, %swap3A_88] {strides = array<i32>} : memref<40x128xf32, #tpu.memory_space<vmem>>, vector<1x16xf32>,
      %swap3A_90 = vector.shape_cast %swap3A_89 : vector<1x16xf32> to vector<16xf32>
      %swap3A_91 = vector.shape_cast %broadcast_in_dim3A_86 : vector<16xf32> to vector<1x16xf32>
      tpu.vector_store %arg9[%swap3A_87, %swap3A_88], %swap3A_91 {strides = array<i32>} : memref<40x128xf32, #tpu.memory_space<vmem>>, vector<1x16xf32>,
      %broadcast_in_dim3A_92 = arith.constant 0.000000e+00 : f32
      %broadcast_in_dim3A_93 = vector.broadcast %broadcast_in_dim3A_92 : f32 to vector<16xf32>
      %swap3A_94 = arith.index_cast %scan3A_64 : i32 to index
      %swap3A_95 = arith.constant 64 : index
      %swap3A_96 = tpu.vector_load %arg9[%swap3A_94, %swap3A_95] {strides = array<i32>} : memref<40x128xf32, #tpu.memory_space<vmem>>, vector<1x16xf32>,
      %swap3A_97 = vector.shape_cast %swap3A_96 : vector<1x16xf32> to vector<16xf32>
      %swap3A_98 = vector.shape_cast %broadcast_in_dim3A_93 : vector<16xf32> to vector<1x16xf32>
      tpu.vector_store %arg9[%swap3A_94, %swap3A_95], %swap3A_98 {strides = array<i32>} : memref<40x128xf32, #tpu.memory_space<vmem>>, vector<1x16xf32>,
      %broadcast_in_dim3A_99 = arith.constant 0.000000e+00 : f32
      %broadcast_in_dim3A_100 = vector.broadcast %broadcast_in_dim3A_99 : f32 to vector<16xf32>
      %swap3A_101 = arith.index_cast %scan3A_64 : i32 to index
      %swap3A_102 = arith.constant 80 : index
      %swap3A_103 = tpu.vector_load %arg9[%swap3A_101, %swap3A_102] {strides = array<i32>} : memref<40x128xf32, #tpu.memory_space<vmem>>, vector<1x16xf32>,
      %swap3A_104 = vector.shape_cast %swap3A_103 : vector<1x16xf32> to vector<16xf32>
      %swap3A_105 = vector.shape_cast %broadcast_in_dim3A_100 : vector<16xf32> to vector<1x16xf32>
      tpu.vector_store %arg9[%swap3A_101, %swap3A_102], %swap3A_105 {strides = array<i32>} : memref<40x128xf32, #tpu.memory_space<vmem>>, vector<1x16xf32>,
      %broadcast_in_dim3A_106 = arith.constant 0.000000e+00 : f32
      %broadcast_in_dim3A_107 = vector.broadcast %broadcast_in_dim3A_106 : f32 to vector<16xf32>
      %swap3A_108 = arith.index_cast %scan3A_64 : i32 to index
      %swap3A_109 = arith.constant 96 : index
      %swap3A_110 = tpu.vector_load %arg9[%swap3A_108, %swap3A_109] {strides = array<i32>} : memref<40x128xf32, #tpu.memory_space<vmem>>, vector<1x16xf32>,
      %swap3A_111 = vector.shape_cast %swap3A_110 : vector<1x16xf32> to vector<16xf32>
      %swap3A_112 = vector.shape_cast %broadcast_in_dim3A_107 : vector<16xf32> to vector<1x16xf32>
      tpu.vector_store %arg9[%swap3A_108, %swap3A_109], %swap3A_112 {strides = array<i32>} : memref<40x128xf32, #tpu.memory_space<vmem>>, vector<1x16xf32>,
      %broadcast_in_dim3A_113 = arith.constant 0.000000e+00 : f32
      %broadcast_in_dim3A_114 = vector.broadcast %broadcast_in_dim3A_113 : f32 to vector<16xf32>
      %swap3A_115 = arith.index_cast %scan3A_64 : i32 to index
      %swap3A_116 = arith.constant 112 : index
      %swap3A_117 = tpu.vector_load %arg9[%swap3A_115, %swap3A_116] {strides = array<i32>} : memref<40x128xf32, #tpu.memory_space<vmem>>, vector<1x16xf32>,
      %swap3A_118 = vector.shape_cast %swap3A_117 : vector<1x16xf32> to vector<16xf32>
      %swap3A_119 = vector.shape_cast %broadcast_in_dim3A_114 : vector<16xf32> to vector<1x16xf32>
      tpu.vector_store %arg9[%swap3A_115, %swap3A_116], %swap3A_119 {strides = array<i32>} : memref<40x128xf32, #tpu.memory_space<vmem>>, vector<1x16xf32>,
      %scan3A_120 = arith.constant 0 : i32
      scf.yield %scan3A_120 : i32
    }
    %scan3A_41 = arith.constant 40 : i32
    %scan3A_42 = arith.constant 0 : i32
    %scan3A_43 = arith.constant 0 : i32
    %scan3A_44 = arith.constant 16 : i32
    %scan3A_45 = arith.addi %scan3A_43, %scan3A_44 : i32
    %scan3A_46 = arith.constant 1 : i32
    %scan3A_47 = scf.for %scan3A_64 = %scan3A_43 to %scan3A_45 step %scan3A_46 iter_args(%scan3A_65 = %scan3A_42) -> (i32)  : i32 {
      %mul3A_66 = arith.constant 640 : i32
      %mul3A_67 = arith.muli %arg1, %mul3A_66 : i32
      %mul3A_68 = arith.constant 40 : i32
      %mul3A_69 = arith.muli %scan3A_64, %mul3A_68 : i32
      %add3A_70 = arith.addi %mul3A_67, %mul3A_69 : i32
      "tpu.region"() ({
        %run_scoped3A = tpu.sem_alloc : memref<!tpu.dma_semaphore, #tpu.memory_space<semaphore_mem>>
        %dma_start3A_72 = arith.constant 0 : i32
        %dma_start3A_73 = tpu.memref_slice %arg10[%add3A_70, %dma_start3A_72] : memref<10240x128xf32, #tpu.memory_space<vmem_shared>> -> memref<40x128xf32, #tpu.memory_space<vmem_shared>>
        %dma_start3A_74 = arith.constant 0 : i32
        %dma_start3A_75 = tpu.memref_slice %arg10[%add3A_70, %dma_start3A_74] : memref<10240x128xf32, #tpu.memory_space<vmem_shared>> -> memref<40x128xf32, #tpu.memory_space<vmem_shared>>
        tpu.enqueue_dma source(%arg9 : memref<40x128xf32, #tpu.memory_space<vmem>>) target(%dma_start3A_75 : memref<40x128xf32, #tpu.memory_space<vmem_shared>>) target_semaphore(%run_scoped3A : memref<!tpu.dma_semaphore, #tpu.memory_space<semaphore_mem>>)
        %dma_wait3A = arith.constant 0 : i32
        %dma_wait3A_76 = tpu.memref_slice %arg10[%add3A_70, %dma_wait3A] : memref<10240x128xf32, #tpu.memory_space<vmem_shared>> -> memref<40x128xf32, #tpu.memory_space<vmem_shared>>
        %dma_wait3A_77 = arith.constant 0 : i32
        %dma_wait3A_78 = tpu.memref_slice %arg10[%add3A_70, %dma_wait3A_77] : memref<10240x128xf32, #tpu.memory_space<vmem_shared>> -> memref<40x128xf32, #tpu.memory_space<vmem_shared>>
        tpu.wait_dma2 semaphore(%run_scoped3A : memref<!tpu.dma_semaphore, #tpu.memory_space<semaphore_mem>>) src(%arg9 : memref<40x128xf32, #tpu.memory_space<vmem>>) dst(%dma_wait3A_78 : memref<40x128xf32, #tpu.memory_space<vmem_shared>>)
        tpu.yield
      }) : () -> ()
      %scan3A_71 = arith.constant 0 : i32
      scf.yield %scan3A_71 : i32
    }
    %scan3A_48 = arith.constant 16 : i32
    %barrier3A = arith.constant 0 : index
    tpu.barrier barrier_id(%barrier3A)
    %scan3A_49 = arith.constant 0 : i32
    %scan3A_50 = arith.constant 0 : i32
    %scan3A_51 = arith.constant 5 : i32
    %scan3A_52 = arith.addi %scan3A_50, %scan3A_51 : i32
    %scan3A_53 = arith.constant 1 : i32
    %scan3A_54 = scf.for %scan3A_64 = %scan3A_50 to %scan3A_52 step %scan3A_53 iter_args(%scan3A_65 = %scan3A_49) -> (i32)  : i32 {
      %jit3A = arith.constant 2 : i32
      %eq3A = arith.constant 0 : i32
      %eq3A_66 = arith.cmpi eq, %jit3A, %eq3A : i32
      %jit3A_67 = arith.constant 1 : i32
      %select_n3A = arith.select %eq3A_66, %jit3A_67, %jit3A : i32
      %rem3A = arith.remsi %scan3A_64, %select_n3A : i32
      %ne3A = arith.constant 0 : i32
      %ne3A_68 = arith.cmpi ne, %rem3A, %ne3A : i32
      %lt3A = arith.constant 0 : i32
      %lt3A_69 = arith.cmpi slt, %rem3A, %lt3A : i32
      %lt3A_70 = arith.constant 0 : i32
      %lt3A_71 = arith.cmpi slt, %select_n3A, %lt3A_70 : i32
      %ne3A_72 = arith.xori %lt3A_69, %lt3A_71 : i1
      %and3A = arith.andi %ne3A_72, %ne3A_68 : i1
      %add3A_73 = arith.addi %rem3A, %select_n3A : i32
      %select_n3A_74 = arith.select %and3A, %add3A_73, %rem3A : i32
      %dma_wait3A = arith.constant 0 : i32
      %dma_wait3A_75 = arith.constant 0 : i32
      %dma_wait3A_76 = arith.constant 0 : i32
      %dma_wait3A_77 = tpu.memref_slice %arg5[%select_n3A_74, %dma_wait3A_75, %dma_wait3A_76] : memref<2x16x125xi32, #tpu.memory_space<vmem>> -> memref<1x16x125xi32, #tpu.memory_space<vmem>>
      %dma_wait3A_78 = tpu.memref_squeeze %dma_wait3A_77 : memref<1x16x125xi32, #tpu.memory_space<vmem>> -> memref<16x125xi32, #tpu.memory_space<vmem>>
      %dma_wait3A_79 = arith.constant 0 : i32
      %dma_wait3A_80 = arith.constant 0 : i32
      %dma_wait3A_81 = tpu.memref_slice %arg3[%dma_wait3A, %dma_wait3A_79, %dma_wait3A_80] : memref<2x2560x125xi32, #tpu.memory_space<hbm>> -> memref<1x16x125xi32, #tpu.memory_space<hbm>>
      %dma_wait3A_82 = tpu.memref_squeeze %dma_wait3A_81 : memref<1x16x125xi32, #tpu.memory_space<hbm>> -> memref<16x125xi32, #tpu.memory_space<hbm>>
      %dma_wait3A_83 = arith.constant 0 : i32
      %dma_wait3A_84 = arith.constant 0 : i32
      %dma_wait3A_85 = tpu.memref_slice %arg5[%select_n3A_74, %dma_wait3A_83, %dma_wait3A_84] : memref<2x16x125xi32, #tpu.memory_space<vmem>> -> memref<1x16x125xi32, #tpu.memory_space<vmem>>
      %dma_wait3A_86 = tpu.memref_squeeze %dma_wait3A_85 : memref<1x16x125xi32, #tpu.memory_space<vmem>> -> memref<16x125xi32, #tpu.memory_space<vmem>>
      %dma_wait3A_87 = arith.constant 0 : i32
      %dma_wait3A_88 = arith.constant 0 : i32
      %dma_wait3A_89 = tpu.memref_slice %arg3[%dma_wait3A, %dma_wait3A_87, %dma_wait3A_88] : memref<2x2560x125xi32, #tpu.memory_space<hbm>> -> memref<1x16x125xi32, #tpu.memory_space<hbm>>
      %dma_wait3A_90 = tpu.memref_squeeze %dma_wait3A_89 : memref<1x16x125xi32, #tpu.memory_space<hbm>> -> memref<16x125xi32, #tpu.memory_space<hbm>>
      tpu.wait_dma2 semaphore(%arg13 : memref<!tpu.dma_semaphore, #tpu.memory_space<semaphore_mem>>) src(%dma_wait3A_90 : memref<16x125xi32, #tpu.memory_space<hbm>>) dst(%dma_wait3A_86 : memref<16x125xi32, #tpu.memory_space<vmem>>)
      %dma_wait3A_91 = arith.constant 1 : i32
      %dma_wait3A_92 = arith.constant 0 : i32
      %dma_wait3A_93 = arith.constant 0 : i32
      %dma_wait3A_94 = tpu.memref_slice %arg6[%select_n3A_74, %dma_wait3A_92, %dma_wait3A_93] : memref<2x16x125xi32, #tpu.memory_space<vmem>> -> memref<1x16x125xi32, #tpu.memory_space<vmem>>
      %dma_wait3A_95 = tpu.memref_squeeze %dma_wait3A_94 : memref<1x16x125xi32, #tpu.memory_space<vmem>> -> memref<16x125xi32, #tpu.memory_space<vmem>>
      %dma_wait3A_96 = arith.constant 0 : i32
      %dma_wait3A_97 = arith.constant 0 : i32
      %dma_wait3A_98 = tpu.memref_slice %arg3[%dma_wait3A_91, %dma_wait3A_96, %dma_wait3A_97] : memref<2x2560x125xi32, #tpu.memory_space<hbm>> -> memref<1x16x125xi32, #tpu.memory_space<hbm>>
      %dma_wait3A_99 = tpu.memref_squeeze %dma_wait3A_98 : memref<1x16x125xi32, #tpu.memory_space<hbm>> -> memref<16x125xi32, #tpu.memory_space<hbm>>
      %dma_wait3A_100 = arith.constant 0 : i32
      %dma_wait3A_101 = arith.constant 0 : i32
      %dma_wait3A_102 = tpu.memref_slice %arg6[%select_n3A_74, %dma_wait3A_100, %dma_wait3A_101] : memref<2x16x125xi32, #tpu.memory_space<vmem>> -> memref<1x16x125xi32, #tpu.memory_space<vmem>>
      %dma_wait3A_103 = tpu.memref_squeeze %dma_wait3A_102 : memref<1x16x125xi32, #tpu.memory_space<vmem>> -> memref<16x125xi32, #tpu.memory_space<vmem>>
      %dma_wait3A_104 = arith.constant 0 : i32
      %dma_wait3A_105 = arith.constant 0 : i32
      %dma_wait3A_106 = tpu.memref_slice %arg3[%dma_wait3A_91, %dma_wait3A_104, %dma_wait3A_105] : memref<2x2560x125xi32, #tpu.memory_space<hbm>> -> memref<1x16x125xi32, #tpu.memory_space<hbm>>
      %dma_wait3A_107 = tpu.memref_squeeze %dma_wait3A_106 : memref<1x16x125xi32, #tpu.memory_space<hbm>> -> memref<16x125xi32, #tpu.memory_space<hbm>>
      tpu.wait_dma2 semaphore(%arg13 : memref<!tpu.dma_semaphore, #tpu.memory_space<semaphore_mem>>) src(%dma_wait3A_107 : memref<16x125xi32, #tpu.memory_space<hbm>>) dst(%dma_wait3A_103 : memref<16x125xi32, #tpu.memory_space<vmem>>)
      %add3A_108 = arith.constant 1 : i32
      %add3A_109 = arith.addi %scan3A_64, %add3A_108 : i32
      %lt3A_110 = arith.constant 5 : i32
      %lt3A_111 = arith.cmpi slt, %add3A_109, %lt3A_110 : i32
      %convert_element_type3A = arith.extui %lt3A_111 : i1 to i32
      %cond3A = arith.constant 0 : i32
      %cond3A_112 = arith.cmpi ne, %convert_element_type3A, %cond3A : i32
      scf.if %cond3A_112 {
        %mul3A_128 = arith.constant 80 : i32
        %mul3A_129 = arith.muli %add3A, %mul3A_128 : i32
        %add3A_130 = arith.constant 1 : i32
        %add3A_131 = arith.addi %scan3A_64, %add3A_130 : i32
        %mul3A_132 = arith.constant 16 : i32
        %mul3A_133 = arith.muli %add3A_131, %mul3A_132 : i32
        %add3A_134 = arith.addi %mul3A_129, %mul3A_133 : i32
        %sub3A = arith.constant 1 : i32
        %sub3A_135 = arith.subi %sub3A, %select_n3A_74 : i32
        %dma_start3A_136 = arith.constant 0 : i32
        %dma_start3A_137 = arith.constant 0 : i32
        %dma_start3A_138 = arith.constant 0 : i32
        %dma_start3A_139 = tpu.memref_slice %arg5[%sub3A_135, %dma_start3A_137, %dma_start3A_138] : memref<2x16x125xi32, #tpu.memory_space<vmem>> -> memref<1x16x125xi32, #tpu.memory_space<vmem>>
        %dma_start3A_140 = tpu.memref_squeeze %dma_start3A_139 : memref<1x16x125xi32, #tpu.memory_space<vmem>> -> memref<16x125xi32, #tpu.memory_space<vmem>>
        %dma_start3A_141 = arith.constant 0 : i32
        %dma_start3A_142 = tpu.memref_slice %arg3[%dma_start3A_136, %add3A_134, %dma_start3A_141] : memref<2x2560x125xi32, #tpu.memory_space<hbm>> -> memref<1x16x125xi32, #tpu.memory_space<hbm>>
        %dma_start3A_143 = tpu.memref_squeeze %dma_start3A_142 : memref<1x16x125xi32, #tpu.memory_space<hbm>> -> memref<16x125xi32, #tpu.memory_space<hbm>>
        %dma_start3A_144 = arith.constant 0 : i32
        %dma_start3A_145 = arith.constant 0 : i32
        %dma_start3A_146 = tpu.memref_slice %arg5[%sub3A_135, %dma_start3A_144, %dma_start3A_145] : memref<2x16x125xi32, #tpu.memory_space<vmem>> -> memref<1x16x125xi32, #tpu.memory_space<vmem>>
        %dma_start3A_147 = tpu.memref_squeeze %dma_start3A_146 : memref<1x16x125xi32, #tpu.memory_space<vmem>> -> memref<16x125xi32, #tpu.memory_space<vmem>>
        %dma_start3A_148 = arith.constant 0 : i32
        %dma_start3A_149 = tpu.memref_slice %arg3[%dma_start3A_136, %add3A_134, %dma_start3A_148] : memref<2x2560x125xi32, #tpu.memory_space<hbm>> -> memref<1x16x125xi32, #tpu.memory_space<hbm>>
        %dma_start3A_150 = tpu.memref_squeeze %dma_start3A_149 : memref<1x16x125xi32, #tpu.memory_space<hbm>> -> memref<16x125xi32, #tpu.memory_space<hbm>>
        tpu.enqueue_dma source(%dma_start3A_150 : memref<16x125xi32, #tpu.memory_space<hbm>>) target(%dma_start3A_147 : memref<16x125xi32, #tpu.memory_space<vmem>>) target_semaphore(%arg13 : memref<!tpu.dma_semaphore, #tpu.memory_space<semaphore_mem>>)
        %sub3A_151 = arith.constant 1 : i32
        %sub3A_152 = arith.subi %sub3A_151, %select_n3A_74 : i32
        %dma_start3A_153 = arith.constant 1 : i32
        %dma_start3A_154 = arith.constant 0 : i32
        %dma_start3A_155 = arith.constant 0 : i32
        %dma_start3A_156 = tpu.memref_slice %arg6[%sub3A_152, %dma_start3A_154, %dma_start3A_155] : memref<2x16x125xi32, #tpu.memory_space<vmem>> -> memref<1x16x125xi32, #tpu.memory_space<vmem>>
        %dma_start3A_157 = tpu.memref_squeeze %dma_start3A_156 : memref<1x16x125xi32, #tpu.memory_space<vmem>> -> memref<16x125xi32, #tpu.memory_space<vmem>>
        %dma_start3A_158 = arith.constant 0 : i32
        %dma_start3A_159 = tpu.memref_slice %arg3[%dma_start3A_153, %add3A_134, %dma_start3A_158] : memref<2x2560x125xi32, #tpu.memory_space<hbm>> -> memref<1x16x125xi32, #tpu.memory_space<hbm>>
        %dma_start3A_160 = tpu.memref_squeeze %dma_start3A_159 : memref<1x16x125xi32, #tpu.memory_space<hbm>> -> memref<16x125xi32, #tpu.memory_space<hbm>>
        %dma_start3A_161 = arith.constant 0 : i32
        %dma_start3A_162 = arith.constant 0 : i32
        %dma_start3A_163 = tpu.memref_slice %arg6[%sub3A_152, %dma_start3A_161, %dma_start3A_162] : memref<2x16x125xi32, #tpu.memory_space<vmem>> -> memref<1x16x125xi32, #tpu.memory_space<vmem>>
        %dma_start3A_164 = tpu.memref_squeeze %dma_start3A_163 : memref<1x16x125xi32, #tpu.memory_space<vmem>> -> memref<16x125xi32, #tpu.memory_space<vmem>>
        %dma_start3A_165 = arith.constant 0 : i32
        %dma_start3A_166 = tpu.memref_slice %arg3[%dma_start3A_153, %add3A_134, %dma_start3A_165] : memref<2x2560x125xi32, #tpu.memory_space<hbm>> -> memref<1x16x125xi32, #tpu.memory_space<hbm>>
        %dma_start3A_167 = tpu.memref_squeeze %dma_start3A_166 : memref<1x16x125xi32, #tpu.memory_space<hbm>> -> memref<16x125xi32, #tpu.memory_space<hbm>>
        tpu.enqueue_dma source(%dma_start3A_167 : memref<16x125xi32, #tpu.memory_space<hbm>>) target(%dma_start3A_164 : memref<16x125xi32, #tpu.memory_space<vmem>>) target_semaphore(%arg13 : memref<!tpu.dma_semaphore, #tpu.memory_space<semaphore_mem>>)
      } else {
      }
      %dma_start3A_113 = arith.constant 0 : i32
      %dma_start3A_114 = arith.constant 0 : i32
      %dma_start3A_115 = tpu.memref_slice %arg5[%select_n3A_74, %dma_start3A_113, %dma_start3A_114] : memref<2x16x125xi32, #tpu.memory_space<vmem>> -> memref<1x1x125xi32, #tpu.memory_space<vmem>>
      %dma_start3A_116 = tpu.memref_squeeze %dma_start3A_115 : memref<1x1x125xi32, #tpu.memory_space<vmem>> -> memref<125xi32, #tpu.memory_space<vmem>>
      %dma_start3A_117 = arith.constant 0 : i32
      %dma_start3A_118 = arith.constant 0 : i32
      %dma_start3A_119 = tpu.memref_slice %arg2[%dma_start3A_117, %dma_start3A_118] : memref<10000x128xf32, #tpu.memory_space<hbm>> -> memref<10000x128xf32, #tpu.memory_space<hbm>>
      tpu.enqueue_indirect_dma source(%dma_start3A_119 : memref<10000x128xf32, #tpu.memory_space<hbm>>) target(%arg7 : memref<125x128xf32, #tpu.memory_space<vmem>>) offsets(%dma_start3A_116 : memref<125xi32, #tpu.memory_space<vmem>>) semaphore(%arg11 : memref<!tpu.dma_semaphore, #tpu.memory_space<semaphore_mem>>)
      %scan3A_120 = arith.constant 0 : i32
      %scan3A_121 = arith.constant 0 : i32
      %scan3A_122 = arith.constant 8 : i32
      %scan3A_123 = arith.addi %scan3A_121, %scan3A_122 : i32
      %scan3A_124 = arith.constant 1 : i32
      %scan3A_125 = scf.for %scan3A_128 = %scan3A_121 to %scan3A_123 step %scan3A_124 iter_args(%scan3A_129 = %scan3A_120) -> (i32)  : i32 {
        %mul3A_130 = arith.constant 2 : i32
        %mul3A_131 = arith.muli %mul3A_130, %scan3A_128 : i32
        %add3A_132 = arith.constant 1 : i32
        %add3A_133 = arith.addi %mul3A_131, %add3A_132 : i32
        %dma_start3A_134 = arith.constant 0 : i32
        %dma_start3A_135 = tpu.memref_slice %arg5[%select_n3A_74, %add3A_133, %dma_start3A_134] : memref<2x16x125xi32, #tpu.memory_space<vmem>> -> memref<1x1x125xi32, #tpu.memory_space<vmem>>
        %dma_start3A_136 = tpu.memref_squeeze %dma_start3A_135 : memref<1x1x125xi32, #tpu.memory_space<vmem>> -> memref<125xi32, #tpu.memory_space<vmem>>
        %dma_start3A_137 = arith.constant 0 : i32
        %dma_start3A_138 = arith.constant 0 : i32
        %dma_start3A_139 = tpu.memref_slice %arg2[%dma_start3A_137, %dma_start3A_138] : memref<10000x128xf32, #tpu.memory_space<hbm>> -> memref<10000x128xf32, #tpu.memory_space<hbm>>
        tpu.enqueue_indirect_dma source(%dma_start3A_139 : memref<10000x128xf32, #tpu.memory_space<hbm>>) target(%arg8 : memref<125x128xf32, #tpu.memory_space<vmem>>) offsets(%dma_start3A_136 : memref<125xi32, #tpu.memory_space<vmem>>) semaphore(%arg12 : memref<!tpu.dma_semaphore, #tpu.memory_space<semaphore_mem>>)
        %dma_wait3A_140 = arith.constant 0 : i32
        %dma_wait3A_141 = tpu.memref_slice %arg5[%select_n3A_74, %mul3A_131, %dma_wait3A_140] : memref<2x16x125xi32, #tpu.memory_space<vmem>> -> memref<1x1x125xi32, #tpu.memory_space<vmem>>
        %dma_wait3A_142 = tpu.memref_squeeze %dma_wait3A_141 : memref<1x1x125xi32, #tpu.memory_space<vmem>> -> memref<125xi32, #tpu.memory_space<vmem>>
        %dma_wait3A_143 = arith.constant 0 : i32
        %dma_wait3A_144 = arith.constant 0 : i32
        %dma_wait3A_145 = tpu.memref_slice %arg2[%dma_wait3A_143, %dma_wait3A_144] : memref<10000x128xf32, #tpu.memory_space<hbm>> -> memref<10000x128xf32, #tpu.memory_space<hbm>>
        tpu.wait_indirect_dma semaphore(%arg11 : memref<!tpu.dma_semaphore, #tpu.memory_space<semaphore_mem>>) src(%dma_wait3A_145 : memref<10000x128xf32, #tpu.memory_space<hbm>>) dst(%arg7 : memref<125x128xf32, #tpu.memory_space<vmem>>)
        "tpu.region"() ({
          %run_scoped3A = tpu.sem_alloc : memref<!tpu.dma_semaphore, #tpu.memory_space<semaphore_mem>>
          %dma_start3A_160 = arith.constant 0 : i32
          %dma_start3A_161 = tpu.memref_slice %arg6[%select_n3A_74, %mul3A_131, %dma_start3A_160] : memref<2x16x125xi32, #tpu.memory_space<vmem>> -> memref<1x1x125xi32, #tpu.memory_space<vmem>>
          %dma_start3A_162 = tpu.memref_squeeze %dma_start3A_161 : memref<1x1x125xi32, #tpu.memory_space<vmem>> -> memref<125xi32, #tpu.memory_space<vmem>>
          %dma_start3A_163 = arith.constant 0 : i32
          %dma_start3A_164 = arith.constant 0 : i32
          %dma_start3A_165 = tpu.memref_slice %arg10[%dma_start3A_163, %dma_start3A_164] : memref<10240x128xf32, #tpu.memory_space<vmem_shared>> -> memref<10240x128xf32, #tpu.memory_space<vmem_shared>>
          tpu.enqueue_indirect_dma source(%arg7 : memref<125x128xf32, #tpu.memory_space<vmem>>) target(%dma_start3A_165 : memref<10240x128xf32, #tpu.memory_space<vmem_shared>>) offsets(%dma_start3A_162 : memref<125xi32, #tpu.memory_space<vmem>>) semaphore(%run_scoped3A : memref<!tpu.dma_semaphore, #tpu.memory_space<semaphore_mem>>) {add = true}
          %dma_wait3A_166 = arith.constant 0 : i32
          %dma_wait3A_167 = tpu.memref_slice %arg6[%select_n3A_74, %mul3A_131, %dma_wait3A_166] : memref<2x16x125xi32, #tpu.memory_space<vmem>> -> memref<1x1x125xi32, #tpu.memory_space<vmem>>
          %dma_wait3A_168 = tpu.memref_squeeze %dma_wait3A_167 : memref<1x1x125xi32, #tpu.memory_space<vmem>> -> memref<125xi32, #tpu.memory_space<vmem>>
          %dma_wait3A_169 = arith.constant 0 : i32
          %dma_wait3A_170 = arith.constant 0 : i32
          %dma_wait3A_171 = tpu.memref_slice %arg10[%dma_wait3A_169, %dma_wait3A_170] : memref<10240x128xf32, #tpu.memory_space<vmem_shared>> -> memref<10240x128xf32, #tpu.memory_space<vmem_shared>>
          tpu.wait_indirect_dma semaphore(%run_scoped3A : memref<!tpu.dma_semaphore, #tpu.memory_space<semaphore_mem>>) src(%arg7 : memref<125x128xf32, #tpu.memory_space<vmem>>) dst(%dma_wait3A_171 : memref<10240x128xf32, #tpu.memory_space<vmem_shared>>)
          tpu.yield
        }) : () -> ()
        %add3A_146 = arith.constant 1 : i32
        %add3A_147 = arith.addi %scan3A_128, %add3A_146 : i32
        %lt3A_148 = arith.constant 8 : i32
        %lt3A_149 = arith.cmpi slt, %add3A_147, %lt3A_148 : i32
        %convert_element_type3A_150 = arith.extui %lt3A_149 : i1 to i32
        %cond3A_151 = arith.constant 0 : i32
        %cond3A_152 = arith.cmpi ne, %convert_element_type3A_150, %cond3A_151 : i32
        scf.if %cond3A_152 {
          %add3A_160 = arith.constant 2 : i32
          %add3A_161 = arith.addi %mul3A_131, %add3A_160 : i32
          %dma_start3A_162 = arith.constant 0 : i32
          %dma_start3A_163 = tpu.memref_slice %arg5[%select_n3A_74, %add3A_161, %dma_start3A_162] : memref<2x16x125xi32, #tpu.memory_space<vmem>> -> memref<1x1x125xi32, #tpu.memory_space<vmem>>
          %dma_start3A_164 = tpu.memref_squeeze %dma_start3A_163 : memref<1x1x125xi32, #tpu.memory_space<vmem>> -> memref<125xi32, #tpu.memory_space<vmem>>
          %dma_start3A_165 = arith.constant 0 : i32
          %dma_start3A_166 = arith.constant 0 : i32
          %dma_start3A_167 = tpu.memref_slice %arg2[%dma_start3A_165, %dma_start3A_166] : memref<10000x128xf32, #tpu.memory_space<hbm>> -> memref<10000x128xf32, #tpu.memory_space<hbm>>
          tpu.enqueue_indirect_dma source(%dma_start3A_167 : memref<10000x128xf32, #tpu.memory_space<hbm>>) target(%arg7 : memref<125x128xf32, #tpu.memory_space<vmem>>) offsets(%dma_start3A_164 : memref<125xi32, #tpu.memory_space<vmem>>) semaphore(%arg11 : memref<!tpu.dma_semaphore, #tpu.memory_space<semaphore_mem>>)
        } else {
        }
        %dma_wait3A_153 = arith.constant 0 : i32
        %dma_wait3A_154 = tpu.memref_slice %arg5[%select_n3A_74, %add3A_133, %dma_wait3A_153] : memref<2x16x125xi32, #tpu.memory_space<vmem>> -> memref<1x1x125xi32, #tpu.memory_space<vmem>>
        %dma_wait3A_155 = tpu.memref_squeeze %dma_wait3A_154 : memref<1x1x125xi32, #tpu.memory_space<vmem>> -> memref<125xi32, #tpu.memory_space<vmem>>
        %dma_wait3A_156 = arith.constant 0 : i32
        %dma_wait3A_157 = arith.constant 0 : i32
        %dma_wait3A_158 = tpu.memref_slice %arg2[%dma_wait3A_156, %dma_wait3A_157] : memref<10000x128xf32, #tpu.memory_space<hbm>> -> memref<10000x128xf32, #tpu.memory_space<hbm>>
        tpu.wait_indirect_dma semaphore(%arg12 : memref<!tpu.dma_semaphore, #tpu.memory_space<semaphore_mem>>) src(%dma_wait3A_158 : memref<10000x128xf32, #tpu.memory_space<hbm>>) dst(%arg8 : memref<125x128xf32, #tpu.memory_space<vmem>>)
        "tpu.region"() ({
          %run_scoped3A = tpu.sem_alloc : memref<!tpu.dma_semaphore, #tpu.memory_space<semaphore_mem>>
          %dma_start3A_160 = arith.constant 0 : i32
          %dma_start3A_161 = tpu.memref_slice %arg6[%select_n3A_74, %add3A_133, %dma_start3A_160] : memref<2x16x125xi32, #tpu.memory_space<vmem>> -> memref<1x1x125xi32, #tpu.memory_space<vmem>>
          %dma_start3A_162 = tpu.memref_squeeze %dma_start3A_161 : memref<1x1x125xi32, #tpu.memory_space<vmem>> -> memref<125xi32, #tpu.memory_space<vmem>>
          %dma_start3A_163 = arith.constant 0 : i32
          %dma_start3A_164 = arith.constant 0 : i32
          %dma_start3A_165 = tpu.memref_slice %arg10[%dma_start3A_163, %dma_start3A_164] : memref<10240x128xf32, #tpu.memory_space<vmem_shared>> -> memref<10240x128xf32, #tpu.memory_space<vmem_shared>>
          tpu.enqueue_indirect_dma source(%arg8 : memref<125x128xf32, #tpu.memory_space<vmem>>) target(%dma_start3A_165 : memref<10240x128xf32, #tpu.memory_space<vmem_shared>>) offsets(%dma_start3A_162 : memref<125xi32, #tpu.memory_space<vmem>>) semaphore(%run_scoped3A : memref<!tpu.dma_semaphore, #tpu.memory_space<semaphore_mem>>) {add = true}
          %dma_wait3A_166 = arith.constant 0 : i32
          %dma_wait3A_167 = tpu.memref_slice %arg6[%select_n3A_74, %add3A_133, %dma_wait3A_166] : memref<2x16x125xi32, #tpu.memory_space<vmem>> -> memref<1x1x125xi32, #tpu.memory_space<vmem>>
          %dma_wait3A_168 = tpu.memref_squeeze %dma_wait3A_167 : memref<1x1x125xi32, #tpu.memory_space<vmem>> -> memref<125xi32, #tpu.memory_space<vmem>>
          %dma_wait3A_169 = arith.constant 0 : i32
          %dma_wait3A_170 = arith.constant 0 : i32
          %dma_wait3A_171 = tpu.memref_slice %arg10[%dma_wait3A_169, %dma_wait3A_170] : memref<10240x128xf32, #tpu.memory_space<vmem_shared>> -> memref<10240x128xf32, #tpu.memory_space<vmem_shared>>
          tpu.wait_indirect_dma semaphore(%run_scoped3A : memref<!tpu.dma_semaphore, #tpu.memory_space<semaphore_mem>>) src(%arg8 : memref<125x128xf32, #tpu.memory_space<vmem>>) dst(%dma_wait3A_171 : memref<10240x128xf32, #tpu.memory_space<vmem_shared>>)
          tpu.yield
        }) : () -> ()
        %scan3A_159 = arith.constant 0 : i32
        scf.yield %scan3A_159 : i32
      }
      %scan3A_126 = arith.constant 8 : i32
      %scan3A_127 = arith.constant 0 : i32
      scf.yield %scan3A_127 : i32
    }
    %scan3A_55 = arith.constant 5 : i32
    %barrier3A_56 = arith.constant 0 : index
    tpu.barrier barrier_id(%barrier3A_56)
    %scan3A_57 = arith.constant 0 : i32
    %scan3A_58 = arith.constant 0 : i32
    %scan3A_59 = arith.constant 5 : i32
    %scan3A_60 = arith.addi %scan3A_58, %scan3A_59 : i32
    %scan3A_61 = arith.constant 1 : i32
    %scan3A_62 = scf.for %scan3A_64 = %scan3A_58 to %scan3A_60 step %scan3A_61 iter_args(%scan3A_65 = %scan3A_57) -> (i32)  : i32 {
      %mul3A_66 = arith.constant 640 : i32
      %mul3A_67 = arith.muli %arg1, %mul3A_66 : i32
      %mul3A_68 = arith.constant 128 : i32
      %mul3A_69 = arith.muli %scan3A_64, %mul3A_68 : i32
      %add3A_70 = arith.addi %mul3A_67, %mul3A_69 : i32
      "tpu.region"() ({
        %run_scoped3A = tpu.sem_alloc : memref<!tpu.dma_semaphore, #tpu.memory_space<semaphore_mem>>
        %dma_start3A_72 = arith.constant 0 : i32
        %dma_start3A_73 = tpu.memref_slice %arg4[%arg0, %add3A_70, %dma_start3A_72] : memref<2x10240x128xf32, #tpu.memory_space<hbm>> -> memref<1x128x128xf32, #tpu.memory_space<hbm>>
        %dma_start3A_74 = tpu.memref_squeeze %dma_start3A_73 : memref<1x128x128xf32, #tpu.memory_space<hbm>> -> memref<128x128xf32, #tpu.memory_space<hbm>>
        %dma_start3A_75 = arith.constant 0 : i32
        %dma_start3A_76 = tpu.memref_slice %arg10[%add3A_70, %dma_start3A_75] : memref<10240x128xf32, #tpu.memory_space<vmem_shared>> -> memref<128x128xf32, #tpu.memory_space<vmem_shared>>
        tpu.enqueue_dma source(%dma_start3A_76 : memref<128x128xf32, #tpu.memory_space<vmem_shared>>) target(%dma_start3A_74 : memref<128x128xf32, #tpu.memory_space<hbm>>) target_semaphore(%run_scoped3A : memref<!tpu.dma_semaphore, #tpu.memory_space<semaphore_mem>>)
        %dma_wait3A = arith.constant 0 : i32
        %dma_wait3A_77 = tpu.memref_slice %arg4[%arg0, %add3A_70, %dma_wait3A] : memref<2x10240x128xf32, #tpu.memory_space<hbm>> -> memref<1x128x128xf32, #tpu.memory_space<hbm>>
        %dma_wait3A_78 = tpu.memref_squeeze %dma_wait3A_77 : memref<1x128x128xf32, #tpu.memory_space<hbm>> -> memref<128x128xf32, #tpu.memory_space<hbm>>
        %dma_wait3A_79 = arith.constant 0 : i32
        %dma_wait3A_80 = tpu.memref_slice %arg10[%add3A_70, %dma_wait3A_79] : memref<10240x128xf32, #tpu.memory_space<vmem_shared>> -> memref<128x128xf32, #tpu.memory_space<vmem_shared>>
        tpu.wait_dma2 semaphore(%run_scoped3A : memref<!tpu.dma_semaphore, #tpu.memory_space<semaphore_mem>>) src(%dma_wait3A_80 : memref<128x128xf32, #tpu.memory_space<vmem_shared>>) dst(%dma_wait3A_78 : memref<128x128xf32, #tpu.memory_space<hbm>>)
        tpu.yield
      }) : () -> ()
      %scan3A_71 = arith.constant 0 : i32
      scf.yield %scan3A_71 : i32
    }
    %scan3A_63 = arith.constant 5 : i32
    return
  }
}

#map = affine_map<(d0, d1) -> (0, 0)>
#map1 = affine_map<(d0, d1) -> (0, 0, 0)>
module attributes {stable_mosaic.version = 14 : i64} {
  func.func @_prop_body(%arg0: i32, %arg1: i32, %arg2: memref<10000x128xf32, #tpu.memory_space<hbm>>, %arg3: memref<2x2560x125xi32, #tpu.memory_space<hbm>>, %arg4: memref<2x10240x128xf32, #tpu.memory_space<hbm>>, %arg5: memref<2x16x125xi32, #tpu.memory_space<vmem>>, %arg6: memref<2x16x125xi32, #tpu.memory_space<vmem>>, %arg7: memref<125x128xf32, #tpu.memory_space<vmem>>, %arg8: memref<125x128xf32, #tpu.memory_space<vmem>>, %arg9: memref<40x128xf32, #tpu.memory_space<vmem>>, %arg10: memref<10240x128xf32, #tpu.memory_space<vmem_shared>>, %arg11: memref<!tpu.dma_semaphore, #tpu.memory_space<semaphore_mem>>, %arg12: memref<!tpu.dma_semaphore, #tpu.memory_space<semaphore_mem>>, %arg13: memref<!tpu.dma_semaphore, #tpu.memory_space<semaphore_mem>>) attributes {dimension_semantics = [#tpu.dimension_semantics<core_parallel>, #tpu.dimension_semantics<subcore_parallel>], iteration_bounds = array<i64: 2, 16>, scalar_prefetch = 0 : i64, scratch_operands = 9 : i64, tpu.core_type = #tpu.core_type<sc_vector_subcore>, window_params = [{transform_indices = #map}, {transform_indices = #map1}, {transform_indices = #map1}]} {
    %mul3A = arith.constant 2 : i32
    %mul3A_0 = arith.muli %arg1, %mul3A : i32
    %add3A = arith.addi %mul3A_0, %arg0 : i32
    %mul3A_1 = arith.constant 80 : i32
    %mul3A_2 = arith.muli %add3A, %mul3A_1 : i32
    %dma_start3A = arith.constant 0 : i32
    %dma_start3A_3 = arith.constant 0 : i32
    %dma_start3A_4 = arith.constant 0 : i32
    %dma_start3A_5 = arith.constant 0 : i32
    %dma_start3A_6 = tpu.memref_slice %arg5[%dma_start3A_3, %dma_start3A_4, %dma_start3A_5] : memref<2x16x125xi32, #tpu.memory_space<vmem>> -> memref<1x16x125xi32, #tpu.memory_space<vmem>>
    %dma_start3A_7 = tpu.memref_squeeze %dma_start3A_6 : memref<1x16x125xi32, #tpu.memory_space<vmem>> -> memref<16x125xi32, #tpu.memory_space<vmem>>
    %dma_start3A_8 = arith.constant 0 : i32
    %dma_start3A_9 = tpu.memref_slice %arg3[%dma_start3A, %mul3A_2, %dma_start3A_8] : memref<2x2560x125xi32, #tpu.memory_space<hbm>> -> memref<1x16x125xi32, #tpu.memory_space<hbm>>
    %dma_start3A_10 = tpu.memref_squeeze %dma_start3A_9 : memref<1x16x125xi32, #tpu.memory_space<hbm>> -> memref<16x125xi32, #tpu.memory_space<hbm>>
    %dma_start3A_11 = arith.constant 0 : i32
    %dma_start3A_12 = arith.constant 0 : i32
    %dma_start3A_13 = tpu.memref_slice %arg5[%dma_start3A_3, %dma_start3A_11, %dma_start3A_12] : memref<2x16x125xi32, #tpu.memory_space<vmem>> -> memref<1x16x125xi32, #tpu.memory_space<vmem>>
    %dma_start3A_14 = tpu.memref_squeeze %dma_start3A_13 : memref<1x16x125xi32, #tpu.memory_space<vmem>> -> memref<16x125xi32, #tpu.memory_space<vmem>>
    %dma_start3A_15 = arith.constant 0 : i32
    %dma_start3A_16 = tpu.memref_slice %arg3[%dma_start3A, %mul3A_2, %dma_start3A_15] : memref<2x2560x125xi32, #tpu.memory_space<hbm>> -> memref<1x16x125xi32, #tpu.memory_space<hbm>>
    %dma_start3A_17 = tpu.memref_squeeze %dma_start3A_16 : memref<1x16x125xi32, #tpu.memory_space<hbm>> -> memref<16x125xi32, #tpu.memory_space<hbm>>
    tpu.enqueue_dma source(%dma_start3A_17 : memref<16x125xi32, #tpu.memory_space<hbm>>) target(%dma_start3A_14 : memref<16x125xi32, #tpu.memory_space<vmem>>) target_semaphore(%arg13 : memref<!tpu.dma_semaphore, #tpu.memory_space<semaphore_mem>>)
    %mul3A_18 = arith.constant 80 : i32
    %mul3A_19 = arith.muli %add3A, %mul3A_18 : i32
    %dma_start3A_20 = arith.constant 1 : i32
    %dma_start3A_21 = arith.constant 0 : i32
    %dma_start3A_22 = arith.constant 0 : i32
    %dma_start3A_23 = arith.constant 0 : i32
    %dma_start3A_24 = tpu.memref_slice %arg6[%dma_start3A_21, %dma_start3A_22, %dma_start3A_23] : memref<2x16x125xi32, #tpu.memory_space<vmem>> -> memref<1x16x125xi32, #tpu.memory_space<vmem>>
    %dma_start3A_25 = tpu.memref_squeeze %dma_start3A_24 : memref<1x16x125xi32, #tpu.memory_space<vmem>> -> memref<16x125xi32, #tpu.memory_space<vmem>>
    %dma_start3A_26 = arith.constant 0 : i32
    %dma_start3A_27 = tpu.memref_slice %arg3[%dma_start3A_20, %mul3A_19, %dma_start3A_26] : memref<2x2560x125xi32, #tpu.memory_space<hbm>> -> memref<1x16x125xi32, #tpu.memory_space<hbm>>
    %dma_start3A_28 = tpu.memref_squeeze %dma_start3A_27 : memref<1x16x125xi32, #tpu.memory_space<hbm>> -> memref<16x125xi32, #tpu.memory_space<hbm>>
    %dma_start3A_29 = arith.constant 0 : i32
    %dma_start3A_30 = arith.constant 0 : i32
    %dma_start3A_31 = tpu.memref_slice %arg6[%dma_start3A_21, %dma_start3A_29, %dma_start3A_30] : memref<2x16x125xi32, #tpu.memory_space<vmem>> -> memref<1x16x125xi32, #tpu.memory_space<vmem>>
    %dma_start3A_32 = tpu.memref_squeeze %dma_start3A_31 : memref<1x16x125xi32, #tpu.memory_space<vmem>> -> memref<16x125xi32, #tpu.memory_space<vmem>>
    %dma_start3A_33 = arith.constant 0 : i32
    %dma_start3A_34 = tpu.memref_slice %arg3[%dma_start3A_20, %mul3A_19, %dma_start3A_33] : memref<2x2560x125xi32, #tpu.memory_space<hbm>> -> memref<1x16x125xi32, #tpu.memory_space<hbm>>
    %dma_start3A_35 = tpu.memref_squeeze %dma_start3A_34 : memref<1x16x125xi32, #tpu.memory_space<hbm>> -> memref<16x125xi32, #tpu.memory_space<hbm>>
    tpu.enqueue_dma source(%dma_start3A_35 : memref<16x125xi32, #tpu.memory_space<hbm>>) target(%dma_start3A_32 : memref<16x125xi32, #tpu.memory_space<vmem>>) target_semaphore(%arg13 : memref<!tpu.dma_semaphore, #tpu.memory_space<semaphore_mem>>)
    %scan3A = arith.constant 0 : i32
    %scan3A_36 = arith.constant 0 : i32
    %scan3A_37 = arith.constant 40 : i32
    %scan3A_38 = arith.addi %scan3A_36, %scan3A_37 : i32
    %scan3A_39 = arith.constant 1 : i32
    %scan3A_40 = scf.for %scan3A_64 = %scan3A_36 to %scan3A_38 step %scan3A_39 iter_args(%scan3A_65 = %scan3A) -> (i32)  : i32 {
      %broadcast_in_dim3A = arith.constant 0.000000e+00 : f32
      %broadcast_in_dim3A_66 = vector.broadcast %broadcast_in_dim3A : f32 to vector<16xf32>
      %swap3A = arith.index_cast %scan3A_64 : i32 to index
      %swap3A_67 = arith.constant 0 : index
      %swap3A_68 = tpu.vector_load %arg9[%swap3A, %swap3A_67] {strides = array<i32>} : memref<40x128xf32, #tpu.memory_space<vmem>>, vector<1x16xf32>,
      %swap3A_69 = vector.shape_cast %swap3A_68 : vector<1x16xf32> to vector<16xf32>
      %swap3A_70 = vector.shape_cast %broadcast_in_dim3A_66 : vector<16xf32> to vector<1x16xf32>
      tpu.vector_store %arg9[%swap3A, %swap3A_67], %swap3A_70 {strides = array<i32>} : memref<40x128xf32, #tpu.memory_space<vmem>>, vector<1x16xf32>,
      %broadcast_in_dim3A_71 = arith.constant 0.000000e+00 : f32
      %broadcast_in_dim3A_72 = vector.broadcast %broadcast_in_dim3A_71 : f32 to vector<16xf32>
      %swap3A_73 = arith.index_cast %scan3A_64 : i32 to index
      %swap3A_74 = arith.constant 16 : index
      %swap3A_75 = tpu.vector_load %arg9[%swap3A_73, %swap3A_74] {strides = array<i32>} : memref<40x128xf32, #tpu.memory_space<vmem>>, vector<1x16xf32>,
      %swap3A_76 = vector.shape_cast %swap3A_75 : vector<1x16xf32> to vector<16xf32>
      %swap3A_77 = vector.shape_cast %broadcast_in_dim3A_72 : vector<16xf32> to vector<1x16xf32>
      tpu.vector_store %arg9[%swap3A_73, %swap3A_74], %swap3A_77 {strides = array<i32>} : memref<40x128xf32, #tpu.memory_space<vmem>>, vector<1x16xf32>,
      %broadcast_in_dim3A_78 = arith.constant 0.000000e+00 : f32
      %broadcast_in_dim3A_79 = vector.broadcast %broadcast_in_dim3A_78 : f32 to vector<16xf32>
      %swap3A_80 = arith.index_cast %scan3A_64 : i32 to index
      %swap3A_81 = arith.constant 32 : index
      %swap3A_82 = tpu.vector_load %arg9[%swap3A_80, %swap3A_81] {strides = array<i32>} : memref<40x128xf32, #tpu.memory_space<vmem>>, vector<1x16xf32>,
      %swap3A_83 = vector.shape_cast %swap3A_82 : vector<1x16xf32> to vector<16xf32>
      %swap3A_84 = vector.shape_cast %broadcast_in_dim3A_79 : vector<16xf32> to vector<1x16xf32>
      tpu.vector_store %arg9[%swap3A_80, %swap3A_81], %swap3A_84 {strides = array<i32>} : memref<40x128xf32, #tpu.memory_space<vmem>>, vector<1x16xf32>,
      %broadcast_in_dim3A_85 = arith.constant 0.000000e+00 : f32
      %broadcast_in_dim3A_86 = vector.broadcast %broadcast_in_dim3A_85 : f32 to vector<16xf32>
      %swap3A_87 = arith.index_cast %scan3A_64 : i32 to index
      %swap3A_88 = arith.constant 48 : index
      %swap3A_89 = tpu.vector_load %arg9[%swap3A_87, %swap3A_88] {strides = array<i32>} : memref<40x128xf32, #tpu.memory_space<vmem>>, vector<1x16xf32>,
      %swap3A_90 = vector.shape_cast %swap3A_89 : vector<1x16xf32> to vector<16xf32>
      %swap3A_91 = vector.shape_cast %broadcast_in_dim3A_86 : vector<16xf32> to vector<1x16xf32>
      tpu.vector_store %arg9[%swap3A_87, %swap3A_88], %swap3A_91 {strides = array<i32>} : memref<40x128xf32, #tpu.memory_space<vmem>>, vector<1x16xf32>,
      %broadcast_in_dim3A_92 = arith.constant 0.000000e+00 : f32
      %broadcast_in_dim3A_93 = vector.broadcast %broadcast_in_dim3A_92 : f32 to vector<16xf32>
      %swap3A_94 = arith.index_cast %scan3A_64 : i32 to index
      %swap3A_95 = arith.constant 64 : index
      %swap3A_96 = tpu.vector_load %arg9[%swap3A_94, %swap3A_95] {strides = array<i32>} : memref<40x128xf32, #tpu.memory_space<vmem>>, vector<1x16xf32>,
      %swap3A_97 = vector.shape_cast %swap3A_96 : vector<1x16xf32> to vector<16xf32>
      %swap3A_98 = vector.shape_cast %broadcast_in_dim3A_93 : vector<16xf32> to vector<1x16xf32>
      tpu.vector_store %arg9[%swap3A_94, %swap3A_95], %swap3A_98 {strides = array<i32>} : memref<40x128xf32, #tpu.memory_space<vmem>>, vector<1x16xf32>,
      %broadcast_in_dim3A_99 = arith.constant 0.000000e+00 : f32
      %broadcast_in_dim3A_100 = vector.broadcast %broadcast_in_dim3A_99 : f32 to vector<16xf32>
      %swap3A_101 = arith.index_cast %scan3A_64 : i32 to index
      %swap3A_102 = arith.constant 80 : index
      %swap3A_103 = tpu.vector_load %arg9[%swap3A_101, %swap3A_102] {strides = array<i32>} : memref<40x128xf32, #tpu.memory_space<vmem>>, vector<1x16xf32>,
      %swap3A_104 = vector.shape_cast %swap3A_103 : vector<1x16xf32> to vector<16xf32>
      %swap3A_105 = vector.shape_cast %broadcast_in_dim3A_100 : vector<16xf32> to vector<1x16xf32>
      tpu.vector_store %arg9[%swap3A_101, %swap3A_102], %swap3A_105 {strides = array<i32>} : memref<40x128xf32, #tpu.memory_space<vmem>>, vector<1x16xf32>,
      %broadcast_in_dim3A_106 = arith.constant 0.000000e+00 : f32
      %broadcast_in_dim3A_107 = vector.broadcast %broadcast_in_dim3A_106 : f32 to vector<16xf32>
      %swap3A_108 = arith.index_cast %scan3A_64 : i32 to index
      %swap3A_109 = arith.constant 96 : index
      %swap3A_110 = tpu.vector_load %arg9[%swap3A_108, %swap3A_109] {strides = array<i32>} : memref<40x128xf32, #tpu.memory_space<vmem>>, vector<1x16xf32>,
      %swap3A_111 = vector.shape_cast %swap3A_110 : vector<1x16xf32> to vector<16xf32>
      %swap3A_112 = vector.shape_cast %broadcast_in_dim3A_107 : vector<16xf32> to vector<1x16xf32>
      tpu.vector_store %arg9[%swap3A_108, %swap3A_109], %swap3A_112 {strides = array<i32>} : memref<40x128xf32, #tpu.memory_space<vmem>>, vector<1x16xf32>,
      %broadcast_in_dim3A_113 = arith.constant 0.000000e+00 : f32
      %broadcast_in_dim3A_114 = vector.broadcast %broadcast_in_dim3A_113 : f32 to vector<16xf32>
      %swap3A_115 = arith.index_cast %scan3A_64 : i32 to index
      %swap3A_116 = arith.constant 112 : index
      %swap3A_117 = tpu.vector_load %arg9[%swap3A_115, %swap3A_116] {strides = array<i32>} : memref<40x128xf32, #tpu.memory_space<vmem>>, vector<1x16xf32>,
      %swap3A_118 = vector.shape_cast %swap3A_117 : vector<1x16xf32> to vector<16xf32>
      %swap3A_119 = vector.shape_cast %broadcast_in_dim3A_114 : vector<16xf32> to vector<1x16xf32>
      tpu.vector_store %arg9[%swap3A_115, %swap3A_116], %swap3A_119 {strides = array<i32>} : memref<40x128xf32, #tpu.memory_space<vmem>>, vector<1x16xf32>,
      %scan3A_120 = arith.constant 0 : i32
      scf.yield %scan3A_120 : i32
    }
    %scan3A_41 = arith.constant 40 : i32
    %scan3A_42 = arith.constant 0 : i32
    %scan3A_43 = arith.constant 0 : i32
    %scan3A_44 = arith.constant 16 : i32
    %scan3A_45 = arith.addi %scan3A_43, %scan3A_44 : i32
    %scan3A_46 = arith.constant 1 : i32
    %scan3A_47 = scf.for %scan3A_64 = %scan3A_43 to %scan3A_45 step %scan3A_46 iter_args(%scan3A_65 = %scan3A_42) -> (i32)  : i32 {
      %mul3A_66 = arith.constant 640 : i32
      %mul3A_67 = arith.muli %arg1, %mul3A_66 : i32
      %mul3A_68 = arith.constant 40 : i32
      %mul3A_69 = arith.muli %scan3A_64, %mul3A_68 : i32
      %add3A_70 = arith.addi %mul3A_67, %mul3A_69 : i32
      "tpu.region"() ({
        %run_scoped3A = tpu.sem_alloc : memref<!tpu.dma_semaphore, #tpu.memory_space<semaphore_mem>>
        %dma_start3A_72 = arith.constant 0 : i32
        %dma_start3A_73 = tpu.memref_slice %arg10[%add3A_70, %dma_start3A_72] : memref<10240x128xf32, #tpu.memory_space<vmem_shared>> -> memref<40x128xf32, #tpu.memory_space<vmem_shared>>
        %dma_start3A_74 = arith.constant 0 : i32
        %dma_start3A_75 = tpu.memref_slice %arg10[%add3A_70, %dma_start3A_74] : memref<10240x128xf32, #tpu.memory_space<vmem_shared>> -> memref<40x128xf32, #tpu.memory_space<vmem_shared>>
        tpu.enqueue_dma source(%arg9 : memref<40x128xf32, #tpu.memory_space<vmem>>) target(%dma_start3A_75 : memref<40x128xf32, #tpu.memory_space<vmem_shared>>) target_semaphore(%run_scoped3A : memref<!tpu.dma_semaphore, #tpu.memory_space<semaphore_mem>>)
        %dma_wait3A = arith.constant 0 : i32
        %dma_wait3A_76 = tpu.memref_slice %arg10[%add3A_70, %dma_wait3A] : memref<10240x128xf32, #tpu.memory_space<vmem_shared>> -> memref<40x128xf32, #tpu.memory_space<vmem_shared>>
        %dma_wait3A_77 = arith.constant 0 : i32
        %dma_wait3A_78 = tpu.memref_slice %arg10[%add3A_70, %dma_wait3A_77] : memref<10240x128xf32, #tpu.memory_space<vmem_shared>> -> memref<40x128xf32, #tpu.memory_space<vmem_shared>>
        tpu.wait_dma2 semaphore(%run_scoped3A : memref<!tpu.dma_semaphore, #tpu.memory_space<semaphore_mem>>) src(%arg9 : memref<40x128xf32, #tpu.memory_space<vmem>>) dst(%dma_wait3A_78 : memref<40x128xf32, #tpu.memory_space<vmem_shared>>)
        tpu.yield
      }) : () -> ()
      %scan3A_71 = arith.constant 0 : i32
      scf.yield %scan3A_71 : i32
    }
    %scan3A_48 = arith.constant 16 : i32
    %barrier3A = arith.constant 0 : index
    tpu.barrier barrier_id(%barrier3A)
    %scan3A_49 = arith.constant 0 : i32
    %scan3A_50 = arith.constant 0 : i32
    %scan3A_51 = arith.constant 5 : i32
    %scan3A_52 = arith.addi %scan3A_50, %scan3A_51 : i32
    %scan3A_53 = arith.constant 1 : i32
    %scan3A_54 = scf.for %scan3A_64 = %scan3A_50 to %scan3A_52 step %scan3A_53 iter_args(%scan3A_65 = %scan3A_49) -> (i32)  : i32 {
      %jit3A = arith.constant 2 : i32
      %eq3A = arith.constant 0 : i32
      %eq3A_66 = arith.cmpi eq, %jit3A, %eq3A : i32
      %jit3A_67 = arith.constant 1 : i32
      %select_n3A = arith.select %eq3A_66, %jit3A_67, %jit3A : i32
      %rem3A = arith.remsi %scan3A_64, %select_n3A : i32
      %ne3A = arith.constant 0 : i32
      %ne3A_68 = arith.cmpi ne, %rem3A, %ne3A : i32
      %lt3A = arith.constant 0 : i32
      %lt3A_69 = arith.cmpi slt, %rem3A, %lt3A : i32
      %lt3A_70 = arith.constant 0 : i32
      %lt3A_71 = arith.cmpi slt, %select_n3A, %lt3A_70 : i32
      %ne3A_72 = arith.xori %lt3A_69, %lt3A_71 : i1
      %and3A = arith.andi %ne3A_72, %ne3A_68 : i1
      %add3A_73 = arith.addi %rem3A, %select_n3A : i32
      %select_n3A_74 = arith.select %and3A, %add3A_73, %rem3A : i32
      %dma_wait3A = arith.constant 0 : i32
      %dma_wait3A_75 = arith.constant 0 : i32
      %dma_wait3A_76 = arith.constant 0 : i32
      %dma_wait3A_77 = tpu.memref_slice %arg5[%select_n3A_74, %dma_wait3A_75, %dma_wait3A_76] : memref<2x16x125xi32, #tpu.memory_space<vmem>> -> memref<1x16x125xi32, #tpu.memory_space<vmem>>
      %dma_wait3A_78 = tpu.memref_squeeze %dma_wait3A_77 : memref<1x16x125xi32, #tpu.memory_space<vmem>> -> memref<16x125xi32, #tpu.memory_space<vmem>>
      %dma_wait3A_79 = arith.constant 0 : i32
      %dma_wait3A_80 = arith.constant 0 : i32
      %dma_wait3A_81 = tpu.memref_slice %arg3[%dma_wait3A, %dma_wait3A_79, %dma_wait3A_80] : memref<2x2560x125xi32, #tpu.memory_space<hbm>> -> memref<1x16x125xi32, #tpu.memory_space<hbm>>
      %dma_wait3A_82 = tpu.memref_squeeze %dma_wait3A_81 : memref<1x16x125xi32, #tpu.memory_space<hbm>> -> memref<16x125xi32, #tpu.memory_space<hbm>>
      %dma_wait3A_83 = arith.constant 0 : i32
      %dma_wait3A_84 = arith.constant 0 : i32
      %dma_wait3A_85 = tpu.memref_slice %arg5[%select_n3A_74, %dma_wait3A_83, %dma_wait3A_84] : memref<2x16x125xi32, #tpu.memory_space<vmem>> -> memref<1x16x125xi32, #tpu.memory_space<vmem>>
      %dma_wait3A_86 = tpu.memref_squeeze %dma_wait3A_85 : memref<1x16x125xi32, #tpu.memory_space<vmem>> -> memref<16x125xi32, #tpu.memory_space<vmem>>
      %dma_wait3A_87 = arith.constant 0 : i32
      %dma_wait3A_88 = arith.constant 0 : i32
      %dma_wait3A_89 = tpu.memref_slice %arg3[%dma_wait3A, %dma_wait3A_87, %dma_wait3A_88] : memref<2x2560x125xi32, #tpu.memory_space<hbm>> -> memref<1x16x125xi32, #tpu.memory_space<hbm>>
      %dma_wait3A_90 = tpu.memref_squeeze %dma_wait3A_89 : memref<1x16x125xi32, #tpu.memory_space<hbm>> -> memref<16x125xi32, #tpu.memory_space<hbm>>
      tpu.wait_dma2 semaphore(%arg13 : memref<!tpu.dma_semaphore, #tpu.memory_space<semaphore_mem>>) src(%dma_wait3A_90 : memref<16x125xi32, #tpu.memory_space<hbm>>) dst(%dma_wait3A_86 : memref<16x125xi32, #tpu.memory_space<vmem>>)
      %dma_wait3A_91 = arith.constant 1 : i32
      %dma_wait3A_92 = arith.constant 0 : i32
      %dma_wait3A_93 = arith.constant 0 : i32
      %dma_wait3A_94 = tpu.memref_slice %arg6[%select_n3A_74, %dma_wait3A_92, %dma_wait3A_93] : memref<2x16x125xi32, #tpu.memory_space<vmem>> -> memref<1x16x125xi32, #tpu.memory_space<vmem>>
      %dma_wait3A_95 = tpu.memref_squeeze %dma_wait3A_94 : memref<1x16x125xi32, #tpu.memory_space<vmem>> -> memref<16x125xi32, #tpu.memory_space<vmem>>
      %dma_wait3A_96 = arith.constant 0 : i32
      %dma_wait3A_97 = arith.constant 0 : i32
      %dma_wait3A_98 = tpu.memref_slice %arg3[%dma_wait3A_91, %dma_wait3A_96, %dma_wait3A_97] : memref<2x2560x125xi32, #tpu.memory_space<hbm>> -> memref<1x16x125xi32, #tpu.memory_space<hbm>>
      %dma_wait3A_99 = tpu.memref_squeeze %dma_wait3A_98 : memref<1x16x125xi32, #tpu.memory_space<hbm>> -> memref<16x125xi32, #tpu.memory_space<hbm>>
      %dma_wait3A_100 = arith.constant 0 : i32
      %dma_wait3A_101 = arith.constant 0 : i32
      %dma_wait3A_102 = tpu.memref_slice %arg6[%select_n3A_74, %dma_wait3A_100, %dma_wait3A_101] : memref<2x16x125xi32, #tpu.memory_space<vmem>> -> memref<1x16x125xi32, #tpu.memory_space<vmem>>
      %dma_wait3A_103 = tpu.memref_squeeze %dma_wait3A_102 : memref<1x16x125xi32, #tpu.memory_space<vmem>> -> memref<16x125xi32, #tpu.memory_space<vmem>>
      %dma_wait3A_104 = arith.constant 0 : i32
      %dma_wait3A_105 = arith.constant 0 : i32
      %dma_wait3A_106 = tpu.memref_slice %arg3[%dma_wait3A_91, %dma_wait3A_104, %dma_wait3A_105] : memref<2x2560x125xi32, #tpu.memory_space<hbm>> -> memref<1x16x125xi32, #tpu.memory_space<hbm>>
      %dma_wait3A_107 = tpu.memref_squeeze %dma_wait3A_106 : memref<1x16x125xi32, #tpu.memory_space<hbm>> -> memref<16x125xi32, #tpu.memory_space<hbm>>
      tpu.wait_dma2 semaphore(%arg13 : memref<!tpu.dma_semaphore, #tpu.memory_space<semaphore_mem>>) src(%dma_wait3A_107 : memref<16x125xi32, #tpu.memory_space<hbm>>) dst(%dma_wait3A_103 : memref<16x125xi32, #tpu.memory_space<vmem>>)
      %add3A_108 = arith.constant 1 : i32
      %add3A_109 = arith.addi %scan3A_64, %add3A_108 : i32
      %lt3A_110 = arith.constant 5 : i32
      %lt3A_111 = arith.cmpi slt, %add3A_109, %lt3A_110 : i32
      %convert_element_type3A = arith.extui %lt3A_111 : i1 to i32
      %cond3A = arith.constant 0 : i32
      %cond3A_112 = arith.cmpi ne, %convert_element_type3A, %cond3A : i32
      scf.if %cond3A_112 {
        %mul3A_128 = arith.constant 80 : i32
        %mul3A_129 = arith.muli %add3A, %mul3A_128 : i32
        %add3A_130 = arith.constant 1 : i32
        %add3A_131 = arith.addi %scan3A_64, %add3A_130 : i32
        %mul3A_132 = arith.constant 16 : i32
        %mul3A_133 = arith.muli %add3A_131, %mul3A_132 : i32
        %add3A_134 = arith.addi %mul3A_129, %mul3A_133 : i32
        %sub3A = arith.constant 1 : i32
        %sub3A_135 = arith.subi %sub3A, %select_n3A_74 : i32
        %dma_start3A_136 = arith.constant 0 : i32
        %dma_start3A_137 = arith.constant 0 : i32
        %dma_start3A_138 = arith.constant 0 : i32
        %dma_start3A_139 = tpu.memref_slice %arg5[%sub3A_135, %dma_start3A_137, %dma_start3A_138] : memref<2x16x125xi32, #tpu.memory_space<vmem>> -> memref<1x16x125xi32, #tpu.memory_space<vmem>>
        %dma_start3A_140 = tpu.memref_squeeze %dma_start3A_139 : memref<1x16x125xi32, #tpu.memory_space<vmem>> -> memref<16x125xi32, #tpu.memory_space<vmem>>
        %dma_start3A_141 = arith.constant 0 : i32
        %dma_start3A_142 = tpu.memref_slice %arg3[%dma_start3A_136, %add3A_134, %dma_start3A_141] : memref<2x2560x125xi32, #tpu.memory_space<hbm>> -> memref<1x16x125xi32, #tpu.memory_space<hbm>>
        %dma_start3A_143 = tpu.memref_squeeze %dma_start3A_142 : memref<1x16x125xi32, #tpu.memory_space<hbm>> -> memref<16x125xi32, #tpu.memory_space<hbm>>
        %dma_start3A_144 = arith.constant 0 : i32
        %dma_start3A_145 = arith.constant 0 : i32
        %dma_start3A_146 = tpu.memref_slice %arg5[%sub3A_135, %dma_start3A_144, %dma_start3A_145] : memref<2x16x125xi32, #tpu.memory_space<vmem>> -> memref<1x16x125xi32, #tpu.memory_space<vmem>>
        %dma_start3A_147 = tpu.memref_squeeze %dma_start3A_146 : memref<1x16x125xi32, #tpu.memory_space<vmem>> -> memref<16x125xi32, #tpu.memory_space<vmem>>
        %dma_start3A_148 = arith.constant 0 : i32
        %dma_start3A_149 = tpu.memref_slice %arg3[%dma_start3A_136, %add3A_134, %dma_start3A_148] : memref<2x2560x125xi32, #tpu.memory_space<hbm>> -> memref<1x16x125xi32, #tpu.memory_space<hbm>>
        %dma_start3A_150 = tpu.memref_squeeze %dma_start3A_149 : memref<1x16x125xi32, #tpu.memory_space<hbm>> -> memref<16x125xi32, #tpu.memory_space<hbm>>
        tpu.enqueue_dma source(%dma_start3A_150 : memref<16x125xi32, #tpu.memory_space<hbm>>) target(%dma_start3A_147 : memref<16x125xi32, #tpu.memory_space<vmem>>) target_semaphore(%arg13 : memref<!tpu.dma_semaphore, #tpu.memory_space<semaphore_mem>>)
        %sub3A_151 = arith.constant 1 : i32
        %sub3A_152 = arith.subi %sub3A_151, %select_n3A_74 : i32
        %dma_start3A_153 = arith.constant 1 : i32
        %dma_start3A_154 = arith.constant 0 : i32
        %dma_start3A_155 = arith.constant 0 : i32
        %dma_start3A_156 = tpu.memref_slice %arg6[%sub3A_152, %dma_start3A_154, %dma_start3A_155] : memref<2x16x125xi32, #tpu.memory_space<vmem>> -> memref<1x16x125xi32, #tpu.memory_space<vmem>>
        %dma_start3A_157 = tpu.memref_squeeze %dma_start3A_156 : memref<1x16x125xi32, #tpu.memory_space<vmem>> -> memref<16x125xi32, #tpu.memory_space<vmem>>
        %dma_start3A_158 = arith.constant 0 : i32
        %dma_start3A_159 = tpu.memref_slice %arg3[%dma_start3A_153, %add3A_134, %dma_start3A_158] : memref<2x2560x125xi32, #tpu.memory_space<hbm>> -> memref<1x16x125xi32, #tpu.memory_space<hbm>>
        %dma_start3A_160 = tpu.memref_squeeze %dma_start3A_159 : memref<1x16x125xi32, #tpu.memory_space<hbm>> -> memref<16x125xi32, #tpu.memory_space<hbm>>
        %dma_start3A_161 = arith.constant 0 : i32
        %dma_start3A_162 = arith.constant 0 : i32
        %dma_start3A_163 = tpu.memref_slice %arg6[%sub3A_152, %dma_start3A_161, %dma_start3A_162] : memref<2x16x125xi32, #tpu.memory_space<vmem>> -> memref<1x16x125xi32, #tpu.memory_space<vmem>>
        %dma_start3A_164 = tpu.memref_squeeze %dma_start3A_163 : memref<1x16x125xi32, #tpu.memory_space<vmem>> -> memref<16x125xi32, #tpu.memory_space<vmem>>
        %dma_start3A_165 = arith.constant 0 : i32
        %dma_start3A_166 = tpu.memref_slice %arg3[%dma_start3A_153, %add3A_134, %dma_start3A_165] : memref<2x2560x125xi32, #tpu.memory_space<hbm>> -> memref<1x16x125xi32, #tpu.memory_space<hbm>>
        %dma_start3A_167 = tpu.memref_squeeze %dma_start3A_166 : memref<1x16x125xi32, #tpu.memory_space<hbm>> -> memref<16x125xi32, #tpu.memory_space<hbm>>
        tpu.enqueue_dma source(%dma_start3A_167 : memref<16x125xi32, #tpu.memory_space<hbm>>) target(%dma_start3A_164 : memref<16x125xi32, #tpu.memory_space<vmem>>) target_semaphore(%arg13 : memref<!tpu.dma_semaphore, #tpu.memory_space<semaphore_mem>>)
      } else {
      }
      %dma_start3A_113 = arith.constant 0 : i32
      %dma_start3A_114 = arith.constant 0 : i32
      %dma_start3A_115 = tpu.memref_slice %arg5[%select_n3A_74, %dma_start3A_113, %dma_start3A_114] : memref<2x16x125xi32, #tpu.memory_space<vmem>> -> memref<1x1x125xi32, #tpu.memory_space<vmem>>
      %dma_start3A_116 = tpu.memref_squeeze %dma_start3A_115 : memref<1x1x125xi32, #tpu.memory_space<vmem>> -> memref<125xi32, #tpu.memory_space<vmem>>
      %dma_start3A_117 = arith.constant 0 : i32
      %dma_start3A_118 = arith.constant 0 : i32
      %dma_start3A_119 = tpu.memref_slice %arg2[%dma_start3A_117, %dma_start3A_118] : memref<10000x128xf32, #tpu.memory_space<hbm>> -> memref<10000x128xf32, #tpu.memory_space<hbm>>
      tpu.enqueue_indirect_dma source(%dma_start3A_119 : memref<10000x128xf32, #tpu.memory_space<hbm>>) target(%arg7 : memref<125x128xf32, #tpu.memory_space<vmem>>) offsets(%dma_start3A_116 : memref<125xi32, #tpu.memory_space<vmem>>) semaphore(%arg11 : memref<!tpu.dma_semaphore, #tpu.memory_space<semaphore_mem>>)
      %scan3A_120 = arith.constant 0 : i32
      %scan3A_121 = arith.constant 0 : i32
      %scan3A_122 = arith.constant 8 : i32
      %scan3A_123 = arith.addi %scan3A_121, %scan3A_122 : i32
      %scan3A_124 = arith.constant 1 : i32
      %scan3A_125 = scf.for %scan3A_128 = %scan3A_121 to %scan3A_123 step %scan3A_124 iter_args(%scan3A_129 = %scan3A_120) -> (i32)  : i32 {
        %mul3A_130 = arith.constant 2 : i32
        %mul3A_131 = arith.muli %mul3A_130, %scan3A_128 : i32
        %add3A_132 = arith.constant 1 : i32
        %add3A_133 = arith.addi %mul3A_131, %add3A_132 : i32
        %dma_start3A_134 = arith.constant 0 : i32
        %dma_start3A_135 = tpu.memref_slice %arg5[%select_n3A_74, %add3A_133, %dma_start3A_134] : memref<2x16x125xi32, #tpu.memory_space<vmem>> -> memref<1x1x125xi32, #tpu.memory_space<vmem>>
        %dma_start3A_136 = tpu.memref_squeeze %dma_start3A_135 : memref<1x1x125xi32, #tpu.memory_space<vmem>> -> memref<125xi32, #tpu.memory_space<vmem>>
        %dma_start3A_137 = arith.constant 0 : i32
        %dma_start3A_138 = arith.constant 0 : i32
        %dma_start3A_139 = tpu.memref_slice %arg2[%dma_start3A_137, %dma_start3A_138] : memref<10000x128xf32, #tpu.memory_space<hbm>> -> memref<10000x128xf32, #tpu.memory_space<hbm>>
        tpu.enqueue_indirect_dma source(%dma_start3A_139 : memref<10000x128xf32, #tpu.memory_space<hbm>>) target(%arg8 : memref<125x128xf32, #tpu.memory_space<vmem>>) offsets(%dma_start3A_136 : memref<125xi32, #tpu.memory_space<vmem>>) semaphore(%arg12 : memref<!tpu.dma_semaphore, #tpu.memory_space<semaphore_mem>>)
        %dma_wait3A_140 = arith.constant 0 : i32
        %dma_wait3A_141 = tpu.memref_slice %arg5[%select_n3A_74, %mul3A_131, %dma_wait3A_140] : memref<2x16x125xi32, #tpu.memory_space<vmem>> -> memref<1x1x125xi32, #tpu.memory_space<vmem>>
        %dma_wait3A_142 = tpu.memref_squeeze %dma_wait3A_141 : memref<1x1x125xi32, #tpu.memory_space<vmem>> -> memref<125xi32, #tpu.memory_space<vmem>>
        %dma_wait3A_143 = arith.constant 0 : i32
        %dma_wait3A_144 = arith.constant 0 : i32
        %dma_wait3A_145 = tpu.memref_slice %arg2[%dma_wait3A_143, %dma_wait3A_144] : memref<10000x128xf32, #tpu.memory_space<hbm>> -> memref<10000x128xf32, #tpu.memory_space<hbm>>
        tpu.wait_indirect_dma semaphore(%arg11 : memref<!tpu.dma_semaphore, #tpu.memory_space<semaphore_mem>>) src(%dma_wait3A_145 : memref<10000x128xf32, #tpu.memory_space<hbm>>) dst(%arg7 : memref<125x128xf32, #tpu.memory_space<vmem>>)
        "tpu.region"() ({
          %run_scoped3A = tpu.sem_alloc : memref<!tpu.dma_semaphore, #tpu.memory_space<semaphore_mem>>
          %dma_start3A_160 = arith.constant 0 : i32
          %dma_start3A_161 = tpu.memref_slice %arg6[%select_n3A_74, %mul3A_131, %dma_start3A_160] : memref<2x16x125xi32, #tpu.memory_space<vmem>> -> memref<1x1x125xi32, #tpu.memory_space<vmem>>
          %dma_start3A_162 = tpu.memref_squeeze %dma_start3A_161 : memref<1x1x125xi32, #tpu.memory_space<vmem>> -> memref<125xi32, #tpu.memory_space<vmem>>
          %dma_start3A_163 = arith.constant 0 : i32
          %dma_start3A_164 = arith.constant 0 : i32
          %dma_start3A_165 = tpu.memref_slice %arg10[%dma_start3A_163, %dma_start3A_164] : memref<10240x128xf32, #tpu.memory_space<vmem_shared>> -> memref<10240x128xf32, #tpu.memory_space<vmem_shared>>
          tpu.enqueue_indirect_dma source(%arg7 : memref<125x128xf32, #tpu.memory_space<vmem>>) target(%dma_start3A_165 : memref<10240x128xf32, #tpu.memory_space<vmem_shared>>) offsets(%dma_start3A_162 : memref<125xi32, #tpu.memory_space<vmem>>) semaphore(%run_scoped3A : memref<!tpu.dma_semaphore, #tpu.memory_space<semaphore_mem>>) {add = true}
          %dma_wait3A_166 = arith.constant 0 : i32
          %dma_wait3A_167 = tpu.memref_slice %arg6[%select_n3A_74, %mul3A_131, %dma_wait3A_166] : memref<2x16x125xi32, #tpu.memory_space<vmem>> -> memref<1x1x125xi32, #tpu.memory_space<vmem>>
          %dma_wait3A_168 = tpu.memref_squeeze %dma_wait3A_167 : memref<1x1x125xi32, #tpu.memory_space<vmem>> -> memref<125xi32, #tpu.memory_space<vmem>>
          %dma_wait3A_169 = arith.constant 0 : i32
          %dma_wait3A_170 = arith.constant 0 : i32
          %dma_wait3A_171 = tpu.memref_slice %arg10[%dma_wait3A_169, %dma_wait3A_170] : memref<10240x128xf32, #tpu.memory_space<vmem_shared>> -> memref<10240x128xf32, #tpu.memory_space<vmem_shared>>
          tpu.wait_indirect_dma semaphore(%run_scoped3A : memref<!tpu.dma_semaphore, #tpu.memory_space<semaphore_mem>>) src(%arg7 : memref<125x128xf32, #tpu.memory_space<vmem>>) dst(%dma_wait3A_171 : memref<10240x128xf32, #tpu.memory_space<vmem_shared>>)
          tpu.yield
        }) : () -> ()
        %add3A_146 = arith.constant 1 : i32
        %add3A_147 = arith.addi %scan3A_128, %add3A_146 : i32
        %lt3A_148 = arith.constant 8 : i32
        %lt3A_149 = arith.cmpi slt, %add3A_147, %lt3A_148 : i32
        %convert_element_type3A_150 = arith.extui %lt3A_149 : i1 to i32
        %cond3A_151 = arith.constant 0 : i32
        %cond3A_152 = arith.cmpi ne, %convert_element_type3A_150, %cond3A_151 : i32
        scf.if %cond3A_152 {
          %add3A_160 = arith.constant 2 : i32
          %add3A_161 = arith.addi %mul3A_131, %add3A_160 : i32
          %dma_start3A_162 = arith.constant 0 : i32
          %dma_start3A_163 = tpu.memref_slice %arg5[%select_n3A_74, %add3A_161, %dma_start3A_162] : memref<2x16x125xi32, #tpu.memory_space<vmem>> -> memref<1x1x125xi32, #tpu.memory_space<vmem>>
          %dma_start3A_164 = tpu.memref_squeeze %dma_start3A_163 : memref<1x1x125xi32, #tpu.memory_space<vmem>> -> memref<125xi32, #tpu.memory_space<vmem>>
          %dma_start3A_165 = arith.constant 0 : i32
          %dma_start3A_166 = arith.constant 0 : i32
          %dma_start3A_167 = tpu.memref_slice %arg2[%dma_start3A_165, %dma_start3A_166] : memref<10000x128xf32, #tpu.memory_space<hbm>> -> memref<10000x128xf32, #tpu.memory_space<hbm>>
          tpu.enqueue_indirect_dma source(%dma_start3A_167 : memref<10000x128xf32, #tpu.memory_space<hbm>>) target(%arg7 : memref<125x128xf32, #tpu.memory_space<vmem>>) offsets(%dma_start3A_164 : memref<125xi32, #tpu.memory_space<vmem>>) semaphore(%arg11 : memref<!tpu.dma_semaphore, #tpu.memory_space<semaphore_mem>>)
        } else {
        }
        %dma_wait3A_153 = arith.constant 0 : i32
        %dma_wait3A_154 = tpu.memref_slice %arg5[%select_n3A_74, %add3A_133, %dma_wait3A_153] : memref<2x16x125xi32, #tpu.memory_space<vmem>> -> memref<1x1x125xi32, #tpu.memory_space<vmem>>
        %dma_wait3A_155 = tpu.memref_squeeze %dma_wait3A_154 : memref<1x1x125xi32, #tpu.memory_space<vmem>> -> memref<125xi32, #tpu.memory_space<vmem>>
        %dma_wait3A_156 = arith.constant 0 : i32
        %dma_wait3A_157 = arith.constant 0 : i32
        %dma_wait3A_158 = tpu.memref_slice %arg2[%dma_wait3A_156, %dma_wait3A_157] : memref<10000x128xf32, #tpu.memory_space<hbm>> -> memref<10000x128xf32, #tpu.memory_space<hbm>>
        tpu.wait_indirect_dma semaphore(%arg12 : memref<!tpu.dma_semaphore, #tpu.memory_space<semaphore_mem>>) src(%dma_wait3A_158 : memref<10000x128xf32, #tpu.memory_space<hbm>>) dst(%arg8 : memref<125x128xf32, #tpu.memory_space<vmem>>)
        "tpu.region"() ({
          %run_scoped3A = tpu.sem_alloc : memref<!tpu.dma_semaphore, #tpu.memory_space<semaphore_mem>>
          %dma_start3A_160 = arith.constant 0 : i32
          %dma_start3A_161 = tpu.memref_slice %arg6[%select_n3A_74, %add3A_133, %dma_start3A_160] : memref<2x16x125xi32, #tpu.memory_space<vmem>> -> memref<1x1x125xi32, #tpu.memory_space<vmem>>
          %dma_start3A_162 = tpu.memref_squeeze %dma_start3A_161 : memref<1x1x125xi32, #tpu.memory_space<vmem>> -> memref<125xi32, #tpu.memory_space<vmem>>
          %dma_start3A_163 = arith.constant 0 : i32
          %dma_start3A_164 = arith.constant 0 : i32
          %dma_start3A_165 = tpu.memref_slice %arg10[%dma_start3A_163, %dma_start3A_164] : memref<10240x128xf32, #tpu.memory_space<vmem_shared>> -> memref<10240x128xf32, #tpu.memory_space<vmem_shared>>
          tpu.enqueue_indirect_dma source(%arg8 : memref<125x128xf32, #tpu.memory_space<vmem>>) target(%dma_start3A_165 : memref<10240x128xf32, #tpu.memory_space<vmem_shared>>) offsets(%dma_start3A_162 : memref<125xi32, #tpu.memory_space<vmem>>) semaphore(%run_scoped3A : memref<!tpu.dma_semaphore, #tpu.memory_space<semaphore_mem>>) {add = true}
          %dma_wait3A_166 = arith.constant 0 : i32
          %dma_wait3A_167 = tpu.memref_slice %arg6[%select_n3A_74, %add3A_133, %dma_wait3A_166] : memref<2x16x125xi32, #tpu.memory_space<vmem>> -> memref<1x1x125xi32, #tpu.memory_space<vmem>>
          %dma_wait3A_168 = tpu.memref_squeeze %dma_wait3A_167 : memref<1x1x125xi32, #tpu.memory_space<vmem>> -> memref<125xi32, #tpu.memory_space<vmem>>
          %dma_wait3A_169 = arith.constant 0 : i32
          %dma_wait3A_170 = arith.constant 0 : i32
          %dma_wait3A_171 = tpu.memref_slice %arg10[%dma_wait3A_169, %dma_wait3A_170] : memref<10240x128xf32, #tpu.memory_space<vmem_shared>> -> memref<10240x128xf32, #tpu.memory_space<vmem_shared>>
          tpu.wait_indirect_dma semaphore(%run_scoped3A : memref<!tpu.dma_semaphore, #tpu.memory_space<semaphore_mem>>) src(%arg8 : memref<125x128xf32, #tpu.memory_space<vmem>>) dst(%dma_wait3A_171 : memref<10240x128xf32, #tpu.memory_space<vmem_shared>>)
          tpu.yield
        }) : () -> ()
        %scan3A_159 = arith.constant 0 : i32
        scf.yield %scan3A_159 : i32
      }
      %scan3A_126 = arith.constant 8 : i32
      %scan3A_127 = arith.constant 0 : i32
      scf.yield %scan3A_127 : i32
    }
    %scan3A_55 = arith.constant 5 : i32
    %barrier3A_56 = arith.constant 0 : index
    tpu.barrier barrier_id(%barrier3A_56)
    %scan3A_57 = arith.constant 0 : i32
    %scan3A_58 = arith.constant 0 : i32
    %scan3A_59 = arith.constant 5 : i32
    %scan3A_60 = arith.addi %scan3A_58, %scan3A_59 : i32
    %scan3A_61 = arith.constant 1 : i32
    %scan3A_62 = scf.for %scan3A_64 = %scan3A_58 to %scan3A_60 step %scan3A_61 iter_args(%scan3A_65 = %scan3A_57) -> (i32)  : i32 {
      %mul3A_66 = arith.constant 640 : i32
      %mul3A_67 = arith.muli %arg1, %mul3A_66 : i32
      %mul3A_68 = arith.constant 128 : i32
      %mul3A_69 = arith.muli %scan3A_64, %mul3A_68 : i32
      %add3A_70 = arith.addi %mul3A_67, %mul3A_69 : i32
      "tpu.region"() ({
        %run_scoped3A = tpu.sem_alloc : memref<!tpu.dma_semaphore, #tpu.memory_space<semaphore_mem>>
        %dma_start3A_72 = arith.constant 0 : i32
        %dma_start3A_73 = tpu.memref_slice %arg4[%arg0, %add3A_70, %dma_start3A_72] : memref<2x10240x128xf32, #tpu.memory_space<hbm>> -> memref<1x128x128xf32, #tpu.memory_space<hbm>>
        %dma_start3A_74 = tpu.memref_squeeze %dma_start3A_73 : memref<1x128x128xf32, #tpu.memory_space<hbm>> -> memref<128x128xf32, #tpu.memory_space<hbm>>
        %dma_start3A_75 = arith.constant 0 : i32
        %dma_start3A_76 = tpu.memref_slice %arg10[%add3A_70, %dma_start3A_75] : memref<10240x128xf32, #tpu.memory_space<vmem_shared>> -> memref<128x128xf32, #tpu.memory_space<vmem_shared>>
        tpu.enqueue_dma source(%dma_start3A_76 : memref<128x128xf32, #tpu.memory_space<vmem_shared>>) target(%dma_start3A_74 : memref<128x128xf32, #tpu.memory_space<hbm>>) target_semaphore(%run_scoped3A : memref<!tpu.dma_semaphore, #tpu.memory_space<semaphore_mem>>)
        %dma_wait3A = arith.constant 0 : i32
        %dma_wait3A_77 = tpu.memref_slice %arg4[%arg0, %add3A_70, %dma_wait3A] : memref<2x10240x128xf32, #tpu.memory_space<hbm>> -> memref<1x128x128xf32, #tpu.memory_space<hbm>>
        %dma_wait3A_78 = tpu.memref_squeeze %dma_wait3A_77 : memref<1x128x128xf32, #tpu.memory_space<hbm>> -> memref<128x128xf32, #tpu.memory_space<hbm>>
        %dma_wait3A_79 = arith.constant 0 : i32
        %dma_wait3A_80 = tpu.memref_slice %arg10[%add3A_70, %dma_wait3A_79] : memref<10240x128xf32, #tpu.memory_space<vmem_shared>> -> memref<128x128xf32, #tpu.memory_space<vmem_shared>>
        tpu.wait_dma2 semaphore(%run_scoped3A : memref<!tpu.dma_semaphore, #tpu.memory_space<semaphore_mem>>) src(%dma_wait3A_80 : memref<128x128xf32, #tpu.memory_space<vmem_shared>>) dst(%dma_wait3A_78 : memref<128x128xf32, #tpu.memory_space<hbm>>)
        tpu.yield
      }) : () -> ()
      %scan3A_71 = arith.constant 0 : i32
      scf.yield %scan3A_71 : i32
    }
    %scan3A_63 = arith.constant 5 : i32
    return
  }
}

module attributes {stable_mosaic.version = 14 : i64} {
  func.func @_out_body(%arg0: i32, %arg1: memref<2000x128xf32, #tpu.memory_space<vmem>>, %arg2: memref<2000x128xf32, #tpu.memory_space<vmem>>, %arg3: memref<2x2000x128xf32, #tpu.memory_space<vmem>>, %arg4: memref<2000x128xf32, #tpu.memory_space<vmem>>, %arg5: memref<384x128xf32, #tpu.memory_space<vmem>>, %arg6: memref<1x128xf32, #tpu.memory_space<vmem>>, %arg7: memref<2000x128xf32, #tpu.memory_space<vmem>>, %arg8: memref<2000x128xf32, #tpu.memory_space<vmem>>) attributes {dimension_semantics = [#tpu.dimension_semantics<arbitrary>], iteration_bounds = array<i64: 5>, scalar_prefetch = 0 : i64, scratch_operands = 0 : i64, tpu.core_type = #tpu.core_type<tc>, window_params = [{transform_indices = @transform_0, window_bounds = array<i64: 2000, 128>}, {transform_indices = @transform_1, window_bounds = array<i64: 2000, 128>}, {transform_indices = @transform_2, window_bounds = array<i64: 2, 2000, 128>}, {transform_indices = @transform_3, window_bounds = array<i64: 2000, 128>}, {pipeline_mode = #tpu.pipeline_mode<synchronous>, transform_indices = @transform_4, window_bounds = array<i64: 384, 128>}, {pipeline_mode = #tpu.pipeline_mode<synchronous>, transform_indices = @transform_5, window_bounds = array<i64: 1, 128>}, {transform_indices = @transform_6, window_bounds = array<i64: 2000, 128>}, {transform_indices = @transform_7, window_bounds = array<i64: 2000, 128>}]} {
    %get3A = arith.constant 0 : index
    %get3A_0 = arith.constant 0 : index
    %get3A_1 = arith.constant 0 : index
    %get3A_2 = vector.load %arg3[%get3A, %get3A_0, %get3A_1] : memref<2x2000x128xf32, #tpu.memory_space<vmem>>, vector<2x2000x128xf32>
    %slice3A = vector.extract_strided_slice %get3A_2 {offsets = [0, 0, 0], sizes = [1, 2000, 128], strides = [1, 1, 1]} : vector<2x2000x128xf32> to vector<1x2000x128xf32>
    %squeeze3A = vector.shape_cast %slice3A : vector<1x2000x128xf32> to vector<2000x128xf32>
    %slice3A_3 = vector.extract_strided_slice %get3A_2 {offsets = [1, 0, 0], sizes = [1, 2000, 128], strides = [1, 1, 1]} : vector<2x2000x128xf32> to vector<1x2000x128xf32>
    %squeeze3A_4 = vector.shape_cast %slice3A_3 : vector<1x2000x128xf32> to vector<2000x128xf32>
    %add3A = arith.addf %squeeze3A, %squeeze3A_4 : vector<2000x128xf32>
    %get3A_5 = arith.constant 0 : index
    %get3A_6 = arith.constant 0 : index
    %get3A_7 = vector.load %arg4[%get3A_5, %get3A_6] : memref<2000x128xf32, #tpu.memory_space<vmem>>, vector<2000x128xf32>
    %mul3A = arith.mulf %add3A, %get3A_7 : vector<2000x128xf32>
    %get3A_8 = arith.constant 0 : index
    %get3A_9 = arith.constant 0 : index
    %get3A_10 = vector.load %arg5[%get3A_8, %get3A_9] : memref<384x128xf32, #tpu.memory_space<vmem>>, vector<384x128xf32>
    %get3A_11 = arith.constant 0 : index
    %get3A_12 = arith.constant 0 : index
    %get3A_13 = vector.load %arg1[%get3A_11, %get3A_12] : memref<2000x128xf32, #tpu.memory_space<vmem>>, vector<2000x128xf32>
    %slice3A_14 = vector.extract_strided_slice %get3A_10 {offsets = [0, 0], sizes = [128, 128], strides = [1, 1]} : vector<384x128xf32> to vector<128x128xf32>
    %dot_general3A = arith.constant dense<0.000000e+00> : vector<2000x128xf32>
    %dot_general3A_15 = tpu.matmul %get3A_13, %slice3A_14, %dot_general3A {dimension_numbers = #tpu.dot_dimension_numbers<[1], [0], [0], [1], [0, 0, 1, 1], [], []>, transpose_lhs_hint = false} : vector<2000x128xf32>, vector<128x128xf32>, vector<2000x128xf32> -> vector<2000x128xf32>
    %get3A_16 = arith.constant 0 : index
    %get3A_17 = arith.constant 0 : index
    %get3A_18 = vector.load %arg2[%get3A_16, %get3A_17] : memref<2000x128xf32, #tpu.memory_space<vmem>>, vector<2000x128xf32>
    %slice3A_19 = vector.extract_strided_slice %get3A_10 {offsets = [128, 0], sizes = [128, 128], strides = [1, 1]} : vector<384x128xf32> to vector<128x128xf32>
    %dot_general3A_20 = arith.constant dense<0.000000e+00> : vector<2000x128xf32>
    %dot_general3A_21 = tpu.matmul %get3A_18, %slice3A_19, %dot_general3A_20 {dimension_numbers = #tpu.dot_dimension_numbers<[1], [0], [0], [1], [0, 0, 1, 1], [], []>, transpose_lhs_hint = false} : vector<2000x128xf32>, vector<128x128xf32>, vector<2000x128xf32> -> vector<2000x128xf32>
    %add3A_22 = arith.addf %dot_general3A_15, %dot_general3A_21 : vector<2000x128xf32>
    %slice3A_23 = vector.extract_strided_slice %get3A_10 {offsets = [256, 0], sizes = [128, 128], strides = [1, 1]} : vector<384x128xf32> to vector<128x128xf32>
    %dot_general3A_24 = arith.constant dense<0.000000e+00> : vector<2000x128xf32>
    %dot_general3A_25 = tpu.matmul %mul3A, %slice3A_23, %dot_general3A_24 {dimension_numbers = #tpu.dot_dimension_numbers<[1], [0], [0], [1], [0, 0, 1, 1], [], []>, transpose_lhs_hint = false} : vector<2000x128xf32>, vector<128x128xf32>, vector<2000x128xf32> -> vector<2000x128xf32>
    %add3A_26 = arith.addf %add3A_22, %dot_general3A_25 : vector<2000x128xf32>
    %get3A_27 = arith.constant 0 : index
    %get3A_28 = arith.constant 0 : index
    %get3A_29 = vector.load %arg6[%get3A_27, %get3A_28] : memref<1x128xf32, #tpu.memory_space<vmem>>, vector<1x128xf32>
    %add3A_30 = vector.broadcast %get3A_29 : vector<1x128xf32> to vector<2000x128xf32>
    %add3A_31 = arith.addf %add3A_26, %add3A_30 : vector<2000x128xf32>
    %max3A = arith.constant 0.000000e+00 : f32
    %max3A_32 = vector.broadcast %max3A : f32 to vector<2000x128xf32>
    %max3A_33 = arith.maximumf %add3A_31, %max3A_32 : vector<2000x128xf32>
    %swap3A = arith.constant 0 : index
    %swap3A_34 = arith.constant 0 : index
    %swap3A_35 = vector.load %arg7[%swap3A, %swap3A_34] : memref<2000x128xf32, #tpu.memory_space<vmem>>, vector<2000x128xf32>
    tpu.vector_store %arg7[%swap3A, %swap3A_34], %max3A_33 {strides = array<i32>} : memref<2000x128xf32, #tpu.memory_space<vmem>>, vector<2000x128xf32>,
    %get3A_36 = arith.constant 0 : index
    %get3A_37 = arith.constant 0 : index
    %get3A_38 = vector.load %arg4[%get3A_36, %get3A_37] : memref<2000x128xf32, #tpu.memory_space<vmem>>, vector<2000x128xf32>
    %mul3A_39 = arith.mulf %max3A_33, %get3A_38 : vector<2000x128xf32>
    %swap3A_40 = arith.constant 0 : index
    %swap3A_41 = arith.constant 0 : index
    %swap3A_42 = vector.load %arg8[%swap3A_40, %swap3A_41] : memref<2000x128xf32, #tpu.memory_space<vmem>>, vector<2000x128xf32>
    tpu.vector_store %arg8[%swap3A_40, %swap3A_41], %mul3A_39 {strides = array<i32>} : memref<2000x128xf32, #tpu.memory_space<vmem>>, vector<2000x128xf32>,
    return
  }
  func.func @transform_0(%arg0: i32) -> (i32, i32) {
    %c0_i32 = arith.constant 0 : i32
    %c0_i32_0 = arith.constant 0 : i32
    return %arg0, %c0_i32 : i32, i32
  }
  func.func @transform_1(%arg0: i32) -> (i32, i32) {
    %c0_i32 = arith.constant 0 : i32
    %c0_i32_0 = arith.constant 0 : i32
    return %arg0, %c0_i32 : i32, i32
  }
  func.func @transform_2(%arg0: i32) -> (i32, i32, i32) {
    %c0_i32 = arith.constant 0 : i32
    %c0_i32_0 = arith.constant 0 : i32
    %c0_i32_1 = arith.constant 0 : i32
    return %c0_i32, %arg0, %c0_i32_0 : i32, i32, i32
  }
  func.func @transform_3(%arg0: i32) -> (i32, i32) {
    %c0_i32 = arith.constant 0 : i32
    %c0_i32_0 = arith.constant 0 : i32
    return %arg0, %c0_i32 : i32, i32
  }
  func.func @transform_4(%arg0: i32) -> (i32, i32) {
    %c0_i32 = arith.constant 0 : i32
    %c0_i32_0 = arith.constant 0 : i32
    %c0_i32_1 = arith.constant 0 : i32
    return %c0_i32, %c0_i32_0 : i32, i32
  }
  func.func @transform_5(%arg0: i32) -> (i32, i32) {
    %c0_i32 = arith.constant 0 : i32
    %c0_i32_0 = arith.constant 0 : i32
    %c0_i32_1 = arith.constant 0 : i32
    return %c0_i32, %c0_i32_0 : i32, i32
  }
  func.func @transform_6(%arg0: i32) -> (i32, i32) {
    %c0_i32 = arith.constant 0 : i32
    %c0_i32_0 = arith.constant 0 : i32
    return %arg0, %c0_i32 : i32, i32
  }
  func.func @transform_7(%arg0: i32) -> (i32, i32) {
    %c0_i32 = arith.constant 0 : i32
    %c0_i32_0 = arith.constant 0 : i32
    return %arg0, %c0_i32 : i32, i32
  }
}

module attributes {stable_mosaic.version = 14 : i64} {
  func.func @_mid_body(%arg0: i32, %arg1: memref<2x2000x128xf32, #tpu.memory_space<vmem>>, %arg2: memref<2000x128xf32, #tpu.memory_space<vmem>>, %arg3: memref<2000x128xf32, #tpu.memory_space<vmem>>, %arg4: memref<2000x128xf32, #tpu.memory_space<vmem>>) attributes {dimension_semantics = [#tpu.dimension_semantics<arbitrary>], iteration_bounds = array<i64: 5>, scalar_prefetch = 0 : i64, scratch_operands = 0 : i64, tpu.core_type = #tpu.core_type<tc>, window_params = [{transform_indices = @transform_0, window_bounds = array<i64: 2, 2000, 128>}, {transform_indices = @transform_1, window_bounds = array<i64: 2000, 128>}, {transform_indices = @transform_2, window_bounds = array<i64: 2000, 128>}, {transform_indices = @transform_3, window_bounds = array<i64: 2000, 128>}]} {
    %get3A = arith.constant 0 : index
    %get3A_0 = arith.constant 0 : index
    %get3A_1 = arith.constant 0 : index
    %get3A_2 = vector.load %arg1[%get3A, %get3A_0, %get3A_1] : memref<2x2000x128xf32, #tpu.memory_space<vmem>>, vector<2x2000x128xf32>
    %slice3A = vector.extract_strided_slice %get3A_2 {offsets = [0, 0, 0], sizes = [1, 2000, 128], strides = [1, 1, 1]} : vector<2x2000x128xf32> to vector<1x2000x128xf32>
    %squeeze3A = vector.shape_cast %slice3A : vector<1x2000x128xf32> to vector<2000x128xf32>
    %slice3A_3 = vector.extract_strided_slice %get3A_2 {offsets = [1, 0, 0], sizes = [1, 2000, 128], strides = [1, 1, 1]} : vector<2x2000x128xf32> to vector<1x2000x128xf32>
    %squeeze3A_4 = vector.shape_cast %slice3A_3 : vector<1x2000x128xf32> to vector<2000x128xf32>
    %add3A = arith.addf %squeeze3A, %squeeze3A_4 : vector<2000x128xf32>
    %get3A_5 = arith.constant 0 : index
    %get3A_6 = arith.constant 0 : index
    %get3A_7 = vector.load %arg2[%get3A_5, %get3A_6] : memref<2000x128xf32, #tpu.memory_space<vmem>>, vector<2000x128xf32>
    %mul3A = arith.mulf %add3A, %get3A_7 : vector<2000x128xf32>
    %swap3A = arith.constant 0 : index
    %swap3A_8 = arith.constant 0 : index
    %swap3A_9 = vector.load %arg3[%swap3A, %swap3A_8] : memref<2000x128xf32, #tpu.memory_space<vmem>>, vector<2000x128xf32>
    tpu.vector_store %arg3[%swap3A, %swap3A_8], %mul3A {strides = array<i32>} : memref<2000x128xf32, #tpu.memory_space<vmem>>, vector<2000x128xf32>,
    %get3A_10 = arith.constant 0 : index
    %get3A_11 = arith.constant 0 : index
    %get3A_12 = vector.load %arg2[%get3A_10, %get3A_11] : memref<2000x128xf32, #tpu.memory_space<vmem>>, vector<2000x128xf32>
    %mul3A_13 = arith.mulf %mul3A, %get3A_12 : vector<2000x128xf32>
    %swap3A_14 = arith.constant 0 : index
    %swap3A_15 = arith.constant 0 : index
    %swap3A_16 = vector.load %arg4[%swap3A_14, %swap3A_15] : memref<2000x128xf32, #tpu.memory_space<vmem>>, vector<2000x128xf32>
    tpu.vector_store %arg4[%swap3A_14, %swap3A_15], %mul3A_13 {strides = array<i32>} : memref<2000x128xf32, #tpu.memory_space<vmem>>, vector<2000x128xf32>,
    return
  }
  func.func @transform_0(%arg0: i32) -> (i32, i32, i32) {
    %c0_i32 = arith.constant 0 : i32
    %c0_i32_0 = arith.constant 0 : i32
    %c0_i32_1 = arith.constant 0 : i32
    return %c0_i32, %arg0, %c0_i32_0 : i32, i32, i32
  }
  func.func @transform_1(%arg0: i32) -> (i32, i32) {
    %c0_i32 = arith.constant 0 : i32
    %c0_i32_0 = arith.constant 0 : i32
    return %arg0, %c0_i32 : i32, i32
  }
  func.func @transform_2(%arg0: i32) -> (i32, i32) {
    %c0_i32 = arith.constant 0 : i32
    %c0_i32_0 = arith.constant 0 : i32
    return %arg0, %c0_i32 : i32, i32
  }
  func.func @transform_3(%arg0: i32) -> (i32, i32) {
    %c0_i32 = arith.constant 0 : i32
    %c0_i32_0 = arith.constant 0 : i32
    return %arg0, %c0_i32 : i32, i32
  }
}

module attributes {stable_mosaic.version = 14 : i64} {
  func.func @_norm_body(%arg0: i32, %arg1: memref<2x2000x128xf32, #tpu.memory_space<vmem>>, %arg2: memref<2000x128xf32, #tpu.memory_space<vmem>>, %arg3: memref<2000x128xf32, #tpu.memory_space<vmem>>, %arg4: memref<2000x128xf32, #tpu.memory_space<vmem>>) attributes {dimension_semantics = [#tpu.dimension_semantics<arbitrary>], iteration_bounds = array<i64: 5>, scalar_prefetch = 0 : i64, scratch_operands = 0 : i64, tpu.core_type = #tpu.core_type<tc>, window_params = [{transform_indices = @transform_0, window_bounds = array<i64: 2, 2000, 128>}, {transform_indices = @transform_1, window_bounds = array<i64: 2000, 128>}, {transform_indices = @transform_2, window_bounds = array<i64: 2000, 128>}, {transform_indices = @transform_3, window_bounds = array<i64: 2000, 128>}]} {
    %get3A = arith.constant 0 : index
    %get3A_0 = arith.constant 0 : index
    %get3A_1 = arith.constant 0 : index
    %get3A_2 = vector.load %arg1[%get3A, %get3A_0, %get3A_1] : memref<2x2000x128xf32, #tpu.memory_space<vmem>>, vector<2x2000x128xf32>
    %slice3A = vector.extract_strided_slice %get3A_2 {offsets = [0, 0, 0], sizes = [1, 2000, 1], strides = [1, 1, 1]} : vector<2x2000x128xf32> to vector<1x2000x1xf32>
    %squeeze3A = vector.shape_cast %slice3A : vector<1x2000x1xf32> to vector<2000x1xf32>
    %slice3A_3 = vector.extract_strided_slice %get3A_2 {offsets = [1, 0, 0], sizes = [1, 2000, 1], strides = [1, 1, 1]} : vector<2x2000x128xf32> to vector<1x2000x1xf32>
    %squeeze3A_4 = vector.shape_cast %slice3A_3 : vector<1x2000x1xf32> to vector<2000x1xf32>
    %add3A = arith.addf %squeeze3A, %squeeze3A_4 : vector<2000x1xf32>
    %gt3A = arith.constant 0.000000e+00 : f32
    %gt3A_5 = vector.broadcast %gt3A : f32 to vector<2000x1xf32>
    %gt3A_6 = arith.cmpf ogt, %add3A, %gt3A_5 : vector<2000x1xf32>
    %max3A = arith.constant 1.000000e+00 : f32
    %max3A_7 = vector.broadcast %max3A : f32 to vector<2000x1xf32>
    %max3A_8 = arith.maximumf %add3A, %max3A_7 : vector<2000x1xf32>
    %rsqrt3A = math.rsqrt %max3A_8 : vector<2000x1xf32>
    %jit3A = arith.constant 0.000000e+00 : f32
    %broadcast_in_dim3A = vector.broadcast %jit3A : f32 to vector<2000x1xf32>
    %select_n3A = arith.select %gt3A_6, %rsqrt3A, %broadcast_in_dim3A : vector<2000x1xi1>, vector<2000x1xf32>
    %broadcast_in_dim3A_9 = vector.shape_cast %select_n3A : vector<2000x1xf32> to vector<2000x1xf32>
    %broadcast_in_dim3A_10 = vector.broadcast %broadcast_in_dim3A_9 : vector<2000x1xf32> to vector<2000x128xf32>
    %swap3A = arith.constant 0 : index
    %swap3A_11 = arith.constant 0 : index
    %swap3A_12 = vector.load %arg3[%swap3A, %swap3A_11] : memref<2000x128xf32, #tpu.memory_space<vmem>>, vector<2000x128xf32>
    tpu.vector_store %arg3[%swap3A, %swap3A_11], %broadcast_in_dim3A_10 {strides = array<i32>} : memref<2000x128xf32, #tpu.memory_space<vmem>>, vector<2000x128xf32>,
    %get3A_13 = arith.constant 0 : index
    %get3A_14 = arith.constant 0 : index
    %get3A_15 = vector.load %arg2[%get3A_13, %get3A_14] : memref<2000x128xf32, #tpu.memory_space<vmem>>, vector<2000x128xf32>
    %mul3A = arith.mulf %get3A_15, %broadcast_in_dim3A_10 : vector<2000x128xf32>
    %swap3A_16 = arith.constant 0 : index
    %swap3A_17 = arith.constant 0 : index
    %swap3A_18 = vector.load %arg4[%swap3A_16, %swap3A_17] : memref<2000x128xf32, #tpu.memory_space<vmem>>, vector<2000x128xf32>
    tpu.vector_store %arg4[%swap3A_16, %swap3A_17], %mul3A {strides = array<i32>} : memref<2000x128xf32, #tpu.memory_space<vmem>>, vector<2000x128xf32>,
    return
  }
  func.func @transform_0(%arg0: i32) -> (i32, i32, i32) {
    %c0_i32 = arith.constant 0 : i32
    %c0_i32_0 = arith.constant 0 : i32
    %c0_i32_1 = arith.constant 0 : i32
    return %c0_i32, %arg0, %c0_i32_0 : i32, i32, i32
  }
  func.func @transform_1(%arg0: i32) -> (i32, i32) {
    %c0_i32 = arith.constant 0 : i32
    %c0_i32_0 = arith.constant 0 : i32
    return %arg0, %c0_i32 : i32, i32
  }
  func.func @transform_2(%arg0: i32) -> (i32, i32) {
    %c0_i32 = arith.constant 0 : i32
    %c0_i32_0 = arith.constant 0 : i32
    return %arg0, %c0_i32 : i32, i32
  }
  func.func @transform_3(%arg0: i32) -> (i32, i32) {
    %c0_i32 = arith.constant 0 : i32
    %c0_i32_0 = arith.constant 0 : i32
    return %arg0, %c0_i32 : i32, i32
  }
}

module attributes {stable_mosaic.version = 14 : i64} {
  func.func @_out_body(%arg0: i32, %arg1: memref<2000x128xf32, #tpu.memory_space<vmem>>, %arg2: memref<2000x128xf32, #tpu.memory_space<vmem>>, %arg3: memref<2x2000x128xf32, #tpu.memory_space<vmem>>, %arg4: memref<2000x128xf32, #tpu.memory_space<vmem>>, %arg5: memref<384x128xf32, #tpu.memory_space<vmem>>, %arg6: memref<1x128xf32, #tpu.memory_space<vmem>>, %arg7: memref<2000x128xf32, #tpu.memory_space<vmem>>, %arg8: memref<2000x128xf32, #tpu.memory_space<vmem>>) attributes {dimension_semantics = [#tpu.dimension_semantics<arbitrary>], iteration_bounds = array<i64: 5>, scalar_prefetch = 0 : i64, scratch_operands = 0 : i64, tpu.core_type = #tpu.core_type<tc>, window_params = [{transform_indices = @transform_0, window_bounds = array<i64: 2000, 128>}, {transform_indices = @transform_1, window_bounds = array<i64: 2000, 128>}, {transform_indices = @transform_2, window_bounds = array<i64: 2, 2000, 128>}, {transform_indices = @transform_3, window_bounds = array<i64: 2000, 128>}, {pipeline_mode = #tpu.pipeline_mode<synchronous>, transform_indices = @transform_4, window_bounds = array<i64: 384, 128>}, {pipeline_mode = #tpu.pipeline_mode<synchronous>, transform_indices = @transform_5, window_bounds = array<i64: 1, 128>}, {transform_indices = @transform_6, window_bounds = array<i64: 2000, 128>}, {transform_indices = @transform_7, window_bounds = array<i64: 2000, 128>}]} {
    %get3A = arith.constant 0 : index
    %get3A_0 = arith.constant 0 : index
    %get3A_1 = arith.constant 0 : index
    %get3A_2 = vector.load %arg3[%get3A, %get3A_0, %get3A_1] : memref<2x2000x128xf32, #tpu.memory_space<vmem>>, vector<2x2000x128xf32>
    %slice3A = vector.extract_strided_slice %get3A_2 {offsets = [0, 0, 0], sizes = [1, 2000, 128], strides = [1, 1, 1]} : vector<2x2000x128xf32> to vector<1x2000x128xf32>
    %squeeze3A = vector.shape_cast %slice3A : vector<1x2000x128xf32> to vector<2000x128xf32>
    %slice3A_3 = vector.extract_strided_slice %get3A_2 {offsets = [1, 0, 0], sizes = [1, 2000, 128], strides = [1, 1, 1]} : vector<2x2000x128xf32> to vector<1x2000x128xf32>
    %squeeze3A_4 = vector.shape_cast %slice3A_3 : vector<1x2000x128xf32> to vector<2000x128xf32>
    %add3A = arith.addf %squeeze3A, %squeeze3A_4 : vector<2000x128xf32>
    %get3A_5 = arith.constant 0 : index
    %get3A_6 = arith.constant 0 : index
    %get3A_7 = vector.load %arg4[%get3A_5, %get3A_6] : memref<2000x128xf32, #tpu.memory_space<vmem>>, vector<2000x128xf32>
    %mul3A = arith.mulf %add3A, %get3A_7 : vector<2000x128xf32>
    %get3A_8 = arith.constant 0 : index
    %get3A_9 = arith.constant 0 : index
    %get3A_10 = vector.load %arg5[%get3A_8, %get3A_9] : memref<384x128xf32, #tpu.memory_space<vmem>>, vector<384x128xf32>
    %get3A_11 = arith.constant 0 : index
    %get3A_12 = arith.constant 0 : index
    %get3A_13 = vector.load %arg1[%get3A_11, %get3A_12] : memref<2000x128xf32, #tpu.memory_space<vmem>>, vector<2000x128xf32>
    %slice3A_14 = vector.extract_strided_slice %get3A_10 {offsets = [0, 0], sizes = [128, 128], strides = [1, 1]} : vector<384x128xf32> to vector<128x128xf32>
    %dot_general3A = arith.constant dense<0.000000e+00> : vector<2000x128xf32>
    %dot_general3A_15 = tpu.matmul %get3A_13, %slice3A_14, %dot_general3A {dimension_numbers = #tpu.dot_dimension_numbers<[1], [0], [0], [1], [0, 0, 1, 1], [], []>, transpose_lhs_hint = false} : vector<2000x128xf32>, vector<128x128xf32>, vector<2000x128xf32> -> vector<2000x128xf32>
    %get3A_16 = arith.constant 0 : index
    %get3A_17 = arith.constant 0 : index
    %get3A_18 = vector.load %arg2[%get3A_16, %get3A_17] : memref<2000x128xf32, #tpu.memory_space<vmem>>, vector<2000x128xf32>
    %slice3A_19 = vector.extract_strided_slice %get3A_10 {offsets = [128, 0], sizes = [128, 128], strides = [1, 1]} : vector<384x128xf32> to vector<128x128xf32>
    %dot_general3A_20 = arith.constant dense<0.000000e+00> : vector<2000x128xf32>
    %dot_general3A_21 = tpu.matmul %get3A_18, %slice3A_19, %dot_general3A_20 {dimension_numbers = #tpu.dot_dimension_numbers<[1], [0], [0], [1], [0, 0, 1, 1], [], []>, transpose_lhs_hint = false} : vector<2000x128xf32>, vector<128x128xf32>, vector<2000x128xf32> -> vector<2000x128xf32>
    %add3A_22 = arith.addf %dot_general3A_15, %dot_general3A_21 : vector<2000x128xf32>
    %slice3A_23 = vector.extract_strided_slice %get3A_10 {offsets = [256, 0], sizes = [128, 128], strides = [1, 1]} : vector<384x128xf32> to vector<128x128xf32>
    %dot_general3A_24 = arith.constant dense<0.000000e+00> : vector<2000x128xf32>
    %dot_general3A_25 = tpu.matmul %mul3A, %slice3A_23, %dot_general3A_24 {dimension_numbers = #tpu.dot_dimension_numbers<[1], [0], [0], [1], [0, 0, 1, 1], [], []>, transpose_lhs_hint = false} : vector<2000x128xf32>, vector<128x128xf32>, vector<2000x128xf32> -> vector<2000x128xf32>
    %add3A_26 = arith.addf %add3A_22, %dot_general3A_25 : vector<2000x128xf32>
    %get3A_27 = arith.constant 0 : index
    %get3A_28 = arith.constant 0 : index
    %get3A_29 = vector.load %arg6[%get3A_27, %get3A_28] : memref<1x128xf32, #tpu.memory_space<vmem>>, vector<1x128xf32>
    %add3A_30 = vector.broadcast %get3A_29 : vector<1x128xf32> to vector<2000x128xf32>
    %add3A_31 = arith.addf %add3A_26, %add3A_30 : vector<2000x128xf32>
    %max3A = arith.constant 0.000000e+00 : f32
    %max3A_32 = vector.broadcast %max3A : f32 to vector<2000x128xf32>
    %max3A_33 = arith.maximumf %add3A_31, %max3A_32 : vector<2000x128xf32>
    %swap3A = arith.constant 0 : index
    %swap3A_34 = arith.constant 0 : index
    %swap3A_35 = vector.load %arg7[%swap3A, %swap3A_34] : memref<2000x128xf32, #tpu.memory_space<vmem>>, vector<2000x128xf32>
    tpu.vector_store %arg7[%swap3A, %swap3A_34], %max3A_33 {strides = array<i32>} : memref<2000x128xf32, #tpu.memory_space<vmem>>, vector<2000x128xf32>,
    %get3A_36 = arith.constant 0 : index
    %get3A_37 = arith.constant 0 : index
    %get3A_38 = vector.load %arg4[%get3A_36, %get3A_37] : memref<2000x128xf32, #tpu.memory_space<vmem>>, vector<2000x128xf32>
    %mul3A_39 = arith.mulf %max3A_33, %get3A_38 : vector<2000x128xf32>
    %swap3A_40 = arith.constant 0 : index
    %swap3A_41 = arith.constant 0 : index
    %swap3A_42 = vector.load %arg8[%swap3A_40, %swap3A_41] : memref<2000x128xf32, #tpu.memory_space<vmem>>, vector<2000x128xf32>
    tpu.vector_store %arg8[%swap3A_40, %swap3A_41], %mul3A_39 {strides = array<i32>} : memref<2000x128xf32, #tpu.memory_space<vmem>>, vector<2000x128xf32>,
    return
  }
  func.func @transform_0(%arg0: i32) -> (i32, i32) {
    %c0_i32 = arith.constant 0 : i32
    %c0_i32_0 = arith.constant 0 : i32
    return %arg0, %c0_i32 : i32, i32
  }
  func.func @transform_1(%arg0: i32) -> (i32, i32) {
    %c0_i32 = arith.constant 0 : i32
    %c0_i32_0 = arith.constant 0 : i32
    return %arg0, %c0_i32 : i32, i32
  }
  func.func @transform_2(%arg0: i32) -> (i32, i32, i32) {
    %c0_i32 = arith.constant 0 : i32
    %c0_i32_0 = arith.constant 0 : i32
    %c0_i32_1 = arith.constant 0 : i32
    return %c0_i32, %arg0, %c0_i32_0 : i32, i32, i32
  }
  func.func @transform_3(%arg0: i32) -> (i32, i32) {
    %c0_i32 = arith.constant 0 : i32
    %c0_i32_0 = arith.constant 0 : i32
    return %arg0, %c0_i32 : i32, i32
  }
  func.func @transform_4(%arg0: i32) -> (i32, i32) {
    %c0_i32 = arith.constant 0 : i32
    %c0_i32_0 = arith.constant 0 : i32
    %c0_i32_1 = arith.constant 0 : i32
    return %c0_i32, %c0_i32_0 : i32, i32
  }
  func.func @transform_5(%arg0: i32) -> (i32, i32) {
    %c0_i32 = arith.constant 0 : i32
    %c0_i32_0 = arith.constant 0 : i32
    %c0_i32_1 = arith.constant 0 : i32
    return %c0_i32, %c0_i32_0 : i32, i32
  }
  func.func @transform_6(%arg0: i32) -> (i32, i32) {
    %c0_i32 = arith.constant 0 : i32
    %c0_i32_0 = arith.constant 0 : i32
    return %arg0, %c0_i32 : i32, i32
  }
  func.func @transform_7(%arg0: i32) -> (i32, i32) {
    %c0_i32 = arith.constant 0 : i32
    %c0_i32_0 = arith.constant 0 : i32
    return %arg0, %c0_i32 : i32, i32
  }
}

</mosaic_0001>

<sc_bundles>
// kernel: kernel.12.cloned.1.call-start
scs
__scs_entry_jumppad:
0x0: {  	(pc) =	sbr.rel $0x88, $3  }
0x1: {  	(tag) =	ssettag $0x0;
	lr =	simm.s32 $0x1  }
0x2: {  	[smem:$0x3F9B] =	sst lr;
	_ =	strace $0xD0000000  }
0x3: {  	_ = 	snop  }
0x4: {  	_ = 	snop  }
0x5: {  	_ = 	snop  }
0x6: {  	_ = 	snop  }
0x7: {  	_ = 	snop  }
__scs_overlays_trampoline_lowered:
0x8: {  	[smem:$0x3FAA] =	sst s0  }
0x9: {  	[smem:$0x3FAB] =	sst s1  }
0xa: {  	[smem:$0x3FAC] =	sst s2  }
0xb: {  	[smem:$0x3FAD] =	sst s3  }
0xc: {  	[smem:$0x3FAE] =	sst s4  }
0xd: {  	[smem:$0x3FAF] =	sst s5  }
0xe: {  	[smem:$0x3FB0] =	sst s6  }
0xf: {  	[smem:$0x3FB1] =	sst s7  }
0x10: {  	[smem:$0x3FB2] =	sst s8  }
0x11: {  	[smem:$0x3FB3] =	sst s9;
	s0 =	simm.s32 @!p0 $0x0  }
0x12: {  	s1 =	sld [smem:$0x3F99];
	s0 =	simm.s32 @p0 $0x1  }
0x13: {  	[smem:$0x3FB4] =	sst s0;
	s0 =	simm.s32 @!p1 $0x0  }
0x14: {  	s2 =	sld [smem:$0x3F98];
	s0 =	simm.s32 @p1 $0x1  }
0x15: {  	[smem:$0x3FB5] =	sst s0;
	s0 =	simm.s32 @!p2 $0x0  }
0x16: {  	s3 =	sld [smem:$0x3FDB];
	s0 =	simm.s32 @p2 $0x1  }
0x17: {  	s4 =	simm.s32 $0x1BF5;
	[smem:$0x3FB7] =	sst s0  }
0x18: {  	s0 =	sld [smem:$0x3F9A];
	_ =	swait.ge [sflag:s4], $0x0  }
0x19: {  	s7 =	sld [smem:$0x3F9B]  }
0x1a: {  	s8 =	sadd.s32 $0xFFFFE003, lr  }
0x1b: {  	s9 =	sadd.s32 $0xFFFFFEF7, lr;
	s5 =	simm.s32 $0xFFFFFFFF;
	p2 =	slt.u32 s8, $0xFFFFF086  }
0x1c: {  	p1 =	slt.u32 s9, $0xF7A;
	s5 =	simm.s32 @!p2 $0x0  }
0x1d: {  	s5 =	simm.s32 @p1 $0x1;
	p0 =	seq.s32 s7, s2  }
0x1e: {  	s7 =	smul.u32 @!p0 $0xF7A, s2;
	p2 =	seq.s32 @!p0 s5, $0x0  }
0x1f: {  	s9 =	smul.u32 $0xF7A, s1;
	s8 =	simm.s32 @!p0 $0x1BF5;
	p2 =	por !p2, p0  }
0x20: {  	[sflag:s8] =	ssyncset.s32 @!p0 $0xFFFFF086;
	s6 =	sadd.s32 @!p0 s3, s7;
	s7 =	simm.s32 @!p0 $0x108  }
0x21: {  	s3 =	sadd.s32 s3, s9;
	s6 =	sadd.s32 @!p0 $0x88, s6;
	s7 =	simm.s32 @p2 $0x1082  }
0x22: {  	[simem:s7], [sflag:s8] =	dma.local @!p0 [hbm:s6], $0xF7A  }
0x23: {  	s9 =	sor.u32 $0xD0000000, s2;
	s6 =	simm.s32 $0x108;
	_ =	swait.ge @!p0 [sflag:s8], $0x0  }
0x24: {  	s3 =	sadd.s32 $0x88, s3;
	s6 =	simm.s32 @!p1 $0x1082;
	[sflag:s4] =	ssyncset.s32 $0xFFFFF086  }
0x25: {  	[simem:s6], [sflag:s4] =	dma.local [hbm:s3], $0xF7A  }
0x26: {  	[smem:$0x3F9B] =	sst s1;
	(tag) =	ssettag s2;
	_ =	strace s9  }
0x27: {  	s1 =	sld [smem:$0x3FAB]  }
0x28: {  	s2 =	sld [smem:$0x3FAC]  }
0x29: {  	s4 =	sld [smem:$0x3FAE]  }
0x2a: {  	p0 =	seq.s32 s5, $0x0;
	s5 =	sld [smem:$0x3FAF]  }
0x2b: {  	s6 =	sld [smem:$0x3FB0]  }
0x2c: {  	s7 =	sld [smem:$0x3FB1]  }
0x2d: {  	s3 =	simm.s32 $0x108;
	s8 =	sld [smem:$0x3FB2]  }
0x2e: {  	s3 =	simm.s32 @!p0 $0x1082;
	s9 =	sld [smem:$0x3FB3]  }
0x2f: {  	lr =	sadd.s32 s0, s3;
	s0 =	sld [smem:$0x3FAA]  }
0x30: {  	s3 =	sld [smem:$0x3FAD]  }
0x31: {  	[smem:$0x3FB6] =	sst s10  }
0x32: {  	s10 =	sld [smem:$0x3FB4];
	_ =	sdelay $0x3  }
0x33: {  	p0 =	seq.s32 s10, $0x1;
	s10 =	sld [smem:$0x3FB6];
	_ =	sdelay $0x3  }
0x34: {  	[smem:$0x3FB6] =	sst s10  }
0x35: {  	s10 =	sld [smem:$0x3FB5];
	_ =	sdelay $0x3  }
0x36: {  	p1 =	seq.s32 s10, $0x1;
	s10 =	sld [smem:$0x3FB6];
	_ =	sdelay $0x3  }
0x37: {  	[smem:$0x3FB6] =	sst s10  }
0x38: {  	s10 =	sld [smem:$0x3FB7]  }
0x39: {  	_ = 	snop;
	(pc) =	sbr.ind lr, $3  }
0x3a: {  	_ = 	snop  }
0x3b: {  	_ = 	snop  }
0x3c: {  	p2 =	seq.s32 s10, $0x1;
	s10 =	sld [smem:$0x3FB6]  }
0x3d: {  	_ =	shalt  }
0x3e: {  	_ =	shalt  }
0x3f: {  	_ =	shalt  }
0x40: {  	_ =	shalt  }
0x41: {  	_ =	shalt  }
0x42: {  	_ =	shalt  }
0x43: {  	_ =	shalt  }
0x44: {  	_ =	shalt  }
0x45: {  	_ =	shalt  }
0x46: {  	_ =	shalt  }
0x47: {  	_ =	shalt  }
0x48: {  	_ =	shalt  }
0x49: {  	_ =	shalt  }
0x4a: {  	_ =	shalt  }
0x4b: {  	_ =	shalt  }
0x4c: {  	_ =	shalt  }
0x4d: {  	_ =	shalt  }
0x4e: {  	_ =	shalt  }
0x4f: {  	_ =	shalt  }
0x50: {  	_ =	shalt  }
0x51: {  	_ =	shalt  }
0x52: {  	_ =	shalt  }
0x53: {  	_ =	shalt  }
0x54: {  	_ =	shalt  }
0x55: {  	_ =	shalt  }
0x56: {  	_ =	shalt  }
0x57: {  	_ =	shalt  }
0x58: {  	_ =	shalt  }
0x59: {  	_ =	shalt  }
0x5a: {  	_ =	shalt  }
0x5b: {  	_ =	shalt  }
0x5c: {  	_ =	shalt  }
0x5d: {  	_ =	shalt  }
0x5e: {  	_ =	shalt  }
0x5f: {  	_ =	shalt  }
0x60: {  	_ =	shalt  }
0x61: {  	_ =	shalt  }
0x62: {  	_ =	shalt  }
0x63: {  	_ =	shalt  }
0x64: {  	_ =	shalt  }
0x65: {  	_ =	shalt  }
0x66: {  	_ =	shalt  }
0x67: {  	_ =	shalt  }
0x68: {  	_ =	shalt  }
0x69: {  	_ =	shalt  }
0x6a: {  	_ =	shalt  }
0x6b: {  	_ =	shalt  }
0x6c: {  	_ =	shalt  }
0x6d: {  	_ =	shalt  }
0x6e: {  	_ =	shalt  }
0x6f: {  	_ =	shalt  }
0x70: {  	_ =	shalt  }
0x71: {  	_ =	shalt  }
0x72: {  	_ =	shalt  }
0x73: {  	_ =	shalt  }
0x74: {  	_ =	shalt  }
0x75: {  	_ =	shalt  }
0x76: {  	_ =	shalt  }
0x77: {  	_ =	shalt  }
0x78: {  	_ =	shalt  }
0x79: {  	_ =	shalt  }
0x7a: {  	_ =	shalt  }
0x7b: {  	_ =	shalt  }
0x7c: {  	_ =	shalt  }
0x7d: {  	_ =	shalt  }
0x7e: {  	_ =	shalt  }
0x7f: {  	_ =	shalt  }
0x80: {  	_ =	shalt  }
0x81: {  	_ =	shalt  }
0x82: {  	_ =	shalt  }
0x83: {  	_ =	shalt  }
0x84: {  	_ =	shalt  }
0x85: {  	_ =	shalt  }
0x86: {  	_ =	shalt  }
0x87: {  	_ =	shalt  }
.Lfunc_end0:
.L_simem_size_0:
called_computation_lowered:
.L_overlay_start_0:
0x88: {  	s2 =	sld [smem:$0x3FD9]  }
0x89: {  	s3 =	sld [smem:$0x3FFE];
	_ =	sdelay $0x1  }
0x8a: {  	s1 =	srdreg.scid  }
0x8b: {  	s0 =	sand.u32 $0x1, s1  }
0x8c: {  	s16 =	sshll.u32 s0, $0xA;
	s2 =	sadd.s32 s3, s2  }
0x8d: {  	s2 =	sadd.s32 s2, s16  }
0x8e: {  	[smem:$0x3FC2] =	sst s2  }
0x8f: {  	_ = 	snop  }
0x90: {  	(tm) =	ssettm $0x1  }
0x91: {  	s17 =	sld [smem:$0x3FFB];
	_ =	sdelay $0x3  }
0x92: {  	_ =	strace s17  }
0x93: {  	s2 =	sld [smem:$0x3FFC];
	_ =	sdelay $0x3  }
0x94: {  	_ =	strace s2  }
0x95: {  	s2 =	sld [smem:$0x3FFD];
	_ =	sdelay $0x3  }
0x96: {  	_ =	strace s2  }
0x97: {  	_ =	strace $0x8FFFFFFF  }
0x98: {  	s18 =	sld [smem:$0x3FDB];
	_ =	sdelay $0x1  }
0x99: {  	s19 =	simm.s32 $_scs_section_size  }
0x9a: {  	s4 =	simm.s32 $_size__tile_overlayer_lowered;
	s5 =	simm.s32 $_tile_overlayer_lowered  }
0x9b: {  	s22 =	simm.s32 $0x1BFF;
	s21 =	sshll.u32 s5, $0x1;
	s2 =	sadd.s32 s19, s18  }
0x9c: {  	s6 =	simm.s32 $0x0;
	s20 =	sshll.u32 s4, $0x1;
	s4 =	sadd.s32 s21, s2  }
0x9d: {  	[timem:s6], [sflag:s22] =	dma.local [hbm:s4], s20  }
0x9e: {  	_ =	swait.ge [sflag:s22], s20  }
0x9f: {  	s3 =	ssub.s32 $0x0, s20;
	[sflag:s22] =	ssyncset.done $0x0  }
0xa0: {  	[sflag:s22] =	ssyncadd.s32 s3;
	_ =	sdelay $0x1  }
0xa1: {  	s23 =	simm.s32 $0x1B8B  }
0xa2: {  	_ =	swait.ge [sflag:s23], $0x1  }
0xa3: {  	[sflag:s23] =	ssyncset.done $0x0  }
0xa4: {  	s25 =	simm.s32 $0x1B8E;
	s24 =	sld [smem:$0x3FFE];
	[sflag:s23] =	ssyncadd.s32 $0xFFFFFFFF  }
0xa5: {  	s26 =	simm.s32 $execute0_lowered;
	[smem:$0x3FD2] =	sst s25  }
0xa6: {  	s4 =	sshll.u32 s26, $0x1;
	_ =	strace $0x80000046;
	[dreg:$0x1] =	wrdreg $0xFFFFFFFF  }
0xa7: {  	s28 =	simm.s32 $_size_execute0_lowered;
	s2 =	sadd.s32 s2, s4;
	[dreg:$0x0] =	wrdreg $0x0  }
0xa8: {  	s4 =	sshll.u32 s28, $0x1;
	[dreg:$0x2] =	wrdreg s2  }
0xa9: {  	[dreg:$0x3] =	wrdreg s4  }
0xaa: {  	[dreg:$0x4] =	wrdreg $0xC0  }
0xab: {  	_ =	task [dreg:s6], $0x5FFFF  }
0xac: {  	[dreg:$0x1] =	wrdreg $0xFFFFFFFF  }
0xad: {  	[dreg:$0x0] =	wrdreg $0x60  }
0xae: {  	[dreg:$0x2] =	wrdreg s24  }
0xaf: {  	[dreg:$0x3] =	wrdreg $0x7C000  }
0xb0: {  	[dreg:$0x4] =	wrdreg $0x9  }
0xb1: {  	_ =	task.clear_ibuf [dreg:s6], $0x5FFFF;
	_ =	strace $0x90000046  }
0xb2: {  	s29 =	simm.s32 $0x9;
	_ =	strace $0x80000048  }
0xb3: {  	_ =	swait.ge [sflag:s29], $0x1  }
0xb4: {  	[sflag:s29] =	ssyncadd.s32 $0xFFFFFFFF  }
0xb5: {  	_ =	strace $0x90000048  }
0xb6: {  	_ =	sfence  }
0xb7: {  	s30 =	sld [smem:$0x0];
	_ =	sdelay $0x2  }
0xb8: {  	s31 =	sshll.u32 s1, $0xD;
	s1 =	sshrl.u32 s1, $0x2  }
0xb9: {  	s3 =	sand.u32 $0x4000, s31;
	s1 =	sadd.s32 s1, s30  }
0xba: {  	s0 =	sor.u32 s3, s0;
	s1 =	sshll.u32 s1, $0x11  }
0xbb: {  	s0 =	sor.u32 s1, s0  }
0xbc: {  	s0 =	sadd.s32 $0x8F2B, s0  }
0xbd: {  	[sflag:s0] =	ssyncadd.remote.s32 $0x1  }
0xbe: {  	_ =	sfence.sel $0xFFFF  }
0xbf: {  	[dreg:$0x0] =	wrdreg $0xFFFFFFFF;
	(pc) =	sbr.abs _section_cstart, $3  }
0xc0: {  	[dreg:$0x1] =	wrdreg $0xFFFFFFFF  }
0xc1: {  	_ =	task.clear_ibuf [dreg:s6], $0x2FFFF;
	_ =	strace $0x9FFFFFFF  }
0xc2: {  	(tm) =	ssettm $0x7FFFFFFF  }
0xc3: {  	_ =	shalt  }
tec
execute0_lowered:
.L_overlay_start_1:
0x0: {  	(tag) =	ssettag $0x1  }
0x1: {  	s0 =	srdreg.scid  }
0x2: {  	s9 =	stileid.u32;
	s1 =	rddreg [dreg:$0x0]  }
0x3: {  	s2 =	rddreg [dreg:$0x1];
	s7 =	smul.u32 $0x14000, s9  }
0x4: {  	s0 =	sand.u32 $0x1, s0;
	s3 =	sshll.u32 s9, $0x1;
	s9 =	smul.u32 $0x50000, s9  }
0x5: {  	s8 =	sadd.s32 $0x18000, s1;
	s4 =	sor.u32 s0, s3;
	s5 =	smul.u32 $0x140000, s0  }
0x6: {  	s3 =	simm.s32 $0x0;
	s0 =	ssub.s32 $0x2, s0;
	s4 =	smul.u32 $0x2800, s4  }
0x7: {  	[smem:$0x7FF] =	sst s3;
	s6 =	sshrl.u32 s0, $0x1;
	s21 =	sshrl.u32 s9, $0x2  }
0x8: {  	s26 =	sadd.s32 $0x4000, s7;
	s9 =	sadd.s32 $0x8000, s7;
	_ =	strace $0x80000047  }
0x9: {  	s0 =	ssub.s32 s0, s6;
	s19 =	sadd.s32 s5, s7;
	s6 =	sadd.s32 s21, s2  }
0xa: {  	s4 =	sshrl.u32 s4, $0x3;
	s20 =	sshrl.u32 s19, $0x3;
	s0 =	smax.u32 s0, $0x1  }
0xb: {  	s23 =	sadd.s32 $0x1400, s6;
	s24 =	sadd.s32 $0x2800, s6;
	s25 =	sadd.s32 $0x3C00, s6  }
0xc: {  	s11 =	sadd.s32 $0x5000, s6;
	s12 =	sadd.s32 $0x6400, s6;
	s13 =	sadd.s32 $0x7800, s6  }
0xd: {  	s14 =	sadd.s32 $0x8C00, s6;
	s15 =	sadd.s32 $0xA000, s6;
	s16 =	sadd.s32 $0xB400, s6  }
0xe: {  	s21 =	sadd.s32 $0xC800, s6;
	s28 =	sadd.s32 $0xF000, s6;
	[dreg:$0x5] =	wrdreg s0  }
0xf: {  	s29 =	sadd.s32 $0x10400, s6;
	s30 =	sadd.s32 $0x11800, s6;
	[dreg:$0x6] =	wrdreg s23  }
0x10: {  	s31 =	sadd.s32 $0x12C00, s6;
	s1 =	sadd.s32 s1, s4;
	[dreg:$0x7] =	wrdreg s24  }
0x11: {  	s22 =	sadd.s32 s8, s20;
	[dreg:$0x8] =	wrdreg s25;
	s4 =	sadd.s32 s5, s26  }
0x12: {  	s23 =	sadd.s32 $0xC000, s7;
	s7 =	sadd.s32 $0x10000, s7;
	s0 =	sadd.s32 s26, s2  }
0x13: {  	s1 =	sadd.s32 $0xE000, s1;
	[dreg:$0x4] =	wrdreg s22;
	s22 =	sadd.s32 s5, s9  }
0x14: {  	s10 =	sadd.s32 s5, s23;
	s5 =	sadd.s32 s5, s7;
	s25 =	sadd.s32 s23, s2  }
0x15: {  	s26 =	sadd.s32 s7, s2;
	s7 =	simm.s32 $0x1;
	[dreg:$0x3] =	wrdreg s1  }
0x16: {  	s1 =	sshrl.u32 s4, $0x3;
	s4 =	sshrl.u32 s22, $0x3;
	s24 =	sshrl.u32 s10, $0x3  }
0x17: {  	s5 =	sshrl.u32 s5, $0x3;
	s22 =	sshrl.u32 s0, $0x3;
	s0 =	simm.s32 $0x2  }
0x18: {  	s17 =	sadd.s32 s8, s1;
	s18 =	sadd.s32 s8, s4;
	s19 =	sadd.s32 s8, s24  }
0x19: {  	s20 =	sadd.s32 s8, s5;
	s1 =	sadd.s32 s9, s2;
	s24 =	sshrl.u32 s25, $0x3  }
0x1a: {  	s25 =	sshrl.u32 s26, $0x3;
	s26 =	sadd.s32 $0xDC00, s6;
	s4 =	simm.s32 $0x7D  }
0x1b: {  	v0 =	vimm.f32 $1.000000000e+00;
	v1 =	vimm.f32 $0.0e+00;
	s5 =	simm.s32 $0x2800;
	s23 =	sshrl.u32 s1, $0x3;
	s1 =	simm.s32 $0x6800  }
.LBB2_1:
0x1c: {  	s8 =	simm.s32 $0x0;
	s9 =	simm.s32 $0x200  }
.LBB2_2:
0x1d: {  	p0 =	sne.s32 s9, $0xF800;
	[tilespmem:s8+$0x2870] =	vst v0  }
0x1e: {  	[tilespmem:s8+$0x2800] =	vst v0  }
0x1f: {  	[tilespmem:s8+$0x2810] =	vst v0  }
.Ltmp0:
0x20: {  	[tilespmem:s8+$0x2820] =	vst v0;
	(pc) =	sbr.rel @p0 .LBB2_2-.Ltmp0, $4  }
0x21: {  	[tilespmem:s8+$0x2830] =	vst v0  }
0x22: {  	[tilespmem:s8+$0x2840] =	vst v0  }
0x23: {  	[tilespmem:s8+$0x2850] =	vst v0  }
0x24: {  	[tilespmem:s8+$0x2860] =	vst v0;
	s8 =	sshra.s32 s9, $0x2;
	s9 =	sadd.s32 $0x200, s9  }
0x25: {  	[tilespmem:s8+$0x2870] =	vst v0  }
0x26: {  	[tilespmem:s8+$0x2800] =	vst v0  }
0x27: {  	[tilespmem:s8+$0x2810] =	vst v0  }
0x28: {  	[tilespmem:s8+$0x2820] =	vst v0  }
0x29: {  	[tilespmem:s8+$0x2830] =	vst v0  }
0x2a: {  	[tilespmem:s8+$0x2840] =	vst v0  }
0x2b: {  	[tilespmem:s8+$0x2850] =	vst v0  }
0x2c: {  	[tilespmem:s8+$0x2860] =	vst v0;
	s8 =	simm.s32 $0x0;
	s9 =	simm.s32 $0x200  }
.LBB2_4:
0x2d: {  	p0 =	sne.s32 s9, $0x4E00;
	[tilespmem:s8+$0x6870] =	vst v1  }
0x2e: {  	[tilespmem:s8+$0x6800] =	vst v1  }
0x2f: {  	[tilespmem:s8+$0x6810] =	vst v1  }
.Ltmp1:
0x30: {  	[tilespmem:s8+$0x6820] =	vst v1;
	(pc) =	sbr.rel @p0 .LBB2_4-.Ltmp1, $4  }
0x31: {  	[tilespmem:s8+$0x6830] =	vst v1  }
0x32: {  	[tilespmem:s8+$0x6840] =	vst v1  }
0x33: {  	[tilespmem:s8+$0x6850] =	vst v1  }
0x34: {  	[tilespmem:s8+$0x6860] =	vst v1;
	s8 =	sshra.s32 s9, $0x2;
	s9 =	sadd.s32 $0x200, s9  }
0x35: {  	[tilespmem:s8+$0x6870] =	vst v1  }
0x36: {  	[tilespmem:s8+$0x6800] =	vst v1  }
0x37: {  	[tilespmem:s8+$0x6810] =	vst v1  }
0x38: {  	[tilespmem:s8+$0x6820] =	vst v1  }
0x39: {  	[tilespmem:s8+$0x6830] =	vst v1  }
0x3a: {  	[tilespmem:s8+$0x6840] =	vst v1  }
0x3b: {  	[tilespmem:s8+$0x6850] =	vst v1  }
0x3c: {  	[tilespmem:s8+$0x6860] =	vst v1  }
0x3d: {  	[spmem:s6] =	stream.linear.scatter [tilespmem:s1], [sflag:$0x2], $0x1400, $0x38;
	[tilespmem:$0x1BC00] =	vst v63  }
0x3e: {  	_ =	swait.ge [sflag:s0], $0x1400  }
0x3f: {  	[sflag:s0] =	ssyncset.done $0x0  }
0x40: {  	s10 =	rddreg [dreg:$0x6];
	[sflag:s0] =	ssyncadd.s32 $0xFFFFEC00  }
0x41: {  	[spmem:s10] =	stream.linear.scatter [tilespmem:s1], [sflag:$0x2], $0x1400, $0x38;
	[tilespmem:$0x1BC00] =	vst v63  }
0x42: {  	_ =	swait.ge [sflag:s0], $0x1400  }
0x43: {  	[sflag:s0] =	ssyncset.done $0x0  }
0x44: {  	s9 =	rddreg [dreg:$0x7];
	[sflag:s0] =	ssyncadd.s32 $0xFFFFEC00  }
0x45: {  	[spmem:s9] =	stream.linear.scatter [tilespmem:s1], [sflag:$0x2], $0x1400, $0x38;
	[tilespmem:$0x1BC00] =	vst v63  }
0x46: {  	_ =	swait.ge [sflag:s0], $0x1400  }
0x47: {  	[sflag:s0] =	ssyncset.done $0x0  }
0x48: {  	s10 =	rddreg [dreg:$0x8];
	[sflag:s0] =	ssyncadd.s32 $0xFFFFEC00  }
0x49: {  	[spmem:s10] =	stream.linear.scatter [tilespmem:s1], [sflag:$0x2], $0x1400, $0x38;
	[tilespmem:$0x1BC00] =	vst v63  }
0x4a: {  	_ =	swait.ge [sflag:s0], $0x1400  }
0x4b: {  	[sflag:s0] =	ssyncset.done $0x0  }
0x4c: {  	[sflag:s0] =	ssyncadd.s32 $0xFFFFEC00  }
0x4d: {  	[spmem:s11] =	stream.linear.scatter [tilespmem:s1], [sflag:$0x2], $0x1400, $0x38;
	[tilespmem:$0x1BC00] =	vst v63  }
0x4e: {  	_ =	swait.ge [sflag:s0], $0x1400  }
0x4f: {  	[sflag:s0] =	ssyncset.done $0x0  }
0x50: {  	[sflag:s0] =	ssyncadd.s32 $0xFFFFEC00  }
0x51: {  	[spmem:s12] =	stream.linear.scatter [tilespmem:s1], [sflag:$0x2], $0x1400, $0x38;
	[tilespmem:$0x1BC00] =	vst v63  }
0x52: {  	_ =	swait.ge [sflag:s0], $0x1400  }
0x53: {  	[sflag:s0] =	ssyncset.done $0x0  }
0x54: {  	[sflag:s0] =	ssyncadd.s32 $0xFFFFEC00  }
0x55: {  	[spmem:s13] =	stream.linear.scatter [tilespmem:s1], [sflag:$0x2], $0x1400, $0x38;
	[tilespmem:$0x1BC00] =	vst v63  }
0x56: {  	_ =	swait.ge [sflag:s0], $0x1400  }
0x57: {  	[sflag:s0] =	ssyncset.done $0x0  }
0x58: {  	[sflag:s0] =	ssyncadd.s32 $0xFFFFEC00  }
0x59: {  	[spmem:s14] =	stream.linear.scatter [tilespmem:s1], [sflag:$0x2], $0x1400, $0x38;
	[tilespmem:$0x1BC00] =	vst v63  }
0x5a: {  	_ =	swait.ge [sflag:s0], $0x1400  }
0x5b: {  	[sflag:s0] =	ssyncset.done $0x0  }
0x5c: {  	[sflag:s0] =	ssyncadd.s32 $0xFFFFEC00  }
0x5d: {  	[spmem:s15] =	stream.linear.scatter [tilespmem:s1], [sflag:$0x2], $0x1400, $0x38;
	[tilespmem:$0x1BC00] =	vst v63  }
0x5e: {  	_ =	swait.ge [sflag:s0], $0x1400  }
0x5f: {  	[sflag:s0] =	ssyncset.done $0x0  }
0x60: {  	[sflag:s0] =	ssyncadd.s32 $0xFFFFEC00  }
0x61: {  	[spmem:s16] =	stream.linear.scatter [tilespmem:s1], [sflag:$0x2], $0x1400, $0x38;
	[tilespmem:$0x1BC00] =	vst v63  }
0x62: {  	_ =	swait.ge [sflag:s0], $0x1400  }
0x63: {  	[sflag:s0] =	ssyncset.done $0x0  }
0x64: {  	[sflag:s0] =	ssyncadd.s32 $0xFFFFEC00  }
0x65: {  	[spmem:s21] =	stream.linear.scatter [tilespmem:s1], [sflag:$0x2], $0x1400, $0x38;
	[tilespmem:$0x1BC00] =	vst v63  }
0x66: {  	_ =	swait.ge [sflag:s0], $0x1400  }
0x67: {  	[sflag:s0] =	ssyncset.done $0x0  }
0x68: {  	[sflag:s0] =	ssyncadd.s32 $0xFFFFEC00  }
0x69: {  	[spmem:s26] =	stream.linear.scatter [tilespmem:s1], [sflag:$0x2], $0x1400, $0x38;
	[tilespmem:$0x1BC00] =	vst v63  }
0x6a: {  	_ =	swait.ge [sflag:s0], $0x1400  }
0x6b: {  	[sflag:s0] =	ssyncset.done $0x0  }
0x6c: {  	[sflag:s0] =	ssyncadd.s32 $0xFFFFEC00  }
0x6d: {  	[spmem:s28] =	stream.linear.scatter [tilespmem:s1], [sflag:$0x2], $0x1400, $0x38;
	[tilespmem:$0x1BC00] =	vst v63  }
0x6e: {  	_ =	swait.ge [sflag:s0], $0x1400  }
0x6f: {  	[sflag:s0] =	ssyncset.done $0x0  }
0x70: {  	[sflag:s0] =	ssyncadd.s32 $0xFFFFEC00  }
0x71: {  	[spmem:s29] =	stream.linear.scatter [tilespmem:s1], [sflag:$0x2], $0x1400, $0x38;
	[tilespmem:$0x1BC00] =	vst v63  }
0x72: {  	_ =	swait.ge [sflag:s0], $0x1400  }
0x73: {  	[sflag:s0] =	ssyncset.done $0x0  }
0x74: {  	[sflag:s0] =	ssyncadd.s32 $0xFFFFEC00  }
0x75: {  	[spmem:s30] =	stream.linear.scatter [tilespmem:s1], [sflag:$0x2], $0x1400, $0x38;
	[tilespmem:$0x1BC00] =	vst v63  }
0x76: {  	_ =	swait.ge [sflag:s0], $0x1400  }
0x77: {  	[sflag:s0] =	ssyncset.done $0x0  }
0x78: {  	[sflag:s0] =	ssyncadd.s32 $0xFFFFEC00  }
0x79: {  	[spmem:s31] =	stream.linear.scatter [tilespmem:s1], [sflag:$0x2], $0x1400, $0x38;
	[tilespmem:$0x1BC00] =	vst v63  }
0x7a: {  	_ =	swait.ge [sflag:s0], $0x1400  }
0x7b: {  	[sflag:s0] =	ssyncset.done $0x0  }
0x7c: {  	s8 =	simm.s32 $0x0;
	s9 =	rddreg [dreg:$0x3];
	[sflag:s0] =	ssyncadd.s32 $0xFFFFEC00  }
0x7d: {  	[tilespmem:s8], [sflag:$0x2] =	stream.linear.gather [hbm4b:s9+s8], $0x2800, $0x38;
	[tilespmem:$0x1BC00] =	vst v63  }
0x7e: {  	_ =	swait.ge [sflag:s0], $0x2800  }
0x7f: {  	[sflag:s0] =	ssyncset.done $0x0  }
0x80: {  	p0 =	por $0x1, $0x1;
	[sflag:s0] =	ssyncadd.s32 $0xFFFFD800  }
0x81: {  	s10 =	simm.s32 @!p0 $0x1;
	[bflag:$0x0] =	sbarrier.arrive $0xFFFF  }
0x82: {  	[spmem:s2] =	stream.indirect.scatter.add.f32 [tilespmem:s5], [sflag:$0x1], $0x80, s8, s4, $0xb8;
	[tilespmem:$0x1BC00] =	vst v63  }
0x83: {  	_ =	swait.ge @!p0 [sflag:s10], $0x3E80  }
0x84: {  	s9 =	simm.s32 $0x1;
	[sflag:s10] =	ssyncset.done @!p0 $0x0  }
.LBB2_6:
0x85: {  	[sflag:s10] =	ssyncadd.s32 @!p0 $0xFFFFC180  }
0x86: {  	s8 =	sadd.s32 $0x80, s8;
	s10 =	smov.u32 s9;
	s9 =	sadd.s32 $0x1, s9  }
0x87: {  	p1 =	sne.s32 s9, $0x50  }
0x88: {  	[spmem:s2] =	stream.indirect.scatter.add.f32 [tilespmem:s5], [sflag:$0x1], $0x80, s8, s4, $0xb8;
	[tilespmem:$0x1BC00] =	vst v63  }
.Ltmp2:
0x89: {  	_ = 	snop;
	(pc) =	sbr.rel @p1 .LBB2_6-.Ltmp2, $4  }
0x8a: {  	p0 =	slt.u32 s10, $0x8  }
0x8b: {  	s10 =	simm.s32 @!p0 $0x1  }
0x8c: {  	_ =	swait.ge @!p0 [sflag:s10], $0x3E80  }
0x8d: {  	[sflag:s10] =	ssyncset.done @!p0 $0x0  }
0x8e: {  	[sflag:s10] =	ssyncadd.s32 @!p0 $0xFFFFC180  }
0x8f: {  	_ =	swait.ge [sflag:s7], $0x3E80  }
0x90: {  	[sflag:s7] =	ssyncset.done $0x0  }
0x91: {  	[sflag:s7] =	ssyncadd.s32 $0xFFFFC180  }
0x92: {  	_ =	swait.ge [sflag:s7], $0x3E80  }
0x93: {  	[sflag:s7] =	ssyncset.done $0x0  }
0x94: {  	[sflag:s7] =	ssyncadd.s32 $0xFFFFC180  }
0x95: {  	_ =	swait.ge [sflag:s7], $0x3E80  }
0x96: {  	[sflag:s7] =	ssyncset.done $0x0  }
0x97: {  	[sflag:s7] =	ssyncadd.s32 $0xFFFFC180  }
0x98: {  	_ =	swait.ge [sflag:s7], $0x3E80  }
0x99: {  	[sflag:s7] =	ssyncset.done $0x0  }
0x9a: {  	[sflag:s7] =	ssyncadd.s32 $0xFFFFC180  }
0x9b: {  	_ =	swait.ge [sflag:s7], $0x3E80  }
0x9c: {  	[sflag:s7] =	ssyncset.done $0x0  }
0x9d: {  	[sflag:s7] =	ssyncadd.s32 $0xFFFFC180  }
0x9e: {  	_ =	swait.ge [sflag:s7], $0x3E80  }
0x9f: {  	[sflag:s7] =	ssyncset.done $0x0  }
0xa0: {  	[sflag:s7] =	ssyncadd.s32 $0xFFFFC180  }
0xa1: {  	_ =	swait.ge [sflag:s7], $0x3E80  }
0xa2: {  	[sflag:s7] =	ssyncset.done $0x0  }
0xa3: {  	[sflag:s7] =	ssyncadd.s32 $0xFFFFC180  }
0xa4: {  	_ =	swait.ge [sflag:s7], $0x3E80  }
0xa5: {  	[sflag:s7] =	ssyncset.done $0x0  }
0xa6: {  	s8 =	stileid.u32;
	[sflag:s7] =	ssyncadd.s32 $0xFFFFC180  }
0xa7: {  	s8 =	sshll.u32 s8, $0x6;
	[bflag:$0x0] =	sbarrier.arrive $0xFFFF  }
0xa8: {  	s9 =	sshrl.u32 s6, $0x3;
	s8 =	sor.u32 $0x1C02, s8;
	s10 =	rddreg [dreg:$0x4]  }
0xa9: {  	[hbm:s10], [sflag:s8] =	dma.local [spmem:s9], $0x800  }
0xaa: {  	_ =	swait.ge [sflag:s0], $0x800  }
0xab: {  	[sflag:s0] =	ssyncset.done $0x0  }
0xac: {  	[sflag:s0] =	ssyncadd.s32 $0xFFFFF800  }
0xad: {  	[hbm:s17], [sflag:s8] =	dma.local [spmem:s22], $0x800  }
0xae: {  	_ =	swait.ge [sflag:s0], $0x800  }
0xaf: {  	[sflag:s0] =	ssyncset.done $0x0  }
0xb0: {  	[sflag:s0] =	ssyncadd.s32 $0xFFFFF800  }
0xb1: {  	[hbm:s18], [sflag:s8] =	dma.local [spmem:s23], $0x800  }
0xb2: {  	_ =	swait.ge [sflag:s0], $0x800  }
0xb3: {  	[sflag:s0] =	ssyncset.done $0x0  }
0xb4: {  	[sflag:s0] =	ssyncadd.s32 $0xFFFFF800  }
0xb5: {  	[hbm:s19], [sflag:s8] =	dma.local [spmem:s24], $0x800  }
0xb6: {  	_ =	swait.ge [sflag:s0], $0x800  }
0xb7: {  	[sflag:s0] =	ssyncset.done $0x0  }
0xb8: {  	[sflag:s0] =	ssyncadd.s32 $0xFFFFF800  }
0xb9: {  	[hbm:s20], [sflag:s8] =	dma.local [spmem:s25], $0x800  }
0xba: {  	_ =	swait.ge [sflag:s0], $0x800  }
0xbb: {  	s3 =	sadd.s32 $0x1, s3;
	s10 =	rddreg [dreg:$0x5]  }
0xbc: {  	p0 =	sne.s32 s3, s10  }
.Ltmp3:
0xbd: {  	_ = 	snop;
	(pc) =	sbr.rel @p0 .LBB2_1-.Ltmp3, $3  }
0xbe: {  	_ =	sdelay $0x1  }
0xbf: {  	[sflag:s0] =	ssyncset.done $0x0  }
0xc0: {  	[sflag:s0] =	ssyncadd.s32 $0xFFFFF800  }
0xc1: {  	_ =	sfence.sel $0x180000  }
0xc2: {  	[bflag:$0x0] =	sbarrier.arrive $0xFFFF  }
0xc3: {  	_ =	strace $0x90000047  }
0xc4: {  	s0 =	stileid.u32;
	[bflag:$0x2] =	sbarrier.arrive $0xFFFF  }
0xc5: {  	p0 =	sne.s32 s0, $0x0;
	s0 =	rddreg [dreg:$0x2]  }
0xc6: {  	s0 =	sadd.s32 @!p0 $0x100000, s0  }
0xc7: {  	[sflag:s0] =	ssyncadd.tile.s32 @!p0 $0x1;
	_ =	shalt  }
.Lfunc_end2:
_tile_overlayer_lowered:
.L_overlay_start_2:
0xc8: {  	(tag) =	ssettag $0x2  }
0xc9: {  	s0 =	rddreg [dreg:$0x0];
	s2 =	stileid.u32  }
0xca: {  	s1 =	rddreg [dreg:$0x1];
	p0 =	sne.s32 s2, $0x0  }
0xcb: {  	s3 =	rddreg [dreg:$0x2];
	[bflag:$0x3] =	sbarrier.arrive $0xFFFF;
	s2 =	simm.s32 @!p0 $0x1C02  }
0xcc: {  	[timem:s3], [sflag:s2] =	dma.local @!p0 [hbm:s0], s1  }
0xcd: {  	s0 =	simm.s32 @!p0 $0x2  }
0xce: {  	_ =	swait.ge @!p0 [sflag:s0], s1  }
0xcf: {  	s1 =	ssub.s32 @!p0 $0x0, s1;
	[sflag:s0] =	ssyncset.done @!p0 $0x0  }
0xd0: {  	[sflag:s0] =	ssyncadd.s32 @!p0 s1  }
0xd1: {  	[bflag:$0x3] =	sbarrier.arrive $0xFFFF  }
0xd2: {  	_ =	shalt  }

// kernel: kernel.15.cloned.1.call-start
scs
__scs_entry_jumppad:
0x0: {  	(pc) =	sbr.rel $0x88, $3  }
0x1: {  	(tag) =	ssettag $0x0;
	lr =	simm.s32 $0x1  }
0x2: {  	[smem:$0x3F9B] =	sst lr;
	_ =	strace $0xD0000000  }
0x3: {  	_ = 	snop  }
0x4: {  	_ = 	snop  }
0x5: {  	_ = 	snop  }
0x6: {  	_ = 	snop  }
0x7: {  	_ = 	snop  }
__scs_overlays_trampoline_lowered:
0x8: {  	[smem:$0x3FAA] =	sst s0  }
0x9: {  	[smem:$0x3FAB] =	sst s1  }
0xa: {  	[smem:$0x3FAC] =	sst s2  }
0xb: {  	[smem:$0x3FAD] =	sst s3  }
0xc: {  	[smem:$0x3FAE] =	sst s4  }
0xd: {  	[smem:$0x3FAF] =	sst s5  }
0xe: {  	[smem:$0x3FB0] =	sst s6  }
0xf: {  	[smem:$0x3FB1] =	sst s7  }
0x10: {  	[smem:$0x3FB2] =	sst s8  }
0x11: {  	[smem:$0x3FB3] =	sst s9;
	s0 =	simm.s32 @!p0 $0x0  }
0x12: {  	s1 =	sld [smem:$0x3F99];
	s0 =	simm.s32 @p0 $0x1  }
0x13: {  	[smem:$0x3FB4] =	sst s0;
	s0 =	simm.s32 @!p1 $0x0  }
0x14: {  	s2 =	sld [smem:$0x3F98];
	s0 =	simm.s32 @p1 $0x1  }
0x15: {  	[smem:$0x3FB5] =	sst s0;
	s0 =	simm.s32 @!p2 $0x0  }
0x16: {  	s3 =	sld [smem:$0x3FDB];
	s0 =	simm.s32 @p2 $0x1  }
0x17: {  	s4 =	simm.s32 $0x1BF5;
	[smem:$0x3FB7] =	sst s0  }
0x18: {  	s0 =	sld [smem:$0x3F9A];
	_ =	swait.ge [sflag:s4], $0x0  }
0x19: {  	s7 =	sld [smem:$0x3F9B]  }
0x1a: {  	s8 =	sadd.s32 $0xFFFFE003, lr  }
0x1b: {  	s9 =	sadd.s32 $0xFFFFFEF7, lr;
	s5 =	simm.s32 $0xFFFFFFFF;
	p2 =	slt.u32 s8, $0xFFFFF086  }
0x1c: {  	p1 =	slt.u32 s9, $0xF7A;
	s5 =	simm.s32 @!p2 $0x0  }
0x1d: {  	s5 =	simm.s32 @p1 $0x1;
	p0 =	seq.s32 s7, s2  }
0x1e: {  	s7 =	smul.u32 @!p0 $0xF7A, s2;
	p2 =	seq.s32 @!p0 s5, $0x0  }
0x1f: {  	s9 =	smul.u32 $0xF7A, s1;
	s8 =	simm.s32 @!p0 $0x1BF5;
	p2 =	por !p2, p0  }
0x20: {  	[sflag:s8] =	ssyncset.s32 @!p0 $0xFFFFF086;
	s6 =	sadd.s32 @!p0 s3, s7;
	s7 =	simm.s32 @!p0 $0x108  }
0x21: {  	s3 =	sadd.s32 s3, s9;
	s6 =	sadd.s32 @!p0 $0x88, s6;
	s7 =	simm.s32 @p2 $0x1082  }
0x22: {  	[simem:s7], [sflag:s8] =	dma.local @!p0 [hbm:s6], $0xF7A  }
0x23: {  	s9 =	sor.u32 $0xD0000000, s2;
	s6 =	simm.s32 $0x108;
	_ =	swait.ge @!p0 [sflag:s8], $0x0  }
0x24: {  	s3 =	sadd.s32 $0x88, s3;
	s6 =	simm.s32 @!p1 $0x1082;
	[sflag:s4] =	ssyncset.s32 $0xFFFFF086  }
0x25: {  	[simem:s6], [sflag:s4] =	dma.local [hbm:s3], $0xF7A  }
0x26: {  	[smem:$0x3F9B] =	sst s1;
	(tag) =	ssettag s2;
	_ =	strace s9  }
0x27: {  	s1 =	sld [smem:$0x3FAB]  }
0x28: {  	s2 =	sld [smem:$0x3FAC]  }
0x29: {  	s4 =	sld [smem:$0x3FAE]  }
0x2a: {  	p0 =	seq.s32 s5, $0x0;
	s5 =	sld [smem:$0x3FAF]  }
0x2b: {  	s6 =	sld [smem:$0x3FB0]  }
0x2c: {  	s7 =	sld [smem:$0x3FB1]  }
0x2d: {  	s3 =	simm.s32 $0x108;
	s8 =	sld [smem:$0x3FB2]  }
0x2e: {  	s3 =	simm.s32 @!p0 $0x1082;
	s9 =	sld [smem:$0x3FB3]  }
0x2f: {  	lr =	sadd.s32 s0, s3;
	s0 =	sld [smem:$0x3FAA]  }
0x30: {  	s3 =	sld [smem:$0x3FAD]  }
0x31: {  	[smem:$0x3FB6] =	sst s10  }
0x32: {  	s10 =	sld [smem:$0x3FB4];
	_ =	sdelay $0x3  }
0x33: {  	p0 =	seq.s32 s10, $0x1;
	s10 =	sld [smem:$0x3FB6];
	_ =	sdelay $0x3  }
0x34: {  	[smem:$0x3FB6] =	sst s10  }
0x35: {  	s10 =	sld [smem:$0x3FB5];
	_ =	sdelay $0x3  }
0x36: {  	p1 =	seq.s32 s10, $0x1;
	s10 =	sld [smem:$0x3FB6];
	_ =	sdelay $0x3  }
0x37: {  	[smem:$0x3FB6] =	sst s10  }
0x38: {  	s10 =	sld [smem:$0x3FB7]  }
0x39: {  	_ = 	snop;
	(pc) =	sbr.ind lr, $3  }
0x3a: {  	_ = 	snop  }
0x3b: {  	_ = 	snop  }
0x3c: {  	p2 =	seq.s32 s10, $0x1;
	s10 =	sld [smem:$0x3FB6]  }
0x3d: {  	_ =	shalt  }
0x3e: {  	_ =	shalt  }
0x3f: {  	_ =	shalt  }
0x40: {  	_ =	shalt  }
0x41: {  	_ =	shalt  }
0x42: {  	_ =	shalt  }
0x43: {  	_ =	shalt  }
0x44: {  	_ =	shalt  }
0x45: {  	_ =	shalt  }
0x46: {  	_ =	shalt  }
0x47: {  	_ =	shalt  }
0x48: {  	_ =	shalt  }
0x49: {  	_ =	shalt  }
0x4a: {  	_ =	shalt  }
0x4b: {  	_ =	shalt  }
0x4c: {  	_ =	shalt  }
0x4d: {  	_ =	shalt  }
0x4e: {  	_ =	shalt  }
0x4f: {  	_ =	shalt  }
0x50: {  	_ =	shalt  }
0x51: {  	_ =	shalt  }
0x52: {  	_ =	shalt  }
0x53: {  	_ =	shalt  }
0x54: {  	_ =	shalt  }
0x55: {  	_ =	shalt  }
0x56: {  	_ =	shalt  }
0x57: {  	_ =	shalt  }
0x58: {  	_ =	shalt  }
0x59: {  	_ =	shalt  }
0x5a: {  	_ =	shalt  }
0x5b: {  	_ =	shalt  }
0x5c: {  	_ =	shalt  }
0x5d: {  	_ =	shalt  }
0x5e: {  	_ =	shalt  }
0x5f: {  	_ =	shalt  }
0x60: {  	_ =	shalt  }
0x61: {  	_ =	shalt  }
0x62: {  	_ =	shalt  }
0x63: {  	_ =	shalt  }
0x64: {  	_ =	shalt  }
0x65: {  	_ =	shalt  }
0x66: {  	_ =	shalt  }
0x67: {  	_ =	shalt  }
0x68: {  	_ =	shalt  }
0x69: {  	_ =	shalt  }
0x6a: {  	_ =	shalt  }
0x6b: {  	_ =	shalt  }
0x6c: {  	_ =	shalt  }
0x6d: {  	_ =	shalt  }
0x6e: {  	_ =	shalt  }
0x6f: {  	_ =	shalt  }
0x70: {  	_ =	shalt  }
0x71: {  	_ =	shalt  }
0x72: {  	_ =	shalt  }
0x73: {  	_ =	shalt  }
0x74: {  	_ =	shalt  }
0x75: {  	_ =	shalt  }
0x76: {  	_ =	shalt  }
0x77: {  	_ =	shalt  }
0x78: {  	_ =	shalt  }
0x79: {  	_ =	shalt  }
0x7a: {  	_ =	shalt  }
0x7b: {  	_ =	shalt  }
0x7c: {  	_ =	shalt  }
0x7d: {  	_ =	shalt  }
0x7e: {  	_ =	shalt  }
0x7f: {  	_ =	shalt  }
0x80: {  	_ =	shalt  }
0x81: {  	_ =	shalt  }
0x82: {  	_ =	shalt  }
0x83: {  	_ =	shalt  }
0x84: {  	_ =	shalt  }
0x85: {  	_ =	shalt  }
0x86: {  	_ =	shalt  }
0x87: {  	_ =	shalt  }
.Lfunc_end0:
.L_simem_size_0:
called_computation.1_lowered:
.L_overlay_start_0:
0x88: {  	s2 =	sld [smem:$0x3FD9]  }
0x89: {  	s3 =	sld [smem:$0x3FFE];
	_ =	sdelay $0x1  }
0x8a: {  	s1 =	srdreg.scid  }
0x8b: {  	s0 =	sand.u32 $0x1, s1  }
0x8c: {  	s17 =	sshll.u32 s0, $0xA;
	s2 =	sadd.s32 s3, s2  }
0x8d: {  	s2 =	sadd.s32 s2, s17  }
0x8e: {  	[smem:$0x3FC2] =	sst s2  }
0x8f: {  	_ = 	snop  }
0x90: {  	s2 =	sld [smem:$0x3FD0];
	(tm) =	ssettm $0x1  }
0x91: {  	s18 =	sld [smem:$0x3FFB];
	_ =	sdelay $0x3  }
0x92: {  	_ =	strace s18  }
0x93: {  	s3 =	sld [smem:$0x3FFC];
	_ =	sdelay $0x3  }
0x94: {  	_ =	strace s3  }
0x95: {  	s3 =	sld [smem:$0x3FFD];
	_ =	sdelay $0x3  }
0x96: {  	_ =	strace s3  }
0x97: {  	_ =	strace $0x8FFFFFFF  }
0x98: {  	s19 =	sld [smem:$0x3FDB];
	_ =	sdelay $0x1  }
0x99: {  	s4 =	simm.s32 $_scs_section_size  }
0x9a: {  	s5 =	simm.s32 $_size__tile_overlayer_lowered;
	s6 =	simm.s32 $_tile_overlayer_lowered  }
0x9b: {  	s22 =	simm.s32 $0x1BFF;
	s21 =	sshll.u32 s6, $0x1;
	s3 =	sadd.s32 s4, s19  }
0x9c: {  	s7 =	simm.s32 $0x0;
	s20 =	sshll.u32 s5, $0x1;
	s5 =	sadd.s32 s21, s3  }
0x9d: {  	[timem:s7], [sflag:s22] =	dma.local [hbm:s5], s20  }
0x9e: {  	_ =	swait.ge [sflag:s22], s20  }
0x9f: {  	s4 =	ssub.s32 $0x0, s20;
	[sflag:s22] =	ssyncset.done $0x0  }
0xa0: {  	[sflag:s22] =	ssyncadd.s32 s4;
	_ =	sdelay $0x1  }
0xa1: {  	s23 =	simm.s32 $0x1B8B  }
0xa2: {  	_ =	swait.ge [sflag:s23], $0x1  }
0xa3: {  	[sflag:s23] =	ssyncset.done $0x0  }
0xa4: {  	s25 =	simm.s32 $0x1B8E;
	s24 =	sld [smem:$0x3FFE];
	[sflag:s23] =	ssyncadd.s32 $0xFFFFFFFF  }
0xa5: {  	s26 =	simm.s32 $execute0_lowered;
	[smem:$0x3FD2] =	sst s25  }
0xa6: {  	s5 =	sshll.u32 s26, $0x1;
	_ =	strace $0x80000049;
	[dreg:$0x1] =	wrdreg $0xFFFFFFFF  }
0xa7: {  	s28 =	simm.s32 $_size_execute0_lowered;
	s3 =	sadd.s32 s3, s5;
	[dreg:$0x0] =	wrdreg $0x0  }
0xa8: {  	s5 =	sshll.u32 s28, $0x1;
	[dreg:$0x2] =	wrdreg s3  }
0xa9: {  	[dreg:$0x3] =	wrdreg s5  }
0xaa: {  	[dreg:$0x4] =	wrdreg $0xC0  }
0xab: {  	_ =	task [dreg:s7], $0x5FFFF  }
0xac: {  	[dreg:$0x1] =	wrdreg $0xFFFFFFFF  }
0xad: {  	[dreg:$0x0] =	wrdreg $0x60  }
0xae: {  	[dreg:$0x2] =	wrdreg s2  }
0xaf: {  	[dreg:$0x3] =	wrdreg s24  }
0xb0: {  	[dreg:$0x4] =	wrdreg $0xB4000  }
0xb1: {  	[dreg:$0x5] =	wrdreg $0x9  }
0xb2: {  	_ =	task.clear_ibuf [dreg:s7], $0x6FFFF;
	_ =	strace $0x90000049  }
0xb3: {  	s29 =	simm.s32 $0x9;
	_ =	strace $0x8000004B  }
0xb4: {  	_ =	swait.ge [sflag:s29], $0x1  }
0xb5: {  	[sflag:s29] =	ssyncadd.s32 $0xFFFFFFFF  }
0xb6: {  	_ =	strace $0x9000004B  }
0xb7: {  	_ =	sfence  }
0xb8: {  	s30 =	sld [smem:$0x0];
	_ =	sdelay $0x2  }
0xb9: {  	s31 =	sshll.u32 s1, $0xD;
	s1 =	sshrl.u32 s1, $0x2  }
0xba: {  	s3 =	sand.u32 $0x4000, s31;
	s1 =	sadd.s32 s1, s30  }
0xbb: {  	s0 =	sor.u32 s3, s0;
	s1 =	sshll.u32 s1, $0x11  }
0xbc: {  	s0 =	sor.u32 s1, s0  }
0xbd: {  	s0 =	sadd.s32 $0x8F2B, s0  }
0xbe: {  	[sflag:s0] =	ssyncadd.remote.s32 $0x1  }
0xbf: {  	_ =	sfence.sel $0xFFFF  }
0xc0: {  	[dreg:$0x0] =	wrdreg $0xFFFFFFFF;
	(pc) =	sbr.abs _section_cstart, $3  }
0xc1: {  	[dreg:$0x1] =	wrdreg $0xFFFFFFFF  }
0xc2: {  	_ =	task.clear_ibuf [dreg:s7], $0x2FFFF;
	_ =	strace $0x9FFFFFFF  }
0xc3: {  	(tm) =	ssettm $0x7FFFFFFF  }
tec
execute0_lowered:
.L_overlay_start_1:
0x0: {  	(tag) =	ssettag $0x1  }
0x1: {  	s1 =	rddreg [dreg:$0x0]  }
0x2: {  	s0 =	rddreg [dreg:$0x1];
	s2 =	srdreg.scid  }
0x3: {  	s12 =	stileid.u32;
	s3 =	rddreg [dreg:$0x2]  }
0x4: {  	s5 =	simm.s32 $0x0;
	s2 =	sand.u32 $0x1, s2;
	s8 =	smul.u32 $0x14000, s12  }
0x5: {  	s4 =	sshll.u32 s12, $0x1;
	[smem:$0x7FF] =	sst s5;
	s10 =	smul.u32 $0x50000, s12  }
0x6: {  	s5 =	sadd.s32 $0x4000, s0;
	s0 =	sadd.s32 $0x3F200, s0;
	s16 =	smul.u32 $0x5000, s12  }
0x7: {  	s12 =	simm.s32 $0x7D;
	s4 =	sor.u32 s2, s4;
	s6 =	smul.u32 $0x140000, s2  }
0x8: {  	_ =	strace $0x8000004A;
	s7 =	ssub.s32 $0x2, s2;
	s2 =	smul.u32 $0x2800, s2  }
0x9: {  	s4 =	smul.u32 $0x2800, s4;
	s9 =	sshrl.u32 s7, $0x1;
	s21 =	sshrl.u32 s10, $0x2  }
0xa: {  	s25 =	sadd.s32 $0x4000, s8;
	s13 =	sadd.s32 $0x8000, s8;
	s17 =	sadd.s32 $0xC000, s8  }
0xb: {  	s7 =	ssub.s32 s7, s9;
	s20 =	sadd.s32 s6, s8;
	s10 =	sadd.s32 s21, s3  }
0xc: {  	s14 =	sadd.s32 s6, s13;
	s8 =	sadd.s32 $0x10000, s8;
	s18 =	sadd.s32 s6, s17  }
0xd: {  	s2 =	sadd.s32 s2, s16;
	s16 =	simm.s32 $0x0;
	s4 =	sshrl.u32 s4, $0x3  }
0xe: {  	s22 =	smax.u32 s7, $0x1;
	s23 =	sadd.s32 $0x1400, s10;
	s24 =	sadd.s32 $0x2800, s10  }
0xf: {  	s26 =	sadd.s32 $0x3C00, s10;
	s11 =	sadd.s32 $0x5000, s10;
	[dreg:$0x8] =	wrdreg s22  }
0x10: {  	s15 =	sshrl.u32 s14, $0x3;
	s21 =	sadd.s32 $0x7800, s10;
	[dreg:$0x9] =	wrdreg s23  }
0x11: {  	s28 =	sadd.s32 $0xA000, s10;
	s29 =	sadd.s32 $0xB400, s10;
	[dreg:$0xa] =	wrdreg s24  }
0x12: {  	s30 =	sadd.s32 $0xC800, s10;
	s31 =	sadd.s32 $0xDC00, s10;
	[dreg:$0xb] =	wrdreg s26  }
0x13: {  	s14 =	simm.s32 $0x6000;
	s19 =	sadd.s32 s5, s4;
	[dreg:$0xc] =	wrdreg s11  }
0x14: {  	s4 =	sshrl.u32 s20, $0x3;
	s20 =	sadd.s32 $0x6400, s10;
	[dreg:$0x12] =	wrdreg s21  }
0x15: {  	s22 =	sadd.s32 s25, s3;
	s23 =	sadd.s32 s13, s3;
	s24 =	sadd.s32 s17, s3  }
0x16: {  	s11 =	simm.s32 $0x3;
	s13 =	simm.s32 $0x2000;
	[dreg:$0x5] =	wrdreg s19  }
0x17: {  	s9 =	sadd.s32 $0xA000, s19;
	s4 =	sadd.s32 s0, s4;
	[dreg:$0x11] =	wrdreg s20  }
0x18: {  	s19 =	sadd.s32 $0x800, s2;
	s2 =	sadd.s32 $0x50800, s2;
	[dreg:$0x6] =	wrdreg s9  }
0x19: {  	s26 =	sshrl.u32 s23, $0x3;
	s24 =	sshrl.u32 s24, $0x3;
	[dreg:$0x7] =	wrdreg s4  }
0x1a: {  	s9 =	sadd.s32 s6, s25;
	s6 =	sadd.s32 s6, s8;
	[dreg:$0x4] =	wrdreg s19  }
0x1b: {  	s25 =	sadd.s32 s8, s3;
	s2 =	sshrl.u32 s2, $0x3;
	[dreg:$0x14] =	wrdreg s26  }
0x1c: {  	s26 =	sadd.s32 $0x8C00, s10;
	s4 =	sadd.s32 $0x11800, s10;
	s7 =	sshrl.u32 s9, $0x3  }
0x1d: {  	s8 =	simm.s32 $0xA000;
	s6 =	sshrl.u32 s6, $0x3;
	s7 =	sadd.s32 s0, s7  }
0x1e: {  	s25 =	sshrl.u32 s25, $0x3;
	[dreg:$0xd] =	wrdreg s7;
	s7 =	sadd.s32 s0, s15  }
0x1f: {  	s9 =	simm.s32 $0x4;
	[dreg:$0xe] =	wrdreg s7;
	s7 =	sshrl.u32 s18, $0x3  }
0x20: {  	s15 =	simm.s32 $0x1;
	s18 =	sadd.s32 s2, s5;
	s7 =	sadd.s32 s0, s7  }
0x21: {  	s2 =	sadd.s32 $0xF000, s10;
	s0 =	sadd.s32 s0, s6;
	[dreg:$0xf] =	wrdreg s7  }
0x22: {  	s6 =	simm.s32 $0x2;
	[dreg:$0x10] =	wrdreg s0;
	s0 =	sshrl.u32 s22, $0x3  }
0x23: {  	v0 =	vimm.f32 $0.0e+00;
	s7 =	sadd.s32 $0x12C00, s10;
	[dreg:$0x13] =	wrdreg s0;
	s0 =	sadd.s32 $0x10400, s10  }
.LBB2_1:
0x24: {  	s17 =	simm.s32 $0x0;
	s19 =	rddreg [dreg:$0x5]  }
0x25: {  	[tilespmem:s17], [sflag:$0x3] =	stream.linear.gather [hbm4b:s19+s17], $0x800, $0x38;
	[tilespmem:$0x1F400] =	vst v63  }
0x26: {  	s23 =	rddreg [dreg:$0x6];
	s20 =	simm.s32 $0x1000  }
0x27: {  	[tilespmem:s20], [sflag:$0x3] =	stream.linear.gather [hbm4b:s23+s17], $0x800, $0x38;
	[tilespmem:$0x1F400] =	vst v63  }
0x28: {  	s19 =	simm.s32 $0x200;
	s17 =	simm.s32 $0x0  }
.LBB2_2:
0x29: {  	p0 =	sne.s32 s19, $0x4E00;
	[tilespmem:s17+$0xA070] =	vst v0  }
0x2a: {  	[tilespmem:s17+$0xA000] =	vst v0  }
0x2b: {  	[tilespmem:s17+$0xA010] =	vst v0  }
.Ltmp0:
0x2c: {  	[tilespmem:s17+$0xA020] =	vst v0;
	(pc) =	sbr.rel @p0 .LBB2_2-.Ltmp0, $4  }
0x2d: {  	[tilespmem:s17+$0xA030] =	vst v0  }
0x2e: {  	[tilespmem:s17+$0xA040] =	vst v0  }
0x2f: {  	[tilespmem:s17+$0xA050] =	vst v0  }
0x30: {  	[tilespmem:s17+$0xA060] =	vst v0;
	s17 =	sshra.s32 s19, $0x2;
	s19 =	sadd.s32 $0x200, s19  }
0x31: {  	[tilespmem:s17+$0xA070] =	vst v0  }
0x32: {  	[tilespmem:s17+$0xA000] =	vst v0  }
0x33: {  	[tilespmem:s17+$0xA010] =	vst v0  }
0x34: {  	[tilespmem:s17+$0xA020] =	vst v0  }
0x35: {  	[tilespmem:s17+$0xA030] =	vst v0  }
0x36: {  	[tilespmem:s17+$0xA040] =	vst v0  }
0x37: {  	[tilespmem:s17+$0xA050] =	vst v0  }
0x38: {  	[tilespmem:s17+$0xA060] =	vst v0  }
0x39: {  	[spmem:s10] =	stream.linear.scatter [tilespmem:s8], [sflag:$0x4], $0x1400, $0x38;
	[tilespmem:$0x1F400] =	vst v63  }
0x3a: {  	_ =	swait.ge [sflag:s9], $0x1400  }
0x3b: {  	[sflag:s9] =	ssyncset.done $0x0  }
0x3c: {  	s21 =	rddreg [dreg:$0x9];
	[sflag:s9] =	ssyncadd.s32 $0xFFFFEC00  }
0x3d: {  	[spmem:s21] =	stream.linear.scatter [tilespmem:s8], [sflag:$0x4], $0x1400, $0x38;
	[tilespmem:$0x1F400] =	vst v63  }
0x3e: {  	_ =	swait.ge [sflag:s9], $0x1400  }
0x3f: {  	[sflag:s9] =	ssyncset.done $0x0  }
0x40: {  	s22 =	rddreg [dreg:$0xa];
	[sflag:s9] =	ssyncadd.s32 $0xFFFFEC00  }
0x41: {  	[spmem:s22] =	stream.linear.scatter [tilespmem:s8], [sflag:$0x4], $0x1400, $0x38;
	[tilespmem:$0x1F400] =	vst v63  }
0x42: {  	_ =	swait.ge [sflag:s9], $0x1400  }
0x43: {  	[sflag:s9] =	ssyncset.done $0x0  }
0x44: {  	s23 =	rddreg [dreg:$0xb];
	[sflag:s9] =	ssyncadd.s32 $0xFFFFEC00  }
0x45: {  	[spmem:s23] =	stream.linear.scatter [tilespmem:s8], [sflag:$0x4], $0x1400, $0x38;
	[tilespmem:$0x1F400] =	vst v63  }
0x46: {  	_ =	swait.ge [sflag:s9], $0x1400  }
0x47: {  	[sflag:s9] =	ssyncset.done $0x0  }
0x48: {  	s19 =	rddreg [dreg:$0xc];
	[sflag:s9] =	ssyncadd.s32 $0xFFFFEC00  }
0x49: {  	[spmem:s19] =	stream.linear.scatter [tilespmem:s8], [sflag:$0x4], $0x1400, $0x38;
	[tilespmem:$0x1F400] =	vst v63  }
0x4a: {  	_ =	swait.ge [sflag:s9], $0x1400  }
0x4b: {  	[sflag:s9] =	ssyncset.done $0x0  }
0x4c: {  	s20 =	rddreg [dreg:$0x11];
	[sflag:s9] =	ssyncadd.s32 $0xFFFFEC00  }
0x4d: {  	[spmem:s20] =	stream.linear.scatter [tilespmem:s8], [sflag:$0x4], $0x1400, $0x38;
	[tilespmem:$0x1F400] =	vst v63  }
0x4e: {  	_ =	swait.ge [sflag:s9], $0x1400  }
0x4f: {  	[sflag:s9] =	ssyncset.done $0x0  }
0x50: {  	s21 =	rddreg [dreg:$0x12];
	[sflag:s9] =	ssyncadd.s32 $0xFFFFEC00  }
0x51: {  	[spmem:s21] =	stream.linear.scatter [tilespmem:s8], [sflag:$0x4], $0x1400, $0x38;
	[tilespmem:$0x1F400] =	vst v63  }
0x52: {  	_ =	swait.ge [sflag:s9], $0x1400  }
0x53: {  	[sflag:s9] =	ssyncset.done $0x0  }
0x54: {  	[sflag:s9] =	ssyncadd.s32 $0xFFFFEC00  }
0x55: {  	[spmem:s26] =	stream.linear.scatter [tilespmem:s8], [sflag:$0x4], $0x1400, $0x38;
	[tilespmem:$0x1F400] =	vst v63  }
0x56: {  	_ =	swait.ge [sflag:s9], $0x1400  }
0x57: {  	[sflag:s9] =	ssyncset.done $0x0  }
0x58: {  	[sflag:s9] =	ssyncadd.s32 $0xFFFFEC00  }
0x59: {  	[spmem:s28] =	stream.linear.scatter [tilespmem:s8], [sflag:$0x4], $0x1400, $0x38;
	[tilespmem:$0x1F400] =	vst v63  }
0x5a: {  	_ =	swait.ge [sflag:s9], $0x1400  }
0x5b: {  	[sflag:s9] =	ssyncset.done $0x0  }
0x5c: {  	[sflag:s9] =	ssyncadd.s32 $0xFFFFEC00  }
0x5d: {  	[spmem:s29] =	stream.linear.scatter [tilespmem:s8], [sflag:$0x4], $0x1400, $0x38;
	[tilespmem:$0x1F400] =	vst v63  }
0x5e: {  	_ =	swait.ge [sflag:s9], $0x1400  }
0x5f: {  	[sflag:s9] =	ssyncset.done $0x0  }
0x60: {  	[sflag:s9] =	ssyncadd.s32 $0xFFFFEC00  }
0x61: {  	[spmem:s30] =	stream.linear.scatter [tilespmem:s8], [sflag:$0x4], $0x1400, $0x38;
	[tilespmem:$0x1F400] =	vst v63  }
0x62: {  	_ =	swait.ge [sflag:s9], $0x1400  }
0x63: {  	[sflag:s9] =	ssyncset.done $0x0  }
0x64: {  	[sflag:s9] =	ssyncadd.s32 $0xFFFFEC00  }
0x65: {  	[spmem:s31] =	stream.linear.scatter [tilespmem:s8], [sflag:$0x4], $0x1400, $0x38;
	[tilespmem:$0x1F400] =	vst v63  }
0x66: {  	_ =	swait.ge [sflag:s9], $0x1400  }
0x67: {  	[sflag:s9] =	ssyncset.done $0x0  }
0x68: {  	[sflag:s9] =	ssyncadd.s32 $0xFFFFEC00  }
0x69: {  	[spmem:s2] =	stream.linear.scatter [tilespmem:s8], [sflag:$0x4], $0x1400, $0x38;
	[tilespmem:$0x1F400] =	vst v63  }
0x6a: {  	_ =	swait.ge [sflag:s9], $0x1400  }
0x6b: {  	[sflag:s9] =	ssyncset.done $0x0  }
0x6c: {  	[sflag:s9] =	ssyncadd.s32 $0xFFFFEC00  }
0x6d: {  	[spmem:s0] =	stream.linear.scatter [tilespmem:s8], [sflag:$0x4], $0x1400, $0x38;
	[tilespmem:$0x1F400] =	vst v63  }
0x6e: {  	_ =	swait.ge [sflag:s9], $0x1400  }
0x6f: {  	[sflag:s9] =	ssyncset.done $0x0  }
0x70: {  	[sflag:s9] =	ssyncadd.s32 $0xFFFFEC00  }
0x71: {  	[spmem:s4] =	stream.linear.scatter [tilespmem:s8], [sflag:$0x4], $0x1400, $0x38;
	[tilespmem:$0x1F400] =	vst v63  }
0x72: {  	_ =	swait.ge [sflag:s9], $0x1400  }
0x73: {  	[sflag:s9] =	ssyncset.done $0x0  }
0x74: {  	[sflag:s9] =	ssyncadd.s32 $0xFFFFEC00  }
0x75: {  	[spmem:s7] =	stream.linear.scatter [tilespmem:s8], [sflag:$0x4], $0x1400, $0x38;
	[tilespmem:$0x1F400] =	vst v63  }
0x76: {  	_ =	swait.ge [sflag:s9], $0x1400  }
0x77: {  	[sflag:s9] =	ssyncset.done $0x0  }
0x78: {  	[sflag:s9] =	ssyncadd.s32 $0xFFFFEC00  }
0x79: {  	[bflag:$0x0] =	sbarrier.arrive $0xFFFF  }
0x7a: {  	_ =	swait.ge [sflag:s11], $0x800  }
0x7b: {  	[sflag:s11] =	ssyncset.done $0x0  }
0x7c: {  	[sflag:s11] =	ssyncadd.s32 $0xFFFFF800  }
0x7d: {  	_ =	swait.ge [sflag:s11], $0x800  }
0x7e: {  	p0 =	por $0x0, $0x0;
	s17 =	rddreg [dreg:$0x4]  }
0x7f: {  	s19 =	simm.s32 $0x0;
	s20 =	simm.s32 @!p0 $0x0;
	s21 =	sadd.s32 @!p0 $0x0, s17  }
0x80: {  	[sflag:s11] =	ssyncset.done $0x0;
	s17 =	sand.u32 @!p0 $0x800, s19;
	s21 =	sshrl.u32 @!p0 s21, $0x3  }
0x81: {  	[sflag:s11] =	ssyncadd.s32 $0xFFFFF800;
	s19 =	sxor.u32 @!p0 $0x800, s17;
	s21 =	sadd.s32 @!p0 s5, s21  }
0x82: {  	[tilespmem:s19], [sflag:$0x3] =	stream.linear.gather @!p0 [hbm4b:s21+s20], $0x800, $0x38;
	[tilespmem:$0x1F400] =	vst v63  }
0x83: {  	s19 =	sor.u32 @!p0 $0x1000, s19  }
0x84: {  	[tilespmem:s19], [sflag:$0x3] =	stream.linear.gather @!p0 [hbm4b:s18+s20], $0x800, $0x38;
	[tilespmem:$0x1F400] =	vst v63  }
0x85: {  	s17 =	simm.s32 @p0 $0x0  }
0x86: {  	[tilespmem:s13], [sflag:$0x1] =	stream.indirect.gather [hbm4b:s1+s12], $0x80, s17, s12, $0xb8;
	[tilespmem:$0x1F400] =	vst v63  }
0x87: {  	s22 =	sor.u32 $0x80, s17  }
0x88: {  	[tilespmem:s14], [sflag:$0x2] =	stream.indirect.gather [hbm4b:s1+s12], $0x80, s22, s12, $0xb8;
	[tilespmem:$0x1F400] =	vst v63  }
0x89: {  	_ =	swait.ge [sflag:s15], $0x3E80  }
0x8a: {  	[sflag:s15] =	ssyncset.done $0x0  }
0x8b: {  	s23 =	sor.u32 $0x1000, s17;
	[sflag:s15] =	ssyncadd.s32 $0xFFFFC180  }
0x8c: {  	[spmem:s3] =	stream.indirect.scatter.add.f32 [tilespmem:s13], [sflag:$0x4], $0x80, s23, s12, $0xb8;
	[tilespmem:$0x1F400] =	vst v63  }
0x8d: {  	_ =	swait.ge [sflag:s9], $0x3E80  }
0x8e: {  	[sflag:s9] =	ssyncset.done $0x0  }
0x8f: {  	s20 =	sadd.s32 $0x100, s17;
	[sflag:s9] =	ssyncadd.s32 $0xFFFFC180  }
0x90: {  	[tilespmem:s13], [sflag:$0x1] =	stream.indirect.gather [hbm4b:s1+s12], $0x80, s20, s12, $0xb8;
	[tilespmem:$0x1F400] =	vst v63  }
0x91: {  	_ =	swait.ge [sflag:s6], $0x3E80  }
0x92: {  	[sflag:s6] =	ssyncset.done $0x0  }
0x93: {  	s21 =	sor.u32 $0x1080, s17;
	[sflag:s6] =	ssyncadd.s32 $0xFFFFC180  }
0x94: {  	[spmem:s3] =	stream.indirect.scatter.add.f32 [tilespmem:s14], [sflag:$0x4], $0x80, s21, s12, $0xb8;
	[tilespmem:$0x1F400] =	vst v63  }
0x95: {  	_ =	swait.ge [sflag:s9], $0x3E80  }
0x96: {  	[sflag:s9] =	ssyncset.done $0x0  }
0x97: {  	s22 =	sor.u32 $0x180, s17;
	[sflag:s9] =	ssyncadd.s32 $0xFFFFC180  }
0x98: {  	[tilespmem:s14], [sflag:$0x2] =	stream.indirect.gather [hbm4b:s1+s12], $0x80, s22, s12, $0xb8;
	[tilespmem:$0x1F400] =	vst v63  }
0x99: {  	_ =	swait.ge [sflag:s15], $0x3E80  }
0x9a: {  	[sflag:s15] =	ssyncset.done $0x0  }
0x9b: {  	s23 =	sadd.s32 $0x1100, s17;
	[sflag:s15] =	ssyncadd.s32 $0xFFFFC180  }
0x9c: {  	[spmem:s3] =	stream.indirect.scatter.add.f32 [tilespmem:s13], [sflag:$0x4], $0x80, s23, s12, $0xb8;
	[tilespmem:$0x1F400] =	vst v63  }
0x9d: {  	_ =	swait.ge [sflag:s9], $0x3E80  }
0x9e: {  	[sflag:s9] =	ssyncset.done $0x0  }
0x9f: {  	s20 =	sadd.s32 $0x200, s17;
	[sflag:s9] =	ssyncadd.s32 $0xFFFFC180  }
0xa0: {  	[tilespmem:s13], [sflag:$0x1] =	stream.indirect.gather [hbm4b:s1+s12], $0x80, s20, s12, $0xb8;
	[tilespmem:$0x1F400] =	vst v63  }
0xa1: {  	_ =	swait.ge [sflag:s6], $0x3E80  }
0xa2: {  	[sflag:s6] =	ssyncset.done $0x0  }
0xa3: {  	s21 =	sor.u32 $0x1180, s17;
	[sflag:s6] =	ssyncadd.s32 $0xFFFFC180  }
0xa4: {  	[spmem:s3] =	stream.indirect.scatter.add.f32 [tilespmem:s14], [sflag:$0x4], $0x80, s21, s12, $0xb8;
	[tilespmem:$0x1F400] =	vst v63  }
0xa5: {  	_ =	swait.ge [sflag:s9], $0x3E80  }
0xa6: {  	[sflag:s9] =	ssyncset.done $0x0  }
0xa7: {  	s22 =	sor.u32 $0x280, s17;
	[sflag:s9] =	ssyncadd.s32 $0xFFFFC180  }
0xa8: {  	[tilespmem:s14], [sflag:$0x2] =	stream.indirect.gather [hbm4b:s1+s12], $0x80, s22, s12, $0xb8;
	[tilespmem:$0x1F400] =	vst v63  }
0xa9: {  	_ =	swait.ge [sflag:s15], $0x3E80  }
0xaa: {  	[sflag:s15] =	ssyncset.done $0x0  }
0xab: {  	s23 =	sadd.s32 $0x1200, s17;
	[sflag:s15] =	ssyncadd.s32 $0xFFFFC180  }
0xac: {  	[spmem:s3] =	stream.indirect.scatter.add.f32 [tilespmem:s13], [sflag:$0x4], $0x80, s23, s12, $0xb8;
	[tilespmem:$0x1F400] =	vst v63  }
0xad: {  	_ =	swait.ge [sflag:s9], $0x3E80  }
0xae: {  	[sflag:s9] =	ssyncset.done $0x0  }
0xaf: {  	s20 =	sadd.s32 $0x300, s17;
	[sflag:s9] =	ssyncadd.s32 $0xFFFFC180  }
0xb0: {  	[tilespmem:s13], [sflag:$0x1] =	stream.indirect.gather [hbm4b:s1+s12], $0x80, s20, s12, $0xb8;
	[tilespmem:$0x1F400] =	vst v63  }
0xb1: {  	_ =	swait.ge [sflag:s6], $0x3E80  }
0xb2: {  	[sflag:s6] =	ssyncset.done $0x0  }
0xb3: {  	s21 =	sor.u32 $0x1280, s17;
	[sflag:s6] =	ssyncadd.s32 $0xFFFFC180  }
0xb4: {  	[spmem:s3] =	stream.indirect.scatter.add.f32 [tilespmem:s14], [sflag:$0x4], $0x80, s21, s12, $0xb8;
	[tilespmem:$0x1F400] =	vst v63  }
0xb5: {  	_ =	swait.ge [sflag:s9], $0x3E80  }
0xb6: {  	[sflag:s9] =	ssyncset.done $0x0  }
0xb7: {  	s22 =	sor.u32 $0x380, s17;
	[sflag:s9] =	ssyncadd.s32 $0xFFFFC180  }
0xb8: {  	[tilespmem:s14], [sflag:$0x2] =	stream.indirect.gather [hbm4b:s1+s12], $0x80, s22, s12, $0xb8;
	[tilespmem:$0x1F400] =	vst v63  }
0xb9: {  	_ =	swait.ge [sflag:s15], $0x3E80  }
0xba: {  	[sflag:s15] =	ssyncset.done $0x0  }
0xbb: {  	s23 =	sadd.s32 $0x1300, s17;
	[sflag:s15] =	ssyncadd.s32 $0xFFFFC180  }
0xbc: {  	[spmem:s3] =	stream.indirect.scatter.add.f32 [tilespmem:s13], [sflag:$0x4], $0x80, s23, s12, $0xb8;
	[tilespmem:$0x1F400] =	vst v63  }
0xbd: {  	_ =	swait.ge [sflag:s9], $0x3E80  }
0xbe: {  	[sflag:s9] =	ssyncset.done $0x0  }
0xbf: {  	s20 =	sadd.s32 $0x400, s17;
	[sflag:s9] =	ssyncadd.s32 $0xFFFFC180  }
0xc0: {  	[tilespmem:s13], [sflag:$0x1] =	stream.indirect.gather [hbm4b:s1+s12], $0x80, s20, s12, $0xb8;
	[tilespmem:$0x1F400] =	vst v63  }
0xc1: {  	_ =	swait.ge [sflag:s6], $0x3E80  }
0xc2: {  	[sflag:s6] =	ssyncset.done $0x0  }
0xc3: {  	s21 =	sor.u32 $0x1380, s17;
	[sflag:s6] =	ssyncadd.s32 $0xFFFFC180  }
0xc4: {  	[spmem:s3] =	stream.indirect.scatter.add.f32 [tilespmem:s14], [sflag:$0x4], $0x80, s21, s12, $0xb8;
	[tilespmem:$0x1F400] =	vst v63  }
0xc5: {  	_ =	swait.ge [sflag:s9], $0x3E80  }
0xc6: {  	[sflag:s9] =	ssyncset.done $0x0  }
0xc7: {  	s22 =	sor.u32 $0x480, s17;
	[sflag:s9] =	ssyncadd.s32 $0xFFFFC180  }
0xc8: {  	[tilespmem:s14], [sflag:$0x2] =	stream.indirect.gather [hbm4b:s1+s12], $0x80, s22, s12, $0xb8;
	[tilespmem:$0x1F400] =	vst v63  }
0xc9: {  	_ =	swait.ge [sflag:s15], $0x3E80  }
0xca: {  	[sflag:s15] =	ssyncset.done $0x0  }
0xcb: {  	s23 =	sadd.s32 $0x1400, s17;
	[sflag:s15] =	ssyncadd.s32 $0xFFFFC180  }
0xcc: {  	[spmem:s3] =	stream.indirect.scatter.add.f32 [tilespmem:s13], [sflag:$0x4], $0x80, s23, s12, $0xb8;
	[tilespmem:$0x1F400] =	vst v63  }
0xcd: {  	_ =	swait.ge [sflag:s9], $0x3E80  }
0xce: {  	[sflag:s9] =	ssyncset.done $0x0  }
0xcf: {  	s20 =	sadd.s32 $0x500, s17;
	[sflag:s9] =	ssyncadd.s32 $0xFFFFC180  }
0xd0: {  	[tilespmem:s13], [sflag:$0x1] =	stream.indirect.gather [hbm4b:s1+s12], $0x80, s20, s12, $0xb8;
	[tilespmem:$0x1F400] =	vst v63  }
0xd1: {  	_ =	swait.ge [sflag:s6], $0x3E80  }
0xd2: {  	[sflag:s6] =	ssyncset.done $0x0  }
0xd3: {  	s21 =	sor.u32 $0x1480, s17;
	[sflag:s6] =	ssyncadd.s32 $0xFFFFC180  }
0xd4: {  	[spmem:s3] =	stream.indirect.scatter.add.f32 [tilespmem:s14], [sflag:$0x4], $0x80, s21, s12, $0xb8;
	[tilespmem:$0x1F400] =	vst v63  }
0xd5: {  	_ =	swait.ge [sflag:s9], $0x3E80  }
0xd6: {  	[sflag:s9] =	ssyncset.done $0x0  }
0xd7: {  	s22 =	sor.u32 $0x580, s17;
	[sflag:s9] =	ssyncadd.s32 $0xFFFFC180  }
0xd8: {  	[tilespmem:s14], [sflag:$0x2] =	stream.indirect.gather [hbm4b:s1+s12], $0x80, s22, s12, $0xb8;
	[tilespmem:$0x1F400] =	vst v63  }
0xd9: {  	_ =	swait.ge [sflag:s15], $0x3E80  }
0xda: {  	[sflag:s15] =	ssyncset.done $0x0  }
0xdb: {  	s23 =	sadd.s32 $0x1500, s17;
	[sflag:s15] =	ssyncadd.s32 $0xFFFFC180  }
0xdc: {  	[spmem:s3] =	stream.indirect.scatter.add.f32 [tilespmem:s13], [sflag:$0x4], $0x80, s23, s12, $0xb8;
	[tilespmem:$0x1F400] =	vst v63  }
0xdd: {  	_ =	swait.ge [sflag:s9], $0x3E80  }
0xde: {  	[sflag:s9] =	ssyncset.done $0x0  }
0xdf: {  	s20 =	sadd.s32 $0x600, s17;
	[sflag:s9] =	ssyncadd.s32 $0xFFFFC180  }
0xe0: {  	[tilespmem:s13], [sflag:$0x1] =	stream.indirect.gather [hbm4b:s1+s12], $0x80, s20, s12, $0xb8;
	[tilespmem:$0x1F400] =	vst v63  }
0xe1: {  	_ =	swait.ge [sflag:s6], $0x3E80  }
0xe2: {  	[sflag:s6] =	ssyncset.done $0x0  }
0xe3: {  	s21 =	sor.u32 $0x1580, s17;
	[sflag:s6] =	ssyncadd.s32 $0xFFFFC180  }
0xe4: {  	[spmem:s3] =	stream.indirect.scatter.add.f32 [tilespmem:s14], [sflag:$0x4], $0x80, s21, s12, $0xb8;
	[tilespmem:$0x1F400] =	vst v63  }
0xe5: {  	_ =	swait.ge [sflag:s9], $0x3E80  }
0xe6: {  	[sflag:s9] =	ssyncset.done $0x0  }
0xe7: {  	s22 =	sor.u32 $0x680, s17;
	[sflag:s9] =	ssyncadd.s32 $0xFFFFC180  }
0xe8: {  	[tilespmem:s14], [sflag:$0x2] =	stream.indirect.gather [hbm4b:s1+s12], $0x80, s22, s12, $0xb8;
	[tilespmem:$0x1F400] =	vst v63  }
0xe9: {  	_ =	swait.ge [sflag:s15], $0x3E80  }
0xea: {  	[sflag:s15] =	ssyncset.done $0x0  }
0xeb: {  	s23 =	sadd.s32 $0x1600, s17;
	[sflag:s15] =	ssyncadd.s32 $0xFFFFC180  }
0xec: {  	[spmem:s3] =	stream.indirect.scatter.add.f32 [tilespmem:s13], [sflag:$0x4], $0x80, s23, s12, $0xb8;
	[tilespmem:$0x1F400] =	vst v63  }
0xed: {  	_ =	swait.ge [sflag:s9], $0x3E80  }
0xee: {  	[sflag:s9] =	ssyncset.done $0x0  }
0xef: {  	s20 =	sadd.s32 $0x700, s17;
	[sflag:s9] =	ssyncadd.s32 $0xFFFFC180  }
0xf0: {  	[tilespmem:s13], [sflag:$0x1] =	stream.indirect.gather [hbm4b:s1+s12], $0x80, s20, s12, $0xb8;
	[tilespmem:$0x1F400] =	vst v63  }
0xf1: {  	_ =	swait.ge [sflag:s6], $0x3E80  }
0xf2: {  	[sflag:s6] =	ssyncset.done $0x0  }
0xf3: {  	s21 =	sor.u32 $0x1680, s17;
	[sflag:s6] =	ssyncadd.s32 $0xFFFFC180  }
0xf4: {  	[spmem:s3] =	stream.indirect.scatter.add.f32 [tilespmem:s14], [sflag:$0x4], $0x80, s21, s12, $0xb8;
	[tilespmem:$0x1F400] =	vst v63  }
0xf5: {  	_ =	swait.ge [sflag:s9], $0x3E80  }
0xf6: {  	[sflag:s9] =	ssyncset.done $0x0  }
0xf7: {  	s22 =	sor.u32 $0x780, s17;
	[sflag:s9] =	ssyncadd.s32 $0xFFFFC180  }
0xf8: {  	[tilespmem:s14], [sflag:$0x2] =	stream.indirect.gather [hbm4b:s1+s12], $0x80, s22, s12, $0xb8;
	[tilespmem:$0x1F400] =	vst v63  }
0xf9: {  	_ =	swait.ge [sflag:s15], $0x3E80  }
0xfa: {  	[sflag:s15] =	ssyncset.done $0x0  }
0xfb: {  	s23 =	sadd.s32 $0x1700, s17;
	[sflag:s15] =	ssyncadd.s32 $0xFFFFC180  }
0xfc: {  	[spmem:s3] =	stream.indirect.scatter.add.f32 [tilespmem:s13], [sflag:$0x4], $0x80, s23, s12, $0xb8;
	[tilespmem:$0x1F400] =	vst v63  }
0xfd: {  	_ =	swait.ge [sflag:s9], $0x3E80  }
0xfe: {  	[sflag:s9] =	ssyncset.done $0x0  }
0xff: {  	[sflag:s9] =	ssyncadd.s32 $0xFFFFC180  }
0x100: {  	_ =	swait.ge [sflag:s6], $0x3E80  }
0x101: {  	[sflag:s6] =	ssyncset.done $0x0  }
0x102: {  	s17 =	sor.u32 $0x1780, s17;
	[sflag:s6] =	ssyncadd.s32 $0xFFFFC180  }
0x103: {  	[spmem:s3] =	stream.indirect.scatter.add.f32 [tilespmem:s14], [sflag:$0x4], $0x80, s17, s12, $0xb8;
	[tilespmem:$0x1F400] =	vst v63  }
0x104: {  	_ =	swait.ge [sflag:s9], $0x3E80  }
0x105: {  	s21 =	smov.u32 s18;
	s17 =	simm.s32 $0x800;
	[sflag:s9] =	ssyncset.done $0x0  }
.LBB2_4:
0x106: {  	[sflag:s9] =	ssyncadd.s32 $0xFFFFC180  }
0x107: {  	_ =	swait.ge [sflag:s11], $0x800  }
0x108: {  	[sflag:s11] =	ssyncset.done $0x0  }
0x109: {  	[sflag:s11] =	ssyncadd.s32 $0xFFFFF800  }
0x10a: {  	s19 =	smov.u32 s17;
	_ =	swait.ge [sflag:s11], $0x800  }
0x10b: {  	p1 =	seq.s32 s19, $0x2000;
	s20 =	rddreg [dreg:$0x4]  }
0x10c: {  	s23 =	simm.s32 @!p1 $0x0;
	s20 =	sadd.s32 @!p1 s19, s20  }
0x10d: {  	[sflag:s11] =	ssyncset.done $0x0;
	s19 =	sand.u32 @!p1 $0x800, s19;
	s20 =	sshrl.u32 @!p1 s20, $0x3  }
0x10e: {  	[sflag:s11] =	ssyncadd.s32 $0xFFFFF800;
	s22 =	sxor.u32 @!p1 $0x800, s19;
	s20 =	sadd.s32 @!p1 s5, s20  }
0x10f: {  	[tilespmem:s22], [sflag:$0x3] =	stream.linear.gather @!p1 [hbm4b:s20+s23], $0x800, $0x38;
	[tilespmem:$0x1F400] =	vst v63  }
0x110: {  	s21 =	sadd.s32 $0x100, s21;
	s20 =	sor.u32 @!p1 $0x1000, s22  }
0x111: {  	[tilespmem:s20], [sflag:$0x3] =	stream.linear.gather @!p1 [hbm4b:s21+s23], $0x800, $0x38;
	[tilespmem:$0x1F400] =	vst v63  }
0x112: {  	s19 =	simm.s32 @p1 $0x0  }
0x113: {  	[tilespmem:s13], [sflag:$0x1] =	stream.indirect.gather [hbm4b:s1+s12], $0x80, s19, s12, $0xb8;
	[tilespmem:$0x1F400] =	vst v63  }
0x114: {  	s22 =	sor.u32 $0x80, s19  }
0x115: {  	[tilespmem:s14], [sflag:$0x2] =	stream.indirect.gather [hbm4b:s1+s12], $0x80, s22, s12, $0xb8;
	[tilespmem:$0x1F400] =	vst v63  }
0x116: {  	_ =	swait.ge [sflag:s15], $0x3E80  }
0x117: {  	[sflag:s15] =	ssyncset.done $0x0  }
0x118: {  	s23 =	sor.u32 $0x1000, s19;
	[sflag:s15] =	ssyncadd.s32 $0xFFFFC180  }
0x119: {  	[spmem:s3] =	stream.indirect.scatter.add.f32 [tilespmem:s13], [sflag:$0x4], $0x80, s23, s12, $0xb8;
	[tilespmem:$0x1F400] =	vst v63  }
0x11a: {  	_ =	swait.ge [sflag:s9], $0x3E80  }
0x11b: {  	[sflag:s9] =	ssyncset.done $0x0  }
0x11c: {  	s22 =	sadd.s32 $0x100, s19;
	[sflag:s9] =	ssyncadd.s32 $0xFFFFC180  }
0x11d: {  	[tilespmem:s13], [sflag:$0x1] =	stream.indirect.gather [hbm4b:s1+s12], $0x80, s22, s12, $0xb8;
	[tilespmem:$0x1F400] =	vst v63  }
0x11e: {  	_ =	swait.ge [sflag:s6], $0x3E80  }
0x11f: {  	[sflag:s6] =	ssyncset.done $0x0  }
0x120: {  	s23 =	sor.u32 $0x1080, s19;
	[sflag:s6] =	ssyncadd.s32 $0xFFFFC180  }
0x121: {  	[spmem:s3] =	stream.indirect.scatter.add.f32 [tilespmem:s14], [sflag:$0x4], $0x80, s23, s12, $0xb8;
	[tilespmem:$0x1F400] =	vst v63  }
0x122: {  	_ =	swait.ge [sflag:s9], $0x3E80  }
0x123: {  	[sflag:s9] =	ssyncset.done $0x0  }
0x124: {  	s22 =	sor.u32 $0x180, s19;
	[sflag:s9] =	ssyncadd.s32 $0xFFFFC180  }
0x125: {  	[tilespmem:s14], [sflag:$0x2] =	stream.indirect.gather [hbm4b:s1+s12], $0x80, s22, s12, $0xb8;
	[tilespmem:$0x1F400] =	vst v63  }
0x126: {  	_ =	swait.ge [sflag:s15], $0x3E80  }
0x127: {  	[sflag:s15] =	ssyncset.done $0x0  }
0x128: {  	s23 =	sadd.s32 $0x1100, s19;
	[sflag:s15] =	ssyncadd.s32 $0xFFFFC180  }
0x129: {  	[spmem:s3] =	stream.indirect.scatter.add.f32 [tilespmem:s13], [sflag:$0x4], $0x80, s23, s12, $0xb8;
	[tilespmem:$0x1F400] =	vst v63  }
0x12a: {  	_ =	swait.ge [sflag:s9], $0x3E80  }
0x12b: {  	[sflag:s9] =	ssyncset.done $0x0  }
0x12c: {  	s22 =	sadd.s32 $0x200, s19;
	[sflag:s9] =	ssyncadd.s32 $0xFFFFC180  }
0x12d: {  	[tilespmem:s13], [sflag:$0x1] =	stream.indirect.gather [hbm4b:s1+s12], $0x80, s22, s12, $0xb8;
	[tilespmem:$0x1F400] =	vst v63  }
0x12e: {  	_ =	swait.ge [sflag:s6], $0x3E80  }
0x12f: {  	[sflag:s6] =	ssyncset.done $0x0  }
0x130: {  	s23 =	sor.u32 $0x1180, s19;
	[sflag:s6] =	ssyncadd.s32 $0xFFFFC180  }
0x131: {  	[spmem:s3] =	stream.indirect.scatter.add.f32 [tilespmem:s14], [sflag:$0x4], $0x80, s23, s12, $0xb8;
	[tilespmem:$0x1F400] =	vst v63  }
0x132: {  	_ =	swait.ge [sflag:s9], $0x3E80  }
0x133: {  	[sflag:s9] =	ssyncset.done $0x0  }
0x134: {  	s22 =	sor.u32 $0x280, s19;
	[sflag:s9] =	ssyncadd.s32 $0xFFFFC180  }
0x135: {  	[tilespmem:s14], [sflag:$0x2] =	stream.indirect.gather [hbm4b:s1+s12], $0x80, s22, s12, $0xb8;
	[tilespmem:$0x1F400] =	vst v63  }
0x136: {  	_ =	swait.ge [sflag:s15], $0x3E80  }
0x137: {  	[sflag:s15] =	ssyncset.done $0x0  }
0x138: {  	s23 =	sadd.s32 $0x1200, s19;
	[sflag:s15] =	ssyncadd.s32 $0xFFFFC180  }
0x139: {  	[spmem:s3] =	stream.indirect.scatter.add.f32 [tilespmem:s13], [sflag:$0x4], $0x80, s23, s12, $0xb8;
	[tilespmem:$0x1F400] =	vst v63  }
0x13a: {  	_ =	swait.ge [sflag:s9], $0x3E80  }
0x13b: {  	[sflag:s9] =	ssyncset.done $0x0  }
0x13c: {  	s22 =	sadd.s32 $0x300, s19;
	[sflag:s9] =	ssyncadd.s32 $0xFFFFC180  }
0x13d: {  	[tilespmem:s13], [sflag:$0x1] =	stream.indirect.gather [hbm4b:s1+s12], $0x80, s22, s12, $0xb8;
	[tilespmem:$0x1F400] =	vst v63  }
0x13e: {  	_ =	swait.ge [sflag:s6], $0x3E80  }
0x13f: {  	[sflag:s6] =	ssyncset.done $0x0  }
0x140: {  	s23 =	sor.u32 $0x1280, s19;
	[sflag:s6] =	ssyncadd.s32 $0xFFFFC180  }
0x141: {  	[spmem:s3] =	stream.indirect.scatter.add.f32 [tilespmem:s14], [sflag:$0x4], $0x80, s23, s12, $0xb8;
	[tilespmem:$0x1F400] =	vst v63  }
0x142: {  	_ =	swait.ge [sflag:s9], $0x3E80  }
0x143: {  	[sflag:s9] =	ssyncset.done $0x0  }
0x144: {  	s22 =	sor.u32 $0x380, s19;
	[sflag:s9] =	ssyncadd.s32 $0xFFFFC180  }
0x145: {  	[tilespmem:s14], [sflag:$0x2] =	stream.indirect.gather [hbm4b:s1+s12], $0x80, s22, s12, $0xb8;
	[tilespmem:$0x1F400] =	vst v63  }
0x146: {  	_ =	swait.ge [sflag:s15], $0x3E80  }
0x147: {  	[sflag:s15] =	ssyncset.done $0x0  }
0x148: {  	s23 =	sadd.s32 $0x1300, s19;
	[sflag:s15] =	ssyncadd.s32 $0xFFFFC180  }
0x149: {  	[spmem:s3] =	stream.indirect.scatter.add.f32 [tilespmem:s13], [sflag:$0x4], $0x80, s23, s12, $0xb8;
	[tilespmem:$0x1F400] =	vst v63  }
0x14a: {  	_ =	swait.ge [sflag:s9], $0x3E80  }
0x14b: {  	[sflag:s9] =	ssyncset.done $0x0  }
0x14c: {  	s22 =	sadd.s32 $0x400, s19;
	[sflag:s9] =	ssyncadd.s32 $0xFFFFC180  }
0x14d: {  	[tilespmem:s13], [sflag:$0x1] =	stream.indirect.gather [hbm4b:s1+s12], $0x80, s22, s12, $0xb8;
	[tilespmem:$0x1F400] =	vst v63  }
0x14e: {  	_ =	swait.ge [sflag:s6], $0x3E80  }
0x14f: {  	[sflag:s6] =	ssyncset.done $0x0  }
0x150: {  	s23 =	sor.u32 $0x1380, s19;
	[sflag:s6] =	ssyncadd.s32 $0xFFFFC180  }
0x151: {  	[spmem:s3] =	stream.indirect.scatter.add.f32 [tilespmem:s14], [sflag:$0x4], $0x80, s23, s12, $0xb8;
	[tilespmem:$0x1F400] =	vst v63  }
0x152: {  	_ =	swait.ge [sflag:s9], $0x3E80  }
0x153: {  	[sflag:s9] =	ssyncset.done $0x0  }
0x154: {  	s22 =	sor.u32 $0x480, s19;
	[sflag:s9] =	ssyncadd.s32 $0xFFFFC180  }
0x155: {  	[tilespmem:s14], [sflag:$0x2] =	stream.indirect.gather [hbm4b:s1+s12], $0x80, s22, s12, $0xb8;
	[tilespmem:$0x1F400] =	vst v63  }
0x156: {  	_ =	swait.ge [sflag:s15], $0x3E80  }
0x157: {  	[sflag:s15] =	ssyncset.done $0x0  }
0x158: {  	s23 =	sadd.s32 $0x1400, s19;
	[sflag:s15] =	ssyncadd.s32 $0xFFFFC180  }
0x159: {  	[spmem:s3] =	stream.indirect.scatter.add.f32 [tilespmem:s13], [sflag:$0x4], $0x80, s23, s12, $0xb8;
	[tilespmem:$0x1F400] =	vst v63  }
0x15a: {  	_ =	swait.ge [sflag:s9], $0x3E80  }
0x15b: {  	[sflag:s9] =	ssyncset.done $0x0  }
0x15c: {  	s22 =	sadd.s32 $0x500, s19;
	[sflag:s9] =	ssyncadd.s32 $0xFFFFC180  }
0x15d: {  	[tilespmem:s13], [sflag:$0x1] =	stream.indirect.gather [hbm4b:s1+s12], $0x80, s22, s12, $0xb8;
	[tilespmem:$0x1F400] =	vst v63  }
0x15e: {  	_ =	swait.ge [sflag:s6], $0x3E80  }
0x15f: {  	[sflag:s6] =	ssyncset.done $0x0  }
0x160: {  	s23 =	sor.u32 $0x1480, s19;
	[sflag:s6] =	ssyncadd.s32 $0xFFFFC180  }
0x161: {  	[spmem:s3] =	stream.indirect.scatter.add.f32 [tilespmem:s14], [sflag:$0x4], $0x80, s23, s12, $0xb8;
	[tilespmem:$0x1F400] =	vst v63  }
0x162: {  	_ =	swait.ge [sflag:s9], $0x3E80  }
0x163: {  	[sflag:s9] =	ssyncset.done $0x0  }
0x164: {  	s22 =	sor.u32 $0x580, s19;
	[sflag:s9] =	ssyncadd.s32 $0xFFFFC180  }
0x165: {  	[tilespmem:s14], [sflag:$0x2] =	stream.indirect.gather [hbm4b:s1+s12], $0x80, s22, s12, $0xb8;
	[tilespmem:$0x1F400] =	vst v63  }
0x166: {  	_ =	swait.ge [sflag:s15], $0x3E80  }
0x167: {  	[sflag:s15] =	ssyncset.done $0x0  }
0x168: {  	s23 =	sadd.s32 $0x1500, s19;
	[sflag:s15] =	ssyncadd.s32 $0xFFFFC180  }
0x169: {  	[spmem:s3] =	stream.indirect.scatter.add.f32 [tilespmem:s13], [sflag:$0x4], $0x80, s23, s12, $0xb8;
	[tilespmem:$0x1F400] =	vst v63  }
0x16a: {  	_ =	swait.ge [sflag:s9], $0x3E80  }
0x16b: {  	[sflag:s9] =	ssyncset.done $0x0  }
0x16c: {  	s22 =	sadd.s32 $0x600, s19;
	[sflag:s9] =	ssyncadd.s32 $0xFFFFC180  }
0x16d: {  	[tilespmem:s13], [sflag:$0x1] =	stream.indirect.gather [hbm4b:s1+s12], $0x80, s22, s12, $0xb8;
	[tilespmem:$0x1F400] =	vst v63  }
0x16e: {  	_ =	swait.ge [sflag:s6], $0x3E80  }
0x16f: {  	[sflag:s6] =	ssyncset.done $0x0  }
0x170: {  	s23 =	sor.u32 $0x1580, s19;
	[sflag:s6] =	ssyncadd.s32 $0xFFFFC180  }
0x171: {  	[spmem:s3] =	stream.indirect.scatter.add.f32 [tilespmem:s14], [sflag:$0x4], $0x80, s23, s12, $0xb8;
	[tilespmem:$0x1F400] =	vst v63  }
0x172: {  	_ =	swait.ge [sflag:s9], $0x3E80  }
0x173: {  	[sflag:s9] =	ssyncset.done $0x0  }
0x174: {  	s22 =	sor.u32 $0x680, s19;
	[sflag:s9] =	ssyncadd.s32 $0xFFFFC180  }
0x175: {  	[tilespmem:s14], [sflag:$0x2] =	stream.indirect.gather [hbm4b:s1+s12], $0x80, s22, s12, $0xb8;
	[tilespmem:$0x1F400] =	vst v63  }
0x176: {  	_ =	swait.ge [sflag:s15], $0x3E80  }
0x177: {  	[sflag:s15] =	ssyncset.done $0x0  }
0x178: {  	s23 =	sadd.s32 $0x1600, s19;
	[sflag:s15] =	ssyncadd.s32 $0xFFFFC180  }
0x179: {  	[spmem:s3] =	stream.indirect.scatter.add.f32 [tilespmem:s13], [sflag:$0x4], $0x80, s23, s12, $0xb8;
	[tilespmem:$0x1F400] =	vst v63  }
0x17a: {  	_ =	swait.ge [sflag:s9], $0x3E80  }
0x17b: {  	[sflag:s9] =	ssyncset.done $0x0  }
0x17c: {  	s22 =	sadd.s32 $0x700, s19;
	[sflag:s9] =	ssyncadd.s32 $0xFFFFC180  }
0x17d: {  	[tilespmem:s13], [sflag:$0x1] =	stream.indirect.gather [hbm4b:s1+s12], $0x80, s22, s12, $0xb8;
	[tilespmem:$0x1F400] =	vst v63  }
0x17e: {  	_ =	swait.ge [sflag:s6], $0x3E80  }
0x17f: {  	[sflag:s6] =	ssyncset.done $0x0  }
0x180: {  	s23 =	sor.u32 $0x1680, s19;
	[sflag:s6] =	ssyncadd.s32 $0xFFFFC180  }
0x181: {  	[spmem:s3] =	stream.indirect.scatter.add.f32 [tilespmem:s14], [sflag:$0x4], $0x80, s23, s12, $0xb8;
	[tilespmem:$0x1F400] =	vst v63  }
0x182: {  	_ =	swait.ge [sflag:s9], $0x3E80  }
0x183: {  	[sflag:s9] =	ssyncset.done $0x0  }
0x184: {  	s22 =	sor.u32 $0x780, s19;
	[sflag:s9] =	ssyncadd.s32 $0xFFFFC180  }
0x185: {  	[tilespmem:s14], [sflag:$0x2] =	stream.indirect.gather [hbm4b:s1+s12], $0x80, s22, s12, $0xb8;
	[tilespmem:$0x1F400] =	vst v63  }
0x186: {  	_ =	swait.ge [sflag:s15], $0x3E80  }
0x187: {  	[sflag:s15] =	ssyncset.done $0x0  }
0x188: {  	s23 =	sadd.s32 $0x1700, s19;
	[sflag:s15] =	ssyncadd.s32 $0xFFFFC180  }
0x189: {  	[spmem:s3] =	stream.indirect.scatter.add.f32 [tilespmem:s13], [sflag:$0x4], $0x80, s23, s12, $0xb8;
	[tilespmem:$0x1F400] =	vst v63  }
0x18a: {  	_ =	swait.ge [sflag:s9], $0x3E80  }
0x18b: {  	[sflag:s9] =	ssyncset.done $0x0  }
0x18c: {  	s17 =	sadd.s32 $0x800, s17;
	[sflag:s9] =	ssyncadd.s32 $0xFFFFC180  }
0x18d: {  	p0 =	sne.s32 s17, $0x2800;
	_ =	swait.ge [sflag:s6], $0x3E80  }
.Ltmp1:
0x18e: {  	[sflag:s6] =	ssyncset.done $0x0;
	(pc) =	sbr.rel @p0 .LBB2_4-.Ltmp1, $4  }
0x18f: {  	s19 =	sor.u32 $0x1780, s19;
	[sflag:s6] =	ssyncadd.s32 $0xFFFFC180  }
0x190: {  	[spmem:s3] =	stream.indirect.scatter.add.f32 [tilespmem:s14], [sflag:$0x4], $0x80, s19, s12, $0xb8;
	[tilespmem:$0x1F400] =	vst v63  }
0x191: {  	_ =	swait.ge [sflag:s9], $0x3E80  }
0x192: {  	[sflag:s9] =	ssyncset.done $0x0  }
0x193: {  	[sflag:s9] =	ssyncadd.s32 $0xFFFFC180;
	s17 =	stileid.u32  }
0x194: {  	s17 =	sshll.u32 s17, $0x6;
	[bflag:$0x0] =	sbarrier.arrive $0xFFFF  }
0x195: {  	s19 =	sshrl.u32 s10, $0x3;
	s17 =	sor.u32 $0x1C04, s17;
	s20 =	rddreg [dreg:$0x7]  }
0x196: {  	[hbm:s20], [sflag:s17] =	dma.local [spmem:s19], $0x800  }
0x197: {  	_ =	swait.ge [sflag:s9], $0x800  }
0x198: {  	[sflag:s9] =	ssyncset.done $0x0;
	s20 =	rddreg [dreg:$0xd]  }
0x199: {  	s21 =	rddreg [dreg:$0x13];
	[sflag:s9] =	ssyncadd.s32 $0xFFFFF800  }
0x19a: {  	[hbm:s20], [sflag:s17] =	dma.local [spmem:s21], $0x800  }
0x19b: {  	_ =	swait.ge [sflag:s9], $0x800  }
0x19c: {  	[sflag:s9] =	ssyncset.done $0x0;
	s22 =	rddreg [dreg:$0xe]  }
0x19d: {  	s23 =	rddreg [dreg:$0x14];
	[sflag:s9] =	ssyncadd.s32 $0xFFFFF800  }
0x19e: {  	[hbm:s22], [sflag:s17] =	dma.local [spmem:s23], $0x800  }
0x19f: {  	_ =	swait.ge [sflag:s9], $0x800  }
0x1a0: {  	[sflag:s9] =	ssyncset.done $0x0  }
0x1a1: {  	s21 =	rddreg [dreg:$0xf];
	[sflag:s9] =	ssyncadd.s32 $0xFFFFF800  }
0x1a2: {  	[hbm:s21], [sflag:s17] =	dma.local [spmem:s24], $0x800  }
0x1a3: {  	_ =	swait.ge [sflag:s9], $0x800  }
0x1a4: {  	[sflag:s9] =	ssyncset.done $0x0  }
0x1a5: {  	s22 =	rddreg [dreg:$0x10];
	[sflag:s9] =	ssyncadd.s32 $0xFFFFF800  }
0x1a6: {  	[hbm:s22], [sflag:s17] =	dma.local [spmem:s25], $0x800  }
0x1a7: {  	_ =	swait.ge [sflag:s9], $0x800  }
0x1a8: {  	s16 =	sadd.s32 $0x1, s16;
	s23 =	rddreg [dreg:$0x8]  }
0x1a9: {  	p0 =	sne.s32 s16, s23  }
.Ltmp2:
0x1aa: {  	_ = 	snop;
	(pc) =	sbr.rel @p0 .LBB2_1-.Ltmp2, $3  }
0x1ab: {  	_ =	sdelay $0x1  }
0x1ac: {  	[sflag:s9] =	ssyncset.done $0x0  }
0x1ad: {  	[sflag:s9] =	ssyncadd.s32 $0xFFFFF800  }
0x1ae: {  	_ =	sfence.sel $0x180000  }
0x1af: {  	[bflag:$0x0] =	sbarrier.arrive $0xFFFF  }
0x1b0: {  	_ =	strace $0x9000004A  }
0x1b1: {  	s0 =	stileid.u32;
	[bflag:$0x2] =	sbarrier.arrive $0xFFFF  }
0x1b2: {  	p0 =	sne.s32 s0, $0x0;
	s0 =	rddreg [dreg:$0x3]  }
0x1b3: {  	s0 =	sadd.s32 @!p0 $0x100000, s0  }
0x1b4: {  	[sflag:s0] =	ssyncadd.tile.s32 @!p0 $0x1;
	_ =	shalt  }
.Lfunc_end2:
_tile_overlayer_lowered:
.L_overlay_start_2:
0x1b5: {  	(tag) =	ssettag $0x2  }
0x1b6: {  	s0 =	rddreg [dreg:$0x0];
	s2 =	stileid.u32  }
0x1b7: {  	s1 =	rddreg [dreg:$0x1];
	p0 =	sne.s32 s2, $0x0  }
0x1b8: {  	s3 =	rddreg [dreg:$0x2];
	[bflag:$0x3] =	sbarrier.arrive $0xFFFF;
	s2 =	simm.s32 @!p0 $0x1C04  }
0x1b9: {  	[timem:s3], [sflag:s2] =	dma.local @!p0 [hbm:s0], s1  }
0x1ba: {  	s0 =	simm.s32 @!p0 $0x4  }
0x1bb: {  	_ =	swait.ge @!p0 [sflag:s0], s1  }
0x1bc: {  	s1 =	ssub.s32 @!p0 $0x0, s1;
	[sflag:s0] =	ssyncset.done @!p0 $0x0  }
0x1bd: {  	[sflag:s0] =	ssyncadd.s32 @!p0 s1  }
0x1be: {  	[bflag:$0x3] =	sbarrier.arrive $0xFFFF  }
0x1bf: {  	_ =	shalt  }

// kernel: kernel.18.cloned.1.call-start
scs
__scs_entry_jumppad:
0x0: {  	(pc) =	sbr.rel $0x88, $3  }
0x1: {  	(tag) =	ssettag $0x0;
	lr =	simm.s32 $0x1  }
0x2: {  	[smem:$0x3F9B] =	sst lr;
	_ =	strace $0xD0000000  }
0x3: {  	_ = 	snop  }
0x4: {  	_ = 	snop  }
0x5: {  	_ = 	snop  }
0x6: {  	_ = 	snop  }
0x7: {  	_ = 	snop  }
__scs_overlays_trampoline_lowered:
0x8: {  	[smem:$0x3FAA] =	sst s0  }
0x9: {  	[smem:$0x3FAB] =	sst s1  }
0xa: {  	[smem:$0x3FAC] =	sst s2  }
0xb: {  	[smem:$0x3FAD] =	sst s3  }
0xc: {  	[smem:$0x3FAE] =	sst s4  }
0xd: {  	[smem:$0x3FAF] =	sst s5  }
0xe: {  	[smem:$0x3FB0] =	sst s6  }
0xf: {  	[smem:$0x3FB1] =	sst s7  }
0x10: {  	[smem:$0x3FB2] =	sst s8  }
0x11: {  	[smem:$0x3FB3] =	sst s9;
	s0 =	simm.s32 @!p0 $0x0  }
0x12: {  	s1 =	sld [smem:$0x3F99];
	s0 =	simm.s32 @p0 $0x1  }
0x13: {  	[smem:$0x3FB4] =	sst s0;
	s0 =	simm.s32 @!p1 $0x0  }
0x14: {  	s2 =	sld [smem:$0x3F98];
	s0 =	simm.s32 @p1 $0x1  }
0x15: {  	[smem:$0x3FB5] =	sst s0;
	s0 =	simm.s32 @!p2 $0x0  }
0x16: {  	s3 =	sld [smem:$0x3FDB];
	s0 =	simm.s32 @p2 $0x1  }
0x17: {  	s4 =	simm.s32 $0x1BF5;
	[smem:$0x3FB7] =	sst s0  }
0x18: {  	s0 =	sld [smem:$0x3F9A];
	_ =	swait.ge [sflag:s4], $0x0  }
0x19: {  	s7 =	sld [smem:$0x3F9B]  }
0x1a: {  	s8 =	sadd.s32 $0xFFFFE003, lr  }
0x1b: {  	s9 =	sadd.s32 $0xFFFFFEF7, lr;
	s5 =	simm.s32 $0xFFFFFFFF;
	p2 =	slt.u32 s8, $0xFFFFF086  }
0x1c: {  	p1 =	slt.u32 s9, $0xF7A;
	s5 =	simm.s32 @!p2 $0x0  }
0x1d: {  	s5 =	simm.s32 @p1 $0x1;
	p0 =	seq.s32 s7, s2  }
0x1e: {  	s7 =	smul.u32 @!p0 $0xF7A, s2;
	p2 =	seq.s32 @!p0 s5, $0x0  }
0x1f: {  	s9 =	smul.u32 $0xF7A, s1;
	s8 =	simm.s32 @!p0 $0x1BF5;
	p2 =	por !p2, p0  }
0x20: {  	[sflag:s8] =	ssyncset.s32 @!p0 $0xFFFFF086;
	s6 =	sadd.s32 @!p0 s3, s7;
	s7 =	simm.s32 @!p0 $0x108  }
0x21: {  	s3 =	sadd.s32 s3, s9;
	s6 =	sadd.s32 @!p0 $0x88, s6;
	s7 =	simm.s32 @p2 $0x1082  }
0x22: {  	[simem:s7], [sflag:s8] =	dma.local @!p0 [hbm:s6], $0xF7A  }
0x23: {  	s9 =	sor.u32 $0xD0000000, s2;
	s6 =	simm.s32 $0x108;
	_ =	swait.ge @!p0 [sflag:s8], $0x0  }
0x24: {  	s3 =	sadd.s32 $0x88, s3;
	s6 =	simm.s32 @!p1 $0x1082;
	[sflag:s4] =	ssyncset.s32 $0xFFFFF086  }
0x25: {  	[simem:s6], [sflag:s4] =	dma.local [hbm:s3], $0xF7A  }
0x26: {  	[smem:$0x3F9B] =	sst s1;
	(tag) =	ssettag s2;
	_ =	strace s9  }
0x27: {  	s1 =	sld [smem:$0x3FAB]  }
0x28: {  	s2 =	sld [smem:$0x3FAC]  }
0x29: {  	s4 =	sld [smem:$0x3FAE]  }
0x2a: {  	p0 =	seq.s32 s5, $0x0;
	s5 =	sld [smem:$0x3FAF]  }
0x2b: {  	s6 =	sld [smem:$0x3FB0]  }
0x2c: {  	s7 =	sld [smem:$0x3FB1]  }
0x2d: {  	s3 =	simm.s32 $0x108;
	s8 =	sld [smem:$0x3FB2]  }
0x2e: {  	s3 =	simm.s32 @!p0 $0x1082;
	s9 =	sld [smem:$0x3FB3]  }
0x2f: {  	lr =	sadd.s32 s0, s3;
	s0 =	sld [smem:$0x3FAA]  }
0x30: {  	s3 =	sld [smem:$0x3FAD]  }
0x31: {  	[smem:$0x3FB6] =	sst s10  }
0x32: {  	s10 =	sld [smem:$0x3FB4];
	_ =	sdelay $0x3  }
0x33: {  	p0 =	seq.s32 s10, $0x1;
	s10 =	sld [smem:$0x3FB6];
	_ =	sdelay $0x3  }
0x34: {  	[smem:$0x3FB6] =	sst s10  }
0x35: {  	s10 =	sld [smem:$0x3FB5];
	_ =	sdelay $0x3  }
0x36: {  	p1 =	seq.s32 s10, $0x1;
	s10 =	sld [smem:$0x3FB6];
	_ =	sdelay $0x3  }
0x37: {  	[smem:$0x3FB6] =	sst s10  }
0x38: {  	s10 =	sld [smem:$0x3FB7]  }
0x39: {  	_ = 	snop;
	(pc) =	sbr.ind lr, $3  }
0x3a: {  	_ = 	snop  }
0x3b: {  	_ = 	snop  }
0x3c: {  	p2 =	seq.s32 s10, $0x1;
	s10 =	sld [smem:$0x3FB6]  }
0x3d: {  	_ =	shalt  }
0x3e: {  	_ =	shalt  }
0x3f: {  	_ =	shalt  }
0x40: {  	_ =	shalt  }
0x41: {  	_ =	shalt  }
0x42: {  	_ =	shalt  }
0x43: {  	_ =	shalt  }
0x44: {  	_ =	shalt  }
0x45: {  	_ =	shalt  }
0x46: {  	_ =	shalt  }
0x47: {  	_ =	shalt  }
0x48: {  	_ =	shalt  }
0x49: {  	_ =	shalt  }
0x4a: {  	_ =	shalt  }
0x4b: {  	_ =	shalt  }
0x4c: {  	_ =	shalt  }
0x4d: {  	_ =	shalt  }
0x4e: {  	_ =	shalt  }
0x4f: {  	_ =	shalt  }
0x50: {  	_ =	shalt  }
0x51: {  	_ =	shalt  }
0x52: {  	_ =	shalt  }
0x53: {  	_ =	shalt  }
0x54: {  	_ =	shalt  }
0x55: {  	_ =	shalt  }
0x56: {  	_ =	shalt  }
0x57: {  	_ =	shalt  }
0x58: {  	_ =	shalt  }
0x59: {  	_ =	shalt  }
0x5a: {  	_ =	shalt  }
0x5b: {  	_ =	shalt  }
0x5c: {  	_ =	shalt  }
0x5d: {  	_ =	shalt  }
0x5e: {  	_ =	shalt  }
0x5f: {  	_ =	shalt  }
0x60: {  	_ =	shalt  }
0x61: {  	_ =	shalt  }
0x62: {  	_ =	shalt  }
0x63: {  	_ =	shalt  }
0x64: {  	_ =	shalt  }
0x65: {  	_ =	shalt  }
0x66: {  	_ =	shalt  }
0x67: {  	_ =	shalt  }
0x68: {  	_ =	shalt  }
0x69: {  	_ =	shalt  }
0x6a: {  	_ =	shalt  }
0x6b: {  	_ =	shalt  }
0x6c: {  	_ =	shalt  }
0x6d: {  	_ =	shalt  }
0x6e: {  	_ =	shalt  }
0x6f: {  	_ =	shalt  }
0x70: {  	_ =	shalt  }
0x71: {  	_ =	shalt  }
0x72: {  	_ =	shalt  }
0x73: {  	_ =	shalt  }
0x74: {  	_ =	shalt  }
0x75: {  	_ =	shalt  }
0x76: {  	_ =	shalt  }
0x77: {  	_ =	shalt  }
0x78: {  	_ =	shalt  }
0x79: {  	_ =	shalt  }
0x7a: {  	_ =	shalt  }
0x7b: {  	_ =	shalt  }
0x7c: {  	_ =	shalt  }
0x7d: {  	_ =	shalt  }
0x7e: {  	_ =	shalt  }
0x7f: {  	_ =	shalt  }
0x80: {  	_ =	shalt  }
0x81: {  	_ =	shalt  }
0x82: {  	_ =	shalt  }
0x83: {  	_ =	shalt  }
0x84: {  	_ =	shalt  }
0x85: {  	_ =	shalt  }
0x86: {  	_ =	shalt  }
0x87: {  	_ =	shalt  }
.Lfunc_end0:
.L_simem_size_0:
called_computation.2_lowered:
.L_overlay_start_0:
0x88: {  	s2 =	sld [smem:$0x3FD9]  }
0x89: {  	s3 =	sld [smem:$0x3FFE];
	_ =	sdelay $0x1  }
0x8a: {  	s1 =	srdreg.scid  }
0x8b: {  	s0 =	sand.u32 $0x1, s1  }
0x8c: {  	s17 =	sshll.u32 s0, $0xA;
	s2 =	sadd.s32 s3, s2  }
0x8d: {  	s2 =	sadd.s32 s2, s17  }
0x8e: {  	[smem:$0x3FC2] =	sst s2  }
0x8f: {  	_ = 	snop  }
0x90: {  	s2 =	sld [smem:$0x3FD0];
	(tm) =	ssettm $0x1  }
0x91: {  	s18 =	sld [smem:$0x3FFB];
	_ =	sdelay $0x3  }
0x92: {  	_ =	strace s18  }
0x93: {  	s3 =	sld [smem:$0x3FFC];
	_ =	sdelay $0x3  }
0x94: {  	_ =	strace s3  }
0x95: {  	s3 =	sld [smem:$0x3FFD];
	_ =	sdelay $0x3  }
0x96: {  	_ =	strace s3  }
0x97: {  	_ =	strace $0x8FFFFFFF  }
0x98: {  	s19 =	sld [smem:$0x3FDB];
	_ =	sdelay $0x1  }
0x99: {  	s4 =	simm.s32 $_scs_section_size  }
0x9a: {  	s5 =	simm.s32 $_size__tile_overlayer_lowered;
	s6 =	simm.s32 $_tile_overlayer_lowered  }
0x9b: {  	s22 =	simm.s32 $0x1BFF;
	s21 =	sshll.u32 s6, $0x1;
	s3 =	sadd.s32 s4, s19  }
0x9c: {  	s7 =	simm.s32 $0x0;
	s20 =	sshll.u32 s5, $0x1;
	s5 =	sadd.s32 s21, s3  }
0x9d: {  	[timem:s7], [sflag:s22] =	dma.local [hbm:s5], s20  }
0x9e: {  	_ =	swait.ge [sflag:s22], s20  }
0x9f: {  	s4 =	ssub.s32 $0x0, s20;
	[sflag:s22] =	ssyncset.done $0x0  }
0xa0: {  	[sflag:s22] =	ssyncadd.s32 s4;
	_ =	sdelay $0x1  }
0xa1: {  	s23 =	simm.s32 $0x1B8B  }
0xa2: {  	_ =	swait.ge [sflag:s23], $0x1  }
0xa3: {  	[sflag:s23] =	ssyncset.done $0x0  }
0xa4: {  	s25 =	simm.s32 $0x1B8E;
	s24 =	sld [smem:$0x3FFE];
	[sflag:s23] =	ssyncadd.s32 $0xFFFFFFFF  }
0xa5: {  	s26 =	simm.s32 $execute0_lowered;
	[smem:$0x3FD2] =	sst s25  }
0xa6: {  	s5 =	sshll.u32 s26, $0x1;
	_ =	strace $0x8000004C;
	[dreg:$0x1] =	wrdreg $0xFFFFFFFF  }
0xa7: {  	s28 =	simm.s32 $_size_execute0_lowered;
	s3 =	sadd.s32 s3, s5;
	[dreg:$0x0] =	wrdreg $0x0  }
0xa8: {  	s5 =	sshll.u32 s28, $0x1;
	[dreg:$0x2] =	wrdreg s3  }
0xa9: {  	[dreg:$0x3] =	wrdreg s5  }
0xaa: {  	[dreg:$0x4] =	wrdreg $0xC0  }
0xab: {  	_ =	task [dreg:s7], $0x5FFFF  }
0xac: {  	[dreg:$0x1] =	wrdreg $0xFFFFFFFF  }
0xad: {  	[dreg:$0x0] =	wrdreg $0x60  }
0xae: {  	[dreg:$0x2] =	wrdreg s2  }
0xaf: {  	[dreg:$0x3] =	wrdreg s24  }
0xb0: {  	[dreg:$0x4] =	wrdreg $0xB4000  }
0xb1: {  	[dreg:$0x5] =	wrdreg $0x9  }
0xb2: {  	_ =	task.clear_ibuf [dreg:s7], $0x6FFFF;
	_ =	strace $0x9000004C  }
0xb3: {  	s29 =	simm.s32 $0x9;
	_ =	strace $0x8000004E  }
0xb4: {  	_ =	swait.ge [sflag:s29], $0x1  }
0xb5: {  	[sflag:s29] =	ssyncadd.s32 $0xFFFFFFFF  }
0xb6: {  	_ =	strace $0x9000004E  }
0xb7: {  	_ =	sfence  }
0xb8: {  	s30 =	sld [smem:$0x0];
	_ =	sdelay $0x2  }
0xb9: {  	s31 =	sshll.u32 s1, $0xD;
	s1 =	sshrl.u32 s1, $0x2  }
0xba: {  	s3 =	sand.u32 $0x4000, s31;
	s1 =	sadd.s32 s1, s30  }
0xbb: {  	s0 =	sor.u32 s3, s0;
	s1 =	sshll.u32 s1, $0x11  }
0xbc: {  	s0 =	sor.u32 s1, s0  }
0xbd: {  	s0 =	sadd.s32 $0x8F2B, s0  }
0xbe: {  	[sflag:s0] =	ssyncadd.remote.s32 $0x1  }
0xbf: {  	_ =	sfence.sel $0xFFFF  }
0xc0: {  	[dreg:$0x0] =	wrdreg $0xFFFFFFFF;
	(pc) =	sbr.abs _section_cstart, $3  }
0xc1: {  	[dreg:$0x1] =	wrdreg $0xFFFFFFFF  }
0xc2: {  	_ =	task.clear_ibuf [dreg:s7], $0x2FFFF;
	_ =	strace $0x9FFFFFFF  }
0xc3: {  	(tm) =	ssettm $0x7FFFFFFF  }
tec
execute0_lowered:
.L_overlay_start_1:
0x0: {  	(tag) =	ssettag $0x1  }
0x1: {  	s1 =	rddreg [dreg:$0x0]  }
0x2: {  	s0 =	rddreg [dreg:$0x1];
	s2 =	srdreg.scid  }
0x3: {  	s12 =	stileid.u32;
	s3 =	rddreg [dreg:$0x2]  }
0x4: {  	s5 =	simm.s32 $0x0;
	s2 =	sand.u32 $0x1, s2;
	s8 =	smul.u32 $0x14000, s12  }
0x5: {  	s4 =	sshll.u32 s12, $0x1;
	[smem:$0x7FF] =	sst s5;
	s10 =	smul.u32 $0x50000, s12  }
0x6: {  	s5 =	sadd.s32 $0x4000, s0;
	s0 =	sadd.s32 $0x3F200, s0;
	s16 =	smul.u32 $0x5000, s12  }
0x7: {  	s12 =	simm.s32 $0x7D;
	s4 =	sor.u32 s2, s4;
	s6 =	smul.u32 $0x140000, s2  }
0x8: {  	_ =	strace $0x8000004D;
	s7 =	ssub.s32 $0x2, s2;
	s2 =	smul.u32 $0x2800, s2  }
0x9: {  	s4 =	smul.u32 $0x2800, s4;
	s9 =	sshrl.u32 s7, $0x1;
	s21 =	sshrl.u32 s10, $0x2  }
0xa: {  	s25 =	sadd.s32 $0x4000, s8;
	s13 =	sadd.s32 $0x8000, s8;
	s17 =	sadd.s32 $0xC000, s8  }
0xb: {  	s7 =	ssub.s32 s7, s9;
	s20 =	sadd.s32 s6, s8;
	s10 =	sadd.s32 s21, s3  }
0xc: {  	s14 =	sadd.s32 s6, s13;
	s8 =	sadd.s32 $0x10000, s8;
	s18 =	sadd.s32 s6, s17  }
0xd: {  	s2 =	sadd.s32 s2, s16;
	s16 =	simm.s32 $0x0;
	s4 =	sshrl.u32 s4, $0x3  }
0xe: {  	s22 =	smax.u32 s7, $0x1;
	s23 =	sadd.s32 $0x1400, s10;
	s24 =	sadd.s32 $0x2800, s10  }
0xf: {  	s26 =	sadd.s32 $0x3C00, s10;
	s11 =	sadd.s32 $0x5000, s10;
	[dreg:$0x8] =	wrdreg s22  }
0x10: {  	s15 =	sshrl.u32 s14, $0x3;
	s21 =	sadd.s32 $0x7800, s10;
	[dreg:$0x9] =	wrdreg s23  }
0x11: {  	s28 =	sadd.s32 $0xA000, s10;
	s29 =	sadd.s32 $0xB400, s10;
	[dreg:$0xa] =	wrdreg s24  }
0x12: {  	s30 =	sadd.s32 $0xC800, s10;
	s31 =	sadd.s32 $0xDC00, s10;
	[dreg:$0xb] =	wrdreg s26  }
0x13: {  	s14 =	simm.s32 $0x6000;
	s19 =	sadd.s32 s5, s4;
	[dreg:$0xc] =	wrdreg s11  }
0x14: {  	s4 =	sshrl.u32 s20, $0x3;
	s20 =	sadd.s32 $0x6400, s10;
	[dreg:$0x12] =	wrdreg s21  }
0x15: {  	s22 =	sadd.s32 s25, s3;
	s23 =	sadd.s32 s13, s3;
	s24 =	sadd.s32 s17, s3  }
0x16: {  	s11 =	simm.s32 $0x3;
	s13 =	simm.s32 $0x2000;
	[dreg:$0x5] =	wrdreg s19  }
0x17: {  	s9 =	sadd.s32 $0xA000, s19;
	s4 =	sadd.s32 s0, s4;
	[dreg:$0x11] =	wrdreg s20  }
0x18: {  	s19 =	sadd.s32 $0x800, s2;
	s2 =	sadd.s32 $0x50800, s2;
	[dreg:$0x6] =	wrdreg s9  }
0x19: {  	s26 =	sshrl.u32 s23, $0x3;
	s24 =	sshrl.u32 s24, $0x3;
	[dreg:$0x7] =	wrdreg s4  }
0x1a: {  	s9 =	sadd.s32 s6, s25;
	s6 =	sadd.s32 s6, s8;
	[dreg:$0x4] =	wrdreg s19  }
0x1b: {  	s25 =	sadd.s32 s8, s3;
	s2 =	sshrl.u32 s2, $0x3;
	[dreg:$0x14] =	wrdreg s26  }
0x1c: {  	s26 =	sadd.s32 $0x8C00, s10;
	s4 =	sadd.s32 $0x11800, s10;
	s7 =	sshrl.u32 s9, $0x3  }
0x1d: {  	s8 =	simm.s32 $0xA000;
	s6 =	sshrl.u32 s6, $0x3;
	s7 =	sadd.s32 s0, s7  }
0x1e: {  	s25 =	sshrl.u32 s25, $0x3;
	[dreg:$0xd] =	wrdreg s7;
	s7 =	sadd.s32 s0, s15  }
0x1f: {  	s9 =	simm.s32 $0x4;
	[dreg:$0xe] =	wrdreg s7;
	s7 =	sshrl.u32 s18, $0x3  }
0x20: {  	s15 =	simm.s32 $0x1;
	s18 =	sadd.s32 s2, s5;
	s7 =	sadd.s32 s0, s7  }
0x21: {  	s2 =	sadd.s32 $0xF000, s10;
	s0 =	sadd.s32 s0, s6;
	[dreg:$0xf] =	wrdreg s7  }
0x22: {  	s6 =	simm.s32 $0x2;
	[dreg:$0x10] =	wrdreg s0;
	s0 =	sshrl.u32 s22, $0x3  }
0x23: {  	v0 =	vimm.f32 $0.0e+00;
	s7 =	sadd.s32 $0x12C00, s10;
	[dreg:$0x13] =	wrdreg s0;
	s0 =	sadd.s32 $0x10400, s10  }
.LBB2_1:
0x24: {  	s17 =	simm.s32 $0x0;
	s19 =	rddreg [dreg:$0x5]  }
0x25: {  	[tilespmem:s17], [sflag:$0x3] =	stream.linear.gather [hbm4b:s19+s17], $0x800, $0x38;
	[tilespmem:$0x1F400] =	vst v63  }
0x26: {  	s23 =	rddreg [dreg:$0x6];
	s20 =	simm.s32 $0x1000  }
0x27: {  	[tilespmem:s20], [sflag:$0x3] =	stream.linear.gather [hbm4b:s23+s17], $0x800, $0x38;
	[tilespmem:$0x1F400] =	vst v63  }
0x28: {  	s19 =	simm.s32 $0x200;
	s17 =	simm.s32 $0x0  }
.LBB2_2:
0x29: {  	p0 =	sne.s32 s19, $0x4E00;
	[tilespmem:s17+$0xA070] =	vst v0  }
0x2a: {  	[tilespmem:s17+$0xA000] =	vst v0  }
0x2b: {  	[tilespmem:s17+$0xA010] =	vst v0  }
.Ltmp0:
0x2c: {  	[tilespmem:s17+$0xA020] =	vst v0;
	(pc) =	sbr.rel @p0 .LBB2_2-.Ltmp0, $4  }
0x2d: {  	[tilespmem:s17+$0xA030] =	vst v0  }
0x2e: {  	[tilespmem:s17+$0xA040] =	vst v0  }
0x2f: {  	[tilespmem:s17+$0xA050] =	vst v0  }
0x30: {  	[tilespmem:s17+$0xA060] =	vst v0;
	s17 =	sshra.s32 s19, $0x2;
	s19 =	sadd.s32 $0x200, s19  }
0x31: {  	[tilespmem:s17+$0xA070] =	vst v0  }
0x32: {  	[tilespmem:s17+$0xA000] =	vst v0  }
0x33: {  	[tilespmem:s17+$0xA010] =	vst v0  }
0x34: {  	[tilespmem:s17+$0xA020] =	vst v0  }
0x35: {  	[tilespmem:s17+$0xA030] =	vst v0  }
0x36: {  	[tilespmem:s17+$0xA040] =	vst v0  }
0x37: {  	[tilespmem:s17+$0xA050] =	vst v0  }
0x38: {  	[tilespmem:s17+$0xA060] =	vst v0  }
0x39: {  	[spmem:s10] =	stream.linear.scatter [tilespmem:s8], [sflag:$0x4], $0x1400, $0x38;
	[tilespmem:$0x1F400] =	vst v63  }
0x3a: {  	_ =	swait.ge [sflag:s9], $0x1400  }
0x3b: {  	[sflag:s9] =	ssyncset.done $0x0  }
0x3c: {  	s21 =	rddreg [dreg:$0x9];
	[sflag:s9] =	ssyncadd.s32 $0xFFFFEC00  }
0x3d: {  	[spmem:s21] =	stream.linear.scatter [tilespmem:s8], [sflag:$0x4], $0x1400, $0x38;
	[tilespmem:$0x1F400] =	vst v63  }
0x3e: {  	_ =	swait.ge [sflag:s9], $0x1400  }
0x3f: {  	[sflag:s9] =	ssyncset.done $0x0  }
0x40: {  	s22 =	rddreg [dreg:$0xa];
	[sflag:s9] =	ssyncadd.s32 $0xFFFFEC00  }
0x41: {  	[spmem:s22] =	stream.linear.scatter [tilespmem:s8], [sflag:$0x4], $0x1400, $0x38;
	[tilespmem:$0x1F400] =	vst v63  }
0x42: {  	_ =	swait.ge [sflag:s9], $0x1400  }
0x43: {  	[sflag:s9] =	ssyncset.done $0x0  }
0x44: {  	s23 =	rddreg [dreg:$0xb];
	[sflag:s9] =	ssyncadd.s32 $0xFFFFEC00  }
0x45: {  	[spmem:s23] =	stream.linear.scatter [tilespmem:s8], [sflag:$0x4], $0x1400, $0x38;
	[tilespmem:$0x1F400] =	vst v63  }
0x46: {  	_ =	swait.ge [sflag:s9], $0x1400  }
0x47: {  	[sflag:s9] =	ssyncset.done $0x0  }
0x48: {  	s19 =	rddreg [dreg:$0xc];
	[sflag:s9] =	ssyncadd.s32 $0xFFFFEC00  }
0x49: {  	[spmem:s19] =	stream.linear.scatter [tilespmem:s8], [sflag:$0x4], $0x1400, $0x38;
	[tilespmem:$0x1F400] =	vst v63  }
0x4a: {  	_ =	swait.ge [sflag:s9], $0x1400  }
0x4b: {  	[sflag:s9] =	ssyncset.done $0x0  }
0x4c: {  	s20 =	rddreg [dreg:$0x11];
	[sflag:s9] =	ssyncadd.s32 $0xFFFFEC00  }
0x4d: {  	[spmem:s20] =	stream.linear.scatter [tilespmem:s8], [sflag:$0x4], $0x1400, $0x38;
	[tilespmem:$0x1F400] =	vst v63  }
0x4e: {  	_ =	swait.ge [sflag:s9], $0x1400  }
0x4f: {  	[sflag:s9] =	ssyncset.done $0x0  }
0x50: {  	s21 =	rddreg [dreg:$0x12];
	[sflag:s9] =	ssyncadd.s32 $0xFFFFEC00  }
0x51: {  	[spmem:s21] =	stream.linear.scatter [tilespmem:s8], [sflag:$0x4], $0x1400, $0x38;
	[tilespmem:$0x1F400] =	vst v63  }
0x52: {  	_ =	swait.ge [sflag:s9], $0x1400  }
0x53: {  	[sflag:s9] =	ssyncset.done $0x0  }
0x54: {  	[sflag:s9] =	ssyncadd.s32 $0xFFFFEC00  }
0x55: {  	[spmem:s26] =	stream.linear.scatter [tilespmem:s8], [sflag:$0x4], $0x1400, $0x38;
	[tilespmem:$0x1F400] =	vst v63  }
0x56: {  	_ =	swait.ge [sflag:s9], $0x1400  }
0x57: {  	[sflag:s9] =	ssyncset.done $0x0  }
0x58: {  	[sflag:s9] =	ssyncadd.s32 $0xFFFFEC00  }
0x59: {  	[spmem:s28] =	stream.linear.scatter [tilespmem:s8], [sflag:$0x4], $0x1400, $0x38;
	[tilespmem:$0x1F400] =	vst v63  }
0x5a: {  	_ =	swait.ge [sflag:s9], $0x1400  }
0x5b: {  	[sflag:s9] =	ssyncset.done $0x0  }
0x5c: {  	[sflag:s9] =	ssyncadd.s32 $0xFFFFEC00  }
0x5d: {  	[spmem:s29] =	stream.linear.scatter [tilespmem:s8], [sflag:$0x4], $0x1400, $0x38;
	[tilespmem:$0x1F400] =	vst v63  }
0x5e: {  	_ =	swait.ge [sflag:s9], $0x1400  }
0x5f: {  	[sflag:s9] =	ssyncset.done $0x0  }
0x60: {  	[sflag:s9] =	ssyncadd.s32 $0xFFFFEC00  }
0x61: {  	[spmem:s30] =	stream.linear.scatter [tilespmem:s8], [sflag:$0x4], $0x1400, $0x38;
	[tilespmem:$0x1F400] =	vst v63  }
0x62: {  	_ =	swait.ge [sflag:s9], $0x1400  }
0x63: {  	[sflag:s9] =	ssyncset.done $0x0  }
0x64: {  	[sflag:s9] =	ssyncadd.s32 $0xFFFFEC00  }
0x65: {  	[spmem:s31] =	stream.linear.scatter [tilespmem:s8], [sflag:$0x4], $0x1400, $0x38;
	[tilespmem:$0x1F400] =	vst v63  }
0x66: {  	_ =	swait.ge [sflag:s9], $0x1400  }
0x67: {  	[sflag:s9] =	ssyncset.done $0x0  }
0x68: {  	[sflag:s9] =	ssyncadd.s32 $0xFFFFEC00  }
0x69: {  	[spmem:s2] =	stream.linear.scatter [tilespmem:s8], [sflag:$0x4], $0x1400, $0x38;
	[tilespmem:$0x1F400] =	vst v63  }
0x6a: {  	_ =	swait.ge [sflag:s9], $0x1400  }
0x6b: {  	[sflag:s9] =	ssyncset.done $0x0  }
0x6c: {  	[sflag:s9] =	ssyncadd.s32 $0xFFFFEC00  }
0x6d: {  	[spmem:s0] =	stream.linear.scatter [tilespmem:s8], [sflag:$0x4], $0x1400, $0x38;
	[tilespmem:$0x1F400] =	vst v63  }
0x6e: {  	_ =	swait.ge [sflag:s9], $0x1400  }
0x6f: {  	[sflag:s9] =	ssyncset.done $0x0  }
0x70: {  	[sflag:s9] =	ssyncadd.s32 $0xFFFFEC00  }
0x71: {  	[spmem:s4] =	stream.linear.scatter [tilespmem:s8], [sflag:$0x4], $0x1400, $0x38;
	[tilespmem:$0x1F400] =	vst v63  }
0x72: {  	_ =	swait.ge [sflag:s9], $0x1400  }
0x73: {  	[sflag:s9] =	ssyncset.done $0x0  }
0x74: {  	[sflag:s9] =	ssyncadd.s32 $0xFFFFEC00  }
0x75: {  	[spmem:s7] =	stream.linear.scatter [tilespmem:s8], [sflag:$0x4], $0x1400, $0x38;
	[tilespmem:$0x1F400] =	vst v63  }
0x76: {  	_ =	swait.ge [sflag:s9], $0x1400  }
0x77: {  	[sflag:s9] =	ssyncset.done $0x0  }
0x78: {  	[sflag:s9] =	ssyncadd.s32 $0xFFFFEC00  }
0x79: {  	[bflag:$0x0] =	sbarrier.arrive $0xFFFF  }
0x7a: {  	_ =	swait.ge [sflag:s11], $0x800  }
0x7b: {  	[sflag:s11] =	ssyncset.done $0x0  }
0x7c: {  	[sflag:s11] =	ssyncadd.s32 $0xFFFFF800  }
0x7d: {  	_ =	swait.ge [sflag:s11], $0x800  }
0x7e: {  	p0 =	por $0x0, $0x0;
	s17 =	rddreg [dreg:$0x4]  }
0x7f: {  	s19 =	simm.s32 $0x0;
	s20 =	simm.s32 @!p0 $0x0;
	s21 =	sadd.s32 @!p0 $0x0, s17  }
0x80: {  	[sflag:s11] =	ssyncset.done $0x0;
	s17 =	sand.u32 @!p0 $0x800, s19;
	s21 =	sshrl.u32 @!p0 s21, $0x3  }
0x81: {  	[sflag:s11] =	ssyncadd.s32 $0xFFFFF800;
	s19 =	sxor.u32 @!p0 $0x800, s17;
	s21 =	sadd.s32 @!p0 s5, s21  }
0x82: {  	[tilespmem:s19], [sflag:$0x3] =	stream.linear.gather @!p0 [hbm4b:s21+s20], $0x800, $0x38;
	[tilespmem:$0x1F400] =	vst v63  }
0x83: {  	s19 =	sor.u32 @!p0 $0x1000, s19  }
0x84: {  	[tilespmem:s19], [sflag:$0x3] =	stream.linear.gather @!p0 [hbm4b:s18+s20], $0x800, $0x38;
	[tilespmem:$0x1F400] =	vst v63  }
0x85: {  	s17 =	simm.s32 @p0 $0x0  }
0x86: {  	[tilespmem:s13], [sflag:$0x1] =	stream.indirect.gather [hbm4b:s1+s12], $0x80, s17, s12, $0xb8;
	[tilespmem:$0x1F400] =	vst v63  }
0x87: {  	s22 =	sor.u32 $0x80, s17  }
0x88: {  	[tilespmem:s14], [sflag:$0x2] =	stream.indirect.gather [hbm4b:s1+s12], $0x80, s22, s12, $0xb8;
	[tilespmem:$0x1F400] =	vst v63  }
0x89: {  	_ =	swait.ge [sflag:s15], $0x3E80  }
0x8a: {  	[sflag:s15] =	ssyncset.done $0x0  }
0x8b: {  	s23 =	sor.u32 $0x1000, s17;
	[sflag:s15] =	ssyncadd.s32 $0xFFFFC180  }
0x8c: {  	[spmem:s3] =	stream.indirect.scatter.add.f32 [tilespmem:s13], [sflag:$0x4], $0x80, s23, s12, $0xb8;
	[tilespmem:$0x1F400] =	vst v63  }
0x8d: {  	_ =	swait.ge [sflag:s9], $0x3E80  }
0x8e: {  	[sflag:s9] =	ssyncset.done $0x0  }
0x8f: {  	s20 =	sadd.s32 $0x100, s17;
	[sflag:s9] =	ssyncadd.s32 $0xFFFFC180  }
0x90: {  	[tilespmem:s13], [sflag:$0x1] =	stream.indirect.gather [hbm4b:s1+s12], $0x80, s20, s12, $0xb8;
	[tilespmem:$0x1F400] =	vst v63  }
0x91: {  	_ =	swait.ge [sflag:s6], $0x3E80  }
0x92: {  	[sflag:s6] =	ssyncset.done $0x0  }
0x93: {  	s21 =	sor.u32 $0x1080, s17;
	[sflag:s6] =	ssyncadd.s32 $0xFFFFC180  }
0x94: {  	[spmem:s3] =	stream.indirect.scatter.add.f32 [tilespmem:s14], [sflag:$0x4], $0x80, s21, s12, $0xb8;
	[tilespmem:$0x1F400] =	vst v63  }
0x95: {  	_ =	swait.ge [sflag:s9], $0x3E80  }
0x96: {  	[sflag:s9] =	ssyncset.done $0x0  }
0x97: {  	s22 =	sor.u32 $0x180, s17;
	[sflag:s9] =	ssyncadd.s32 $0xFFFFC180  }
0x98: {  	[tilespmem:s14], [sflag:$0x2] =	stream.indirect.gather [hbm4b:s1+s12], $0x80, s22, s12, $0xb8;
	[tilespmem:$0x1F400] =	vst v63  }
0x99: {  	_ =	swait.ge [sflag:s15], $0x3E80  }
0x9a: {  	[sflag:s15] =	ssyncset.done $0x0  }
0x9b: {  	s23 =	sadd.s32 $0x1100, s17;
	[sflag:s15] =	ssyncadd.s32 $0xFFFFC180  }
0x9c: {  	[spmem:s3] =	stream.indirect.scatter.add.f32 [tilespmem:s13], [sflag:$0x4], $0x80, s23, s12, $0xb8;
	[tilespmem:$0x1F400] =	vst v63  }
0x9d: {  	_ =	swait.ge [sflag:s9], $0x3E80  }
0x9e: {  	[sflag:s9] =	ssyncset.done $0x0  }
0x9f: {  	s20 =	sadd.s32 $0x200, s17;
	[sflag:s9] =	ssyncadd.s32 $0xFFFFC180  }
0xa0: {  	[tilespmem:s13], [sflag:$0x1] =	stream.indirect.gather [hbm4b:s1+s12], $0x80, s20, s12, $0xb8;
	[tilespmem:$0x1F400] =	vst v63  }
0xa1: {  	_ =	swait.ge [sflag:s6], $0x3E80  }
0xa2: {  	[sflag:s6] =	ssyncset.done $0x0  }
0xa3: {  	s21 =	sor.u32 $0x1180, s17;
	[sflag:s6] =	ssyncadd.s32 $0xFFFFC180  }
0xa4: {  	[spmem:s3] =	stream.indirect.scatter.add.f32 [tilespmem:s14], [sflag:$0x4], $0x80, s21, s12, $0xb8;
	[tilespmem:$0x1F400] =	vst v63  }
0xa5: {  	_ =	swait.ge [sflag:s9], $0x3E80  }
0xa6: {  	[sflag:s9] =	ssyncset.done $0x0  }
0xa7: {  	s22 =	sor.u32 $0x280, s17;
	[sflag:s9] =	ssyncadd.s32 $0xFFFFC180  }
0xa8: {  	[tilespmem:s14], [sflag:$0x2] =	stream.indirect.gather [hbm4b:s1+s12], $0x80, s22, s12, $0xb8;
	[tilespmem:$0x1F400] =	vst v63  }
0xa9: {  	_ =	swait.ge [sflag:s15], $0x3E80  }
0xaa: {  	[sflag:s15] =	ssyncset.done $0x0  }
0xab: {  	s23 =	sadd.s32 $0x1200, s17;
	[sflag:s15] =	ssyncadd.s32 $0xFFFFC180  }
0xac: {  	[spmem:s3] =	stream.indirect.scatter.add.f32 [tilespmem:s13], [sflag:$0x4], $0x80, s23, s12, $0xb8;
	[tilespmem:$0x1F400] =	vst v63  }
0xad: {  	_ =	swait.ge [sflag:s9], $0x3E80  }
0xae: {  	[sflag:s9] =	ssyncset.done $0x0  }
0xaf: {  	s20 =	sadd.s32 $0x300, s17;
	[sflag:s9] =	ssyncadd.s32 $0xFFFFC180  }
0xb0: {  	[tilespmem:s13], [sflag:$0x1] =	stream.indirect.gather [hbm4b:s1+s12], $0x80, s20, s12, $0xb8;
	[tilespmem:$0x1F400] =	vst v63  }
0xb1: {  	_ =	swait.ge [sflag:s6], $0x3E80  }
0xb2: {  	[sflag:s6] =	ssyncset.done $0x0  }
0xb3: {  	s21 =	sor.u32 $0x1280, s17;
	[sflag:s6] =	ssyncadd.s32 $0xFFFFC180  }
0xb4: {  	[spmem:s3] =	stream.indirect.scatter.add.f32 [tilespmem:s14], [sflag:$0x4], $0x80, s21, s12, $0xb8;
	[tilespmem:$0x1F400] =	vst v63  }
0xb5: {  	_ =	swait.ge [sflag:s9], $0x3E80  }
0xb6: {  	[sflag:s9] =	ssyncset.done $0x0  }
0xb7: {  	s22 =	sor.u32 $0x380, s17;
	[sflag:s9] =	ssyncadd.s32 $0xFFFFC180  }
0xb8: {  	[tilespmem:s14], [sflag:$0x2] =	stream.indirect.gather [hbm4b:s1+s12], $0x80, s22, s12, $0xb8;
	[tilespmem:$0x1F400] =	vst v63  }
0xb9: {  	_ =	swait.ge [sflag:s15], $0x3E80  }
0xba: {  	[sflag:s15] =	ssyncset.done $0x0  }
0xbb: {  	s23 =	sadd.s32 $0x1300, s17;
	[sflag:s15] =	ssyncadd.s32 $0xFFFFC180  }
0xbc: {  	[spmem:s3] =	stream.indirect.scatter.add.f32 [tilespmem:s13], [sflag:$0x4], $0x80, s23, s12, $0xb8;
	[tilespmem:$0x1F400] =	vst v63  }
0xbd: {  	_ =	swait.ge [sflag:s9], $0x3E80  }
0xbe: {  	[sflag:s9] =	ssyncset.done $0x0  }
0xbf: {  	s20 =	sadd.s32 $0x400, s17;
	[sflag:s9] =	ssyncadd.s32 $0xFFFFC180  }
0xc0: {  	[tilespmem:s13], [sflag:$0x1] =	stream.indirect.gather [hbm4b:s1+s12], $0x80, s20, s12, $0xb8;
	[tilespmem:$0x1F400] =	vst v63  }
0xc1: {  	_ =	swait.ge [sflag:s6], $0x3E80  }
0xc2: {  	[sflag:s6] =	ssyncset.done $0x0  }
0xc3: {  	s21 =	sor.u32 $0x1380, s17;
	[sflag:s6] =	ssyncadd.s32 $0xFFFFC180  }
0xc4: {  	[spmem:s3] =	stream.indirect.scatter.add.f32 [tilespmem:s14], [sflag:$0x4], $0x80, s21, s12, $0xb8;
	[tilespmem:$0x1F400] =	vst v63  }
0xc5: {  	_ =	swait.ge [sflag:s9], $0x3E80  }
0xc6: {  	[sflag:s9] =	ssyncset.done $0x0  }
0xc7: {  	s22 =	sor.u32 $0x480, s17;
	[sflag:s9] =	ssyncadd.s32 $0xFFFFC180  }
0xc8: {  	[tilespmem:s14], [sflag:$0x2] =	stream.indirect.gather [hbm4b:s1+s12], $0x80, s22, s12, $0xb8;
	[tilespmem:$0x1F400] =	vst v63  }
0xc9: {  	_ =	swait.ge [sflag:s15], $0x3E80  }
0xca: {  	[sflag:s15] =	ssyncset.done $0x0  }
0xcb: {  	s23 =	sadd.s32 $0x1400, s17;
	[sflag:s15] =	ssyncadd.s32 $0xFFFFC180  }
0xcc: {  	[spmem:s3] =	stream.indirect.scatter.add.f32 [tilespmem:s13], [sflag:$0x4], $0x80, s23, s12, $0xb8;
	[tilespmem:$0x1F400] =	vst v63  }
0xcd: {  	_ =	swait.ge [sflag:s9], $0x3E80  }
0xce: {  	[sflag:s9] =	ssyncset.done $0x0  }
0xcf: {  	s20 =	sadd.s32 $0x500, s17;
	[sflag:s9] =	ssyncadd.s32 $0xFFFFC180  }
0xd0: {  	[tilespmem:s13], [sflag:$0x1] =	stream.indirect.gather [hbm4b:s1+s12], $0x80, s20, s12, $0xb8;
	[tilespmem:$0x1F400] =	vst v63  }
0xd1: {  	_ =	swait.ge [sflag:s6], $0x3E80  }
0xd2: {  	[sflag:s6] =	ssyncset.done $0x0  }
0xd3: {  	s21 =	sor.u32 $0x1480, s17;
	[sflag:s6] =	ssyncadd.s32 $0xFFFFC180  }
0xd4: {  	[spmem:s3] =	stream.indirect.scatter.add.f32 [tilespmem:s14], [sflag:$0x4], $0x80, s21, s12, $0xb8;
	[tilespmem:$0x1F400] =	vst v63  }
0xd5: {  	_ =	swait.ge [sflag:s9], $0x3E80  }
0xd6: {  	[sflag:s9] =	ssyncset.done $0x0  }
0xd7: {  	s22 =	sor.u32 $0x580, s17;
	[sflag:s9] =	ssyncadd.s32 $0xFFFFC180  }
0xd8: {  	[tilespmem:s14], [sflag:$0x2] =	stream.indirect.gather [hbm4b:s1+s12], $0x80, s22, s12, $0xb8;
	[tilespmem:$0x1F400] =	vst v63  }
0xd9: {  	_ =	swait.ge [sflag:s15], $0x3E80  }
0xda: {  	[sflag:s15] =	ssyncset.done $0x0  }
0xdb: {  	s23 =	sadd.s32 $0x1500, s17;
	[sflag:s15] =	ssyncadd.s32 $0xFFFFC180  }
0xdc: {  	[spmem:s3] =	stream.indirect.scatter.add.f32 [tilespmem:s13], [sflag:$0x4], $0x80, s23, s12, $0xb8;
	[tilespmem:$0x1F400] =	vst v63  }
0xdd: {  	_ =	swait.ge [sflag:s9], $0x3E80  }
0xde: {  	[sflag:s9] =	ssyncset.done $0x0  }
0xdf: {  	s20 =	sadd.s32 $0x600, s17;
	[sflag:s9] =	ssyncadd.s32 $0xFFFFC180  }
0xe0: {  	[tilespmem:s13], [sflag:$0x1] =	stream.indirect.gather [hbm4b:s1+s12], $0x80, s20, s12, $0xb8;
	[tilespmem:$0x1F400] =	vst v63  }
0xe1: {  	_ =	swait.ge [sflag:s6], $0x3E80  }
0xe2: {  	[sflag:s6] =	ssyncset.done $0x0  }
0xe3: {  	s21 =	sor.u32 $0x1580, s17;
	[sflag:s6] =	ssyncadd.s32 $0xFFFFC180  }
0xe4: {  	[spmem:s3] =	stream.indirect.scatter.add.f32 [tilespmem:s14], [sflag:$0x4], $0x80, s21, s12, $0xb8;
	[tilespmem:$0x1F400] =	vst v63  }
0xe5: {  	_ =	swait.ge [sflag:s9], $0x3E80  }
0xe6: {  	[sflag:s9] =	ssyncset.done $0x0  }
0xe7: {  	s22 =	sor.u32 $0x680, s17;
	[sflag:s9] =	ssyncadd.s32 $0xFFFFC180  }
0xe8: {  	[tilespmem:s14], [sflag:$0x2] =	stream.indirect.gather [hbm4b:s1+s12], $0x80, s22, s12, $0xb8;
	[tilespmem:$0x1F400] =	vst v63  }
0xe9: {  	_ =	swait.ge [sflag:s15], $0x3E80  }
0xea: {  	[sflag:s15] =	ssyncset.done $0x0  }
0xeb: {  	s23 =	sadd.s32 $0x1600, s17;
	[sflag:s15] =	ssyncadd.s32 $0xFFFFC180  }
0xec: {  	[spmem:s3] =	stream.indirect.scatter.add.f32 [tilespmem:s13], [sflag:$0x4], $0x80, s23, s12, $0xb8;
	[tilespmem:$0x1F400] =	vst v63  }
0xed: {  	_ =	swait.ge [sflag:s9], $0x3E80  }
0xee: {  	[sflag:s9] =	ssyncset.done $0x0  }
0xef: {  	s20 =	sadd.s32 $0x700, s17;
	[sflag:s9] =	ssyncadd.s32 $0xFFFFC180  }
0xf0: {  	[tilespmem:s13], [sflag:$0x1] =	stream.indirect.gather [hbm4b:s1+s12], $0x80, s20, s12, $0xb8;
	[tilespmem:$0x1F400] =	vst v63  }
0xf1: {  	_ =	swait.ge [sflag:s6], $0x3E80  }
0xf2: {  	[sflag:s6] =	ssyncset.done $0x0  }
0xf3: {  	s21 =	sor.u32 $0x1680, s17;
	[sflag:s6] =	ssyncadd.s32 $0xFFFFC180  }
0xf4: {  	[spmem:s3] =	stream.indirect.scatter.add.f32 [tilespmem:s14], [sflag:$0x4], $0x80, s21, s12, $0xb8;
	[tilespmem:$0x1F400] =	vst v63  }
0xf5: {  	_ =	swait.ge [sflag:s9], $0x3E80  }
0xf6: {  	[sflag:s9] =	ssyncset.done $0x0  }
0xf7: {  	s22 =	sor.u32 $0x780, s17;
	[sflag:s9] =	ssyncadd.s32 $0xFFFFC180  }
0xf8: {  	[tilespmem:s14], [sflag:$0x2] =	stream.indirect.gather [hbm4b:s1+s12], $0x80, s22, s12, $0xb8;
	[tilespmem:$0x1F400] =	vst v63  }
0xf9: {  	_ =	swait.ge [sflag:s15], $0x3E80  }
0xfa: {  	[sflag:s15] =	ssyncset.done $0x0  }
0xfb: {  	s23 =	sadd.s32 $0x1700, s17;
	[sflag:s15] =	ssyncadd.s32 $0xFFFFC180  }
0xfc: {  	[spmem:s3] =	stream.indirect.scatter.add.f32 [tilespmem:s13], [sflag:$0x4], $0x80, s23, s12, $0xb8;
	[tilespmem:$0x1F400] =	vst v63  }
0xfd: {  	_ =	swait.ge [sflag:s9], $0x3E80  }
0xfe: {  	[sflag:s9] =	ssyncset.done $0x0  }
0xff: {  	[sflag:s9] =	ssyncadd.s32 $0xFFFFC180  }
0x100: {  	_ =	swait.ge [sflag:s6], $0x3E80  }
0x101: {  	[sflag:s6] =	ssyncset.done $0x0  }
0x102: {  	s17 =	sor.u32 $0x1780, s17;
	[sflag:s6] =	ssyncadd.s32 $0xFFFFC180  }
0x103: {  	[spmem:s3] =	stream.indirect.scatter.add.f32 [tilespmem:s14], [sflag:$0x4], $0x80, s17, s12, $0xb8;
	[tilespmem:$0x1F400] =	vst v63  }
0x104: {  	_ =	swait.ge [sflag:s9], $0x3E80  }
0x105: {  	s21 =	smov.u32 s18;
	s17 =	simm.s32 $0x800;
	[sflag:s9] =	ssyncset.done $0x0  }
.LBB2_4:
0x106: {  	[sflag:s9] =	ssyncadd.s32 $0xFFFFC180  }
0x107: {  	_ =	swait.ge [sflag:s11], $0x800  }
0x108: {  	[sflag:s11] =	ssyncset.done $0x0  }
0x109: {  	[sflag:s11] =	ssyncadd.s32 $0xFFFFF800  }
0x10a: {  	s19 =	smov.u32 s17;
	_ =	swait.ge [sflag:s11], $0x800  }
0x10b: {  	p1 =	seq.s32 s19, $0x2000;
	s20 =	rddreg [dreg:$0x4]  }
0x10c: {  	s23 =	simm.s32 @!p1 $0x0;
	s20 =	sadd.s32 @!p1 s19, s20  }
0x10d: {  	[sflag:s11] =	ssyncset.done $0x0;
	s19 =	sand.u32 @!p1 $0x800, s19;
	s20 =	sshrl.u32 @!p1 s20, $0x3  }
0x10e: {  	[sflag:s11] =	ssyncadd.s32 $0xFFFFF800;
	s22 =	sxor.u32 @!p1 $0x800, s19;
	s20 =	sadd.s32 @!p1 s5, s20  }
0x10f: {  	[tilespmem:s22], [sflag:$0x3] =	stream.linear.gather @!p1 [hbm4b:s20+s23], $0x800, $0x38;
	[tilespmem:$0x1F400] =	vst v63  }
0x110: {  	s21 =	sadd.s32 $0x100, s21;
	s20 =	sor.u32 @!p1 $0x1000, s22  }
0x111: {  	[tilespmem:s20], [sflag:$0x3] =	stream.linear.gather @!p1 [hbm4b:s21+s23], $0x800, $0x38;
	[tilespmem:$0x1F400] =	vst v63  }
0x112: {  	s19 =	simm.s32 @p1 $0x0  }
0x113: {  	[tilespmem:s13], [sflag:$0x1] =	stream.indirect.gather [hbm4b:s1+s12], $0x80, s19, s12, $0xb8;
	[tilespmem:$0x1F400] =	vst v63  }
0x114: {  	s22 =	sor.u32 $0x80, s19  }
0x115: {  	[tilespmem:s14], [sflag:$0x2] =	stream.indirect.gather [hbm4b:s1+s12], $0x80, s22, s12, $0xb8;
	[tilespmem:$0x1F400] =	vst v63  }
0x116: {  	_ =	swait.ge [sflag:s15], $0x3E80  }
0x117: {  	[sflag:s15] =	ssyncset.done $0x0  }
0x118: {  	s23 =	sor.u32 $0x1000, s19;
	[sflag:s15] =	ssyncadd.s32 $0xFFFFC180  }
0x119: {  	[spmem:s3] =	stream.indirect.scatter.add.f32 [tilespmem:s13], [sflag:$0x4], $0x80, s23, s12, $0xb8;
	[tilespmem:$0x1F400] =	vst v63  }
0x11a: {  	_ =	swait.ge [sflag:s9], $0x3E80  }
0x11b: {  	[sflag:s9] =	ssyncset.done $0x0  }
0x11c: {  	s22 =	sadd.s32 $0x100, s19;
	[sflag:s9] =	ssyncadd.s32 $0xFFFFC180  }
0x11d: {  	[tilespmem:s13], [sflag:$0x1] =	stream.indirect.gather [hbm4b:s1+s12], $0x80, s22, s12, $0xb8;
	[tilespmem:$0x1F400] =	vst v63  }
0x11e: {  	_ =	swait.ge [sflag:s6], $0x3E80  }
0x11f: {  	[sflag:s6] =	ssyncset.done $0x0  }
0x120: {  	s23 =	sor.u32 $0x1080, s19;
	[sflag:s6] =	ssyncadd.s32 $0xFFFFC180  }
0x121: {  	[spmem:s3] =	stream.indirect.scatter.add.f32 [tilespmem:s14], [sflag:$0x4], $0x80, s23, s12, $0xb8;
	[tilespmem:$0x1F400] =	vst v63  }
0x122: {  	_ =	swait.ge [sflag:s9], $0x3E80  }
0x123: {  	[sflag:s9] =	ssyncset.done $0x0  }
0x124: {  	s22 =	sor.u32 $0x180, s19;
	[sflag:s9] =	ssyncadd.s32 $0xFFFFC180  }
0x125: {  	[tilespmem:s14], [sflag:$0x2] =	stream.indirect.gather [hbm4b:s1+s12], $0x80, s22, s12, $0xb8;
	[tilespmem:$0x1F400] =	vst v63  }
0x126: {  	_ =	swait.ge [sflag:s15], $0x3E80  }
0x127: {  	[sflag:s15] =	ssyncset.done $0x0  }
0x128: {  	s23 =	sadd.s32 $0x1100, s19;
	[sflag:s15] =	ssyncadd.s32 $0xFFFFC180  }
0x129: {  	[spmem:s3] =	stream.indirect.scatter.add.f32 [tilespmem:s13], [sflag:$0x4], $0x80, s23, s12, $0xb8;
	[tilespmem:$0x1F400] =	vst v63  }
0x12a: {  	_ =	swait.ge [sflag:s9], $0x3E80  }
0x12b: {  	[sflag:s9] =	ssyncset.done $0x0  }
0x12c: {  	s22 =	sadd.s32 $0x200, s19;
	[sflag:s9] =	ssyncadd.s32 $0xFFFFC180  }
0x12d: {  	[tilespmem:s13], [sflag:$0x1] =	stream.indirect.gather [hbm4b:s1+s12], $0x80, s22, s12, $0xb8;
	[tilespmem:$0x1F400] =	vst v63  }
0x12e: {  	_ =	swait.ge [sflag:s6], $0x3E80  }
0x12f: {  	[sflag:s6] =	ssyncset.done $0x0  }
0x130: {  	s23 =	sor.u32 $0x1180, s19;
	[sflag:s6] =	ssyncadd.s32 $0xFFFFC180  }
0x131: {  	[spmem:s3] =	stream.indirect.scatter.add.f32 [tilespmem:s14], [sflag:$0x4], $0x80, s23, s12, $0xb8;
	[tilespmem:$0x1F400] =	vst v63  }
0x132: {  	_ =	swait.ge [sflag:s9], $0x3E80  }
0x133: {  	[sflag:s9] =	ssyncset.done $0x0  }
0x134: {  	s22 =	sor.u32 $0x280, s19;
	[sflag:s9] =	ssyncadd.s32 $0xFFFFC180  }
0x135: {  	[tilespmem:s14], [sflag:$0x2] =	stream.indirect.gather [hbm4b:s1+s12], $0x80, s22, s12, $0xb8;
	[tilespmem:$0x1F400] =	vst v63  }
0x136: {  	_ =	swait.ge [sflag:s15], $0x3E80  }
0x137: {  	[sflag:s15] =	ssyncset.done $0x0  }
0x138: {  	s23 =	sadd.s32 $0x1200, s19;
	[sflag:s15] =	ssyncadd.s32 $0xFFFFC180  }
0x139: {  	[spmem:s3] =	stream.indirect.scatter.add.f32 [tilespmem:s13], [sflag:$0x4], $0x80, s23, s12, $0xb8;
	[tilespmem:$0x1F400] =	vst v63  }
0x13a: {  	_ =	swait.ge [sflag:s9], $0x3E80  }
0x13b: {  	[sflag:s9] =	ssyncset.done $0x0  }
0x13c: {  	s22 =	sadd.s32 $0x300, s19;
	[sflag:s9] =	ssyncadd.s32 $0xFFFFC180  }
0x13d: {  	[tilespmem:s13], [sflag:$0x1] =	stream.indirect.gather [hbm4b:s1+s12], $0x80, s22, s12, $0xb8;
	[tilespmem:$0x1F400] =	vst v63  }
0x13e: {  	_ =	swait.ge [sflag:s6], $0x3E80  }
0x13f: {  	[sflag:s6] =	ssyncset.done $0x0  }
0x140: {  	s23 =	sor.u32 $0x1280, s19;
	[sflag:s6] =	ssyncadd.s32 $0xFFFFC180  }
0x141: {  	[spmem:s3] =	stream.indirect.scatter.add.f32 [tilespmem:s14], [sflag:$0x4], $0x80, s23, s12, $0xb8;
	[tilespmem:$0x1F400] =	vst v63  }
0x142: {  	_ =	swait.ge [sflag:s9], $0x3E80  }
0x143: {  	[sflag:s9] =	ssyncset.done $0x0  }
0x144: {  	s22 =	sor.u32 $0x380, s19;
	[sflag:s9] =	ssyncadd.s32 $0xFFFFC180  }
0x145: {  	[tilespmem:s14], [sflag:$0x2] =	stream.indirect.gather [hbm4b:s1+s12], $0x80, s22, s12, $0xb8;
	[tilespmem:$0x1F400] =	vst v63  }
0x146: {  	_ =	swait.ge [sflag:s15], $0x3E80  }
0x147: {  	[sflag:s15] =	ssyncset.done $0x0  }
0x148: {  	s23 =	sadd.s32 $0x1300, s19;
	[sflag:s15] =	ssyncadd.s32 $0xFFFFC180  }
0x149: {  	[spmem:s3] =	stream.indirect.scatter.add.f32 [tilespmem:s13], [sflag:$0x4], $0x80, s23, s12, $0xb8;
	[tilespmem:$0x1F400] =	vst v63  }
0x14a: {  	_ =	swait.ge [sflag:s9], $0x3E80  }
0x14b: {  	[sflag:s9] =	ssyncset.done $0x0  }
0x14c: {  	s22 =	sadd.s32 $0x400, s19;
	[sflag:s9] =	ssyncadd.s32 $0xFFFFC180  }
0x14d: {  	[tilespmem:s13], [sflag:$0x1] =	stream.indirect.gather [hbm4b:s1+s12], $0x80, s22, s12, $0xb8;
	[tilespmem:$0x1F400] =	vst v63  }
0x14e: {  	_ =	swait.ge [sflag:s6], $0x3E80  }
0x14f: {  	[sflag:s6] =	ssyncset.done $0x0  }
0x150: {  	s23 =	sor.u32 $0x1380, s19;
	[sflag:s6] =	ssyncadd.s32 $0xFFFFC180  }
0x151: {  	[spmem:s3] =	stream.indirect.scatter.add.f32 [tilespmem:s14], [sflag:$0x4], $0x80, s23, s12, $0xb8;
	[tilespmem:$0x1F400] =	vst v63  }
0x152: {  	_ =	swait.ge [sflag:s9], $0x3E80  }
0x153: {  	[sflag:s9] =	ssyncset.done $0x0  }
0x154: {  	s22 =	sor.u32 $0x480, s19;
	[sflag:s9] =	ssyncadd.s32 $0xFFFFC180  }
0x155: {  	[tilespmem:s14], [sflag:$0x2] =	stream.indirect.gather [hbm4b:s1+s12], $0x80, s22, s12, $0xb8;
	[tilespmem:$0x1F400] =	vst v63  }
0x156: {  	_ =	swait.ge [sflag:s15], $0x3E80  }
0x157: {  	[sflag:s15] =	ssyncset.done $0x0  }
0x158: {  	s23 =	sadd.s32 $0x1400, s19;
	[sflag:s15] =	ssyncadd.s32 $0xFFFFC180  }
0x159: {  	[spmem:s3] =	stream.indirect.scatter.add.f32 [tilespmem:s13], [sflag:$0x4], $0x80, s23, s12, $0xb8;
	[tilespmem:$0x1F400] =	vst v63  }
0x15a: {  	_ =	swait.ge [sflag:s9], $0x3E80  }
0x15b: {  	[sflag:s9] =	ssyncset.done $0x0  }
0x15c: {  	s22 =	sadd.s32 $0x500, s19;
	[sflag:s9] =	ssyncadd.s32 $0xFFFFC180  }
0x15d: {  	[tilespmem:s13], [sflag:$0x1] =	stream.indirect.gather [hbm4b:s1+s12], $0x80, s22, s12, $0xb8;
	[tilespmem:$0x1F400] =	vst v63  }
0x15e: {  	_ =	swait.ge [sflag:s6], $0x3E80  }
0x15f: {  	[sflag:s6] =	ssyncset.done $0x0  }
0x160: {  	s23 =	sor.u32 $0x1480, s19;
	[sflag:s6] =	ssyncadd.s32 $0xFFFFC180  }
0x161: {  	[spmem:s3] =	stream.indirect.scatter.add.f32 [tilespmem:s14], [sflag:$0x4], $0x80, s23, s12, $0xb8;
	[tilespmem:$0x1F400] =	vst v63  }
0x162: {  	_ =	swait.ge [sflag:s9], $0x3E80  }
0x163: {  	[sflag:s9] =	ssyncset.done $0x0  }
0x164: {  	s22 =	sor.u32 $0x580, s19;
	[sflag:s9] =	ssyncadd.s32 $0xFFFFC180  }
0x165: {  	[tilespmem:s14], [sflag:$0x2] =	stream.indirect.gather [hbm4b:s1+s12], $0x80, s22, s12, $0xb8;
	[tilespmem:$0x1F400] =	vst v63  }
0x166: {  	_ =	swait.ge [sflag:s15], $0x3E80  }
0x167: {  	[sflag:s15] =	ssyncset.done $0x0  }
0x168: {  	s23 =	sadd.s32 $0x1500, s19;
	[sflag:s15] =	ssyncadd.s32 $0xFFFFC180  }
0x169: {  	[spmem:s3] =	stream.indirect.scatter.add.f32 [tilespmem:s13], [sflag:$0x4], $0x80, s23, s12, $0xb8;
	[tilespmem:$0x1F400] =	vst v63  }
0x16a: {  	_ =	swait.ge [sflag:s9], $0x3E80  }
0x16b: {  	[sflag:s9] =	ssyncset.done $0x0  }
0x16c: {  	s22 =	sadd.s32 $0x600, s19;
	[sflag:s9] =	ssyncadd.s32 $0xFFFFC180  }
0x16d: {  	[tilespmem:s13], [sflag:$0x1] =	stream.indirect.gather [hbm4b:s1+s12], $0x80, s22, s12, $0xb8;
	[tilespmem:$0x1F400] =	vst v63  }
0x16e: {  	_ =	swait.ge [sflag:s6], $0x3E80  }
0x16f: {  	[sflag:s6] =	ssyncset.done $0x0  }
0x170: {  	s23 =	sor.u32 $0x1580, s19;
	[sflag:s6] =	ssyncadd.s32 $0xFFFFC180  }
0x171: {  	[spmem:s3] =	stream.indirect.scatter.add.f32 [tilespmem:s14], [sflag:$0x4], $0x80, s23, s12, $0xb8;
	[tilespmem:$0x1F400] =	vst v63  }
0x172: {  	_ =	swait.ge [sflag:s9], $0x3E80  }
0x173: {  	[sflag:s9] =	ssyncset.done $0x0  }
0x174: {  	s22 =	sor.u32 $0x680, s19;
	[sflag:s9] =	ssyncadd.s32 $0xFFFFC180  }
0x175: {  	[tilespmem:s14], [sflag:$0x2] =	stream.indirect.gather [hbm4b:s1+s12], $0x80, s22, s12, $0xb8;
	[tilespmem:$0x1F400] =	vst v63  }
0x176: {  	_ =	swait.ge [sflag:s15], $0x3E80  }
0x177: {  	[sflag:s15] =	ssyncset.done $0x0  }
0x178: {  	s23 =	sadd.s32 $0x1600, s19;
	[sflag:s15] =	ssyncadd.s32 $0xFFFFC180  }
0x179: {  	[spmem:s3] =	stream.indirect.scatter.add.f32 [tilespmem:s13], [sflag:$0x4], $0x80, s23, s12, $0xb8;
	[tilespmem:$0x1F400] =	vst v63  }
0x17a: {  	_ =	swait.ge [sflag:s9], $0x3E80  }
0x17b: {  	[sflag:s9] =	ssyncset.done $0x0  }
0x17c: {  	s22 =	sadd.s32 $0x700, s19;
	[sflag:s9] =	ssyncadd.s32 $0xFFFFC180  }
0x17d: {  	[tilespmem:s13], [sflag:$0x1] =	stream.indirect.gather [hbm4b:s1+s12], $0x80, s22, s12, $0xb8;
	[tilespmem:$0x1F400] =	vst v63  }
0x17e: {  	_ =	swait.ge [sflag:s6], $0x3E80  }
0x17f: {  	[sflag:s6] =	ssyncset.done $0x0  }
0x180: {  	s23 =	sor.u32 $0x1680, s19;
	[sflag:s6] =	ssyncadd.s32 $0xFFFFC180  }
0x181: {  	[spmem:s3] =	stream.indirect.scatter.add.f32 [tilespmem:s14], [sflag:$0x4], $0x80, s23, s12, $0xb8;
	[tilespmem:$0x1F400] =	vst v63  }
0x182: {  	_ =	swait.ge [sflag:s9], $0x3E80  }
0x183: {  	[sflag:s9] =	ssyncset.done $0x0  }
0x184: {  	s22 =	sor.u32 $0x780, s19;
	[sflag:s9] =	ssyncadd.s32 $0xFFFFC180  }
0x185: {  	[tilespmem:s14], [sflag:$0x2] =	stream.indirect.gather [hbm4b:s1+s12], $0x80, s22, s12, $0xb8;
	[tilespmem:$0x1F400] =	vst v63  }
0x186: {  	_ =	swait.ge [sflag:s15], $0x3E80  }
0x187: {  	[sflag:s15] =	ssyncset.done $0x0  }
0x188: {  	s23 =	sadd.s32 $0x1700, s19;
	[sflag:s15] =	ssyncadd.s32 $0xFFFFC180  }
0x189: {  	[spmem:s3] =	stream.indirect.scatter.add.f32 [tilespmem:s13], [sflag:$0x4], $0x80, s23, s12, $0xb8;
	[tilespmem:$0x1F400] =	vst v63  }
0x18a: {  	_ =	swait.ge [sflag:s9], $0x3E80  }
0x18b: {  	[sflag:s9] =	ssyncset.done $0x0  }
0x18c: {  	s17 =	sadd.s32 $0x800, s17;
	[sflag:s9] =	ssyncadd.s32 $0xFFFFC180  }
0x18d: {  	p0 =	sne.s32 s17, $0x2800;
	_ =	swait.ge [sflag:s6], $0x3E80  }
.Ltmp1:
0x18e: {  	[sflag:s6] =	ssyncset.done $0x0;
	(pc) =	sbr.rel @p0 .LBB2_4-.Ltmp1, $4  }
0x18f: {  	s19 =	sor.u32 $0x1780, s19;
	[sflag:s6] =	ssyncadd.s32 $0xFFFFC180  }
0x190: {  	[spmem:s3] =	stream.indirect.scatter.add.f32 [tilespmem:s14], [sflag:$0x4], $0x80, s19, s12, $0xb8;
	[tilespmem:$0x1F400] =	vst v63  }
0x191: {  	_ =	swait.ge [sflag:s9], $0x3E80  }
0x192: {  	[sflag:s9] =	ssyncset.done $0x0  }
0x193: {  	[sflag:s9] =	ssyncadd.s32 $0xFFFFC180;
	s17 =	stileid.u32  }
0x194: {  	s17 =	sshll.u32 s17, $0x6;
	[bflag:$0x0] =	sbarrier.arrive $0xFFFF  }
0x195: {  	s19 =	sshrl.u32 s10, $0x3;
	s17 =	sor.u32 $0x1C04, s17;
	s20 =	rddreg [dreg:$0x7]  }
0x196: {  	[hbm:s20], [sflag:s17] =	dma.local [spmem:s19], $0x800  }
0x197: {  	_ =	swait.ge [sflag:s9], $0x800  }
0x198: {  	[sflag:s9] =	ssyncset.done $0x0;
	s20 =	rddreg [dreg:$0xd]  }
0x199: {  	s21 =	rddreg [dreg:$0x13];
	[sflag:s9] =	ssyncadd.s32 $0xFFFFF800  }
0x19a: {  	[hbm:s20], [sflag:s17] =	dma.local [spmem:s21], $0x800  }
0x19b: {  	_ =	swait.ge [sflag:s9], $0x800  }
0x19c: {  	[sflag:s9] =	ssyncset.done $0x0;
	s22 =	rddreg [dreg:$0xe]  }
0x19d: {  	s23 =	rddreg [dreg:$0x14];
	[sflag:s9] =	ssyncadd.s32 $0xFFFFF800  }
0x19e: {  	[hbm:s22], [sflag:s17] =	dma.local [spmem:s23], $0x800  }
0x19f: {  	_ =	swait.ge [sflag:s9], $0x800  }
0x1a0: {  	[sflag:s9] =	ssyncset.done $0x0  }
0x1a1: {  	s21 =	rddreg [dreg:$0xf];
	[sflag:s9] =	ssyncadd.s32 $0xFFFFF800  }
0x1a2: {  	[hbm:s21], [sflag:s17] =	dma.local [spmem:s24], $0x800  }
0x1a3: {  	_ =	swait.ge [sflag:s9], $0x800  }
0x1a4: {  	[sflag:s9] =	ssyncset.done $0x0  }
0x1a5: {  	s22 =	rddreg [dreg:$0x10];
	[sflag:s9] =	ssyncadd.s32 $0xFFFFF800  }
0x1a6: {  	[hbm:s22], [sflag:s17] =	dma.local [spmem:s25], $0x800  }
0x1a7: {  	_ =	swait.ge [sflag:s9], $0x800  }
0x1a8: {  	s16 =	sadd.s32 $0x1, s16;
	s23 =	rddreg [dreg:$0x8]  }
0x1a9: {  	p0 =	sne.s32 s16, s23  }
.Ltmp2:
0x1aa: {  	_ = 	snop;
	(pc) =	sbr.rel @p0 .LBB2_1-.Ltmp2, $3  }
0x1ab: {  	_ =	sdelay $0x1  }
0x1ac: {  	[sflag:s9] =	ssyncset.done $0x0  }
0x1ad: {  	[sflag:s9] =	ssyncadd.s32 $0xFFFFF800  }
0x1ae: {  	_ =	sfence.sel $0x180000  }
0x1af: {  	[bflag:$0x0] =	sbarrier.arrive $0xFFFF  }
0x1b0: {  	_ =	strace $0x9000004D  }
0x1b1: {  	s0 =	stileid.u32;
	[bflag:$0x2] =	sbarrier.arrive $0xFFFF  }
0x1b2: {  	p0 =	sne.s32 s0, $0x0;
	s0 =	rddreg [dreg:$0x3]  }
0x1b3: {  	s0 =	sadd.s32 @!p0 $0x100000, s0  }
0x1b4: {  	[sflag:s0] =	ssyncadd.tile.s32 @!p0 $0x1;
	_ =	shalt  }
.Lfunc_end2:
_tile_overlayer_lowered:
.L_overlay_start_2:
0x1b5: {  	(tag) =	ssettag $0x2  }
0x1b6: {  	s0 =	rddreg [dreg:$0x0];
	s2 =	stileid.u32  }
0x1b7: {  	s1 =	rddreg [dreg:$0x1];
	p0 =	sne.s32 s2, $0x0  }
0x1b8: {  	s3 =	rddreg [dreg:$0x2];
	[bflag:$0x3] =	sbarrier.arrive $0xFFFF;
	s2 =	simm.s32 @!p0 $0x1C04  }
0x1b9: {  	[timem:s3], [sflag:s2] =	dma.local @!p0 [hbm:s0], s1  }
0x1ba: {  	s0 =	simm.s32 @!p0 $0x4  }
0x1bb: {  	_ =	swait.ge @!p0 [sflag:s0], s1  }
0x1bc: {  	s1 =	ssub.s32 @!p0 $0x0, s1;
	[sflag:s0] =	ssyncset.done @!p0 $0x0  }
0x1bd: {  	[sflag:s0] =	ssyncadd.s32 @!p0 s1  }
0x1be: {  	[bflag:$0x3] =	sbarrier.arrive $0xFFFF  }
0x1bf: {  	_ =	shalt  }

// kernel: kernel.21.cloned.1.call-start
scs
__scs_entry_jumppad:
0x0: {  	(pc) =	sbr.rel $0x88, $3  }
0x1: {  	(tag) =	ssettag $0x0;
	lr =	simm.s32 $0x1  }
0x2: {  	[smem:$0x3F9B] =	sst lr;
	_ =	strace $0xD0000000  }
0x3: {  	_ = 	snop  }
0x4: {  	_ = 	snop  }
0x5: {  	_ = 	snop  }
0x6: {  	_ = 	snop  }
0x7: {  	_ = 	snop  }
__scs_overlays_trampoline_lowered:
0x8: {  	[smem:$0x3FAA] =	sst s0  }
0x9: {  	[smem:$0x3FAB] =	sst s1  }
0xa: {  	[smem:$0x3FAC] =	sst s2  }
0xb: {  	[smem:$0x3FAD] =	sst s3  }
0xc: {  	[smem:$0x3FAE] =	sst s4  }
0xd: {  	[smem:$0x3FAF] =	sst s5  }
0xe: {  	[smem:$0x3FB0] =	sst s6  }
0xf: {  	[smem:$0x3FB1] =	sst s7  }
0x10: {  	[smem:$0x3FB2] =	sst s8  }
0x11: {  	[smem:$0x3FB3] =	sst s9;
	s0 =	simm.s32 @!p0 $0x0  }
0x12: {  	s1 =	sld [smem:$0x3F99];
	s0 =	simm.s32 @p0 $0x1  }
0x13: {  	[smem:$0x3FB4] =	sst s0;
	s0 =	simm.s32 @!p1 $0x0  }
0x14: {  	s2 =	sld [smem:$0x3F98];
	s0 =	simm.s32 @p1 $0x1  }
0x15: {  	[smem:$0x3FB5] =	sst s0;
	s0 =	simm.s32 @!p2 $0x0  }
0x16: {  	s3 =	sld [smem:$0x3FDB];
	s0 =	simm.s32 @p2 $0x1  }
0x17: {  	s4 =	simm.s32 $0x1BF5;
	[smem:$0x3FB7] =	sst s0  }
0x18: {  	s0 =	sld [smem:$0x3F9A];
	_ =	swait.ge [sflag:s4], $0x0  }
0x19: {  	s7 =	sld [smem:$0x3F9B]  }
0x1a: {  	s8 =	sadd.s32 $0xFFFFE003, lr  }
0x1b: {  	s9 =	sadd.s32 $0xFFFFFEF7, lr;
	s5 =	simm.s32 $0xFFFFFFFF;
	p2 =	slt.u32 s8, $0xFFFFF086  }
0x1c: {  	p1 =	slt.u32 s9, $0xF7A;
	s5 =	simm.s32 @!p2 $0x0  }
0x1d: {  	s5 =	simm.s32 @p1 $0x1;
	p0 =	seq.s32 s7, s2  }
0x1e: {  	s7 =	smul.u32 @!p0 $0xF7A, s2;
	p2 =	seq.s32 @!p0 s5, $0x0  }
0x1f: {  	s9 =	smul.u32 $0xF7A, s1;
	s8 =	simm.s32 @!p0 $0x1BF5;
	p2 =	por !p2, p0  }
0x20: {  	[sflag:s8] =	ssyncset.s32 @!p0 $0xFFFFF086;
	s6 =	sadd.s32 @!p0 s3, s7;
	s7 =	simm.s32 @!p0 $0x108  }
0x21: {  	s3 =	sadd.s32 s3, s9;
	s6 =	sadd.s32 @!p0 $0x88, s6;
	s7 =	simm.s32 @p2 $0x1082  }
0x22: {  	[simem:s7], [sflag:s8] =	dma.local @!p0 [hbm:s6], $0xF7A  }
0x23: {  	s9 =	sor.u32 $0xD0000000, s2;
	s6 =	simm.s32 $0x108;
	_ =	swait.ge @!p0 [sflag:s8], $0x0  }
0x24: {  	s3 =	sadd.s32 $0x88, s3;
	s6 =	simm.s32 @!p1 $0x1082;
	[sflag:s4] =	ssyncset.s32 $0xFFFFF086  }
0x25: {  	[simem:s6], [sflag:s4] =	dma.local [hbm:s3], $0xF7A  }
0x26: {  	[smem:$0x3F9B] =	sst s1;
	(tag) =	ssettag s2;
	_ =	strace s9  }
0x27: {  	s1 =	sld [smem:$0x3FAB]  }
0x28: {  	s2 =	sld [smem:$0x3FAC]  }
0x29: {  	s4 =	sld [smem:$0x3FAE]  }
0x2a: {  	p0 =	seq.s32 s5, $0x0;
	s5 =	sld [smem:$0x3FAF]  }
0x2b: {  	s6 =	sld [smem:$0x3FB0]  }
0x2c: {  	s7 =	sld [smem:$0x3FB1]  }
0x2d: {  	s3 =	simm.s32 $0x108;
	s8 =	sld [smem:$0x3FB2]  }
0x2e: {  	s3 =	simm.s32 @!p0 $0x1082;
	s9 =	sld [smem:$0x3FB3]  }
0x2f: {  	lr =	sadd.s32 s0, s3;
	s0 =	sld [smem:$0x3FAA]  }
0x30: {  	s3 =	sld [smem:$0x3FAD]  }
0x31: {  	[smem:$0x3FB6] =	sst s10  }
0x32: {  	s10 =	sld [smem:$0x3FB4];
	_ =	sdelay $0x3  }
0x33: {  	p0 =	seq.s32 s10, $0x1;
	s10 =	sld [smem:$0x3FB6];
	_ =	sdelay $0x3  }
0x34: {  	[smem:$0x3FB6] =	sst s10  }
0x35: {  	s10 =	sld [smem:$0x3FB5];
	_ =	sdelay $0x3  }
0x36: {  	p1 =	seq.s32 s10, $0x1;
	s10 =	sld [smem:$0x3FB6];
	_ =	sdelay $0x3  }
0x37: {  	[smem:$0x3FB6] =	sst s10  }
0x38: {  	s10 =	sld [smem:$0x3FB7]  }
0x39: {  	_ = 	snop;
	(pc) =	sbr.ind lr, $3  }
0x3a: {  	_ = 	snop  }
0x3b: {  	_ = 	snop  }
0x3c: {  	p2 =	seq.s32 s10, $0x1;
	s10 =	sld [smem:$0x3FB6]  }
0x3d: {  	_ =	shalt  }
0x3e: {  	_ =	shalt  }
0x3f: {  	_ =	shalt  }
0x40: {  	_ =	shalt  }
0x41: {  	_ =	shalt  }
0x42: {  	_ =	shalt  }
0x43: {  	_ =	shalt  }
0x44: {  	_ =	shalt  }
0x45: {  	_ =	shalt  }
0x46: {  	_ =	shalt  }
0x47: {  	_ =	shalt  }
0x48: {  	_ =	shalt  }
0x49: {  	_ =	shalt  }
0x4a: {  	_ =	shalt  }
0x4b: {  	_ =	shalt  }
0x4c: {  	_ =	shalt  }
0x4d: {  	_ =	shalt  }
0x4e: {  	_ =	shalt  }
0x4f: {  	_ =	shalt  }
0x50: {  	_ =	shalt  }
0x51: {  	_ =	shalt  }
0x52: {  	_ =	shalt  }
0x53: {  	_ =	shalt  }
0x54: {  	_ =	shalt  }
0x55: {  	_ =	shalt  }
0x56: {  	_ =	shalt  }
0x57: {  	_ =	shalt  }
0x58: {  	_ =	shalt  }
0x59: {  	_ =	shalt  }
0x5a: {  	_ =	shalt  }
0x5b: {  	_ =	shalt  }
0x5c: {  	_ =	shalt  }
0x5d: {  	_ =	shalt  }
0x5e: {  	_ =	shalt  }
0x5f: {  	_ =	shalt  }
0x60: {  	_ =	shalt  }
0x61: {  	_ =	shalt  }
0x62: {  	_ =	shalt  }
0x63: {  	_ =	shalt  }
0x64: {  	_ =	shalt  }
0x65: {  	_ =	shalt  }
0x66: {  	_ =	shalt  }
0x67: {  	_ =	shalt  }
0x68: {  	_ =	shalt  }
0x69: {  	_ =	shalt  }
0x6a: {  	_ =	shalt  }
0x6b: {  	_ =	shalt  }
0x6c: {  	_ =	shalt  }
0x6d: {  	_ =	shalt  }
0x6e: {  	_ =	shalt  }
0x6f: {  	_ =	shalt  }
0x70: {  	_ =	shalt  }
0x71: {  	_ =	shalt  }
0x72: {  	_ =	shalt  }
0x73: {  	_ =	shalt  }
0x74: {  	_ =	shalt  }
0x75: {  	_ =	shalt  }
0x76: {  	_ =	shalt  }
0x77: {  	_ =	shalt  }
0x78: {  	_ =	shalt  }
0x79: {  	_ =	shalt  }
0x7a: {  	_ =	shalt  }
0x7b: {  	_ =	shalt  }
0x7c: {  	_ =	shalt  }
0x7d: {  	_ =	shalt  }
0x7e: {  	_ =	shalt  }
0x7f: {  	_ =	shalt  }
0x80: {  	_ =	shalt  }
0x81: {  	_ =	shalt  }
0x82: {  	_ =	shalt  }
0x83: {  	_ =	shalt  }
0x84: {  	_ =	shalt  }
0x85: {  	_ =	shalt  }
0x86: {  	_ =	shalt  }
0x87: {  	_ =	shalt  }
.Lfunc_end0:
.L_simem_size_0:
called_computation.3_lowered:
.L_overlay_start_0:
0x88: {  	s2 =	sld [smem:$0x3FD9]  }
0x89: {  	s3 =	sld [smem:$0x3FFE];
	_ =	sdelay $0x1  }
0x8a: {  	s1 =	srdreg.scid  }
0x8b: {  	s0 =	sand.u32 $0x1, s1  }
0x8c: {  	s17 =	sshll.u32 s0, $0xA;
	s2 =	sadd.s32 s3, s2  }
0x8d: {  	s2 =	sadd.s32 s2, s17  }
0x8e: {  	[smem:$0x3FC2] =	sst s2  }
0x8f: {  	_ = 	snop  }
0x90: {  	s2 =	sld [smem:$0x3FD0];
	(tm) =	ssettm $0x1  }
0x91: {  	s18 =	sld [smem:$0x3FFB];
	_ =	sdelay $0x3  }
0x92: {  	_ =	strace s18  }
0x93: {  	s3 =	sld [smem:$0x3FFC];
	_ =	sdelay $0x3  }
0x94: {  	_ =	strace s3  }
0x95: {  	s3 =	sld [smem:$0x3FFD];
	_ =	sdelay $0x3  }
0x96: {  	_ =	strace s3  }
0x97: {  	_ =	strace $0x8FFFFFFF  }
0x98: {  	s19 =	sld [smem:$0x3FDB];
	_ =	sdelay $0x1  }
0x99: {  	s4 =	simm.s32 $_scs_section_size  }
0x9a: {  	s5 =	simm.s32 $_size__tile_overlayer_lowered;
	s6 =	simm.s32 $_tile_overlayer_lowered  }
0x9b: {  	s22 =	simm.s32 $0x1BFF;
	s21 =	sshll.u32 s6, $0x1;
	s3 =	sadd.s32 s4, s19  }
0x9c: {  	s7 =	simm.s32 $0x0;
	s20 =	sshll.u32 s5, $0x1;
	s5 =	sadd.s32 s21, s3  }
0x9d: {  	[timem:s7], [sflag:s22] =	dma.local [hbm:s5], s20  }
0x9e: {  	_ =	swait.ge [sflag:s22], s20  }
0x9f: {  	s4 =	ssub.s32 $0x0, s20;
	[sflag:s22] =	ssyncset.done $0x0  }
0xa0: {  	[sflag:s22] =	ssyncadd.s32 s4;
	_ =	sdelay $0x1  }
0xa1: {  	s23 =	simm.s32 $0x1B8B  }
0xa2: {  	_ =	swait.ge [sflag:s23], $0x1  }
0xa3: {  	[sflag:s23] =	ssyncset.done $0x0  }
0xa4: {  	s25 =	simm.s32 $0x1B8E;
	s24 =	sld [smem:$0x3FFE];
	[sflag:s23] =	ssyncadd.s32 $0xFFFFFFFF  }
0xa5: {  	s26 =	simm.s32 $execute0_lowered;
	[smem:$0x3FD2] =	sst s25  }
0xa6: {  	s5 =	sshll.u32 s26, $0x1;
	_ =	strace $0x8000004F;
	[dreg:$0x1] =	wrdreg $0xFFFFFFFF  }
0xa7: {  	s28 =	simm.s32 $_size_execute0_lowered;
	s3 =	sadd.s32 s3, s5;
	[dreg:$0x0] =	wrdreg $0x0  }
0xa8: {  	s5 =	sshll.u32 s28, $0x1;
	[dreg:$0x2] =	wrdreg s3  }
0xa9: {  	[dreg:$0x3] =	wrdreg s5  }
0xaa: {  	[dreg:$0x4] =	wrdreg $0xC0  }
0xab: {  	_ =	task [dreg:s7], $0x5FFFF  }
0xac: {  	[dreg:$0x1] =	wrdreg $0xFFFFFFFF  }
0xad: {  	[dreg:$0x0] =	wrdreg $0x60  }
0xae: {  	[dreg:$0x2] =	wrdreg s2  }
0xaf: {  	[dreg:$0x3] =	wrdreg s24  }
0xb0: {  	[dreg:$0x4] =	wrdreg $0xB4000  }
0xb1: {  	[dreg:$0x5] =	wrdreg $0x9  }
0xb2: {  	_ =	task.clear_ibuf [dreg:s7], $0x6FFFF;
	_ =	strace $0x9000004F  }
0xb3: {  	s29 =	simm.s32 $0x9;
	_ =	strace $0x80000051  }
0xb4: {  	_ =	swait.ge [sflag:s29], $0x1  }
0xb5: {  	[sflag:s29] =	ssyncadd.s32 $0xFFFFFFFF  }
0xb6: {  	_ =	strace $0x90000051  }
0xb7: {  	_ =	sfence  }
0xb8: {  	s30 =	sld [smem:$0x0];
	_ =	sdelay $0x2  }
0xb9: {  	s31 =	sshll.u32 s1, $0xD;
	s1 =	sshrl.u32 s1, $0x2  }
0xba: {  	s3 =	sand.u32 $0x4000, s31;
	s1 =	sadd.s32 s1, s30  }
0xbb: {  	s0 =	sor.u32 s3, s0;
	s1 =	sshll.u32 s1, $0x11  }
0xbc: {  	s0 =	sor.u32 s1, s0  }
0xbd: {  	s0 =	sadd.s32 $0x8F2B, s0  }
0xbe: {  	[sflag:s0] =	ssyncadd.remote.s32 $0x1  }
0xbf: {  	_ =	sfence.sel $0xFFFF  }
0xc0: {  	[dreg:$0x0] =	wrdreg $0xFFFFFFFF;
	(pc) =	sbr.abs _section_cstart, $3  }
0xc1: {  	[dreg:$0x1] =	wrdreg $0xFFFFFFFF  }
0xc2: {  	_ =	task.clear_ibuf [dreg:s7], $0x2FFFF;
	_ =	strace $0x9FFFFFFF  }
0xc3: {  	(tm) =	ssettm $0x7FFFFFFF  }
tec
execute0_lowered:
.L_overlay_start_1:
0x0: {  	(tag) =	ssettag $0x1  }
0x1: {  	s1 =	rddreg [dreg:$0x0]  }
0x2: {  	s0 =	rddreg [dreg:$0x1];
	s2 =	srdreg.scid  }
0x3: {  	s12 =	stileid.u32;
	s3 =	rddreg [dreg:$0x2]  }
0x4: {  	s5 =	simm.s32 $0x0;
	s2 =	sand.u32 $0x1, s2;
	s8 =	smul.u32 $0x14000, s12  }
0x5: {  	s4 =	sshll.u32 s12, $0x1;
	[smem:$0x7FF] =	sst s5;
	s10 =	smul.u32 $0x50000, s12  }
0x6: {  	s5 =	sadd.s32 $0x4000, s0;
	s0 =	sadd.s32 $0x3F200, s0;
	s16 =	smul.u32 $0x5000, s12  }
0x7: {  	s12 =	simm.s32 $0x7D;
	s4 =	sor.u32 s2, s4;
	s6 =	smul.u32 $0x140000, s2  }
0x8: {  	_ =	strace $0x80000050;
	s7 =	ssub.s32 $0x2, s2;
	s2 =	smul.u32 $0x2800, s2  }
0x9: {  	s4 =	smul.u32 $0x2800, s4;
	s9 =	sshrl.u32 s7, $0x1;
	s21 =	sshrl.u32 s10, $0x2  }
0xa: {  	s25 =	sadd.s32 $0x4000, s8;
	s13 =	sadd.s32 $0x8000, s8;
	s17 =	sadd.s32 $0xC000, s8  }
0xb: {  	s7 =	ssub.s32 s7, s9;
	s20 =	sadd.s32 s6, s8;
	s10 =	sadd.s32 s21, s3  }
0xc: {  	s14 =	sadd.s32 s6, s13;
	s8 =	sadd.s32 $0x10000, s8;
	s18 =	sadd.s32 s6, s17  }
0xd: {  	s2 =	sadd.s32 s2, s16;
	s16 =	simm.s32 $0x0;
	s4 =	sshrl.u32 s4, $0x3  }
0xe: {  	s22 =	smax.u32 s7, $0x1;
	s23 =	sadd.s32 $0x1400, s10;
	s24 =	sadd.s32 $0x2800, s10  }
0xf: {  	s26 =	sadd.s32 $0x3C00, s10;
	s11 =	sadd.s32 $0x5000, s10;
	[dreg:$0x8] =	wrdreg s22  }
0x10: {  	s15 =	sshrl.u32 s14, $0x3;
	s21 =	sadd.s32 $0x7800, s10;
	[dreg:$0x9] =	wrdreg s23  }
0x11: {  	s28 =	sadd.s32 $0xA000, s10;
	s29 =	sadd.s32 $0xB400, s10;
	[dreg:$0xa] =	wrdreg s24  }
0x12: {  	s30 =	sadd.s32 $0xC800, s10;
	s31 =	sadd.s32 $0xDC00, s10;
	[dreg:$0xb] =	wrdreg s26  }
0x13: {  	s14 =	simm.s32 $0x6000;
	s19 =	sadd.s32 s5, s4;
	[dreg:$0xc] =	wrdreg s11  }
0x14: {  	s4 =	sshrl.u32 s20, $0x3;
	s20 =	sadd.s32 $0x6400, s10;
	[dreg:$0x12] =	wrdreg s21  }
0x15: {  	s22 =	sadd.s32 s25, s3;
	s23 =	sadd.s32 s13, s3;
	s24 =	sadd.s32 s17, s3  }
0x16: {  	s11 =	simm.s32 $0x3;
	s13 =	simm.s32 $0x2000;
	[dreg:$0x5] =	wrdreg s19  }
0x17: {  	s9 =	sadd.s32 $0xA000, s19;
	s4 =	sadd.s32 s0, s4;
	[dreg:$0x11] =	wrdreg s20  }
0x18: {  	s19 =	sadd.s32 $0x800, s2;
	s2 =	sadd.s32 $0x50800, s2;
	[dreg:$0x6] =	wrdreg s9  }
0x19: {  	s26 =	sshrl.u32 s23, $0x3;
	s24 =	sshrl.u32 s24, $0x3;
	[dreg:$0x7] =	wrdreg s4  }
0x1a: {  	s9 =	sadd.s32 s6, s25;
	s6 =	sadd.s32 s6, s8;
	[dreg:$0x4] =	wrdreg s19  }
0x1b: {  	s25 =	sadd.s32 s8, s3;
	s2 =	sshrl.u32 s2, $0x3;
	[dreg:$0x14] =	wrdreg s26  }
0x1c: {  	s26 =	sadd.s32 $0x8C00, s10;
	s4 =	sadd.s32 $0x11800, s10;
	s7 =	sshrl.u32 s9, $0x3  }
0x1d: {  	s8 =	simm.s32 $0xA000;
	s6 =	sshrl.u32 s6, $0x3;
	s7 =	sadd.s32 s0, s7  }
0x1e: {  	s25 =	sshrl.u32 s25, $0x3;
	[dreg:$0xd] =	wrdreg s7;
	s7 =	sadd.s32 s0, s15  }
0x1f: {  	s9 =	simm.s32 $0x4;
	[dreg:$0xe] =	wrdreg s7;
	s7 =	sshrl.u32 s18, $0x3  }
0x20: {  	s15 =	simm.s32 $0x1;
	s18 =	sadd.s32 s2, s5;
	s7 =	sadd.s32 s0, s7  }
0x21: {  	s2 =	sadd.s32 $0xF000, s10;
	s0 =	sadd.s32 s0, s6;
	[dreg:$0xf] =	wrdreg s7  }
0x22: {  	s6 =	simm.s32 $0x2;
	[dreg:$0x10] =	wrdreg s0;
	s0 =	sshrl.u32 s22, $0x3  }
0x23: {  	v0 =	vimm.f32 $0.0e+00;
	s7 =	sadd.s32 $0x12C00, s10;
	[dreg:$0x13] =	wrdreg s0;
	s0 =	sadd.s32 $0x10400, s10  }
.LBB2_1:
0x24: {  	s17 =	simm.s32 $0x0;
	s19 =	rddreg [dreg:$0x5]  }
0x25: {  	[tilespmem:s17], [sflag:$0x3] =	stream.linear.gather [hbm4b:s19+s17], $0x800, $0x38;
	[tilespmem:$0x1F400] =	vst v63  }
0x26: {  	s23 =	rddreg [dreg:$0x6];
	s20 =	simm.s32 $0x1000  }
0x27: {  	[tilespmem:s20], [sflag:$0x3] =	stream.linear.gather [hbm4b:s23+s17], $0x800, $0x38;
	[tilespmem:$0x1F400] =	vst v63  }
0x28: {  	s19 =	simm.s32 $0x200;
	s17 =	simm.s32 $0x0  }
.LBB2_2:
0x29: {  	p0 =	sne.s32 s19, $0x4E00;
	[tilespmem:s17+$0xA070] =	vst v0  }
0x2a: {  	[tilespmem:s17+$0xA000] =	vst v0  }
0x2b: {  	[tilespmem:s17+$0xA010] =	vst v0  }
.Ltmp0:
0x2c: {  	[tilespmem:s17+$0xA020] =	vst v0;
	(pc) =	sbr.rel @p0 .LBB2_2-.Ltmp0, $4  }
0x2d: {  	[tilespmem:s17+$0xA030] =	vst v0  }
0x2e: {  	[tilespmem:s17+$0xA040] =	vst v0  }
0x2f: {  	[tilespmem:s17+$0xA050] =	vst v0  }
0x30: {  	[tilespmem:s17+$0xA060] =	vst v0;
	s17 =	sshra.s32 s19, $0x2;
	s19 =	sadd.s32 $0x200, s19  }
0x31: {  	[tilespmem:s17+$0xA070] =	vst v0  }
0x32: {  	[tilespmem:s17+$0xA000] =	vst v0  }
0x33: {  	[tilespmem:s17+$0xA010] =	vst v0  }
0x34: {  	[tilespmem:s17+$0xA020] =	vst v0  }
0x35: {  	[tilespmem:s17+$0xA030] =	vst v0  }
0x36: {  	[tilespmem:s17+$0xA040] =	vst v0  }
0x37: {  	[tilespmem:s17+$0xA050] =	vst v0  }
0x38: {  	[tilespmem:s17+$0xA060] =	vst v0  }
0x39: {  	[spmem:s10] =	stream.linear.scatter [tilespmem:s8], [sflag:$0x4], $0x1400, $0x38;
	[tilespmem:$0x1F400] =	vst v63  }
0x3a: {  	_ =	swait.ge [sflag:s9], $0x1400  }
0x3b: {  	[sflag:s9] =	ssyncset.done $0x0  }
0x3c: {  	s21 =	rddreg [dreg:$0x9];
	[sflag:s9] =	ssyncadd.s32 $0xFFFFEC00  }
0x3d: {  	[spmem:s21] =	stream.linear.scatter [tilespmem:s8], [sflag:$0x4], $0x1400, $0x38;
	[tilespmem:$0x1F400] =	vst v63  }
0x3e: {  	_ =	swait.ge [sflag:s9], $0x1400  }
0x3f: {  	[sflag:s9] =	ssyncset.done $0x0  }
0x40: {  	s22 =	rddreg [dreg:$0xa];
	[sflag:s9] =	ssyncadd.s32 $0xFFFFEC00  }
0x41: {  	[spmem:s22] =	stream.linear.scatter [tilespmem:s8], [sflag:$0x4], $0x1400, $0x38;
	[tilespmem:$0x1F400] =	vst v63  }
0x42: {  	_ =	swait.ge [sflag:s9], $0x1400  }
0x43: {  	[sflag:s9] =	ssyncset.done $0x0  }
0x44: {  	s23 =	rddreg [dreg:$0xb];
	[sflag:s9] =	ssyncadd.s32 $0xFFFFEC00  }
0x45: {  	[spmem:s23] =	stream.linear.scatter [tilespmem:s8], [sflag:$0x4], $0x1400, $0x38;
	[tilespmem:$0x1F400] =	vst v63  }
0x46: {  	_ =	swait.ge [sflag:s9], $0x1400  }
0x47: {  	[sflag:s9] =	ssyncset.done $0x0  }
0x48: {  	s19 =	rddreg [dreg:$0xc];
	[sflag:s9] =	ssyncadd.s32 $0xFFFFEC00  }
0x49: {  	[spmem:s19] =	stream.linear.scatter [tilespmem:s8], [sflag:$0x4], $0x1400, $0x38;
	[tilespmem:$0x1F400] =	vst v63  }
0x4a: {  	_ =	swait.ge [sflag:s9], $0x1400  }
0x4b: {  	[sflag:s9] =	ssyncset.done $0x0  }
0x4c: {  	s20 =	rddreg [dreg:$0x11];
	[sflag:s9] =	ssyncadd.s32 $0xFFFFEC00  }
0x4d: {  	[spmem:s20] =	stream.linear.scatter [tilespmem:s8], [sflag:$0x4], $0x1400, $0x38;
	[tilespmem:$0x1F400] =	vst v63  }
0x4e: {  	_ =	swait.ge [sflag:s9], $0x1400  }
0x4f: {  	[sflag:s9] =	ssyncset.done $0x0  }
0x50: {  	s21 =	rddreg [dreg:$0x12];
	[sflag:s9] =	ssyncadd.s32 $0xFFFFEC00  }
0x51: {  	[spmem:s21] =	stream.linear.scatter [tilespmem:s8], [sflag:$0x4], $0x1400, $0x38;
	[tilespmem:$0x1F400] =	vst v63  }
0x52: {  	_ =	swait.ge [sflag:s9], $0x1400  }
0x53: {  	[sflag:s9] =	ssyncset.done $0x0  }
0x54: {  	[sflag:s9] =	ssyncadd.s32 $0xFFFFEC00  }
0x55: {  	[spmem:s26] =	stream.linear.scatter [tilespmem:s8], [sflag:$0x4], $0x1400, $0x38;
	[tilespmem:$0x1F400] =	vst v63  }
0x56: {  	_ =	swait.ge [sflag:s9], $0x1400  }
0x57: {  	[sflag:s9] =	ssyncset.done $0x0  }
0x58: {  	[sflag:s9] =	ssyncadd.s32 $0xFFFFEC00  }
0x59: {  	[spmem:s28] =	stream.linear.scatter [tilespmem:s8], [sflag:$0x4], $0x1400, $0x38;
	[tilespmem:$0x1F400] =	vst v63  }
0x5a: {  	_ =	swait.ge [sflag:s9], $0x1400  }
0x5b: {  	[sflag:s9] =	ssyncset.done $0x0  }
0x5c: {  	[sflag:s9] =	ssyncadd.s32 $0xFFFFEC00  }
0x5d: {  	[spmem:s29] =	stream.linear.scatter [tilespmem:s8], [sflag:$0x4], $0x1400, $0x38;
	[tilespmem:$0x1F400] =	vst v63  }
0x5e: {  	_ =	swait.ge [sflag:s9], $0x1400  }
0x5f: {  	[sflag:s9] =	ssyncset.done $0x0  }
0x60: {  	[sflag:s9] =	ssyncadd.s32 $0xFFFFEC00  }
0x61: {  	[spmem:s30] =	stream.linear.scatter [tilespmem:s8], [sflag:$0x4], $0x1400, $0x38;
	[tilespmem:$0x1F400] =	vst v63  }
0x62: {  	_ =	swait.ge [sflag:s9], $0x1400  }
0x63: {  	[sflag:s9] =	ssyncset.done $0x0  }
0x64: {  	[sflag:s9] =	ssyncadd.s32 $0xFFFFEC00  }
0x65: {  	[spmem:s31] =	stream.linear.scatter [tilespmem:s8], [sflag:$0x4], $0x1400, $0x38;
	[tilespmem:$0x1F400] =	vst v63  }
0x66: {  	_ =	swait.ge [sflag:s9], $0x1400  }
0x67: {  	[sflag:s9] =	ssyncset.done $0x0  }
0x68: {  	[sflag:s9] =	ssyncadd.s32 $0xFFFFEC00  }
0x69: {  	[spmem:s2] =	stream.linear.scatter [tilespmem:s8], [sflag:$0x4], $0x1400, $0x38;
	[tilespmem:$0x1F400] =	vst v63  }
0x6a: {  	_ =	swait.ge [sflag:s9], $0x1400  }
0x6b: {  	[sflag:s9] =	ssyncset.done $0x0  }
0x6c: {  	[sflag:s9] =	ssyncadd.s32 $0xFFFFEC00  }
0x6d: {  	[spmem:s0] =	stream.linear.scatter [tilespmem:s8], [sflag:$0x4], $0x1400, $0x38;
	[tilespmem:$0x1F400] =	vst v63  }
0x6e: {  	_ =	swait.ge [sflag:s9], $0x1400  }
0x6f: {  	[sflag:s9] =	ssyncset.done $0x0  }
0x70: {  	[sflag:s9] =	ssyncadd.s32 $0xFFFFEC00  }
0x71: {  	[spmem:s4] =	stream.linear.scatter [tilespmem:s8], [sflag:$0x4], $0x1400, $0x38;
	[tilespmem:$0x1F400] =	vst v63  }
0x72: {  	_ =	swait.ge [sflag:s9], $0x1400  }
0x73: {  	[sflag:s9] =	ssyncset.done $0x0  }
0x74: {  	[sflag:s9] =	ssyncadd.s32 $0xFFFFEC00  }
0x75: {  	[spmem:s7] =	stream.linear.scatter [tilespmem:s8], [sflag:$0x4], $0x1400, $0x38;
	[tilespmem:$0x1F400] =	vst v63  }
0x76: {  	_ =	swait.ge [sflag:s9], $0x1400  }
0x77: {  	[sflag:s9] =	ssyncset.done $0x0  }
0x78: {  	[sflag:s9] =	ssyncadd.s32 $0xFFFFEC00  }
0x79: {  	[bflag:$0x0] =	sbarrier.arrive $0xFFFF  }
0x7a: {  	_ =	swait.ge [sflag:s11], $0x800  }
0x7b: {  	[sflag:s11] =	ssyncset.done $0x0  }
0x7c: {  	[sflag:s11] =	ssyncadd.s32 $0xFFFFF800  }
0x7d: {  	_ =	swait.ge [sflag:s11], $0x800  }
0x7e: {  	p0 =	por $0x0, $0x0;
	s17 =	rddreg [dreg:$0x4]  }
0x7f: {  	s19 =	simm.s32 $0x0;
	s20 =	simm.s32 @!p0 $0x0;
	s21 =	sadd.s32 @!p0 $0x0, s17  }
0x80: {  	[sflag:s11] =	ssyncset.done $0x0;
	s17 =	sand.u32 @!p0 $0x800, s19;
	s21 =	sshrl.u32 @!p0 s21, $0x3  }
0x81: {  	[sflag:s11] =	ssyncadd.s32 $0xFFFFF800;
	s19 =	sxor.u32 @!p0 $0x800, s17;
	s21 =	sadd.s32 @!p0 s5, s21  }
0x82: {  	[tilespmem:s19], [sflag:$0x3] =	stream.linear.gather @!p0 [hbm4b:s21+s20], $0x800, $0x38;
	[tilespmem:$0x1F400] =	vst v63  }
0x83: {  	s19 =	sor.u32 @!p0 $0x1000, s19  }
0x84: {  	[tilespmem:s19], [sflag:$0x3] =	stream.linear.gather @!p0 [hbm4b:s18+s20], $0x800, $0x38;
	[tilespmem:$0x1F400] =	vst v63  }
0x85: {  	s17 =	simm.s32 @p0 $0x0  }
0x86: {  	[tilespmem:s13], [sflag:$0x1] =	stream.indirect.gather [hbm4b:s1+s12], $0x80, s17, s12, $0xb8;
	[tilespmem:$0x1F400] =	vst v63  }
0x87: {  	s22 =	sor.u32 $0x80, s17  }
0x88: {  	[tilespmem:s14], [sflag:$0x2] =	stream.indirect.gather [hbm4b:s1+s12], $0x80, s22, s12, $0xb8;
	[tilespmem:$0x1F400] =	vst v63  }
0x89: {  	_ =	swait.ge [sflag:s15], $0x3E80  }
0x8a: {  	[sflag:s15] =	ssyncset.done $0x0  }
0x8b: {  	s23 =	sor.u32 $0x1000, s17;
	[sflag:s15] =	ssyncadd.s32 $0xFFFFC180  }
0x8c: {  	[spmem:s3] =	stream.indirect.scatter.add.f32 [tilespmem:s13], [sflag:$0x4], $0x80, s23, s12, $0xb8;
	[tilespmem:$0x1F400] =	vst v63  }
0x8d: {  	_ =	swait.ge [sflag:s9], $0x3E80  }
0x8e: {  	[sflag:s9] =	ssyncset.done $0x0  }
0x8f: {  	s20 =	sadd.s32 $0x100, s17;
	[sflag:s9] =	ssyncadd.s32 $0xFFFFC180  }
0x90: {  	[tilespmem:s13], [sflag:$0x1] =	stream.indirect.gather [hbm4b:s1+s12], $0x80, s20, s12, $0xb8;
	[tilespmem:$0x1F400] =	vst v63  }
0x91: {  	_ =	swait.ge [sflag:s6], $0x3E80  }
0x92: {  	[sflag:s6] =	ssyncset.done $0x0  }
0x93: {  	s21 =	sor.u32 $0x1080, s17;
	[sflag:s6] =	ssyncadd.s32 $0xFFFFC180  }
0x94: {  	[spmem:s3] =	stream.indirect.scatter.add.f32 [tilespmem:s14], [sflag:$0x4], $0x80, s21, s12, $0xb8;
	[tilespmem:$0x1F400] =	vst v63  }
0x95: {  	_ =	swait.ge [sflag:s9], $0x3E80  }
0x96: {  	[sflag:s9] =	ssyncset.done $0x0  }
0x97: {  	s22 =	sor.u32 $0x180, s17;
	[sflag:s9] =	ssyncadd.s32 $0xFFFFC180  }
0x98: {  	[tilespmem:s14], [sflag:$0x2] =	stream.indirect.gather [hbm4b:s1+s12], $0x80, s22, s12, $0xb8;
	[tilespmem:$0x1F400] =	vst v63  }
0x99: {  	_ =	swait.ge [sflag:s15], $0x3E80  }
0x9a: {  	[sflag:s15] =	ssyncset.done $0x0  }
0x9b: {  	s23 =	sadd.s32 $0x1100, s17;
	[sflag:s15] =	ssyncadd.s32 $0xFFFFC180  }
0x9c: {  	[spmem:s3] =	stream.indirect.scatter.add.f32 [tilespmem:s13], [sflag:$0x4], $0x80, s23, s12, $0xb8;
	[tilespmem:$0x1F400] =	vst v63  }
0x9d: {  	_ =	swait.ge [sflag:s9], $0x3E80  }
0x9e: {  	[sflag:s9] =	ssyncset.done $0x0  }
0x9f: {  	s20 =	sadd.s32 $0x200, s17;
	[sflag:s9] =	ssyncadd.s32 $0xFFFFC180  }
0xa0: {  	[tilespmem:s13], [sflag:$0x1] =	stream.indirect.gather [hbm4b:s1+s12], $0x80, s20, s12, $0xb8;
	[tilespmem:$0x1F400] =	vst v63  }
0xa1: {  	_ =	swait.ge [sflag:s6], $0x3E80  }
0xa2: {  	[sflag:s6] =	ssyncset.done $0x0  }
0xa3: {  	s21 =	sor.u32 $0x1180, s17;
	[sflag:s6] =	ssyncadd.s32 $0xFFFFC180  }
0xa4: {  	[spmem:s3] =	stream.indirect.scatter.add.f32 [tilespmem:s14], [sflag:$0x4], $0x80, s21, s12, $0xb8;
	[tilespmem:$0x1F400] =	vst v63  }
0xa5: {  	_ =	swait.ge [sflag:s9], $0x3E80  }
0xa6: {  	[sflag:s9] =	ssyncset.done $0x0  }
0xa7: {  	s22 =	sor.u32 $0x280, s17;
	[sflag:s9] =	ssyncadd.s32 $0xFFFFC180  }
0xa8: {  	[tilespmem:s14], [sflag:$0x2] =	stream.indirect.gather [hbm4b:s1+s12], $0x80, s22, s12, $0xb8;
	[tilespmem:$0x1F400] =	vst v63  }
0xa9: {  	_ =	swait.ge [sflag:s15], $0x3E80  }
0xaa: {  	[sflag:s15] =	ssyncset.done $0x0  }
0xab: {  	s23 =	sadd.s32 $0x1200, s17;
	[sflag:s15] =	ssyncadd.s32 $0xFFFFC180  }
0xac: {  	[spmem:s3] =	stream.indirect.scatter.add.f32 [tilespmem:s13], [sflag:$0x4], $0x80, s23, s12, $0xb8;
	[tilespmem:$0x1F400] =	vst v63  }
0xad: {  	_ =	swait.ge [sflag:s9], $0x3E80  }
0xae: {  	[sflag:s9] =	ssyncset.done $0x0  }
0xaf: {  	s20 =	sadd.s32 $0x300, s17;
	[sflag:s9] =	ssyncadd.s32 $0xFFFFC180  }
0xb0: {  	[tilespmem:s13], [sflag:$0x1] =	stream.indirect.gather [hbm4b:s1+s12], $0x80, s20, s12, $0xb8;
	[tilespmem:$0x1F400] =	vst v63  }
0xb1: {  	_ =	swait.ge [sflag:s6], $0x3E80  }
0xb2: {  	[sflag:s6] =	ssyncset.done $0x0  }
0xb3: {  	s21 =	sor.u32 $0x1280, s17;
	[sflag:s6] =	ssyncadd.s32 $0xFFFFC180  }
0xb4: {  	[spmem:s3] =	stream.indirect.scatter.add.f32 [tilespmem:s14], [sflag:$0x4], $0x80, s21, s12, $0xb8;
	[tilespmem:$0x1F400] =	vst v63  }
0xb5: {  	_ =	swait.ge [sflag:s9], $0x3E80  }
0xb6: {  	[sflag:s9] =	ssyncset.done $0x0  }
0xb7: {  	s22 =	sor.u32 $0x380, s17;
	[sflag:s9] =	ssyncadd.s32 $0xFFFFC180  }
0xb8: {  	[tilespmem:s14], [sflag:$0x2] =	stream.indirect.gather [hbm4b:s1+s12], $0x80, s22, s12, $0xb8;
	[tilespmem:$0x1F400] =	vst v63  }
0xb9: {  	_ =	swait.ge [sflag:s15], $0x3E80  }
0xba: {  	[sflag:s15] =	ssyncset.done $0x0  }
0xbb: {  	s23 =	sadd.s32 $0x1300, s17;
	[sflag:s15] =	ssyncadd.s32 $0xFFFFC180  }
0xbc: {  	[spmem:s3] =	stream.indirect.scatter.add.f32 [tilespmem:s13], [sflag:$0x4], $0x80, s23, s12, $0xb8;
	[tilespmem:$0x1F400] =	vst v63  }
0xbd: {  	_ =	swait.ge [sflag:s9], $0x3E80  }
0xbe: {  	[sflag:s9] =	ssyncset.done $0x0  }
0xbf: {  	s20 =	sadd.s32 $0x400, s17;
	[sflag:s9] =	ssyncadd.s32 $0xFFFFC180  }
0xc0: {  	[tilespmem:s13], [sflag:$0x1] =	stream.indirect.gather [hbm4b:s1+s12], $0x80, s20, s12, $0xb8;
	[tilespmem:$0x1F400] =	vst v63  }
0xc1: {  	_ =	swait.ge [sflag:s6], $0x3E80  }
0xc2: {  	[sflag:s6] =	ssyncset.done $0x0  }
0xc3: {  	s21 =	sor.u32 $0x1380, s17;
	[sflag:s6] =	ssyncadd.s32 $0xFFFFC180  }
0xc4: {  	[spmem:s3] =	stream.indirect.scatter.add.f32 [tilespmem:s14], [sflag:$0x4], $0x80, s21, s12, $0xb8;
	[tilespmem:$0x1F400] =	vst v63  }
0xc5: {  	_ =	swait.ge [sflag:s9], $0x3E80  }
0xc6: {  	[sflag:s9] =	ssyncset.done $0x0  }
0xc7: {  	s22 =	sor.u32 $0x480, s17;
	[sflag:s9] =	ssyncadd.s32 $0xFFFFC180  }
0xc8: {  	[tilespmem:s14], [sflag:$0x2] =	stream.indirect.gather [hbm4b:s1+s12], $0x80, s22, s12, $0xb8;
	[tilespmem:$0x1F400] =	vst v63  }
0xc9: {  	_ =	swait.ge [sflag:s15], $0x3E80  }
0xca: {  	[sflag:s15] =	ssyncset.done $0x0  }
0xcb: {  	s23 =	sadd.s32 $0x1400, s17;
	[sflag:s15] =	ssyncadd.s32 $0xFFFFC180  }
0xcc: {  	[spmem:s3] =	stream.indirect.scatter.add.f32 [tilespmem:s13], [sflag:$0x4], $0x80, s23, s12, $0xb8;
	[tilespmem:$0x1F400] =	vst v63  }
0xcd: {  	_ =	swait.ge [sflag:s9], $0x3E80  }
0xce: {  	[sflag:s9] =	ssyncset.done $0x0  }
0xcf: {  	s20 =	sadd.s32 $0x500, s17;
	[sflag:s9] =	ssyncadd.s32 $0xFFFFC180  }
0xd0: {  	[tilespmem:s13], [sflag:$0x1] =	stream.indirect.gather [hbm4b:s1+s12], $0x80, s20, s12, $0xb8;
	[tilespmem:$0x1F400] =	vst v63  }
0xd1: {  	_ =	swait.ge [sflag:s6], $0x3E80  }
0xd2: {  	[sflag:s6] =	ssyncset.done $0x0  }
0xd3: {  	s21 =	sor.u32 $0x1480, s17;
	[sflag:s6] =	ssyncadd.s32 $0xFFFFC180  }
0xd4: {  	[spmem:s3] =	stream.indirect.scatter.add.f32 [tilespmem:s14], [sflag:$0x4], $0x80, s21, s12, $0xb8;
	[tilespmem:$0x1F400] =	vst v63  }
0xd5: {  	_ =	swait.ge [sflag:s9], $0x3E80  }
0xd6: {  	[sflag:s9] =	ssyncset.done $0x0  }
0xd7: {  	s22 =	sor.u32 $0x580, s17;
	[sflag:s9] =	ssyncadd.s32 $0xFFFFC180  }
0xd8: {  	[tilespmem:s14], [sflag:$0x2] =	stream.indirect.gather [hbm4b:s1+s12], $0x80, s22, s12, $0xb8;
	[tilespmem:$0x1F400] =	vst v63  }
0xd9: {  	_ =	swait.ge [sflag:s15], $0x3E80  }
0xda: {  	[sflag:s15] =	ssyncset.done $0x0  }
0xdb: {  	s23 =	sadd.s32 $0x1500, s17;
	[sflag:s15] =	ssyncadd.s32 $0xFFFFC180  }
0xdc: {  	[spmem:s3] =	stream.indirect.scatter.add.f32 [tilespmem:s13], [sflag:$0x4], $0x80, s23, s12, $0xb8;
	[tilespmem:$0x1F400] =	vst v63  }
0xdd: {  	_ =	swait.ge [sflag:s9], $0x3E80  }
0xde: {  	[sflag:s9] =	ssyncset.done $0x0  }
0xdf: {  	s20 =	sadd.s32 $0x600, s17;
	[sflag:s9] =	ssyncadd.s32 $0xFFFFC180  }
0xe0: {  	[tilespmem:s13], [sflag:$0x1] =	stream.indirect.gather [hbm4b:s1+s12], $0x80, s20, s12, $0xb8;
	[tilespmem:$0x1F400] =	vst v63  }
0xe1: {  	_ =	swait.ge [sflag:s6], $0x3E80  }
0xe2: {  	[sflag:s6] =	ssyncset.done $0x0  }
0xe3: {  	s21 =	sor.u32 $0x1580, s17;
	[sflag:s6] =	ssyncadd.s32 $0xFFFFC180  }
0xe4: {  	[spmem:s3] =	stream.indirect.scatter.add.f32 [tilespmem:s14], [sflag:$0x4], $0x80, s21, s12, $0xb8;
	[tilespmem:$0x1F400] =	vst v63  }
0xe5: {  	_ =	swait.ge [sflag:s9], $0x3E80  }
0xe6: {  	[sflag:s9] =	ssyncset.done $0x0  }
0xe7: {  	s22 =	sor.u32 $0x680, s17;
	[sflag:s9] =	ssyncadd.s32 $0xFFFFC180  }
0xe8: {  	[tilespmem:s14], [sflag:$0x2] =	stream.indirect.gather [hbm4b:s1+s12], $0x80, s22, s12, $0xb8;
	[tilespmem:$0x1F400] =	vst v63  }
0xe9: {  	_ =	swait.ge [sflag:s15], $0x3E80  }
0xea: {  	[sflag:s15] =	ssyncset.done $0x0  }
0xeb: {  	s23 =	sadd.s32 $0x1600, s17;
	[sflag:s15] =	ssyncadd.s32 $0xFFFFC180  }
0xec: {  	[spmem:s3] =	stream.indirect.scatter.add.f32 [tilespmem:s13], [sflag:$0x4], $0x80, s23, s12, $0xb8;
	[tilespmem:$0x1F400] =	vst v63  }
0xed: {  	_ =	swait.ge [sflag:s9], $0x3E80  }
0xee: {  	[sflag:s9] =	ssyncset.done $0x0  }
0xef: {  	s20 =	sadd.s32 $0x700, s17;
	[sflag:s9] =	ssyncadd.s32 $0xFFFFC180  }
0xf0: {  	[tilespmem:s13], [sflag:$0x1] =	stream.indirect.gather [hbm4b:s1+s12], $0x80, s20, s12, $0xb8;
	[tilespmem:$0x1F400] =	vst v63  }
0xf1: {  	_ =	swait.ge [sflag:s6], $0x3E80  }
0xf2: {  	[sflag:s6] =	ssyncset.done $0x0  }
0xf3: {  	s21 =	sor.u32 $0x1680, s17;
	[sflag:s6] =	ssyncadd.s32 $0xFFFFC180  }
0xf4: {  	[spmem:s3] =	stream.indirect.scatter.add.f32 [tilespmem:s14], [sflag:$0x4], $0x80, s21, s12, $0xb8;
	[tilespmem:$0x1F400] =	vst v63  }
0xf5: {  	_ =	swait.ge [sflag:s9], $0x3E80  }
0xf6: {  	[sflag:s9] =	ssyncset.done $0x0  }
0xf7: {  	s22 =	sor.u32 $0x780, s17;
	[sflag:s9] =	ssyncadd.s32 $0xFFFFC180  }
0xf8: {  	[tilespmem:s14], [sflag:$0x2] =	stream.indirect.gather [hbm4b:s1+s12], $0x80, s22, s12, $0xb8;
	[tilespmem:$0x1F400] =	vst v63  }
0xf9: {  	_ =	swait.ge [sflag:s15], $0x3E80  }
0xfa: {  	[sflag:s15] =	ssyncset.done $0x0  }
0xfb: {  	s23 =	sadd.s32 $0x1700, s17;
	[sflag:s15] =	ssyncadd.s32 $0xFFFFC180  }
0xfc: {  	[spmem:s3] =	stream.indirect.scatter.add.f32 [tilespmem:s13], [sflag:$0x4], $0x80, s23, s12, $0xb8;
	[tilespmem:$0x1F400] =	vst v63  }
0xfd: {  	_ =	swait.ge [sflag:s9], $0x3E80  }
0xfe: {  	[sflag:s9] =	ssyncset.done $0x0  }
0xff: {  	[sflag:s9] =	ssyncadd.s32 $0xFFFFC180  }
0x100: {  	_ =	swait.ge [sflag:s6], $0x3E80  }
0x101: {  	[sflag:s6] =	ssyncset.done $0x0  }
0x102: {  	s17 =	sor.u32 $0x1780, s17;
	[sflag:s6] =	ssyncadd.s32 $0xFFFFC180  }
0x103: {  	[spmem:s3] =	stream.indirect.scatter.add.f32 [tilespmem:s14], [sflag:$0x4], $0x80, s17, s12, $0xb8;
	[tilespmem:$0x1F400] =	vst v63  }
0x104: {  	_ =	swait.ge [sflag:s9], $0x3E80  }
0x105: {  	s21 =	smov.u32 s18;
	s17 =	simm.s32 $0x800;
	[sflag:s9] =	ssyncset.done $0x0  }
.LBB2_4:
0x106: {  	[sflag:s9] =	ssyncadd.s32 $0xFFFFC180  }
0x107: {  	_ =	swait.ge [sflag:s11], $0x800  }
0x108: {  	[sflag:s11] =	ssyncset.done $0x0  }
0x109: {  	[sflag:s11] =	ssyncadd.s32 $0xFFFFF800  }
0x10a: {  	s19 =	smov.u32 s17;
	_ =	swait.ge [sflag:s11], $0x800  }
0x10b: {  	p1 =	seq.s32 s19, $0x2000;
	s20 =	rddreg [dreg:$0x4]  }
0x10c: {  	s23 =	simm.s32 @!p1 $0x0;
	s20 =	sadd.s32 @!p1 s19, s20  }
0x10d: {  	[sflag:s11] =	ssyncset.done $0x0;
	s19 =	sand.u32 @!p1 $0x800, s19;
	s20 =	sshrl.u32 @!p1 s20, $0x3  }
0x10e: {  	[sflag:s11] =	ssyncadd.s32 $0xFFFFF800;
	s22 =	sxor.u32 @!p1 $0x800, s19;
	s20 =	sadd.s32 @!p1 s5, s20  }
0x10f: {  	[tilespmem:s22], [sflag:$0x3] =	stream.linear.gather @!p1 [hbm4b:s20+s23], $0x800, $0x38;
	[tilespmem:$0x1F400] =	vst v63  }
0x110: {  	s21 =	sadd.s32 $0x100, s21;
	s20 =	sor.u32 @!p1 $0x1000, s22  }
0x111: {  	[tilespmem:s20], [sflag:$0x3] =	stream.linear.gather @!p1 [hbm4b:s21+s23], $0x800, $0x38;
	[tilespmem:$0x1F400] =	vst v63  }
0x112: {  	s19 =	simm.s32 @p1 $0x0  }
0x113: {  	[tilespmem:s13], [sflag:$0x1] =	stream.indirect.gather [hbm4b:s1+s12], $0x80, s19, s12, $0xb8;
	[tilespmem:$0x1F400] =	vst v63  }
0x114: {  	s22 =	sor.u32 $0x80, s19  }
0x115: {  	[tilespmem:s14], [sflag:$0x2] =	stream.indirect.gather [hbm4b:s1+s12], $0x80, s22, s12, $0xb8;
	[tilespmem:$0x1F400] =	vst v63  }
0x116: {  	_ =	swait.ge [sflag:s15], $0x3E80  }
0x117: {  	[sflag:s15] =	ssyncset.done $0x0  }
0x118: {  	s23 =	sor.u32 $0x1000, s19;
	[sflag:s15] =	ssyncadd.s32 $0xFFFFC180  }
0x119: {  	[spmem:s3] =	stream.indirect.scatter.add.f32 [tilespmem:s13], [sflag:$0x4], $0x80, s23, s12, $0xb8;
	[tilespmem:$0x1F400] =	vst v63  }
0x11a: {  	_ =	swait.ge [sflag:s9], $0x3E80  }
0x11b: {  	[sflag:s9] =	ssyncset.done $0x0  }
0x11c: {  	s22 =	sadd.s32 $0x100, s19;
	[sflag:s9] =	ssyncadd.s32 $0xFFFFC180  }
0x11d: {  	[tilespmem:s13], [sflag:$0x1] =	stream.indirect.gather [hbm4b:s1+s12], $0x80, s22, s12, $0xb8;
	[tilespmem:$0x1F400] =	vst v63  }
0x11e: {  	_ =	swait.ge [sflag:s6], $0x3E80  }
0x11f: {  	[sflag:s6] =	ssyncset.done $0x0  }
0x120: {  	s23 =	sor.u32 $0x1080, s19;
	[sflag:s6] =	ssyncadd.s32 $0xFFFFC180  }
0x121: {  	[spmem:s3] =	stream.indirect.scatter.add.f32 [tilespmem:s14], [sflag:$0x4], $0x80, s23, s12, $0xb8;
	[tilespmem:$0x1F400] =	vst v63  }
0x122: {  	_ =	swait.ge [sflag:s9], $0x3E80  }
0x123: {  	[sflag:s9] =	ssyncset.done $0x0  }
0x124: {  	s22 =	sor.u32 $0x180, s19;
	[sflag:s9] =	ssyncadd.s32 $0xFFFFC180  }
0x125: {  	[tilespmem:s14], [sflag:$0x2] =	stream.indirect.gather [hbm4b:s1+s12], $0x80, s22, s12, $0xb8;
	[tilespmem:$0x1F400] =	vst v63  }
0x126: {  	_ =	swait.ge [sflag:s15], $0x3E80  }
0x127: {  	[sflag:s15] =	ssyncset.done $0x0  }
0x128: {  	s23 =	sadd.s32 $0x1100, s19;
	[sflag:s15] =	ssyncadd.s32 $0xFFFFC180  }
0x129: {  	[spmem:s3] =	stream.indirect.scatter.add.f32 [tilespmem:s13], [sflag:$0x4], $0x80, s23, s12, $0xb8;
	[tilespmem:$0x1F400] =	vst v63  }
0x12a: {  	_ =	swait.ge [sflag:s9], $0x3E80  }
0x12b: {  	[sflag:s9] =	ssyncset.done $0x0  }
0x12c: {  	s22 =	sadd.s32 $0x200, s19;
	[sflag:s9] =	ssyncadd.s32 $0xFFFFC180  }
0x12d: {  	[tilespmem:s13], [sflag:$0x1] =	stream.indirect.gather [hbm4b:s1+s12], $0x80, s22, s12, $0xb8;
	[tilespmem:$0x1F400] =	vst v63  }
0x12e: {  	_ =	swait.ge [sflag:s6], $0x3E80  }
0x12f: {  	[sflag:s6] =	ssyncset.done $0x0  }
0x130: {  	s23 =	sor.u32 $0x1180, s19;
	[sflag:s6] =	ssyncadd.s32 $0xFFFFC180  }
0x131: {  	[spmem:s3] =	stream.indirect.scatter.add.f32 [tilespmem:s14], [sflag:$0x4], $0x80, s23, s12, $0xb8;
	[tilespmem:$0x1F400] =	vst v63  }
0x132: {  	_ =	swait.ge [sflag:s9], $0x3E80  }
0x133: {  	[sflag:s9] =	ssyncset.done $0x0  }
0x134: {  	s22 =	sor.u32 $0x280, s19;
	[sflag:s9] =	ssyncadd.s32 $0xFFFFC180  }
0x135: {  	[tilespmem:s14], [sflag:$0x2] =	stream.indirect.gather [hbm4b:s1+s12], $0x80, s22, s12, $0xb8;
	[tilespmem:$0x1F400] =	vst v63  }
0x136: {  	_ =	swait.ge [sflag:s15], $0x3E80  }
0x137: {  	[sflag:s15] =	ssyncset.done $0x0  }
0x138: {  	s23 =	sadd.s32 $0x1200, s19;
	[sflag:s15] =	ssyncadd.s32 $0xFFFFC180  }
0x139: {  	[spmem:s3] =	stream.indirect.scatter.add.f32 [tilespmem:s13], [sflag:$0x4], $0x80, s23, s12, $0xb8;
	[tilespmem:$0x1F400] =	vst v63  }
0x13a: {  	_ =	swait.ge [sflag:s9], $0x3E80  }
0x13b: {  	[sflag:s9] =	ssyncset.done $0x0  }
0x13c: {  	s22 =	sadd.s32 $0x300, s19;
	[sflag:s9] =	ssyncadd.s32 $0xFFFFC180  }
0x13d: {  	[tilespmem:s13], [sflag:$0x1] =	stream.indirect.gather [hbm4b:s1+s12], $0x80, s22, s12, $0xb8;
	[tilespmem:$0x1F400] =	vst v63  }
0x13e: {  	_ =	swait.ge [sflag:s6], $0x3E80  }
0x13f: {  	[sflag:s6] =	ssyncset.done $0x0  }
0x140: {  	s23 =	sor.u32 $0x1280, s19;
	[sflag:s6] =	ssyncadd.s32 $0xFFFFC180  }
0x141: {  	[spmem:s3] =	stream.indirect.scatter.add.f32 [tilespmem:s14], [sflag:$0x4], $0x80, s23, s12, $0xb8;
	[tilespmem:$0x1F400] =	vst v63  }
0x142: {  	_ =	swait.ge [sflag:s9], $0x3E80  }
0x143: {  	[sflag:s9] =	ssyncset.done $0x0  }
0x144: {  	s22 =	sor.u32 $0x380, s19;
	[sflag:s9] =	ssyncadd.s32 $0xFFFFC180  }
0x145: {  	[tilespmem:s14], [sflag:$0x2] =	stream.indirect.gather [hbm4b:s1+s12], $0x80, s22, s12, $0xb8;
	[tilespmem:$0x1F400] =	vst v63  }
0x146: {  	_ =	swait.ge [sflag:s15], $0x3E80  }
0x147: {  	[sflag:s15] =	ssyncset.done $0x0  }
0x148: {  	s23 =	sadd.s32 $0x1300, s19;
	[sflag:s15] =	ssyncadd.s32 $0xFFFFC180  }
0x149: {  	[spmem:s3] =	stream.indirect.scatter.add.f32 [tilespmem:s13], [sflag:$0x4], $0x80, s23, s12, $0xb8;
	[tilespmem:$0x1F400] =	vst v63  }
0x14a: {  	_ =	swait.ge [sflag:s9], $0x3E80  }
0x14b: {  	[sflag:s9] =	ssyncset.done $0x0  }
0x14c: {  	s22 =	sadd.s32 $0x400, s19;
	[sflag:s9] =	ssyncadd.s32 $0xFFFFC180  }
0x14d: {  	[tilespmem:s13], [sflag:$0x1] =	stream.indirect.gather [hbm4b:s1+s12], $0x80, s22, s12, $0xb8;
	[tilespmem:$0x1F400] =	vst v63  }
0x14e: {  	_ =	swait.ge [sflag:s6], $0x3E80  }
0x14f: {  	[sflag:s6] =	ssyncset.done $0x0  }
0x150: {  	s23 =	sor.u32 $0x1380, s19;
	[sflag:s6] =	ssyncadd.s32 $0xFFFFC180  }
0x151: {  	[spmem:s3] =	stream.indirect.scatter.add.f32 [tilespmem:s14], [sflag:$0x4], $0x80, s23, s12, $0xb8;
	[tilespmem:$0x1F400] =	vst v63  }
0x152: {  	_ =	swait.ge [sflag:s9], $0x3E80  }
0x153: {  	[sflag:s9] =	ssyncset.done $0x0  }
0x154: {  	s22 =	sor.u32 $0x480, s19;
	[sflag:s9] =	ssyncadd.s32 $0xFFFFC180  }
0x155: {  	[tilespmem:s14], [sflag:$0x2] =	stream.indirect.gather [hbm4b:s1+s12], $0x80, s22, s12, $0xb8;
	[tilespmem:$0x1F400] =	vst v63  }
0x156: {  	_ =	swait.ge [sflag:s15], $0x3E80  }
0x157: {  	[sflag:s15] =	ssyncset.done $0x0  }
0x158: {  	s23 =	sadd.s32 $0x1400, s19;
	[sflag:s15] =	ssyncadd.s32 $0xFFFFC180  }
0x159: {  	[spmem:s3] =	stream.indirect.scatter.add.f32 [tilespmem:s13], [sflag:$0x4], $0x80, s23, s12, $0xb8;
	[tilespmem:$0x1F400] =	vst v63  }
0x15a: {  	_ =	swait.ge [sflag:s9], $0x3E80  }
0x15b: {  	[sflag:s9] =	ssyncset.done $0x0  }
0x15c: {  	s22 =	sadd.s32 $0x500, s19;
	[sflag:s9] =	ssyncadd.s32 $0xFFFFC180  }
0x15d: {  	[tilespmem:s13], [sflag:$0x1] =	stream.indirect.gather [hbm4b:s1+s12], $0x80, s22, s12, $0xb8;
	[tilespmem:$0x1F400] =	vst v63  }
0x15e: {  	_ =	swait.ge [sflag:s6], $0x3E80  }
0x15f: {  	[sflag:s6] =	ssyncset.done $0x0  }
0x160: {  	s23 =	sor.u32 $0x1480, s19;
	[sflag:s6] =	ssyncadd.s32 $0xFFFFC180  }
0x161: {  	[spmem:s3] =	stream.indirect.scatter.add.f32 [tilespmem:s14], [sflag:$0x4], $0x80, s23, s12, $0xb8;
	[tilespmem:$0x1F400] =	vst v63  }
0x162: {  	_ =	swait.ge [sflag:s9], $0x3E80  }
0x163: {  	[sflag:s9] =	ssyncset.done $0x0  }
0x164: {  	s22 =	sor.u32 $0x580, s19;
	[sflag:s9] =	ssyncadd.s32 $0xFFFFC180  }
0x165: {  	[tilespmem:s14], [sflag:$0x2] =	stream.indirect.gather [hbm4b:s1+s12], $0x80, s22, s12, $0xb8;
	[tilespmem:$0x1F400] =	vst v63  }
0x166: {  	_ =	swait.ge [sflag:s15], $0x3E80  }
0x167: {  	[sflag:s15] =	ssyncset.done $0x0  }
0x168: {  	s23 =	sadd.s32 $0x1500, s19;
	[sflag:s15] =	ssyncadd.s32 $0xFFFFC180  }
0x169: {  	[spmem:s3] =	stream.indirect.scatter.add.f32 [tilespmem:s13], [sflag:$0x4], $0x80, s23, s12, $0xb8;
	[tilespmem:$0x1F400] =	vst v63  }
0x16a: {  	_ =	swait.ge [sflag:s9], $0x3E80  }
0x16b: {  	[sflag:s9] =	ssyncset.done $0x0  }
0x16c: {  	s22 =	sadd.s32 $0x600, s19;
	[sflag:s9] =	ssyncadd.s32 $0xFFFFC180  }
0x16d: {  	[tilespmem:s13], [sflag:$0x1] =	stream.indirect.gather [hbm4b:s1+s12], $0x80, s22, s12, $0xb8;
	[tilespmem:$0x1F400] =	vst v63  }
0x16e: {  	_ =	swait.ge [sflag:s6], $0x3E80  }
0x16f: {  	[sflag:s6] =	ssyncset.done $0x0  }
0x170: {  	s23 =	sor.u32 $0x1580, s19;
	[sflag:s6] =	ssyncadd.s32 $0xFFFFC180  }
0x171: {  	[spmem:s3] =	stream.indirect.scatter.add.f32 [tilespmem:s14], [sflag:$0x4], $0x80, s23, s12, $0xb8;
	[tilespmem:$0x1F400] =	vst v63  }
0x172: {  	_ =	swait.ge [sflag:s9], $0x3E80  }
0x173: {  	[sflag:s9] =	ssyncset.done $0x0  }
0x174: {  	s22 =	sor.u32 $0x680, s19;
	[sflag:s9] =	ssyncadd.s32 $0xFFFFC180  }
0x175: {  	[tilespmem:s14], [sflag:$0x2] =	stream.indirect.gather [hbm4b:s1+s12], $0x80, s22, s12, $0xb8;
	[tilespmem:$0x1F400] =	vst v63  }
0x176: {  	_ =	swait.ge [sflag:s15], $0x3E80  }
0x177: {  	[sflag:s15] =	ssyncset.done $0x0  }
0x178: {  	s23 =	sadd.s32 $0x1600, s19;
	[sflag:s15] =	ssyncadd.s32 $0xFFFFC180  }
0x179: {  	[spmem:s3] =	stream.indirect.scatter.add.f32 [tilespmem:s13], [sflag:$0x4], $0x80, s23, s12, $0xb8;
	[tilespmem:$0x1F400] =	vst v63  }
0x17a: {  	_ =	swait.ge [sflag:s9], $0x3E80  }
0x17b: {  	[sflag:s9] =	ssyncset.done $0x0  }
0x17c: {  	s22 =	sadd.s32 $0x700, s19;
	[sflag:s9] =	ssyncadd.s32 $0xFFFFC180  }
0x17d: {  	[tilespmem:s13], [sflag:$0x1] =	stream.indirect.gather [hbm4b:s1+s12], $0x80, s22, s12, $0xb8;
	[tilespmem:$0x1F400] =	vst v63  }
0x17e: {  	_ =	swait.ge [sflag:s6], $0x3E80  }
0x17f: {  	[sflag:s6] =	ssyncset.done $0x0  }
0x180: {  	s23 =	sor.u32 $0x1680, s19;
	[sflag:s6] =	ssyncadd.s32 $0xFFFFC180  }
0x181: {  	[spmem:s3] =	stream.indirect.scatter.add.f32 [tilespmem:s14], [sflag:$0x4], $0x80, s23, s12, $0xb8;
	[tilespmem:$0x1F400] =	vst v63  }
0x182: {  	_ =	swait.ge [sflag:s9], $0x3E80  }
0x183: {  	[sflag:s9] =	ssyncset.done $0x0  }
0x184: {  	s22 =	sor.u32 $0x780, s19;
	[sflag:s9] =	ssyncadd.s32 $0xFFFFC180  }
0x185: {  	[tilespmem:s14], [sflag:$0x2] =	stream.indirect.gather [hbm4b:s1+s12], $0x80, s22, s12, $0xb8;
	[tilespmem:$0x1F400] =	vst v63  }
0x186: {  	_ =	swait.ge [sflag:s15], $0x3E80  }
0x187: {  	[sflag:s15] =	ssyncset.done $0x0  }
0x188: {  	s23 =	sadd.s32 $0x1700, s19;
	[sflag:s15] =	ssyncadd.s32 $0xFFFFC180  }
0x189: {  	[spmem:s3] =	stream.indirect.scatter.add.f32 [tilespmem:s13], [sflag:$0x4], $0x80, s23, s12, $0xb8;
	[tilespmem:$0x1F400] =	vst v63  }
0x18a: {  	_ =	swait.ge [sflag:s9], $0x3E80  }
0x18b: {  	[sflag:s9] =	ssyncset.done $0x0  }
0x18c: {  	s17 =	sadd.s32 $0x800, s17;
	[sflag:s9] =	ssyncadd.s32 $0xFFFFC180  }
0x18d: {  	p0 =	sne.s32 s17, $0x2800;
	_ =	swait.ge [sflag:s6], $0x3E80  }
.Ltmp1:
0x18e: {  	[sflag:s6] =	ssyncset.done $0x0;
	(pc) =	sbr.rel @p0 .LBB2_4-.Ltmp1, $4  }
0x18f: {  	s19 =	sor.u32 $0x1780, s19;
	[sflag:s6] =	ssyncadd.s32 $0xFFFFC180  }
0x190: {  	[spmem:s3] =	stream.indirect.scatter.add.f32 [tilespmem:s14], [sflag:$0x4], $0x80, s19, s12, $0xb8;
	[tilespmem:$0x1F400] =	vst v63  }
0x191: {  	_ =	swait.ge [sflag:s9], $0x3E80  }
0x192: {  	[sflag:s9] =	ssyncset.done $0x0  }
0x193: {  	[sflag:s9] =	ssyncadd.s32 $0xFFFFC180;
	s17 =	stileid.u32  }
0x194: {  	s17 =	sshll.u32 s17, $0x6;
	[bflag:$0x0] =	sbarrier.arrive $0xFFFF  }
0x195: {  	s19 =	sshrl.u32 s10, $0x3;
	s17 =	sor.u32 $0x1C04, s17;
	s20 =	rddreg [dreg:$0x7]  }
0x196: {  	[hbm:s20], [sflag:s17] =	dma.local [spmem:s19], $0x800  }
0x197: {  	_ =	swait.ge [sflag:s9], $0x800  }
0x198: {  	[sflag:s9] =	ssyncset.done $0x0;
	s20 =	rddreg [dreg:$0xd]  }
0x199: {  	s21 =	rddreg [dreg:$0x13];
	[sflag:s9] =	ssyncadd.s32 $0xFFFFF800  }
0x19a: {  	[hbm:s20], [sflag:s17] =	dma.local [spmem:s21], $0x800  }
0x19b: {  	_ =	swait.ge [sflag:s9], $0x800  }
0x19c: {  	[sflag:s9] =	ssyncset.done $0x0;
	s22 =	rddreg [dreg:$0xe]  }
0x19d: {  	s23 =	rddreg [dreg:$0x14];
	[sflag:s9] =	ssyncadd.s32 $0xFFFFF800  }
0x19e: {  	[hbm:s22], [sflag:s17] =	dma.local [spmem:s23], $0x800  }
0x19f: {  	_ =	swait.ge [sflag:s9], $0x800  }
0x1a0: {  	[sflag:s9] =	ssyncset.done $0x0  }
0x1a1: {  	s21 =	rddreg [dreg:$0xf];
	[sflag:s9] =	ssyncadd.s32 $0xFFFFF800  }
0x1a2: {  	[hbm:s21], [sflag:s17] =	dma.local [spmem:s24], $0x800  }
0x1a3: {  	_ =	swait.ge [sflag:s9], $0x800  }
0x1a4: {  	[sflag:s9] =	ssyncset.done $0x0  }
0x1a5: {  	s22 =	rddreg [dreg:$0x10];
	[sflag:s9] =	ssyncadd.s32 $0xFFFFF800  }
0x1a6: {  	[hbm:s22], [sflag:s17] =	dma.local [spmem:s25], $0x800  }
0x1a7: {  	_ =	swait.ge [sflag:s9], $0x800  }
0x1a8: {  	s16 =	sadd.s32 $0x1, s16;
	s23 =	rddreg [dreg:$0x8]  }
0x1a9: {  	p0 =	sne.s32 s16, s23  }
.Ltmp2:
0x1aa: {  	_ = 	snop;
	(pc) =	sbr.rel @p0 .LBB2_1-.Ltmp2, $3  }
0x1ab: {  	_ =	sdelay $0x1  }
0x1ac: {  	[sflag:s9] =	ssyncset.done $0x0  }
0x1ad: {  	[sflag:s9] =	ssyncadd.s32 $0xFFFFF800  }
0x1ae: {  	_ =	sfence.sel $0x180000  }
0x1af: {  	[bflag:$0x0] =	sbarrier.arrive $0xFFFF  }
0x1b0: {  	_ =	strace $0x90000050  }
0x1b1: {  	s0 =	stileid.u32;
	[bflag:$0x2] =	sbarrier.arrive $0xFFFF  }
0x1b2: {  	p0 =	sne.s32 s0, $0x0;
	s0 =	rddreg [dreg:$0x3]  }
0x1b3: {  	s0 =	sadd.s32 @!p0 $0x100000, s0  }
0x1b4: {  	[sflag:s0] =	ssyncadd.tile.s32 @!p0 $0x1;
	_ =	shalt  }
.Lfunc_end2:
_tile_overlayer_lowered:
.L_overlay_start_2:
0x1b5: {  	(tag) =	ssettag $0x2  }
0x1b6: {  	s0 =	rddreg [dreg:$0x0];
	s2 =	stileid.u32  }
0x1b7: {  	s1 =	rddreg [dreg:$0x1];
	p0 =	sne.s32 s2, $0x0  }
0x1b8: {  	s3 =	rddreg [dreg:$0x2];
	[bflag:$0x3] =	sbarrier.arrive $0xFFFF;
	s2 =	simm.s32 @!p0 $0x1C04  }
0x1b9: {  	[timem:s3], [sflag:s2] =	dma.local @!p0 [hbm:s0], s1  }
0x1ba: {  	s0 =	simm.s32 @!p0 $0x4  }
0x1bb: {  	_ =	swait.ge @!p0 [sflag:s0], s1  }
0x1bc: {  	s1 =	ssub.s32 @!p0 $0x0, s1;
	[sflag:s0] =	ssyncset.done @!p0 $0x0  }
0x1bd: {  	[sflag:s0] =	ssyncadd.s32 @!p0 s1  }
0x1be: {  	[bflag:$0x3] =	sbarrier.arrive $0xFFFF  }
0x1bf: {  	_ =	shalt  }

// kernel: kernel.24.cloned.1.call-start
scs
__scs_entry_jumppad:
0x0: {  	(pc) =	sbr.rel $0x88, $3  }
0x1: {  	(tag) =	ssettag $0x0;
	lr =	simm.s32 $0x1  }
0x2: {  	[smem:$0x3F9B] =	sst lr;
	_ =	strace $0xD0000000  }
0x3: {  	_ = 	snop  }
0x4: {  	_ = 	snop  }
0x5: {  	_ = 	snop  }
0x6: {  	_ = 	snop  }
0x7: {  	_ = 	snop  }
__scs_overlays_trampoline_lowered:
0x8: {  	[smem:$0x3FAA] =	sst s0  }
0x9: {  	[smem:$0x3FAB] =	sst s1  }
0xa: {  	[smem:$0x3FAC] =	sst s2  }
0xb: {  	[smem:$0x3FAD] =	sst s3  }
0xc: {  	[smem:$0x3FAE] =	sst s4  }
0xd: {  	[smem:$0x3FAF] =	sst s5  }
0xe: {  	[smem:$0x3FB0] =	sst s6  }
0xf: {  	[smem:$0x3FB1] =	sst s7  }
0x10: {  	[smem:$0x3FB2] =	sst s8  }
0x11: {  	[smem:$0x3FB3] =	sst s9;
	s0 =	simm.s32 @!p0 $0x0  }
0x12: {  	s1 =	sld [smem:$0x3F99];
	s0 =	simm.s32 @p0 $0x1  }
0x13: {  	[smem:$0x3FB4] =	sst s0;
	s0 =	simm.s32 @!p1 $0x0  }
0x14: {  	s2 =	sld [smem:$0x3F98];
	s0 =	simm.s32 @p1 $0x1  }
0x15: {  	[smem:$0x3FB5] =	sst s0;
	s0 =	simm.s32 @!p2 $0x0  }
0x16: {  	s3 =	sld [smem:$0x3FDB];
	s0 =	simm.s32 @p2 $0x1  }
0x17: {  	s4 =	simm.s32 $0x1BF5;
	[smem:$0x3FB7] =	sst s0  }
0x18: {  	s0 =	sld [smem:$0x3F9A];
	_ =	swait.ge [sflag:s4], $0x0  }
0x19: {  	s7 =	sld [smem:$0x3F9B]  }
0x1a: {  	s8 =	sadd.s32 $0xFFFFE003, lr  }
0x1b: {  	s9 =	sadd.s32 $0xFFFFFEF7, lr;
	s5 =	simm.s32 $0xFFFFFFFF;
	p2 =	slt.u32 s8, $0xFFFFF086  }
0x1c: {  	p1 =	slt.u32 s9, $0xF7A;
	s5 =	simm.s32 @!p2 $0x0  }
0x1d: {  	s5 =	simm.s32 @p1 $0x1;
	p0 =	seq.s32 s7, s2  }
0x1e: {  	s7 =	smul.u32 @!p0 $0xF7A, s2;
	p2 =	seq.s32 @!p0 s5, $0x0  }
0x1f: {  	s9 =	smul.u32 $0xF7A, s1;
	s8 =	simm.s32 @!p0 $0x1BF5;
	p2 =	por !p2, p0  }
0x20: {  	[sflag:s8] =	ssyncset.s32 @!p0 $0xFFFFF086;
	s6 =	sadd.s32 @!p0 s3, s7;
	s7 =	simm.s32 @!p0 $0x108  }
0x21: {  	s3 =	sadd.s32 s3, s9;
	s6 =	sadd.s32 @!p0 $0x88, s6;
	s7 =	simm.s32 @p2 $0x1082  }
0x22: {  	[simem:s7], [sflag:s8] =	dma.local @!p0 [hbm:s6], $0xF7A  }
0x23: {  	s9 =	sor.u32 $0xD0000000, s2;
	s6 =	simm.s32 $0x108;
	_ =	swait.ge @!p0 [sflag:s8], $0x0  }
0x24: {  	s3 =	sadd.s32 $0x88, s3;
	s6 =	simm.s32 @!p1 $0x1082;
	[sflag:s4] =	ssyncset.s32 $0xFFFFF086  }
0x25: {  	[simem:s6], [sflag:s4] =	dma.local [hbm:s3], $0xF7A  }
0x26: {  	[smem:$0x3F9B] =	sst s1;
	(tag) =	ssettag s2;
	_ =	strace s9  }
0x27: {  	s1 =	sld [smem:$0x3FAB]  }
0x28: {  	s2 =	sld [smem:$0x3FAC]  }
0x29: {  	s4 =	sld [smem:$0x3FAE]  }
0x2a: {  	p0 =	seq.s32 s5, $0x0;
	s5 =	sld [smem:$0x3FAF]  }
0x2b: {  	s6 =	sld [smem:$0x3FB0]  }
0x2c: {  	s7 =	sld [smem:$0x3FB1]  }
0x2d: {  	s3 =	simm.s32 $0x108;
	s8 =	sld [smem:$0x3FB2]  }
0x2e: {  	s3 =	simm.s32 @!p0 $0x1082;
	s9 =	sld [smem:$0x3FB3]  }
0x2f: {  	lr =	sadd.s32 s0, s3;
	s0 =	sld [smem:$0x3FAA]  }
0x30: {  	s3 =	sld [smem:$0x3FAD]  }
0x31: {  	[smem:$0x3FB6] =	sst s10  }
0x32: {  	s10 =	sld [smem:$0x3FB4];
	_ =	sdelay $0x3  }
0x33: {  	p0 =	seq.s32 s10, $0x1;
	s10 =	sld [smem:$0x3FB6];
	_ =	sdelay $0x3  }
0x34: {  	[smem:$0x3FB6] =	sst s10  }
0x35: {  	s10 =	sld [smem:$0x3FB5];
	_ =	sdelay $0x3  }
0x36: {  	p1 =	seq.s32 s10, $0x1;
	s10 =	sld [smem:$0x3FB6];
	_ =	sdelay $0x3  }
0x37: {  	[smem:$0x3FB6] =	sst s10  }
0x38: {  	s10 =	sld [smem:$0x3FB7]  }
0x39: {  	_ = 	snop;
	(pc) =	sbr.ind lr, $3  }
0x3a: {  	_ = 	snop  }
0x3b: {  	_ = 	snop  }
0x3c: {  	p2 =	seq.s32 s10, $0x1;
	s10 =	sld [smem:$0x3FB6]  }
0x3d: {  	_ =	shalt  }
0x3e: {  	_ =	shalt  }
0x3f: {  	_ =	shalt  }
0x40: {  	_ =	shalt  }
0x41: {  	_ =	shalt  }
0x42: {  	_ =	shalt  }
0x43: {  	_ =	shalt  }
0x44: {  	_ =	shalt  }
0x45: {  	_ =	shalt  }
0x46: {  	_ =	shalt  }
0x47: {  	_ =	shalt  }
0x48: {  	_ =	shalt  }
0x49: {  	_ =	shalt  }
0x4a: {  	_ =	shalt  }
0x4b: {  	_ =	shalt  }
0x4c: {  	_ =	shalt  }
0x4d: {  	_ =	shalt  }
0x4e: {  	_ =	shalt  }
0x4f: {  	_ =	shalt  }
0x50: {  	_ =	shalt  }
0x51: {  	_ =	shalt  }
0x52: {  	_ =	shalt  }
0x53: {  	_ =	shalt  }
0x54: {  	_ =	shalt  }
0x55: {  	_ =	shalt  }
0x56: {  	_ =	shalt  }
0x57: {  	_ =	shalt  }
0x58: {  	_ =	shalt  }
0x59: {  	_ =	shalt  }
0x5a: {  	_ =	shalt  }
0x5b: {  	_ =	shalt  }
0x5c: {  	_ =	shalt  }
0x5d: {  	_ =	shalt  }
0x5e: {  	_ =	shalt  }
0x5f: {  	_ =	shalt  }
0x60: {  	_ =	shalt  }
0x61: {  	_ =	shalt  }
0x62: {  	_ =	shalt  }
0x63: {  	_ =	shalt  }
0x64: {  	_ =	shalt  }
0x65: {  	_ =	shalt  }
0x66: {  	_ =	shalt  }
0x67: {  	_ =	shalt  }
0x68: {  	_ =	shalt  }
0x69: {  	_ =	shalt  }
0x6a: {  	_ =	shalt  }
0x6b: {  	_ =	shalt  }
0x6c: {  	_ =	shalt  }
0x6d: {  	_ =	shalt  }
0x6e: {  	_ =	shalt  }
0x6f: {  	_ =	shalt  }
0x70: {  	_ =	shalt  }
0x71: {  	_ =	shalt  }
0x72: {  	_ =	shalt  }
0x73: {  	_ =	shalt  }
0x74: {  	_ =	shalt  }
0x75: {  	_ =	shalt  }
0x76: {  	_ =	shalt  }
0x77: {  	_ =	shalt  }
0x78: {  	_ =	shalt  }
0x79: {  	_ =	shalt  }
0x7a: {  	_ =	shalt  }
0x7b: {  	_ =	shalt  }
0x7c: {  	_ =	shalt  }
0x7d: {  	_ =	shalt  }
0x7e: {  	_ =	shalt  }
0x7f: {  	_ =	shalt  }
0x80: {  	_ =	shalt  }
0x81: {  	_ =	shalt  }
0x82: {  	_ =	shalt  }
0x83: {  	_ =	shalt  }
0x84: {  	_ =	shalt  }
0x85: {  	_ =	shalt  }
0x86: {  	_ =	shalt  }
0x87: {  	_ =	shalt  }
.Lfunc_end0:
.L_simem_size_0:
called_computation.4_lowered:
.L_overlay_start_0:
0x88: {  	s2 =	sld [smem:$0x3FD9]  }
0x89: {  	s3 =	sld [smem:$0x3FFE];
	_ =	sdelay $0x1  }
0x8a: {  	s1 =	srdreg.scid  }
0x8b: {  	s0 =	sand.u32 $0x1, s1  }
0x8c: {  	s17 =	sshll.u32 s0, $0xA;
	s2 =	sadd.s32 s3, s2  }
0x8d: {  	s2 =	sadd.s32 s2, s17  }
0x8e: {  	[smem:$0x3FC2] =	sst s2  }
0x8f: {  	_ = 	snop  }
0x90: {  	s2 =	sld [smem:$0x3FD0];
	(tm) =	ssettm $0x1  }
0x91: {  	s18 =	sld [smem:$0x3FFB];
	_ =	sdelay $0x3  }
0x92: {  	_ =	strace s18  }
0x93: {  	s3 =	sld [smem:$0x3FFC];
	_ =	sdelay $0x3  }
0x94: {  	_ =	strace s3  }
0x95: {  	s3 =	sld [smem:$0x3FFD];
	_ =	sdelay $0x3  }
0x96: {  	_ =	strace s3  }
0x97: {  	_ =	strace $0x8FFFFFFF  }
0x98: {  	s19 =	sld [smem:$0x3FDB];
	_ =	sdelay $0x1  }
0x99: {  	s4 =	simm.s32 $_scs_section_size  }
0x9a: {  	s5 =	simm.s32 $_size__tile_overlayer_lowered;
	s6 =	simm.s32 $_tile_overlayer_lowered  }
0x9b: {  	s22 =	simm.s32 $0x1BFF;
	s21 =	sshll.u32 s6, $0x1;
	s3 =	sadd.s32 s4, s19  }
0x9c: {  	s7 =	simm.s32 $0x0;
	s20 =	sshll.u32 s5, $0x1;
	s5 =	sadd.s32 s21, s3  }
0x9d: {  	[timem:s7], [sflag:s22] =	dma.local [hbm:s5], s20  }
0x9e: {  	_ =	swait.ge [sflag:s22], s20  }
0x9f: {  	s4 =	ssub.s32 $0x0, s20;
	[sflag:s22] =	ssyncset.done $0x0  }
0xa0: {  	[sflag:s22] =	ssyncadd.s32 s4;
	_ =	sdelay $0x1  }
0xa1: {  	s23 =	simm.s32 $0x1B8B  }
0xa2: {  	_ =	swait.ge [sflag:s23], $0x1  }
0xa3: {  	[sflag:s23] =	ssyncset.done $0x0  }
0xa4: {  	s25 =	simm.s32 $0x1B8E;
	s24 =	sld [smem:$0x3FFE];
	[sflag:s23] =	ssyncadd.s32 $0xFFFFFFFF  }
0xa5: {  	s26 =	simm.s32 $execute0_lowered;
	[smem:$0x3FD2] =	sst s25  }
0xa6: {  	s5 =	sshll.u32 s26, $0x1;
	_ =	strace $0x80000052;
	[dreg:$0x1] =	wrdreg $0xFFFFFFFF  }
0xa7: {  	s28 =	simm.s32 $_size_execute0_lowered;
	s3 =	sadd.s32 s3, s5;
	[dreg:$0x0] =	wrdreg $0x0  }
0xa8: {  	s5 =	sshll.u32 s28, $0x1;
	[dreg:$0x2] =	wrdreg s3  }
0xa9: {  	[dreg:$0x3] =	wrdreg s5  }
0xaa: {  	[dreg:$0x4] =	wrdreg $0xC0  }
0xab: {  	_ =	task [dreg:s7], $0x5FFFF  }
0xac: {  	[dreg:$0x1] =	wrdreg $0xFFFFFFFF  }
0xad: {  	[dreg:$0x0] =	wrdreg $0x60  }
0xae: {  	[dreg:$0x2] =	wrdreg s2  }
0xaf: {  	[dreg:$0x3] =	wrdreg s24  }
0xb0: {  	[dreg:$0x4] =	wrdreg $0xB4000  }
0xb1: {  	[dreg:$0x5] =	wrdreg $0x9  }
0xb2: {  	_ =	task.clear_ibuf [dreg:s7], $0x6FFFF;
	_ =	strace $0x90000052  }
0xb3: {  	s29 =	simm.s32 $0x9;
	_ =	strace $0x80000054  }
0xb4: {  	_ =	swait.ge [sflag:s29], $0x1  }
0xb5: {  	[sflag:s29] =	ssyncadd.s32 $0xFFFFFFFF  }
0xb6: {  	_ =	strace $0x90000054  }
0xb7: {  	_ =	sfence  }
0xb8: {  	s30 =	sld [smem:$0x0];
	_ =	sdelay $0x2  }
0xb9: {  	s31 =	sshll.u32 s1, $0xD;
	s1 =	sshrl.u32 s1, $0x2  }
0xba: {  	s3 =	sand.u32 $0x4000, s31;
	s1 =	sadd.s32 s1, s30  }
0xbb: {  	s0 =	sor.u32 s3, s0;
	s1 =	sshll.u32 s1, $0x11  }
0xbc: {  	s0 =	sor.u32 s1, s0  }
0xbd: {  	s0 =	sadd.s32 $0x8F2B, s0  }
0xbe: {  	[sflag:s0] =	ssyncadd.remote.s32 $0x1  }
0xbf: {  	_ =	sfence.sel $0xFFFF  }
0xc0: {  	[dreg:$0x0] =	wrdreg $0xFFFFFFFF;
	(pc) =	sbr.abs _section_cstart, $3  }
0xc1: {  	[dreg:$0x1] =	wrdreg $0xFFFFFFFF  }
0xc2: {  	_ =	task.clear_ibuf [dreg:s7], $0x2FFFF;
	_ =	strace $0x9FFFFFFF  }
0xc3: {  	(tm) =	ssettm $0x7FFFFFFF  }
tec
execute0_lowered:
.L_overlay_start_1:
0x0: {  	(tag) =	ssettag $0x1  }
0x1: {  	s1 =	rddreg [dreg:$0x0]  }
0x2: {  	s0 =	rddreg [dreg:$0x1];
	s2 =	srdreg.scid  }
0x3: {  	s12 =	stileid.u32;
	s3 =	rddreg [dreg:$0x2]  }
0x4: {  	s5 =	simm.s32 $0x0;
	s2 =	sand.u32 $0x1, s2;
	s8 =	smul.u32 $0x14000, s12  }
0x5: {  	s4 =	sshll.u32 s12, $0x1;
	[smem:$0x7FF] =	sst s5;
	s10 =	smul.u32 $0x50000, s12  }
0x6: {  	s5 =	sadd.s32 $0x4000, s0;
	s0 =	sadd.s32 $0x18000, s0;
	s16 =	smul.u32 $0x5000, s12  }
0x7: {  	s12 =	simm.s32 $0x7D;
	s4 =	sor.u32 s2, s4;
	s6 =	smul.u32 $0x140000, s2  }
0x8: {  	_ =	strace $0x80000053;
	s7 =	ssub.s32 $0x2, s2;
	s2 =	smul.u32 $0x2800, s2  }
0x9: {  	s4 =	smul.u32 $0x2800, s4;
	s9 =	sshrl.u32 s7, $0x1;
	s21 =	sshrl.u32 s10, $0x2  }
0xa: {  	s25 =	sadd.s32 $0x4000, s8;
	s13 =	sadd.s32 $0x8000, s8;
	s17 =	sadd.s32 $0xC000, s8  }
0xb: {  	s7 =	ssub.s32 s7, s9;
	s20 =	sadd.s32 s6, s8;
	s10 =	sadd.s32 s21, s3  }
0xc: {  	s14 =	sadd.s32 s6, s13;
	s8 =	sadd.s32 $0x10000, s8;
	s18 =	sadd.s32 s6, s17  }
0xd: {  	s2 =	sadd.s32 s2, s16;
	s16 =	simm.s32 $0x0;
	s4 =	sshrl.u32 s4, $0x3  }
0xe: {  	s22 =	smax.u32 s7, $0x1;
	s23 =	sadd.s32 $0x1400, s10;
	s24 =	sadd.s32 $0x2800, s10  }
0xf: {  	s26 =	sadd.s32 $0x3C00, s10;
	s11 =	sadd.s32 $0x5000, s10;
	[dreg:$0x8] =	wrdreg s22  }
0x10: {  	s15 =	sshrl.u32 s14, $0x3;
	s21 =	sadd.s32 $0x7800, s10;
	[dreg:$0x9] =	wrdreg s23  }
0x11: {  	s28 =	sadd.s32 $0xA000, s10;
	s29 =	sadd.s32 $0xB400, s10;
	[dreg:$0xa] =	wrdreg s24  }
0x12: {  	s30 =	sadd.s32 $0xC800, s10;
	s31 =	sadd.s32 $0xDC00, s10;
	[dreg:$0xb] =	wrdreg s26  }
0x13: {  	s14 =	simm.s32 $0x6000;
	s19 =	sadd.s32 s5, s4;
	[dreg:$0xc] =	wrdreg s11  }
0x14: {  	s4 =	sshrl.u32 s20, $0x3;
	s20 =	sadd.s32 $0x6400, s10;
	[dreg:$0x12] =	wrdreg s21  }
0x15: {  	s22 =	sadd.s32 s25, s3;
	s23 =	sadd.s32 s13, s3;
	s24 =	sadd.s32 s17, s3  }
0x16: {  	s11 =	simm.s32 $0x3;
	s13 =	simm.s32 $0x2000;
	[dreg:$0x5] =	wrdreg s19  }
0x17: {  	s9 =	sadd.s32 $0xA000, s19;
	s4 =	sadd.s32 s0, s4;
	[dreg:$0x11] =	wrdreg s20  }
0x18: {  	s19 =	sadd.s32 $0x800, s2;
	s2 =	sadd.s32 $0x50800, s2;
	[dreg:$0x6] =	wrdreg s9  }
0x19: {  	s26 =	sshrl.u32 s23, $0x3;
	s24 =	sshrl.u32 s24, $0x3;
	[dreg:$0x7] =	wrdreg s4  }
0x1a: {  	s9 =	sadd.s32 s6, s25;
	s6 =	sadd.s32 s6, s8;
	[dreg:$0x4] =	wrdreg s19  }
0x1b: {  	s25 =	sadd.s32 s8, s3;
	s2 =	sshrl.u32 s2, $0x3;
	[dreg:$0x14] =	wrdreg s26  }
0x1c: {  	s26 =	sadd.s32 $0x8C00, s10;
	s4 =	sadd.s32 $0x11800, s10;
	s7 =	sshrl.u32 s9, $0x3  }
0x1d: {  	s8 =	simm.s32 $0xA000;
	s6 =	sshrl.u32 s6, $0x3;
	s7 =	sadd.s32 s0, s7  }
0x1e: {  	s25 =	sshrl.u32 s25, $0x3;
	[dreg:$0xd] =	wrdreg s7;
	s7 =	sadd.s32 s0, s15  }
0x1f: {  	s9 =	simm.s32 $0x4;
	[dreg:$0xe] =	wrdreg s7;
	s7 =	sshrl.u32 s18, $0x3  }
0x20: {  	s15 =	simm.s32 $0x1;
	s18 =	sadd.s32 s2, s5;
	s7 =	sadd.s32 s0, s7  }
0x21: {  	s2 =	sadd.s32 $0xF000, s10;
	s0 =	sadd.s32 s0, s6;
	[dreg:$0xf] =	wrdreg s7  }
0x22: {  	s6 =	simm.s32 $0x2;
	[dreg:$0x10] =	wrdreg s0;
	s0 =	sshrl.u32 s22, $0x3  }
0x23: {  	v0 =	vimm.f32 $0.0e+00;
	s7 =	sadd.s32 $0x12C00, s10;
	[dreg:$0x13] =	wrdreg s0;
	s0 =	sadd.s32 $0x10400, s10  }
.LBB2_1:
0x24: {  	s17 =	simm.s32 $0x0;
	s19 =	rddreg [dreg:$0x5]  }
0x25: {  	[tilespmem:s17], [sflag:$0x3] =	stream.linear.gather [hbm4b:s19+s17], $0x800, $0x38;
	[tilespmem:$0x1F400] =	vst v63  }
0x26: {  	s23 =	rddreg [dreg:$0x6];
	s20 =	simm.s32 $0x1000  }
0x27: {  	[tilespmem:s20], [sflag:$0x3] =	stream.linear.gather [hbm4b:s23+s17], $0x800, $0x38;
	[tilespmem:$0x1F400] =	vst v63  }
0x28: {  	s19 =	simm.s32 $0x200;
	s17 =	simm.s32 $0x0  }
.LBB2_2:
0x29: {  	p0 =	sne.s32 s19, $0x4E00;
	[tilespmem:s17+$0xA070] =	vst v0  }
0x2a: {  	[tilespmem:s17+$0xA000] =	vst v0  }
0x2b: {  	[tilespmem:s17+$0xA010] =	vst v0  }
.Ltmp0:
0x2c: {  	[tilespmem:s17+$0xA020] =	vst v0;
	(pc) =	sbr.rel @p0 .LBB2_2-.Ltmp0, $4  }
0x2d: {  	[tilespmem:s17+$0xA030] =	vst v0  }
0x2e: {  	[tilespmem:s17+$0xA040] =	vst v0  }
0x2f: {  	[tilespmem:s17+$0xA050] =	vst v0  }
0x30: {  	[tilespmem:s17+$0xA060] =	vst v0;
	s17 =	sshra.s32 s19, $0x2;
	s19 =	sadd.s32 $0x200, s19  }
0x31: {  	[tilespmem:s17+$0xA070] =	vst v0  }
0x32: {  	[tilespmem:s17+$0xA000] =	vst v0  }
0x33: {  	[tilespmem:s17+$0xA010] =	vst v0  }
0x34: {  	[tilespmem:s17+$0xA020] =	vst v0  }
0x35: {  	[tilespmem:s17+$0xA030] =	vst v0  }
0x36: {  	[tilespmem:s17+$0xA040] =	vst v0  }
0x37: {  	[tilespmem:s17+$0xA050] =	vst v0  }
0x38: {  	[tilespmem:s17+$0xA060] =	vst v0  }
0x39: {  	[spmem:s10] =	stream.linear.scatter [tilespmem:s8], [sflag:$0x4], $0x1400, $0x38;
	[tilespmem:$0x1F400] =	vst v63  }
0x3a: {  	_ =	swait.ge [sflag:s9], $0x1400  }
0x3b: {  	[sflag:s9] =	ssyncset.done $0x0  }
0x3c: {  	s21 =	rddreg [dreg:$0x9];
	[sflag:s9] =	ssyncadd.s32 $0xFFFFEC00  }
0x3d: {  	[spmem:s21] =	stream.linear.scatter [tilespmem:s8], [sflag:$0x4], $0x1400, $0x38;
	[tilespmem:$0x1F400] =	vst v63  }
0x3e: {  	_ =	swait.ge [sflag:s9], $0x1400  }
0x3f: {  	[sflag:s9] =	ssyncset.done $0x0  }
0x40: {  	s22 =	rddreg [dreg:$0xa];
	[sflag:s9] =	ssyncadd.s32 $0xFFFFEC00  }
0x41: {  	[spmem:s22] =	stream.linear.scatter [tilespmem:s8], [sflag:$0x4], $0x1400, $0x38;
	[tilespmem:$0x1F400] =	vst v63  }
0x42: {  	_ =	swait.ge [sflag:s9], $0x1400  }
0x43: {  	[sflag:s9] =	ssyncset.done $0x0  }
0x44: {  	s23 =	rddreg [dreg:$0xb];
	[sflag:s9] =	ssyncadd.s32 $0xFFFFEC00  }
0x45: {  	[spmem:s23] =	stream.linear.scatter [tilespmem:s8], [sflag:$0x4], $0x1400, $0x38;
	[tilespmem:$0x1F400] =	vst v63  }
0x46: {  	_ =	swait.ge [sflag:s9], $0x1400  }
0x47: {  	[sflag:s9] =	ssyncset.done $0x0  }
0x48: {  	s19 =	rddreg [dreg:$0xc];
	[sflag:s9] =	ssyncadd.s32 $0xFFFFEC00  }
0x49: {  	[spmem:s19] =	stream.linear.scatter [tilespmem:s8], [sflag:$0x4], $0x1400, $0x38;
	[tilespmem:$0x1F400] =	vst v63  }
0x4a: {  	_ =	swait.ge [sflag:s9], $0x1400  }
0x4b: {  	[sflag:s9] =	ssyncset.done $0x0  }
0x4c: {  	s20 =	rddreg [dreg:$0x11];
	[sflag:s9] =	ssyncadd.s32 $0xFFFFEC00  }
0x4d: {  	[spmem:s20] =	stream.linear.scatter [tilespmem:s8], [sflag:$0x4], $0x1400, $0x38;
	[tilespmem:$0x1F400] =	vst v63  }
0x4e: {  	_ =	swait.ge [sflag:s9], $0x1400  }
0x4f: {  	[sflag:s9] =	ssyncset.done $0x0  }
0x50: {  	s21 =	rddreg [dreg:$0x12];
	[sflag:s9] =	ssyncadd.s32 $0xFFFFEC00  }
0x51: {  	[spmem:s21] =	stream.linear.scatter [tilespmem:s8], [sflag:$0x4], $0x1400, $0x38;
	[tilespmem:$0x1F400] =	vst v63  }
0x52: {  	_ =	swait.ge [sflag:s9], $0x1400  }
0x53: {  	[sflag:s9] =	ssyncset.done $0x0  }
0x54: {  	[sflag:s9] =	ssyncadd.s32 $0xFFFFEC00  }
0x55: {  	[spmem:s26] =	stream.linear.scatter [tilespmem:s8], [sflag:$0x4], $0x1400, $0x38;
	[tilespmem:$0x1F400] =	vst v63  }
0x56: {  	_ =	swait.ge [sflag:s9], $0x1400  }
0x57: {  	[sflag:s9] =	ssyncset.done $0x0  }
0x58: {  	[sflag:s9] =	ssyncadd.s32 $0xFFFFEC00  }
0x59: {  	[spmem:s28] =	stream.linear.scatter [tilespmem:s8], [sflag:$0x4], $0x1400, $0x38;
	[tilespmem:$0x1F400] =	vst v63  }
0x5a: {  	_ =	swait.ge [sflag:s9], $0x1400  }
0x5b: {  	[sflag:s9] =	ssyncset.done $0x0  }
0x5c: {  	[sflag:s9] =	ssyncadd.s32 $0xFFFFEC00  }
0x5d: {  	[spmem:s29] =	stream.linear.scatter [tilespmem:s8], [sflag:$0x4], $0x1400, $0x38;
	[tilespmem:$0x1F400] =	vst v63  }
0x5e: {  	_ =	swait.ge [sflag:s9], $0x1400  }
0x5f: {  	[sflag:s9] =	ssyncset.done $0x0  }
0x60: {  	[sflag:s9] =	ssyncadd.s32 $0xFFFFEC00  }
0x61: {  	[spmem:s30] =	stream.linear.scatter [tilespmem:s8], [sflag:$0x4], $0x1400, $0x38;
	[tilespmem:$0x1F400] =	vst v63  }
0x62: {  	_ =	swait.ge [sflag:s9], $0x1400  }
0x63: {  	[sflag:s9] =	ssyncset.done $0x0  }
0x64: {  	[sflag:s9] =	ssyncadd.s32 $0xFFFFEC00  }
0x65: {  	[spmem:s31] =	stream.linear.scatter [tilespmem:s8], [sflag:$0x4], $0x1400, $0x38;
	[tilespmem:$0x1F400] =	vst v63  }
0x66: {  	_ =	swait.ge [sflag:s9], $0x1400  }
0x67: {  	[sflag:s9] =	ssyncset.done $0x0  }
0x68: {  	[sflag:s9] =	ssyncadd.s32 $0xFFFFEC00  }
0x69: {  	[spmem:s2] =	stream.linear.scatter [tilespmem:s8], [sflag:$0x4], $0x1400, $0x38;
	[tilespmem:$0x1F400] =	vst v63  }
0x6a: {  	_ =	swait.ge [sflag:s9], $0x1400  }
0x6b: {  	[sflag:s9] =	ssyncset.done $0x0  }
0x6c: {  	[sflag:s9] =	ssyncadd.s32 $0xFFFFEC00  }
0x6d: {  	[spmem:s0] =	stream.linear.scatter [tilespmem:s8], [sflag:$0x4], $0x1400, $0x38;
	[tilespmem:$0x1F400] =	vst v63  }
0x6e: {  	_ =	swait.ge [sflag:s9], $0x1400  }
0x6f: {  	[sflag:s9] =	ssyncset.done $0x0  }
0x70: {  	[sflag:s9] =	ssyncadd.s32 $0xFFFFEC00  }
0x71: {  	[spmem:s4] =	stream.linear.scatter [tilespmem:s8], [sflag:$0x4], $0x1400, $0x38;
	[tilespmem:$0x1F400] =	vst v63  }
0x72: {  	_ =	swait.ge [sflag:s9], $0x1400  }
0x73: {  	[sflag:s9] =	ssyncset.done $0x0  }
0x74: {  	[sflag:s9] =	ssyncadd.s32 $0xFFFFEC00  }
0x75: {  	[spmem:s7] =	stream.linear.scatter [tilespmem:s8], [sflag:$0x4], $0x1400, $0x38;
	[tilespmem:$0x1F400] =	vst v63  }
0x76: {  	_ =	swait.ge [sflag:s9], $0x1400  }
0x77: {  	[sflag:s9] =	ssyncset.done $0x0  }
0x78: {  	[sflag:s9] =	ssyncadd.s32 $0xFFFFEC00  }
0x79: {  	[bflag:$0x0] =	sbarrier.arrive $0xFFFF  }
0x7a: {  	_ =	swait.ge [sflag:s11], $0x800  }
0x7b: {  	[sflag:s11] =	ssyncset.done $0x0  }
0x7c: {  	[sflag:s11] =	ssyncadd.s32 $0xFFFFF800  }
0x7d: {  	_ =	swait.ge [sflag:s11], $0x800  }
0x7e: {  	p0 =	por $0x0, $0x0;
	s17 =	rddreg [dreg:$0x4]  }
0x7f: {  	s19 =	simm.s32 $0x0;
	s20 =	simm.s32 @!p0 $0x0;
	s21 =	sadd.s32 @!p0 $0x0, s17  }
0x80: {  	[sflag:s11] =	ssyncset.done $0x0;
	s17 =	sand.u32 @!p0 $0x800, s19;
	s21 =	sshrl.u32 @!p0 s21, $0x3  }
0x81: {  	[sflag:s11] =	ssyncadd.s32 $0xFFFFF800;
	s19 =	sxor.u32 @!p0 $0x800, s17;
	s21 =	sadd.s32 @!p0 s5, s21  }
0x82: {  	[tilespmem:s19], [sflag:$0x3] =	stream.linear.gather @!p0 [hbm4b:s21+s20], $0x800, $0x38;
	[tilespmem:$0x1F400] =	vst v63  }
0x83: {  	s19 =	sor.u32 @!p0 $0x1000, s19  }
0x84: {  	[tilespmem:s19], [sflag:$0x3] =	stream.linear.gather @!p0 [hbm4b:s18+s20], $0x800, $0x38;
	[tilespmem:$0x1F400] =	vst v63  }
0x85: {  	s17 =	simm.s32 @p0 $0x0  }
0x86: {  	[tilespmem:s13], [sflag:$0x1] =	stream.indirect.gather [hbm4b:s1+s12], $0x80, s17, s12, $0xb8;
	[tilespmem:$0x1F400] =	vst v63  }
0x87: {  	s22 =	sor.u32 $0x80, s17  }
0x88: {  	[tilespmem:s14], [sflag:$0x2] =	stream.indirect.gather [hbm4b:s1+s12], $0x80, s22, s12, $0xb8;
	[tilespmem:$0x1F400] =	vst v63  }
0x89: {  	_ =	swait.ge [sflag:s15], $0x3E80  }
0x8a: {  	[sflag:s15] =	ssyncset.done $0x0  }
0x8b: {  	s23 =	sor.u32 $0x1000, s17;
	[sflag:s15] =	ssyncadd.s32 $0xFFFFC180  }
0x8c: {  	[spmem:s3] =	stream.indirect.scatter.add.f32 [tilespmem:s13], [sflag:$0x4], $0x80, s23, s12, $0xb8;
	[tilespmem:$0x1F400] =	vst v63  }
0x8d: {  	_ =	swait.ge [sflag:s9], $0x3E80  }
0x8e: {  	[sflag:s9] =	ssyncset.done $0x0  }
0x8f: {  	s20 =	sadd.s32 $0x100, s17;
	[sflag:s9] =	ssyncadd.s32 $0xFFFFC180  }
0x90: {  	[tilespmem:s13], [sflag:$0x1] =	stream.indirect.gather [hbm4b:s1+s12], $0x80, s20, s12, $0xb8;
	[tilespmem:$0x1F400] =	vst v63  }
0x91: {  	_ =	swait.ge [sflag:s6], $0x3E80  }
0x92: {  	[sflag:s6] =	ssyncset.done $0x0  }
0x93: {  	s21 =	sor.u32 $0x1080, s17;
	[sflag:s6] =	ssyncadd.s32 $0xFFFFC180  }
0x94: {  	[spmem:s3] =	stream.indirect.scatter.add.f32 [tilespmem:s14], [sflag:$0x4], $0x80, s21, s12, $0xb8;
	[tilespmem:$0x1F400] =	vst v63  }
0x95: {  	_ =	swait.ge [sflag:s9], $0x3E80  }
0x96: {  	[sflag:s9] =	ssyncset.done $0x0  }
0x97: {  	s22 =	sor.u32 $0x180, s17;
	[sflag:s9] =	ssyncadd.s32 $0xFFFFC180  }
0x98: {  	[tilespmem:s14], [sflag:$0x2] =	stream.indirect.gather [hbm4b:s1+s12], $0x80, s22, s12, $0xb8;
	[tilespmem:$0x1F400] =	vst v63  }
0x99: {  	_ =	swait.ge [sflag:s15], $0x3E80  }
0x9a: {  	[sflag:s15] =	ssyncset.done $0x0  }
0x9b: {  	s23 =	sadd.s32 $0x1100, s17;
	[sflag:s15] =	ssyncadd.s32 $0xFFFFC180  }
0x9c: {  	[spmem:s3] =	stream.indirect.scatter.add.f32 [tilespmem:s13], [sflag:$0x4], $0x80, s23, s12, $0xb8;
	[tilespmem:$0x1F400] =	vst v63  }
0x9d: {  	_ =	swait.ge [sflag:s9], $0x3E80  }
0x9e: {  	[sflag:s9] =	ssyncset.done $0x0  }
0x9f: {  	s20 =	sadd.s32 $0x200, s17;
	[sflag:s9] =	ssyncadd.s32 $0xFFFFC180  }
0xa0: {  	[tilespmem:s13], [sflag:$0x1] =	stream.indirect.gather [hbm4b:s1+s12], $0x80, s20, s12, $0xb8;
	[tilespmem:$0x1F400] =	vst v63  }
0xa1: {  	_ =	swait.ge [sflag:s6], $0x3E80  }
0xa2: {  	[sflag:s6] =	ssyncset.done $0x0  }
0xa3: {  	s21 =	sor.u32 $0x1180, s17;
	[sflag:s6] =	ssyncadd.s32 $0xFFFFC180  }
0xa4: {  	[spmem:s3] =	stream.indirect.scatter.add.f32 [tilespmem:s14], [sflag:$0x4], $0x80, s21, s12, $0xb8;
	[tilespmem:$0x1F400] =	vst v63  }
0xa5: {  	_ =	swait.ge [sflag:s9], $0x3E80  }
0xa6: {  	[sflag:s9] =	ssyncset.done $0x0  }
0xa7: {  	s22 =	sor.u32 $0x280, s17;
	[sflag:s9] =	ssyncadd.s32 $0xFFFFC180  }
0xa8: {  	[tilespmem:s14], [sflag:$0x2] =	stream.indirect.gather [hbm4b:s1+s12], $0x80, s22, s12, $0xb8;
	[tilespmem:$0x1F400] =	vst v63  }
0xa9: {  	_ =	swait.ge [sflag:s15], $0x3E80  }
0xaa: {  	[sflag:s15] =	ssyncset.done $0x0  }
0xab: {  	s23 =	sadd.s32 $0x1200, s17;
	[sflag:s15] =	ssyncadd.s32 $0xFFFFC180  }
0xac: {  	[spmem:s3] =	stream.indirect.scatter.add.f32 [tilespmem:s13], [sflag:$0x4], $0x80, s23, s12, $0xb8;
	[tilespmem:$0x1F400] =	vst v63  }
0xad: {  	_ =	swait.ge [sflag:s9], $0x3E80  }
0xae: {  	[sflag:s9] =	ssyncset.done $0x0  }
0xaf: {  	s20 =	sadd.s32 $0x300, s17;
	[sflag:s9] =	ssyncadd.s32 $0xFFFFC180  }
0xb0: {  	[tilespmem:s13], [sflag:$0x1] =	stream.indirect.gather [hbm4b:s1+s12], $0x80, s20, s12, $0xb8;
	[tilespmem:$0x1F400] =	vst v63  }
0xb1: {  	_ =	swait.ge [sflag:s6], $0x3E80  }
0xb2: {  	[sflag:s6] =	ssyncset.done $0x0  }
0xb3: {  	s21 =	sor.u32 $0x1280, s17;
	[sflag:s6] =	ssyncadd.s32 $0xFFFFC180  }
0xb4: {  	[spmem:s3] =	stream.indirect.scatter.add.f32 [tilespmem:s14], [sflag:$0x4], $0x80, s21, s12, $0xb8;
	[tilespmem:$0x1F400] =	vst v63  }
0xb5: {  	_ =	swait.ge [sflag:s9], $0x3E80  }
0xb6: {  	[sflag:s9] =	ssyncset.done $0x0  }
0xb7: {  	s22 =	sor.u32 $0x380, s17;
	[sflag:s9] =	ssyncadd.s32 $0xFFFFC180  }
0xb8: {  	[tilespmem:s14], [sflag:$0x2] =	stream.indirect.gather [hbm4b:s1+s12], $0x80, s22, s12, $0xb8;
	[tilespmem:$0x1F400] =	vst v63  }
0xb9: {  	_ =	swait.ge [sflag:s15], $0x3E80  }
0xba: {  	[sflag:s15] =	ssyncset.done $0x0  }
0xbb: {  	s23 =	sadd.s32 $0x1300, s17;
	[sflag:s15] =	ssyncadd.s32 $0xFFFFC180  }
0xbc: {  	[spmem:s3] =	stream.indirect.scatter.add.f32 [tilespmem:s13], [sflag:$0x4], $0x80, s23, s12, $0xb8;
	[tilespmem:$0x1F400] =	vst v63  }
0xbd: {  	_ =	swait.ge [sflag:s9], $0x3E80  }
0xbe: {  	[sflag:s9] =	ssyncset.done $0x0  }
0xbf: {  	s20 =	sadd.s32 $0x400, s17;
	[sflag:s9] =	ssyncadd.s32 $0xFFFFC180  }
0xc0: {  	[tilespmem:s13], [sflag:$0x1] =	stream.indirect.gather [hbm4b:s1+s12], $0x80, s20, s12, $0xb8;
	[tilespmem:$0x1F400] =	vst v63  }
0xc1: {  	_ =	swait.ge [sflag:s6], $0x3E80  }
0xc2: {  	[sflag:s6] =	ssyncset.done $0x0  }
0xc3: {  	s21 =	sor.u32 $0x1380, s17;
	[sflag:s6] =	ssyncadd.s32 $0xFFFFC180  }
0xc4: {  	[spmem:s3] =	stream.indirect.scatter.add.f32 [tilespmem:s14], [sflag:$0x4], $0x80, s21, s12, $0xb8;
	[tilespmem:$0x1F400] =	vst v63  }
0xc5: {  	_ =	swait.ge [sflag:s9], $0x3E80  }
0xc6: {  	[sflag:s9] =	ssyncset.done $0x0  }
0xc7: {  	s22 =	sor.u32 $0x480, s17;
	[sflag:s9] =	ssyncadd.s32 $0xFFFFC180  }
0xc8: {  	[tilespmem:s14], [sflag:$0x2] =	stream.indirect.gather [hbm4b:s1+s12], $0x80, s22, s12, $0xb8;
	[tilespmem:$0x1F400] =	vst v63  }
0xc9: {  	_ =	swait.ge [sflag:s15], $0x3E80  }
0xca: {  	[sflag:s15] =	ssyncset.done $0x0  }
0xcb: {  	s23 =	sadd.s32 $0x1400, s17;
	[sflag:s15] =	ssyncadd.s32 $0xFFFFC180  }
0xcc: {  	[spmem:s3] =	stream.indirect.scatter.add.f32 [tilespmem:s13], [sflag:$0x4], $0x80, s23, s12, $0xb8;
	[tilespmem:$0x1F400] =	vst v63  }
0xcd: {  	_ =	swait.ge [sflag:s9], $0x3E80  }
0xce: {  	[sflag:s9] =	ssyncset.done $0x0  }
0xcf: {  	s20 =	sadd.s32 $0x500, s17;
	[sflag:s9] =	ssyncadd.s32 $0xFFFFC180  }
0xd0: {  	[tilespmem:s13], [sflag:$0x1] =	stream.indirect.gather [hbm4b:s1+s12], $0x80, s20, s12, $0xb8;
	[tilespmem:$0x1F400] =	vst v63  }
0xd1: {  	_ =	swait.ge [sflag:s6], $0x3E80  }
0xd2: {  	[sflag:s6] =	ssyncset.done $0x0  }
0xd3: {  	s21 =	sor.u32 $0x1480, s17;
	[sflag:s6] =	ssyncadd.s32 $0xFFFFC180  }
0xd4: {  	[spmem:s3] =	stream.indirect.scatter.add.f32 [tilespmem:s14], [sflag:$0x4], $0x80, s21, s12, $0xb8;
	[tilespmem:$0x1F400] =	vst v63  }
0xd5: {  	_ =	swait.ge [sflag:s9], $0x3E80  }
0xd6: {  	[sflag:s9] =	ssyncset.done $0x0  }
0xd7: {  	s22 =	sor.u32 $0x580, s17;
	[sflag:s9] =	ssyncadd.s32 $0xFFFFC180  }
0xd8: {  	[tilespmem:s14], [sflag:$0x2] =	stream.indirect.gather [hbm4b:s1+s12], $0x80, s22, s12, $0xb8;
	[tilespmem:$0x1F400] =	vst v63  }
0xd9: {  	_ =	swait.ge [sflag:s15], $0x3E80  }
0xda: {  	[sflag:s15] =	ssyncset.done $0x0  }
0xdb: {  	s23 =	sadd.s32 $0x1500, s17;
	[sflag:s15] =	ssyncadd.s32 $0xFFFFC180  }
0xdc: {  	[spmem:s3] =	stream.indirect.scatter.add.f32 [tilespmem:s13], [sflag:$0x4], $0x80, s23, s12, $0xb8;
	[tilespmem:$0x1F400] =	vst v63  }
0xdd: {  	_ =	swait.ge [sflag:s9], $0x3E80  }
0xde: {  	[sflag:s9] =	ssyncset.done $0x0  }
0xdf: {  	s20 =	sadd.s32 $0x600, s17;
	[sflag:s9] =	ssyncadd.s32 $0xFFFFC180  }
0xe0: {  	[tilespmem:s13], [sflag:$0x1] =	stream.indirect.gather [hbm4b:s1+s12], $0x80, s20, s12, $0xb8;
	[tilespmem:$0x1F400] =	vst v63  }
0xe1: {  	_ =	swait.ge [sflag:s6], $0x3E80  }
0xe2: {  	[sflag:s6] =	ssyncset.done $0x0  }
0xe3: {  	s21 =	sor.u32 $0x1580, s17;
	[sflag:s6] =	ssyncadd.s32 $0xFFFFC180  }
0xe4: {  	[spmem:s3] =	stream.indirect.scatter.add.f32 [tilespmem:s14], [sflag:$0x4], $0x80, s21, s12, $0xb8;
	[tilespmem:$0x1F400] =	vst v63  }
0xe5: {  	_ =	swait.ge [sflag:s9], $0x3E80  }
0xe6: {  	[sflag:s9] =	ssyncset.done $0x0  }
0xe7: {  	s22 =	sor.u32 $0x680, s17;
	[sflag:s9] =	ssyncadd.s32 $0xFFFFC180  }
0xe8: {  	[tilespmem:s14], [sflag:$0x2] =	stream.indirect.gather [hbm4b:s1+s12], $0x80, s22, s12, $0xb8;
	[tilespmem:$0x1F400] =	vst v63  }
0xe9: {  	_ =	swait.ge [sflag:s15], $0x3E80  }
0xea: {  	[sflag:s15] =	ssyncset.done $0x0  }
0xeb: {  	s23 =	sadd.s32 $0x1600, s17;
	[sflag:s15] =	ssyncadd.s32 $0xFFFFC180  }
0xec: {  	[spmem:s3] =	stream.indirect.scatter.add.f32 [tilespmem:s13], [sflag:$0x4], $0x80, s23, s12, $0xb8;
	[tilespmem:$0x1F400] =	vst v63  }
0xed: {  	_ =	swait.ge [sflag:s9], $0x3E80  }
0xee: {  	[sflag:s9] =	ssyncset.done $0x0  }
0xef: {  	s20 =	sadd.s32 $0x700, s17;
	[sflag:s9] =	ssyncadd.s32 $0xFFFFC180  }
0xf0: {  	[tilespmem:s13], [sflag:$0x1] =	stream.indirect.gather [hbm4b:s1+s12], $0x80, s20, s12, $0xb8;
	[tilespmem:$0x1F400] =	vst v63  }
0xf1: {  	_ =	swait.ge [sflag:s6], $0x3E80  }
0xf2: {  	[sflag:s6] =	ssyncset.done $0x0  }
0xf3: {  	s21 =	sor.u32 $0x1680, s17;
	[sflag:s6] =	ssyncadd.s32 $0xFFFFC180  }
0xf4: {  	[spmem:s3] =	stream.indirect.scatter.add.f32 [tilespmem:s14], [sflag:$0x4], $0x80, s21, s12, $0xb8;
	[tilespmem:$0x1F400] =	vst v63  }
0xf5: {  	_ =	swait.ge [sflag:s9], $0x3E80  }
0xf6: {  	[sflag:s9] =	ssyncset.done $0x0  }
0xf7: {  	s22 =	sor.u32 $0x780, s17;
	[sflag:s9] =	ssyncadd.s32 $0xFFFFC180  }
0xf8: {  	[tilespmem:s14], [sflag:$0x2] =	stream.indirect.gather [hbm4b:s1+s12], $0x80, s22, s12, $0xb8;
	[tilespmem:$0x1F400] =	vst v63  }
0xf9: {  	_ =	swait.ge [sflag:s15], $0x3E80  }
0xfa: {  	[sflag:s15] =	ssyncset.done $0x0  }
0xfb: {  	s23 =	sadd.s32 $0x1700, s17;
	[sflag:s15] =	ssyncadd.s32 $0xFFFFC180  }
0xfc: {  	[spmem:s3] =	stream.indirect.scatter.add.f32 [tilespmem:s13], [sflag:$0x4], $0x80, s23, s12, $0xb8;
	[tilespmem:$0x1F400] =	vst v63  }
0xfd: {  	_ =	swait.ge [sflag:s9], $0x3E80  }
0xfe: {  	[sflag:s9] =	ssyncset.done $0x0  }
0xff: {  	[sflag:s9] =	ssyncadd.s32 $0xFFFFC180  }
0x100: {  	_ =	swait.ge [sflag:s6], $0x3E80  }
0x101: {  	[sflag:s6] =	ssyncset.done $0x0  }
0x102: {  	s17 =	sor.u32 $0x1780, s17;
	[sflag:s6] =	ssyncadd.s32 $0xFFFFC180  }
0x103: {  	[spmem:s3] =	stream.indirect.scatter.add.f32 [tilespmem:s14], [sflag:$0x4], $0x80, s17, s12, $0xb8;
	[tilespmem:$0x1F400] =	vst v63  }
0x104: {  	_ =	swait.ge [sflag:s9], $0x3E80  }
0x105: {  	s21 =	smov.u32 s18;
	s17 =	simm.s32 $0x800;
	[sflag:s9] =	ssyncset.done $0x0  }
.LBB2_4:
0x106: {  	[sflag:s9] =	ssyncadd.s32 $0xFFFFC180  }
0x107: {  	_ =	swait.ge [sflag:s11], $0x800  }
0x108: {  	[sflag:s11] =	ssyncset.done $0x0  }
0x109: {  	[sflag:s11] =	ssyncadd.s32 $0xFFFFF800  }
0x10a: {  	s19 =	smov.u32 s17;
	_ =	swait.ge [sflag:s11], $0x800  }
0x10b: {  	p1 =	seq.s32 s19, $0x2000;
	s20 =	rddreg [dreg:$0x4]  }
0x10c: {  	s23 =	simm.s32 @!p1 $0x0;
	s20 =	sadd.s32 @!p1 s19, s20  }
0x10d: {  	[sflag:s11] =	ssyncset.done $0x0;
	s19 =	sand.u32 @!p1 $0x800, s19;
	s20 =	sshrl.u32 @!p1 s20, $0x3  }
0x10e: {  	[sflag:s11] =	ssyncadd.s32 $0xFFFFF800;
	s22 =	sxor.u32 @!p1 $0x800, s19;
	s20 =	sadd.s32 @!p1 s5, s20  }
0x10f: {  	[tilespmem:s22], [sflag:$0x3] =	stream.linear.gather @!p1 [hbm4b:s20+s23], $0x800, $0x38;
	[tilespmem:$0x1F400] =	vst v63  }
0x110: {  	s21 =	sadd.s32 $0x100, s21;
	s20 =	sor.u32 @!p1 $0x1000, s22  }
0x111: {  	[tilespmem:s20], [sflag:$0x3] =	stream.linear.gather @!p1 [hbm4b:s21+s23], $0x800, $0x38;
	[tilespmem:$0x1F400] =	vst v63  }
0x112: {  	s19 =	simm.s32 @p1 $0x0  }
0x113: {  	[tilespmem:s13], [sflag:$0x1] =	stream.indirect.gather [hbm4b:s1+s12], $0x80, s19, s12, $0xb8;
	[tilespmem:$0x1F400] =	vst v63  }
0x114: {  	s22 =	sor.u32 $0x80, s19  }
0x115: {  	[tilespmem:s14], [sflag:$0x2] =	stream.indirect.gather [hbm4b:s1+s12], $0x80, s22, s12, $0xb8;
	[tilespmem:$0x1F400] =	vst v63  }
0x116: {  	_ =	swait.ge [sflag:s15], $0x3E80  }
0x117: {  	[sflag:s15] =	ssyncset.done $0x0  }
0x118: {  	s23 =	sor.u32 $0x1000, s19;
	[sflag:s15] =	ssyncadd.s32 $0xFFFFC180  }
0x119: {  	[spmem:s3] =	stream.indirect.scatter.add.f32 [tilespmem:s13], [sflag:$0x4], $0x80, s23, s12, $0xb8;
	[tilespmem:$0x1F400] =	vst v63  }
0x11a: {  	_ =	swait.ge [sflag:s9], $0x3E80  }
0x11b: {  	[sflag:s9] =	ssyncset.done $0x0  }
0x11c: {  	s22 =	sadd.s32 $0x100, s19;
	[sflag:s9] =	ssyncadd.s32 $0xFFFFC180  }
0x11d: {  	[tilespmem:s13], [sflag:$0x1] =	stream.indirect.gather [hbm4b:s1+s12], $0x80, s22, s12, $0xb8;
	[tilespmem:$0x1F400] =	vst v63  }
0x11e: {  	_ =	swait.ge [sflag:s6], $0x3E80  }
0x11f: {  	[sflag:s6] =	ssyncset.done $0x0  }
0x120: {  	s23 =	sor.u32 $0x1080, s19;
	[sflag:s6] =	ssyncadd.s32 $0xFFFFC180  }
0x121: {  	[spmem:s3] =	stream.indirect.scatter.add.f32 [tilespmem:s14], [sflag:$0x4], $0x80, s23, s12, $0xb8;
	[tilespmem:$0x1F400] =	vst v63  }
0x122: {  	_ =	swait.ge [sflag:s9], $0x3E80  }
0x123: {  	[sflag:s9] =	ssyncset.done $0x0  }
0x124: {  	s22 =	sor.u32 $0x180, s19;
	[sflag:s9] =	ssyncadd.s32 $0xFFFFC180  }
0x125: {  	[tilespmem:s14], [sflag:$0x2] =	stream.indirect.gather [hbm4b:s1+s12], $0x80, s22, s12, $0xb8;
	[tilespmem:$0x1F400] =	vst v63  }
0x126: {  	_ =	swait.ge [sflag:s15], $0x3E80  }
0x127: {  	[sflag:s15] =	ssyncset.done $0x0  }
0x128: {  	s23 =	sadd.s32 $0x1100, s19;
	[sflag:s15] =	ssyncadd.s32 $0xFFFFC180  }
0x129: {  	[spmem:s3] =	stream.indirect.scatter.add.f32 [tilespmem:s13], [sflag:$0x4], $0x80, s23, s12, $0xb8;
	[tilespmem:$0x1F400] =	vst v63  }
0x12a: {  	_ =	swait.ge [sflag:s9], $0x3E80  }
0x12b: {  	[sflag:s9] =	ssyncset.done $0x0  }
0x12c: {  	s22 =	sadd.s32 $0x200, s19;
	[sflag:s9] =	ssyncadd.s32 $0xFFFFC180  }
0x12d: {  	[tilespmem:s13], [sflag:$0x1] =	stream.indirect.gather [hbm4b:s1+s12], $0x80, s22, s12, $0xb8;
	[tilespmem:$0x1F400] =	vst v63  }
0x12e: {  	_ =	swait.ge [sflag:s6], $0x3E80  }
0x12f: {  	[sflag:s6] =	ssyncset.done $0x0  }
0x130: {  	s23 =	sor.u32 $0x1180, s19;
	[sflag:s6] =	ssyncadd.s32 $0xFFFFC180  }
0x131: {  	[spmem:s3] =	stream.indirect.scatter.add.f32 [tilespmem:s14], [sflag:$0x4], $0x80, s23, s12, $0xb8;
	[tilespmem:$0x1F400] =	vst v63  }
0x132: {  	_ =	swait.ge [sflag:s9], $0x3E80  }
0x133: {  	[sflag:s9] =	ssyncset.done $0x0  }
0x134: {  	s22 =	sor.u32 $0x280, s19;
	[sflag:s9] =	ssyncadd.s32 $0xFFFFC180  }
0x135: {  	[tilespmem:s14], [sflag:$0x2] =	stream.indirect.gather [hbm4b:s1+s12], $0x80, s22, s12, $0xb8;
	[tilespmem:$0x1F400] =	vst v63  }
0x136: {  	_ =	swait.ge [sflag:s15], $0x3E80  }
0x137: {  	[sflag:s15] =	ssyncset.done $0x0  }
0x138: {  	s23 =	sadd.s32 $0x1200, s19;
	[sflag:s15] =	ssyncadd.s32 $0xFFFFC180  }
0x139: {  	[spmem:s3] =	stream.indirect.scatter.add.f32 [tilespmem:s13], [sflag:$0x4], $0x80, s23, s12, $0xb8;
	[tilespmem:$0x1F400] =	vst v63  }
0x13a: {  	_ =	swait.ge [sflag:s9], $0x3E80  }
0x13b: {  	[sflag:s9] =	ssyncset.done $0x0  }
0x13c: {  	s22 =	sadd.s32 $0x300, s19;
	[sflag:s9] =	ssyncadd.s32 $0xFFFFC180  }
0x13d: {  	[tilespmem:s13], [sflag:$0x1] =	stream.indirect.gather [hbm4b:s1+s12], $0x80, s22, s12, $0xb8;
	[tilespmem:$0x1F400] =	vst v63  }
0x13e: {  	_ =	swait.ge [sflag:s6], $0x3E80  }
0x13f: {  	[sflag:s6] =	ssyncset.done $0x0  }
0x140: {  	s23 =	sor.u32 $0x1280, s19;
	[sflag:s6] =	ssyncadd.s32 $0xFFFFC180  }
0x141: {  	[spmem:s3] =	stream.indirect.scatter.add.f32 [tilespmem:s14], [sflag:$0x4], $0x80, s23, s12, $0xb8;
	[tilespmem:$0x1F400] =	vst v63  }
0x142: {  	_ =	swait.ge [sflag:s9], $0x3E80  }
0x143: {  	[sflag:s9] =	ssyncset.done $0x0  }
0x144: {  	s22 =	sor.u32 $0x380, s19;
	[sflag:s9] =	ssyncadd.s32 $0xFFFFC180  }
0x145: {  	[tilespmem:s14], [sflag:$0x2] =	stream.indirect.gather [hbm4b:s1+s12], $0x80, s22, s12, $0xb8;
	[tilespmem:$0x1F400] =	vst v63  }
0x146: {  	_ =	swait.ge [sflag:s15], $0x3E80  }
0x147: {  	[sflag:s15] =	ssyncset.done $0x0  }
0x148: {  	s23 =	sadd.s32 $0x1300, s19;
	[sflag:s15] =	ssyncadd.s32 $0xFFFFC180  }
0x149: {  	[spmem:s3] =	stream.indirect.scatter.add.f32 [tilespmem:s13], [sflag:$0x4], $0x80, s23, s12, $0xb8;
	[tilespmem:$0x1F400] =	vst v63  }
0x14a: {  	_ =	swait.ge [sflag:s9], $0x3E80  }
0x14b: {  	[sflag:s9] =	ssyncset.done $0x0  }
0x14c: {  	s22 =	sadd.s32 $0x400, s19;
	[sflag:s9] =	ssyncadd.s32 $0xFFFFC180  }
0x14d: {  	[tilespmem:s13], [sflag:$0x1] =	stream.indirect.gather [hbm4b:s1+s12], $0x80, s22, s12, $0xb8;
	[tilespmem:$0x1F400] =	vst v63  }
0x14e: {  	_ =	swait.ge [sflag:s6], $0x3E80  }
0x14f: {  	[sflag:s6] =	ssyncset.done $0x0  }
0x150: {  	s23 =	sor.u32 $0x1380, s19;
	[sflag:s6] =	ssyncadd.s32 $0xFFFFC180  }
0x151: {  	[spmem:s3] =	stream.indirect.scatter.add.f32 [tilespmem:s14], [sflag:$0x4], $0x80, s23, s12, $0xb8;
	[tilespmem:$0x1F400] =	vst v63  }
0x152: {  	_ =	swait.ge [sflag:s9], $0x3E80  }
0x153: {  	[sflag:s9] =	ssyncset.done $0x0  }
0x154: {  	s22 =	sor.u32 $0x480, s19;
	[sflag:s9] =	ssyncadd.s32 $0xFFFFC180  }
0x155: {  	[tilespmem:s14], [sflag:$0x2] =	stream.indirect.gather [hbm4b:s1+s12], $0x80, s22, s12, $0xb8;
	[tilespmem:$0x1F400] =	vst v63  }
0x156: {  	_ =	swait.ge [sflag:s15], $0x3E80  }
0x157: {  	[sflag:s15] =	ssyncset.done $0x0  }
0x158: {  	s23 =	sadd.s32 $0x1400, s19;
	[sflag:s15] =	ssyncadd.s32 $0xFFFFC180  }
0x159: {  	[spmem:s3] =	stream.indirect.scatter.add.f32 [tilespmem:s13], [sflag:$0x4], $0x80, s23, s12, $0xb8;
	[tilespmem:$0x1F400] =	vst v63  }
0x15a: {  	_ =	swait.ge [sflag:s9], $0x3E80  }
0x15b: {  	[sflag:s9] =	ssyncset.done $0x0  }
0x15c: {  	s22 =	sadd.s32 $0x500, s19;
	[sflag:s9] =	ssyncadd.s32 $0xFFFFC180  }
0x15d: {  	[tilespmem:s13], [sflag:$0x1] =	stream.indirect.gather [hbm4b:s1+s12], $0x80, s22, s12, $0xb8;
	[tilespmem:$0x1F400] =	vst v63  }
0x15e: {  	_ =	swait.ge [sflag:s6], $0x3E80  }
0x15f: {  	[sflag:s6] =	ssyncset.done $0x0  }
0x160: {  	s23 =	sor.u32 $0x1480, s19;
	[sflag:s6] =	ssyncadd.s32 $0xFFFFC180  }
0x161: {  	[spmem:s3] =	stream.indirect.scatter.add.f32 [tilespmem:s14], [sflag:$0x4], $0x80, s23, s12, $0xb8;
	[tilespmem:$0x1F400] =	vst v63  }
0x162: {  	_ =	swait.ge [sflag:s9], $0x3E80  }
0x163: {  	[sflag:s9] =	ssyncset.done $0x0  }
0x164: {  	s22 =	sor.u32 $0x580, s19;
	[sflag:s9] =	ssyncadd.s32 $0xFFFFC180  }
0x165: {  	[tilespmem:s14], [sflag:$0x2] =	stream.indirect.gather [hbm4b:s1+s12], $0x80, s22, s12, $0xb8;
	[tilespmem:$0x1F400] =	vst v63  }
0x166: {  	_ =	swait.ge [sflag:s15], $0x3E80  }
0x167: {  	[sflag:s15] =	ssyncset.done $0x0  }
0x168: {  	s23 =	sadd.s32 $0x1500, s19;
	[sflag:s15] =	ssyncadd.s32 $0xFFFFC180  }
0x169: {  	[spmem:s3] =	stream.indirect.scatter.add.f32 [tilespmem:s13], [sflag:$0x4], $0x80, s23, s12, $0xb8;
	[tilespmem:$0x1F400] =	vst v63  }
0x16a: {  	_ =	swait.ge [sflag:s9], $0x3E80  }
0x16b: {  	[sflag:s9] =	ssyncset.done $0x0  }
0x16c: {  	s22 =	sadd.s32 $0x600, s19;
	[sflag:s9] =	ssyncadd.s32 $0xFFFFC180  }
0x16d: {  	[tilespmem:s13], [sflag:$0x1] =	stream.indirect.gather [hbm4b:s1+s12], $0x80, s22, s12, $0xb8;
	[tilespmem:$0x1F400] =	vst v63  }
0x16e: {  	_ =	swait.ge [sflag:s6], $0x3E80  }
0x16f: {  	[sflag:s6] =	ssyncset.done $0x0  }
0x170: {  	s23 =	sor.u32 $0x1580, s19;
	[sflag:s6] =	ssyncadd.s32 $0xFFFFC180  }
0x171: {  	[spmem:s3] =	stream.indirect.scatter.add.f32 [tilespmem:s14], [sflag:$0x4], $0x80, s23, s12, $0xb8;
	[tilespmem:$0x1F400] =	vst v63  }
0x172: {  	_ =	swait.ge [sflag:s9], $0x3E80  }
0x173: {  	[sflag:s9] =	ssyncset.done $0x0  }
0x174: {  	s22 =	sor.u32 $0x680, s19;
	[sflag:s9] =	ssyncadd.s32 $0xFFFFC180  }
0x175: {  	[tilespmem:s14], [sflag:$0x2] =	stream.indirect.gather [hbm4b:s1+s12], $0x80, s22, s12, $0xb8;
	[tilespmem:$0x1F400] =	vst v63  }
0x176: {  	_ =	swait.ge [sflag:s15], $0x3E80  }
0x177: {  	[sflag:s15] =	ssyncset.done $0x0  }
0x178: {  	s23 =	sadd.s32 $0x1600, s19;
	[sflag:s15] =	ssyncadd.s32 $0xFFFFC180  }
0x179: {  	[spmem:s3] =	stream.indirect.scatter.add.f32 [tilespmem:s13], [sflag:$0x4], $0x80, s23, s12, $0xb8;
	[tilespmem:$0x1F400] =	vst v63  }
0x17a: {  	_ =	swait.ge [sflag:s9], $0x3E80  }
0x17b: {  	[sflag:s9] =	ssyncset.done $0x0  }
0x17c: {  	s22 =	sadd.s32 $0x700, s19;
	[sflag:s9] =	ssyncadd.s32 $0xFFFFC180  }
0x17d: {  	[tilespmem:s13], [sflag:$0x1] =	stream.indirect.gather [hbm4b:s1+s12], $0x80, s22, s12, $0xb8;
	[tilespmem:$0x1F400] =	vst v63  }
0x17e: {  	_ =	swait.ge [sflag:s6], $0x3E80  }
0x17f: {  	[sflag:s6] =	ssyncset.done $0x0  }
0x180: {  	s23 =	sor.u32 $0x1680, s19;
	[sflag:s6] =	ssyncadd.s32 $0xFFFFC180  }
0x181: {  	[spmem:s3] =	stream.indirect.scatter.add.f32 [tilespmem:s14], [sflag:$0x4], $0x80, s23, s12, $0xb8;
	[tilespmem:$0x1F400] =	vst v63  }
0x182: {  	_ =	swait.ge [sflag:s9], $0x3E80  }
0x183: {  	[sflag:s9] =	ssyncset.done $0x0  }
0x184: {  	s22 =	sor.u32 $0x780, s19;
	[sflag:s9] =	ssyncadd.s32 $0xFFFFC180  }
0x185: {  	[tilespmem:s14], [sflag:$0x2] =	stream.indirect.gather [hbm4b:s1+s12], $0x80, s22, s12, $0xb8;
	[tilespmem:$0x1F400] =	vst v63  }
0x186: {  	_ =	swait.ge [sflag:s15], $0x3E80  }
0x187: {  	[sflag:s15] =	ssyncset.done $0x0  }
0x188: {  	s23 =	sadd.s32 $0x1700, s19;
	[sflag:s15] =	ssyncadd.s32 $0xFFFFC180  }
0x189: {  	[spmem:s3] =	stream.indirect.scatter.add.f32 [tilespmem:s13], [sflag:$0x4], $0x80, s23, s12, $0xb8;
	[tilespmem:$0x1F400] =	vst v63  }
0x18a: {  	_ =	swait.ge [sflag:s9], $0x3E80  }
0x18b: {  	[sflag:s9] =	ssyncset.done $0x0  }
0x18c: {  	s17 =	sadd.s32 $0x800, s17;
	[sflag:s9] =	ssyncadd.s32 $0xFFFFC180  }
0x18d: {  	p0 =	sne.s32 s17, $0x2800;
	_ =	swait.ge [sflag:s6], $0x3E80  }
.Ltmp1:
0x18e: {  	[sflag:s6] =	ssyncset.done $0x0;
	(pc) =	sbr.rel @p0 .LBB2_4-.Ltmp1, $4  }
0x18f: {  	s19 =	sor.u32 $0x1780, s19;
	[sflag:s6] =	ssyncadd.s32 $0xFFFFC180  }
0x190: {  	[spmem:s3] =	stream.indirect.scatter.add.f32 [tilespmem:s14], [sflag:$0x4], $0x80, s19, s12, $0xb8;
	[tilespmem:$0x1F400] =	vst v63  }
0x191: {  	_ =	swait.ge [sflag:s9], $0x3E80  }
0x192: {  	[sflag:s9] =	ssyncset.done $0x0  }
0x193: {  	[sflag:s9] =	ssyncadd.s32 $0xFFFFC180;
	s17 =	stileid.u32  }
0x194: {  	s17 =	sshll.u32 s17, $0x6;
	[bflag:$0x0] =	sbarrier.arrive $0xFFFF  }
0x195: {  	s19 =	sshrl.u32 s10, $0x3;
	s17 =	sor.u32 $0x1C04, s17;
	s20 =	rddreg [dreg:$0x7]  }
0x196: {  	[hbm:s20], [sflag:s17] =	dma.local [spmem:s19], $0x800  }
0x197: {  	_ =	swait.ge [sflag:s9], $0x800  }
0x198: {  	[sflag:s9] =	ssyncset.done $0x0;
	s20 =	rddreg [dreg:$0xd]  }
0x199: {  	s21 =	rddreg [dreg:$0x13];
	[sflag:s9] =	ssyncadd.s32 $0xFFFFF800  }
0x19a: {  	[hbm:s20], [sflag:s17] =	dma.local [spmem:s21], $0x800  }
0x19b: {  	_ =	swait.ge [sflag:s9], $0x800  }
0x19c: {  	[sflag:s9] =	ssyncset.done $0x0;
	s22 =	rddreg [dreg:$0xe]  }
0x19d: {  	s23 =	rddreg [dreg:$0x14];
	[sflag:s9] =	ssyncadd.s32 $0xFFFFF800  }
0x19e: {  	[hbm:s22], [sflag:s17] =	dma.local [spmem:s23], $0x800  }
0x19f: {  	_ =	swait.ge [sflag:s9], $0x800  }
0x1a0: {  	[sflag:s9] =	ssyncset.done $0x0  }
0x1a1: {  	s21 =	rddreg [dreg:$0xf];
	[sflag:s9] =	ssyncadd.s32 $0xFFFFF800  }
0x1a2: {  	[hbm:s21], [sflag:s17] =	dma.local [spmem:s24], $0x800  }
0x1a3: {  	_ =	swait.ge [sflag:s9], $0x800  }
0x1a4: {  	[sflag:s9] =	ssyncset.done $0x0  }
0x1a5: {  	s22 =	rddreg [dreg:$0x10];
	[sflag:s9] =	ssyncadd.s32 $0xFFFFF800  }
0x1a6: {  	[hbm:s22], [sflag:s17] =	dma.local [spmem:s25], $0x800  }
0x1a7: {  	_ =	swait.ge [sflag:s9], $0x800  }
0x1a8: {  	s16 =	sadd.s32 $0x1, s16;
	s23 =	rddreg [dreg:$0x8]  }
0x1a9: {  	p0 =	sne.s32 s16, s23  }
.Ltmp2:
0x1aa: {  	_ = 	snop;
	(pc) =	sbr.rel @p0 .LBB2_1-.Ltmp2, $3  }
0x1ab: {  	_ =	sdelay $0x1  }
0x1ac: {  	[sflag:s9] =	ssyncset.done $0x0  }
0x1ad: {  	[sflag:s9] =	ssyncadd.s32 $0xFFFFF800  }
0x1ae: {  	_ =	sfence.sel $0x180000  }
0x1af: {  	[bflag:$0x0] =	sbarrier.arrive $0xFFFF  }
0x1b0: {  	_ =	strace $0x90000053  }
0x1b1: {  	s0 =	stileid.u32;
	[bflag:$0x2] =	sbarrier.arrive $0xFFFF  }
0x1b2: {  	p0 =	sne.s32 s0, $0x0;
	s0 =	rddreg [dreg:$0x3]  }
0x1b3: {  	s0 =	sadd.s32 @!p0 $0x100000, s0  }
0x1b4: {  	[sflag:s0] =	ssyncadd.tile.s32 @!p0 $0x1;
	_ =	shalt  }
.Lfunc_end2:
_tile_overlayer_lowered:
.L_overlay_start_2:
0x1b5: {  	(tag) =	ssettag $0x2  }
0x1b6: {  	s0 =	rddreg [dreg:$0x0];
	s2 =	stileid.u32  }
0x1b7: {  	s1 =	rddreg [dreg:$0x1];
	p0 =	sne.s32 s2, $0x0  }
0x1b8: {  	s3 =	rddreg [dreg:$0x2];
	[bflag:$0x3] =	sbarrier.arrive $0xFFFF;
	s2 =	simm.s32 @!p0 $0x1C04  }
0x1b9: {  	[timem:s3], [sflag:s2] =	dma.local @!p0 [hbm:s0], s1  }
0x1ba: {  	s0 =	simm.s32 @!p0 $0x4  }
0x1bb: {  	_ =	swait.ge @!p0 [sflag:s0], s1  }
0x1bc: {  	s1 =	ssub.s32 @!p0 $0x0, s1;
	[sflag:s0] =	ssyncset.done @!p0 $0x0  }
0x1bd: {  	[sflag:s0] =	ssyncadd.s32 @!p0 s1  }
0x1be: {  	[bflag:$0x3] =	sbarrier.arrive $0xFFFF  }
0x1bf: {  	_ =	shalt  }

</sc_bundles>
